<compile_context>
chip_gen: v7x
topology: tpu7x:2x2x1
jax: 0.10.2.dev20260603
libtpu: 0.0.44.dev20260713+nightly
codegen_flags: <defaults>
</compile_context>

<pallas_src>
import functools

import jax
import jax.numpy as jnp
from jax import lax
from jax.experimental import pallas as pl
from jax.experimental.pallas import tpu as pltpu
from jax.experimental.pallas import tpu_sc as plsc

N = 10000
E = 100000
D = 768
NP = 10240
R = 1024
NBLK = NP // R
CW = 128
NCH = D // CW
NC, NS = 2, 16
CPC = NCH // NC
EB = 128
ET = 6400
EP = ET * NS
NBE = ET // EB
DUMMY = 10016
ETD = EP // (NC * NS)
NBD = ETD // EB
CB = 2560
CT = CB // NS
ZR = 64
SLICE = NP // NS

@functools.lru_cache(maxsize=None)
def _get_mesh():
    return plsc.VectorSubcoreMesh(core_axis_name="c", subcore_axis_name="s",
                                  num_cores=NC, num_subcores=NS)


def _zero_vec(ref, n):
    z = jnp.zeros((16,), jnp.float32)
    for i in range(n // 16):
        ref[pl.ds(16 * i, 16)] = z


def _deg_body(dst_hbm, out_hbm, idx_b, ones_b, bounce, deg_sh, sem):
    c = lax.axis_index("c")
    s = lax.axis_index("s")
    w = c * NS + s
    for i in range(EB // 16):
        ones_b[pl.ds(16 * i, 16)] = jnp.ones((16,), jnp.float32)
    _zero_vec(bounce, SLICE)
    pltpu.sync_copy(bounce, deg_sh.at[pl.ds(s * SLICE, SLICE)])
    pltpu.sync_copy(dst_hbm.at[w], idx_b)
    plsc.subcore_barrier()

    def batch(b, carry):
        pltpu.sync_copy(ones_b, deg_sh.at[idx_b.at[b]], add=True)
        return carry

    lax.fori_loop(0, NBD, batch, 0)
    plsc.subcore_barrier()
    pltpu.sync_copy(deg_sh.at[pl.ds(s * SLICE, SLICE)], bounce)
    pltpu.sync_copy(bounce, out_hbm.at[c, pl.ds(s * SLICE, SLICE)])


@functools.lru_cache(maxsize=None)
def _deg_call():
    return pl.kernel(
        _deg_body,
        out_type=jax.ShapeDtypeStruct((NC, NP), jnp.float32),
        mesh=_get_mesh(),
        scratch_types=[
            pltpu.VMEM((NBD, EB), jnp.int32),
            pltpu.VMEM((EB,), jnp.float32),
            pltpu.VMEM((SLICE,), jnp.float32),
            pltpu.VMEM_SHARED((NP,), jnp.float32),
            pltpu.SemaphoreType.DMA,
        ],
    )


NRING = 2


def _edge_chunk_loop(y_hbm, gsrc_hbm, dst3_hbm, gidx2, didx2, gb,
                     acc_sh, gsem, epilogue):
    c = lax.axis_index("c")
    s = lax.axis_index("s")

    pltpu.sync_copy(dst3_hbm.at[s], didx2)

    def issue(b, i):
        pltpu.async_copy(y_hbm.at[gidx2.at[b]], gb[i], gsem.at[i])

    def wait_gather(i):
        pltpu.make_async_copy(y_hbm.at[gidx2.at[0]], gb[i],
                              gsem.at[i]).wait()

    def do_scatter(b, i):
        pltpu.sync_copy(gb[i], acc_sh.at[didx2.at[b]], add=True)

    for t in range(CPC):
        j = c * CPC + t

        def zrow(r, carry):
            z = jnp.zeros((16,), jnp.float32)
            for i in range(CW // 16):
                gb[0][r, pl.ds(16 * i, 16)] = z
            return carry

        lax.fori_loop(0, EB, zrow, 0)

        def zslab(z, carry):
            pltpu.sync_copy(gb[0], acc_sh.at[pl.ds(s * SLICE + z * EB, EB)])
            return carry

        lax.fori_loop(0, SLICE // EB, zslab, 0)
        pltpu.sync_copy(gsrc_hbm.at[j, s], gidx2)
        plsc.subcore_barrier()

        issue(0, 0)

        def super_it(g, carry):
            b0 = g * NRING
            for i in range(NRING):
                wait_gather(i)
                issue(b0 + i + 1, (i + 1) % NRING)
                do_scatter(b0 + i, i)
            return carry

        lax.fori_loop(0, (NBE - NRING) // NRING, super_it, 0)
        for b in range(NBE - NRING, NBE):
            wait_gather(b % NRING)
            if b + 1 < NBE:
                issue(b + 1, (b + 1) % NRING)
            do_scatter(b, b % NRING)
        plsc.subcore_barrier()
        epilogue(j, c, s)
        plsc.subcore_barrier()


def _pass1_body(y_hbm, gsrc_hbm, dst3_hbm, acc_hbm,
                gidx2, didx2, gb0, gb1, acc_sh, gsem):
    def epilogue(j, c, s):
        r0 = s * SLICE
        pltpu.sync_copy(acc_sh.at[pl.ds(r0, SLICE)],
                        acc_hbm.at[pl.ds(j * NP + r0, SLICE)])

    _edge_chunk_loop(y_hbm, gsrc_hbm, dst3_hbm, gidx2, didx2,
                     [gb0, gb1], acc_sh, gsem, epilogue)


@functools.lru_cache(maxsize=None)
def _pass1_call():
    return pl.kernel(
        _pass1_body,
        out_type=jax.ShapeDtypeStruct((NCH * NP, CW), jnp.float32),
        mesh=_get_mesh(),
        scratch_types=[
            pltpu.VMEM((NBE, EB), jnp.int32),
            pltpu.VMEM((NBE, EB), jnp.int32),
            pltpu.VMEM((EB, CW), jnp.float32),
            pltpu.VMEM((EB, CW), jnp.float32),
            pltpu.VMEM_SHARED((NP, CW), jnp.float32),
            pltpu.SemaphoreType.DMA((NRING,)),
        ],
    )


def _pass2_body(y_hbm, gsrc_hbm, dst3_hbm, cidx_hbm, gcidx_hbm, dinv_hbm,
                hacc_hbm, hy_hbm, dinvr_hbm,
                gidx2, didx2, gb0, gb1, cv, cg, dvbuf,
                acc_sh, gsem):
    c = lax.axis_index("c")
    s = lax.axis_index("s")

    @pl.when(c == 0)
    def _dinv_rows():
        for q in range(2):
            base = s * CT + q * (CT // 2)
            pltpu.sync_copy(cidx_hbm.at[2 * s + q], cv)
            pltpu.async_copy(dinv_hbm.at[cv], dvbuf, gsem.at[0]).wait()
            pltpu.sync_copy(dvbuf, dinvr_hbm.at[pl.ds(base, CT // 2)])

    def epilogue(j, c, s):
        hbuf = gb0.at[pl.ds(0, CT // 2)]
        for q in range(2):
            base = s * CT + q * (CT // 2)
            pltpu.sync_copy(cidx_hbm.at[2 * s + q], cv)
            pltpu.async_copy(acc_sh.at[cv], hbuf, gsem.at[0]).wait()
            pltpu.sync_copy(hbuf, hacc_hbm.at[pl.ds(j * CB + base, CT // 2)])
            pltpu.sync_copy(gcidx_hbm.at[j, 2 * s + q], cg)
            pltpu.async_copy(y_hbm.at[cg], hbuf, gsem.at[0]).wait()
            pltpu.sync_copy(hbuf, hy_hbm.at[pl.ds(j * CB + base, CT // 2)])

    _edge_chunk_loop(y_hbm, gsrc_hbm, dst3_hbm, gidx2, didx2,
                     [gb0, gb1], acc_sh, gsem, epilogue)


@functools.lru_cache(maxsize=None)
def _pass2_call():
    return pl.kernel(
        _pass2_body,
        out_type=[
            jax.ShapeDtypeStruct((NCH * CB, CW), jnp.float32),
            jax.ShapeDtypeStruct((NCH * CB, CW), jnp.float32),
            jax.ShapeDtypeStruct((CB,), jnp.float32),
        ],
        mesh=_get_mesh(),
        scratch_types=[
            pltpu.VMEM((NBE, EB), jnp.int32),
            pltpu.VMEM((NBE, EB), jnp.int32),
            pltpu.VMEM((EB, CW), jnp.float32),
            pltpu.VMEM((EB, CW), jnp.float32),
            pltpu.VMEM((CT // 2,), jnp.int32),
            pltpu.VMEM((CT // 2,), jnp.int32),
            pltpu.VMEM((CT // 2,), jnp.float32),
            pltpu.VMEM_SHARED((NP, CW), jnp.float32),
            pltpu.SemaphoreType.DMA((NRING,)),
        ],
    )


def _mm1_body(x_ref, w_ref, deg_ref, y_ref, dinv_ref):
    dinv = lax.rsqrt(deg_ref[0] + deg_ref[1] + 1.0)
    y = jnp.dot(x_ref[...], w_ref[...],
                preferred_element_type=jnp.float32) * dinv[:, None]
    for j in range(NCH):
        y_ref[j] = y[:, j * CW:(j + 1) * CW]
    dinv_ref[...] = dinv


def _mm1(x_pad, W1, indeg2):
    return pl.pallas_call(
        _mm1_body,
        grid=(NBLK,),
        in_specs=[
            pl.BlockSpec((R, D), lambda i: (i, 0)),
            pl.BlockSpec((D, D), lambda i: (0, 0)),
            pl.BlockSpec((NC, R), lambda i: (0, i)),
        ],
        out_specs=[
            pl.BlockSpec((NCH, R, CW), lambda i: (0, i, 0)),
            pl.BlockSpec((R,), lambda i: (i,)),
        ],
        out_shape=[
            jax.ShapeDtypeStruct((NCH, NP, CW), jnp.float32),
            jax.ShapeDtypeStruct((NP,), jnp.float32),
        ],
    )(x_pad, W1, indeg2)


def _mm2_body(acc_ref, y1_ref, dinv_ref, b1_ref, w_ref, y2_ref):
    dinv = dinv_ref[...]
    pre = jnp.concatenate([acc_ref[j] + y1_ref[j] for j in range(NCH)],
                          axis=1)
    h1 = jnp.maximum(pre * dinv[:, None] + b1_ref[...][None, :], 0.0)
    y2 = jnp.dot(h1, w_ref[...],
                 preferred_element_type=jnp.float32) * dinv[:, None]
    for j in range(NCH):
        y2_ref[j] = y2[:, j * CW:(j + 1) * CW]


def _mm2(acc1, y1, dinv, b1, W2):
    return pl.pallas_call(
        _mm2_body,
        grid=(NBLK,),
        in_specs=[
            pl.BlockSpec((NCH, R, CW), lambda i: (0, i, 0)),
            pl.BlockSpec((NCH, R, CW), lambda i: (0, i, 0)),
            pl.BlockSpec((R,), lambda i: (i,)),
            pl.BlockSpec((D,), lambda i: (0,)),
            pl.BlockSpec((D, D), lambda i: (0, 0)),
        ],
        out_specs=pl.BlockSpec((NCH, R, CW), lambda i: (0, i, 0)),
        out_shape=jax.ShapeDtypeStruct((NCH, NP, CW), jnp.float32),
    )(acc1, y1, dinv, b1, W2)


def _score_body(hacc_ref, hy_ref, dinvr_ref, b2_ref, wp_ref, bp_ref, cp_ref,
                out2_ref, out3_ref):
    h = jnp.concatenate([hacc_ref[j] + hy_ref[j] for j in range(NCH)],
                        axis=1)
    h = h * dinvr_ref[...][:, None] + b2_ref[...][None, :]
    G = jnp.dot(h, wp_ref[...], preferred_element_type=jnp.float32)
    bp = bp_ref[...][None, :]
    hb = jnp.sum(h * bp, axis=1, keepdims=True)
    rowdot = jnp.sum(G * h, axis=1, keepdims=True)
    cp = cp_ref[0]

    def segsum(m, lo, cnt):
        rows = jax.lax.broadcasted_iota(jnp.int32, (512, 512 * cnt), 0)
        cols = jax.lax.broadcasted_iota(jnp.int32, (512, 512 * cnt), 1)
        S = (cols // cnt == rows).astype(jnp.float32)
        return jnp.dot(S, m[lo:lo + 512 * cnt],
                       preferred_element_type=jnp.float32)

    def score(lo, cnt):
        hs = segsum(h, lo, cnt)
        Gs = segsum(G, lo, cnt)
        tot = jnp.sum(Gs * hs, axis=1)
        diag = segsum(rowdot, lo, cnt)[:, 0]
        first = segsum(hb, lo, cnt)[:, 0] / cnt
        second = (tot - diag) / (cnt * (cnt - 1))
        z = first + second + cp
        return 1.0 / (1.0 + jnp.exp(-z))

    out2_ref[...] = score(0, 2)
    out3_ref[...] = score(1024, 3)


def _score(hacc, hy, dinvr, b2, W_p, bp_flat, c_p):
    return pl.pallas_call(
        _score_body,
        in_specs=[
            pl.BlockSpec((NCH, CB, CW), lambda: (0, 0, 0)),
            pl.BlockSpec((NCH, CB, CW), lambda: (0, 0, 0)),
            pl.BlockSpec((CB,), lambda: (0,)),
            pl.BlockSpec((D,), lambda: (0,)),
            pl.BlockSpec((D, D), lambda: (0, 0)),
            pl.BlockSpec((D,), lambda: (0,)),
            pl.BlockSpec(memory_space=pltpu.SMEM),
        ],
        out_specs=[
            pl.BlockSpec((512,), lambda: (0,)),
            pl.BlockSpec((512,), lambda: (0,)),
        ],
        out_shape=[
            jax.ShapeDtypeStruct((512,), jnp.float32),
            jax.ShapeDtypeStruct((512,), jnp.float32),
        ],
    )(hacc, hy, dinvr, b2, W_p, bp_flat, c_p)


def kernel(x, edge_index, comb2, comb3, W1, b1, W2, b2, b_p, W_p, c_p):
    src = jnp.concatenate([edge_index[0],
                           jnp.zeros((EP - E,), jnp.int32)])
    dst = jnp.concatenate([edge_index[1],
                           jnp.full((EP - E,), DUMMY, jnp.int32)])
    x_pad = jnp.pad(x, ((0, NP - N), (0, 0)))
    cidx = jnp.concatenate([comb2.reshape(-1), comb3.reshape(-1)])

    coff = (jnp.arange(NCH, dtype=jnp.int32) * NP)
    src3 = src.reshape(NS, NBE, EB)
    dst3 = dst.reshape(NS, NBE, EB)
    gsrc = src3[None] + coff[:, None, None, None]
    dst4 = dst.reshape(NC * NS, NBD, EB)
    cidx2 = cidx.reshape(2 * NS, CT // 2)
    gcidx = cidx2[None] + coff[:, None, None]

    indeg2 = _deg_call()(dst4)
    y1_3d, dinv = _mm1(x_pad, W1, indeg2)
    acc1 = _pass1_call()(y1_3d.reshape(NCH * NP, CW), gsrc, dst3)
    y2_3d = _mm2(acc1.reshape(NCH, NP, CW), y1_3d, dinv, b1, W2)
    hacc, hy, dinvr = _pass2_call()(y2_3d.reshape(NCH * NP, CW), gsrc, dst3,
                                    cidx2, gcidx, dinv)
    out2, out3 = _score(hacc.reshape(NCH, CB, CW), hy.reshape(NCH, CB, CW),
                        dinvr, b2, W_p, b_p.reshape(-1), c_p)
    return jnp.concatenate([out2, out3])

# --- scband reference (transcript-rebuilt; emitter-appended) ---
"""Pipeline reference for scband-model-29472065585530 (READ-ONLY COPY).

The authoritative reference and input builder live on the scoring server;
editing this copy changes nothing except your own understanding.
"""

import jax, jax.numpy as jnp
import numpy as np

N = 10000
E = 100000
D = 768
B2 = 512
B3 = 512

def gcn_conv(x, edge_index, W, b):
    n = x.shape[0]
    loop = jnp.arange(n, dtype=edge_index.dtype)
    src = jnp.concatenate([edge_index[0], loop])
    dst = jnp.concatenate([edge_index[1], loop])
    deg = jnp.zeros((n,), dtype=x.dtype).at[dst].add(1.0)
    dinv = jnp.where(deg > 0, deg ** -0.5, 0.0)
    norm = dinv[src] * dinv[dst]
    xw = x @ W
    msg = xw[src] * norm[:, None]
    out = jnp.zeros_like(xw).at[dst].add(msg)
    return out + b

def scoring(h, b_p, W_p, c_p, comb_num):
    first = jnp.mean(jnp.matmul(h, b_p), axis=1).reshape(-1)
    mask = 1.0 - jnp.eye(comb_num, dtype=h.dtype)
    masks = jnp.broadcast_to(mask, (h.shape[0], comb_num, comb_num))
    matrix = jnp.matmul(jnp.matmul(h, W_p), jnp.transpose(h, (0, 2, 1))) * masks
    second = jnp.sum(matrix, axis=(1, 2)) / jnp.sum(masks, axis=(1, 2))
    return jax.nn.sigmoid(first + second + c_p[0])

def setup_inputs(seed: int = 0):
    key = jax.random.key(seed)
    ks = jax.random.split(key, 10)
    return {
        "x": jax.random.normal(ks[0], (N, D), dtype=jnp.float32),
        "edge_index": jax.random.randint(ks[1], (2, E), 0, N, dtype=jnp.int32),
        "comb2": jax.random.randint(ks[2], (B2, 2), 0, N, dtype=jnp.int32),
        "comb3": jax.random.randint(ks[3], (B3, 3), 0, N, dtype=jnp.int32),
        "W1": jax.random.normal(ks[4], (D, D), dtype=jnp.float32) * 0.02,
        "b1": jnp.zeros((D,), dtype=jnp.float32),
        "W2": jax.random.normal(ks[5], (D, D), dtype=jnp.float32) * 0.02,
        "b2": jnp.zeros((D,), dtype=jnp.float32),
        "b_p": jax.random.normal(ks[6], (D, 1), dtype=jnp.float32) * 0.1,
        "W_p": jax.random.normal(ks[7], (D, D), dtype=jnp.float32) * 0.1,
        "c_p": jnp.zeros((1,), dtype=jnp.float32),
    }

def reference(x, edge_index, comb2, comb3, W1, b1, W2, b2, b_p, W_p, c_p):
    h = gcn_conv(x, edge_index, W1, b1)
    h = jax.nn.relu(h)
    # dropout is identity in eval mode
    h = gcn_conv(h, edge_index, W2, b2)
    h2 = h[comb2]  # [B2, 2, D] gather
    h3 = h[comb3]  # [B3, 3, D] gather
    out2 = scoring(h2, b_p, W_p, c_p, 2)
    out3 = scoring(h3, b_p, W_p, c_p, 3)
    out = jnp.concatenate([out2, out3])
    ind = jnp.concatenate([jnp.arange(B2), B2 + jnp.arange(B3)])
    return out[jnp.argsort(ind)]

if __name__ == "__main__":
    import jax
    _d = setup_inputs()
    print(jax.jit(kernel)(*tuple(_d.values())))

</pallas_src>

<mosaic_0001>
#map = affine_map<(d0, d1) -> (0, 0, 0)>
#map1 = affine_map<(d0, d1) -> (0, 0)>
module attributes {stable_mosaic.version = 14 : i64} {
  func.func @_deg_body(%arg0: i32, %arg1: i32, %arg2: memref<32x25x128xi32, #tpu.memory_space<hbm>>, %arg3: memref<2x10240xf32, #tpu.memory_space<hbm>>, %arg4: memref<25x128xi32, #tpu.memory_space<vmem>>, %arg5: memref<128xf32, #tpu.memory_space<vmem>>, %arg6: memref<640xf32, #tpu.memory_space<vmem>>, %arg7: memref<10240xf32, #tpu.memory_space<vmem_shared>>, %arg8: memref<!tpu.dma_semaphore, #tpu.memory_space<semaphore_mem>>) attributes {dimension_semantics = [#tpu.dimension_semantics<core_parallel>, #tpu.dimension_semantics<subcore_parallel>], iteration_bounds = array<i64: 2, 16>, scalar_prefetch = 0 : i64, scratch_operands = 5 : i64, tpu.core_type = #tpu.core_type<sc_vector_subcore>, window_params = [{transform_indices = #map}, {transform_indices = #map1}]} {
    %mul3A = arith.constant 16 : i32
    %mul3A_0 = arith.muli %arg0, %mul3A : i32
    %add3A = arith.addi %mul3A_0, %arg1 : i32
    %broadcast_in_dim3A = arith.constant 1.000000e+00 : f32
    %broadcast_in_dim3A_1 = vector.broadcast %broadcast_in_dim3A : f32 to vector<16xf32>
    %swap3A = arith.constant 0 : index
    %swap3A_2 = tpu.vector_load %arg5[%swap3A] {strides = array<i32>} : memref<128xf32, #tpu.memory_space<vmem>>, vector<16xf32>,
    %swap3A_3 = vector.shape_cast %swap3A_2 : vector<16xf32> to vector<16xf32>
    %swap3A_4 = vector.shape_cast %broadcast_in_dim3A_1 : vector<16xf32> to vector<16xf32>
    tpu.vector_store %arg5[%swap3A], %swap3A_4 {strides = array<i32>} : memref<128xf32, #tpu.memory_space<vmem>>, vector<16xf32>,
    %broadcast_in_dim3A_5 = arith.constant 1.000000e+00 : f32
    %broadcast_in_dim3A_6 = vector.broadcast %broadcast_in_dim3A_5 : f32 to vector<16xf32>
    %swap3A_7 = arith.constant 16 : index
    %swap3A_8 = tpu.vector_load %arg5[%swap3A_7] {strides = array<i32>} : memref<128xf32, #tpu.memory_space<vmem>>, vector<16xf32>,
    %swap3A_9 = vector.shape_cast %swap3A_8 : vector<16xf32> to vector<16xf32>
    %swap3A_10 = vector.shape_cast %broadcast_in_dim3A_6 : vector<16xf32> to vector<16xf32>
    tpu.vector_store %arg5[%swap3A_7], %swap3A_10 {strides = array<i32>} : memref<128xf32, #tpu.memory_space<vmem>>, vector<16xf32>,
    %broadcast_in_dim3A_11 = arith.constant 1.000000e+00 : f32
    %broadcast_in_dim3A_12 = vector.broadcast %broadcast_in_dim3A_11 : f32 to vector<16xf32>
    %swap3A_13 = arith.constant 32 : index
    %swap3A_14 = tpu.vector_load %arg5[%swap3A_13] {strides = array<i32>} : memref<128xf32, #tpu.memory_space<vmem>>, vector<16xf32>,
    %swap3A_15 = vector.shape_cast %swap3A_14 : vector<16xf32> to vector<16xf32>
    %swap3A_16 = vector.shape_cast %broadcast_in_dim3A_12 : vector<16xf32> to vector<16xf32>
    tpu.vector_store %arg5[%swap3A_13], %swap3A_16 {strides = array<i32>} : memref<128xf32, #tpu.memory_space<vmem>>, vector<16xf32>,
    %broadcast_in_dim3A_17 = arith.constant 1.000000e+00 : f32
    %broadcast_in_dim3A_18 = vector.broadcast %broadcast_in_dim3A_17 : f32 to vector<16xf32>
    %swap3A_19 = arith.constant 48 : index
    %swap3A_20 = tpu.vector_load %arg5[%swap3A_19] {strides = array<i32>} : memref<128xf32, #tpu.memory_space<vmem>>, vector<16xf32>,
    %swap3A_21 = vector.shape_cast %swap3A_20 : vector<16xf32> to vector<16xf32>
    %swap3A_22 = vector.shape_cast %broadcast_in_dim3A_18 : vector<16xf32> to vector<16xf32>
    tpu.vector_store %arg5[%swap3A_19], %swap3A_22 {strides = array<i32>} : memref<128xf32, #tpu.memory_space<vmem>>, vector<16xf32>,
    %broadcast_in_dim3A_23 = arith.constant 1.000000e+00 : f32
    %broadcast_in_dim3A_24 = vector.broadcast %broadcast_in_dim3A_23 : f32 to vector<16xf32>
    %swap3A_25 = arith.constant 64 : index
    %swap3A_26 = tpu.vector_load %arg5[%swap3A_25] {strides = array<i32>} : memref<128xf32, #tpu.memory_space<vmem>>, vector<16xf32>,
    %swap3A_27 = vector.shape_cast %swap3A_26 : vector<16xf32> to vector<16xf32>
    %swap3A_28 = vector.shape_cast %broadcast_in_dim3A_24 : vector<16xf32> to vector<16xf32>
    tpu.vector_store %arg5[%swap3A_25], %swap3A_28 {strides = array<i32>} : memref<128xf32, #tpu.memory_space<vmem>>, vector<16xf32>,
    %broadcast_in_dim3A_29 = arith.constant 1.000000e+00 : f32
    %broadcast_in_dim3A_30 = vector.broadcast %broadcast_in_dim3A_29 : f32 to vector<16xf32>
    %swap3A_31 = arith.constant 80 : index
    %swap3A_32 = tpu.vector_load %arg5[%swap3A_31] {strides = array<i32>} : memref<128xf32, #tpu.memory_space<vmem>>, vector<16xf32>,
    %swap3A_33 = vector.shape_cast %swap3A_32 : vector<16xf32> to vector<16xf32>
    %swap3A_34 = vector.shape_cast %broadcast_in_dim3A_30 : vector<16xf32> to vector<16xf32>
    tpu.vector_store %arg5[%swap3A_31], %swap3A_34 {strides = array<i32>} : memref<128xf32, #tpu.memory_space<vmem>>, vector<16xf32>,
    %broadcast_in_dim3A_35 = arith.constant 1.000000e+00 : f32
    %broadcast_in_dim3A_36 = vector.broadcast %broadcast_in_dim3A_35 : f32 to vector<16xf32>
    %swap3A_37 = arith.constant 96 : index
    %swap3A_38 = tpu.vector_load %arg5[%swap3A_37] {strides = array<i32>} : memref<128xf32, #tpu.memory_space<vmem>>, vector<16xf32>,
    %swap3A_39 = vector.shape_cast %swap3A_38 : vector<16xf32> to vector<16xf32>
    %swap3A_40 = vector.shape_cast %broadcast_in_dim3A_36 : vector<16xf32> to vector<16xf32>
    tpu.vector_store %arg5[%swap3A_37], %swap3A_40 {strides = array<i32>} : memref<128xf32, #tpu.memory_space<vmem>>, vector<16xf32>,
    %broadcast_in_dim3A_41 = arith.constant 1.000000e+00 : f32
    %broadcast_in_dim3A_42 = vector.broadcast %broadcast_in_dim3A_41 : f32 to vector<16xf32>
    %swap3A_43 = arith.constant 112 : index
    %swap3A_44 = tpu.vector_load %arg5[%swap3A_43] {strides = array<i32>} : memref<128xf32, #tpu.memory_space<vmem>>, vector<16xf32>,
    %swap3A_45 = vector.shape_cast %swap3A_44 : vector<16xf32> to vector<16xf32>
    %swap3A_46 = vector.shape_cast %broadcast_in_dim3A_42 : vector<16xf32> to vector<16xf32>
    tpu.vector_store %arg5[%swap3A_43], %swap3A_46 {strides = array<i32>} : memref<128xf32, #tpu.memory_space<vmem>>, vector<16xf32>,
    %broadcast_in_dim3A_47 = arith.constant 0.000000e+00 : f32
    %broadcast_in_dim3A_48 = vector.broadcast %broadcast_in_dim3A_47 : f32 to vector<16xf32>
    %swap3A_49 = arith.constant 0 : index
    %swap3A_50 = tpu.vector_load %arg6[%swap3A_49] {strides = array<i32>} : memref<640xf32, #tpu.memory_space<vmem>>, vector<16xf32>,
    %swap3A_51 = vector.shape_cast %swap3A_50 : vector<16xf32> to vector<16xf32>
    %swap3A_52 = vector.shape_cast %broadcast_in_dim3A_48 : vector<16xf32> to vector<16xf32>
    tpu.vector_store %arg6[%swap3A_49], %swap3A_52 {strides = array<i32>} : memref<640xf32, #tpu.memory_space<vmem>>, vector<16xf32>,
    %swap3A_53 = arith.constant 16 : index
    %swap3A_54 = tpu.vector_load %arg6[%swap3A_53] {strides = array<i32>} : memref<640xf32, #tpu.memory_space<vmem>>, vector<16xf32>,
    %swap3A_55 = vector.shape_cast %swap3A_54 : vector<16xf32> to vector<16xf32>
    %swap3A_56 = vector.shape_cast %broadcast_in_dim3A_48 : vector<16xf32> to vector<16xf32>
    tpu.vector_store %arg6[%swap3A_53], %swap3A_56 {strides = array<i32>} : memref<640xf32, #tpu.memory_space<vmem>>, vector<16xf32>,
    %swap3A_57 = arith.constant 32 : index
    %swap3A_58 = tpu.vector_load %arg6[%swap3A_57] {strides = array<i32>} : memref<640xf32, #tpu.memory_space<vmem>>, vector<16xf32>,
    %swap3A_59 = vector.shape_cast %swap3A_58 : vector<16xf32> to vector<16xf32>
    %swap3A_60 = vector.shape_cast %broadcast_in_dim3A_48 : vector<16xf32> to vector<16xf32>
    tpu.vector_store %arg6[%swap3A_57], %swap3A_60 {strides = array<i32>} : memref<640xf32, #tpu.memory_space<vmem>>, vector<16xf32>,
    %swap3A_61 = arith.constant 48 : index
    %swap3A_62 = tpu.vector_load %arg6[%swap3A_61] {strides = array<i32>} : memref<640xf32, #tpu.memory_space<vmem>>, vector<16xf32>,
    %swap3A_63 = vector.shape_cast %swap3A_62 : vector<16xf32> to vector<16xf32>
    %swap3A_64 = vector.shape_cast %broadcast_in_dim3A_48 : vector<16xf32> to vector<16xf32>
    tpu.vector_store %arg6[%swap3A_61], %swap3A_64 {strides = array<i32>} : memref<640xf32, #tpu.memory_space<vmem>>, vector<16xf32>,
    %swap3A_65 = arith.constant 64 : index
    %swap3A_66 = tpu.vector_load %arg6[%swap3A_65] {strides = array<i32>} : memref<640xf32, #tpu.memory_space<vmem>>, vector<16xf32>,
    %swap3A_67 = vector.shape_cast %swap3A_66 : vector<16xf32> to vector<16xf32>
    %swap3A_68 = vector.shape_cast %broadcast_in_dim3A_48 : vector<16xf32> to vector<16xf32>
    tpu.vector_store %arg6[%swap3A_65], %swap3A_68 {strides = array<i32>} : memref<640xf32, #tpu.memory_space<vmem>>, vector<16xf32>,
    %swap3A_69 = arith.constant 80 : index
    %swap3A_70 = tpu.vector_load %arg6[%swap3A_69] {strides = array<i32>} : memref<640xf32, #tpu.memory_space<vmem>>, vector<16xf32>,
    %swap3A_71 = vector.shape_cast %swap3A_70 : vector<16xf32> to vector<16xf32>
    %swap3A_72 = vector.shape_cast %broadcast_in_dim3A_48 : vector<16xf32> to vector<16xf32>
    tpu.vector_store %arg6[%swap3A_69], %swap3A_72 {strides = array<i32>} : memref<640xf32, #tpu.memory_space<vmem>>, vector<16xf32>,
    %swap3A_73 = arith.constant 96 : index
    %swap3A_74 = tpu.vector_load %arg6[%swap3A_73] {strides = array<i32>} : memref<640xf32, #tpu.memory_space<vmem>>, vector<16xf32>,
    %swap3A_75 = vector.shape_cast %swap3A_74 : vector<16xf32> to vector<16xf32>
    %swap3A_76 = vector.shape_cast %broadcast_in_dim3A_48 : vector<16xf32> to vector<16xf32>
    tpu.vector_store %arg6[%swap3A_73], %swap3A_76 {strides = array<i32>} : memref<640xf32, #tpu.memory_space<vmem>>, vector<16xf32>,
    %swap3A_77 = arith.constant 112 : index
    %swap3A_78 = tpu.vector_load %arg6[%swap3A_77] {strides = array<i32>} : memref<640xf32, #tpu.memory_space<vmem>>, vector<16xf32>,
    %swap3A_79 = vector.shape_cast %swap3A_78 : vector<16xf32> to vector<16xf32>
    %swap3A_80 = vector.shape_cast %broadcast_in_dim3A_48 : vector<16xf32> to vector<16xf32>
    tpu.vector_store %arg6[%swap3A_77], %swap3A_80 {strides = array<i32>} : memref<640xf32, #tpu.memory_space<vmem>>, vector<16xf32>,
    %swap3A_81 = arith.constant 128 : index
    %swap3A_82 = tpu.vector_load %arg6[%swap3A_81] {strides = array<i32>} : memref<640xf32, #tpu.memory_space<vmem>>, vector<16xf32>,
    %swap3A_83 = vector.shape_cast %swap3A_82 : vector<16xf32> to vector<16xf32>
    %swap3A_84 = vector.shape_cast %broadcast_in_dim3A_48 : vector<16xf32> to vector<16xf32>
    tpu.vector_store %arg6[%swap3A_81], %swap3A_84 {strides = array<i32>} : memref<640xf32, #tpu.memory_space<vmem>>, vector<16xf32>,
    %swap3A_85 = arith.constant 144 : index
    %swap3A_86 = tpu.vector_load %arg6[%swap3A_85] {strides = array<i32>} : memref<640xf32, #tpu.memory_space<vmem>>, vector<16xf32>,
    %swap3A_87 = vector.shape_cast %swap3A_86 : vector<16xf32> to vector<16xf32>
    %swap3A_88 = vector.shape_cast %broadcast_in_dim3A_48 : vector<16xf32> to vector<16xf32>
    tpu.vector_store %arg6[%swap3A_85], %swap3A_88 {strides = array<i32>} : memref<640xf32, #tpu.memory_space<vmem>>, vector<16xf32>,
    %swap3A_89 = arith.constant 160 : index
    %swap3A_90 = tpu.vector_load %arg6[%swap3A_89] {strides = array<i32>} : memref<640xf32, #tpu.memory_space<vmem>>, vector<16xf32>,
    %swap3A_91 = vector.shape_cast %swap3A_90 : vector<16xf32> to vector<16xf32>
    %swap3A_92 = vector.shape_cast %broadcast_in_dim3A_48 : vector<16xf32> to vector<16xf32>
    tpu.vector_store %arg6[%swap3A_89], %swap3A_92 {strides = array<i32>} : memref<640xf32, #tpu.memory_space<vmem>>, vector<16xf32>,
    %swap3A_93 = arith.constant 176 : index
    %swap3A_94 = tpu.vector_load %arg6[%swap3A_93] {strides = array<i32>} : memref<640xf32, #tpu.memory_space<vmem>>, vector<16xf32>,
    %swap3A_95 = vector.shape_cast %swap3A_94 : vector<16xf32> to vector<16xf32>
    %swap3A_96 = vector.shape_cast %broadcast_in_dim3A_48 : vector<16xf32> to vector<16xf32>
    tpu.vector_store %arg6[%swap3A_93], %swap3A_96 {strides = array<i32>} : memref<640xf32, #tpu.memory_space<vmem>>, vector<16xf32>,
    %swap3A_97 = arith.constant 192 : index
    %swap3A_98 = tpu.vector_load %arg6[%swap3A_97] {strides = array<i32>} : memref<640xf32, #tpu.memory_space<vmem>>, vector<16xf32>,
    %swap3A_99 = vector.shape_cast %swap3A_98 : vector<16xf32> to vector<16xf32>
    %swap3A_100 = vector.shape_cast %broadcast_in_dim3A_48 : vector<16xf32> to vector<16xf32>
    tpu.vector_store %arg6[%swap3A_97], %swap3A_100 {strides = array<i32>} : memref<640xf32, #tpu.memory_space<vmem>>, vector<16xf32>,
    %swap3A_101 = arith.constant 208 : index
    %swap3A_102 = tpu.vector_load %arg6[%swap3A_101] {strides = array<i32>} : memref<640xf32, #tpu.memory_space<vmem>>, vector<16xf32>,
    %swap3A_103 = vector.shape_cast %swap3A_102 : vector<16xf32> to vector<16xf32>
    %swap3A_104 = vector.shape_cast %broadcast_in_dim3A_48 : vector<16xf32> to vector<16xf32>
    tpu.vector_store %arg6[%swap3A_101], %swap3A_104 {strides = array<i32>} : memref<640xf32, #tpu.memory_space<vmem>>, vector<16xf32>,
    %swap3A_105 = arith.constant 224 : index
    %swap3A_106 = tpu.vector_load %arg6[%swap3A_105] {strides = array<i32>} : memref<640xf32, #tpu.memory_space<vmem>>, vector<16xf32>,
    %swap3A_107 = vector.shape_cast %swap3A_106 : vector<16xf32> to vector<16xf32>
    %swap3A_108 = vector.shape_cast %broadcast_in_dim3A_48 : vector<16xf32> to vector<16xf32>
    tpu.vector_store %arg6[%swap3A_105], %swap3A_108 {strides = array<i32>} : memref<640xf32, #tpu.memory_space<vmem>>, vector<16xf32>,
    %swap3A_109 = arith.constant 240 : index
    %swap3A_110 = tpu.vector_load %arg6[%swap3A_109] {strides = array<i32>} : memref<640xf32, #tpu.memory_space<vmem>>, vector<16xf32>,
    %swap3A_111 = vector.shape_cast %swap3A_110 : vector<16xf32> to vector<16xf32>
    %swap3A_112 = vector.shape_cast %broadcast_in_dim3A_48 : vector<16xf32> to vector<16xf32>
    tpu.vector_store %arg6[%swap3A_109], %swap3A_112 {strides = array<i32>} : memref<640xf32, #tpu.memory_space<vmem>>, vector<16xf32>,
    %swap3A_113 = arith.constant 256 : index
    %swap3A_114 = tpu.vector_load %arg6[%swap3A_113] {strides = array<i32>} : memref<640xf32, #tpu.memory_space<vmem>>, vector<16xf32>,
    %swap3A_115 = vector.shape_cast %swap3A_114 : vector<16xf32> to vector<16xf32>
    %swap3A_116 = vector.shape_cast %broadcast_in_dim3A_48 : vector<16xf32> to vector<16xf32>
    tpu.vector_store %arg6[%swap3A_113], %swap3A_116 {strides = array<i32>} : memref<640xf32, #tpu.memory_space<vmem>>, vector<16xf32>,
    %swap3A_117 = arith.constant 272 : index
    %swap3A_118 = tpu.vector_load %arg6[%swap3A_117] {strides = array<i32>} : memref<640xf32, #tpu.memory_space<vmem>>, vector<16xf32>,
    %swap3A_119 = vector.shape_cast %swap3A_118 : vector<16xf32> to vector<16xf32>
    %swap3A_120 = vector.shape_cast %broadcast_in_dim3A_48 : vector<16xf32> to vector<16xf32>
    tpu.vector_store %arg6[%swap3A_117], %swap3A_120 {strides = array<i32>} : memref<640xf32, #tpu.memory_space<vmem>>, vector<16xf32>,
    %swap3A_121 = arith.constant 288 : index
    %swap3A_122 = tpu.vector_load %arg6[%swap3A_121] {strides = array<i32>} : memref<640xf32, #tpu.memory_space<vmem>>, vector<16xf32>,
    %swap3A_123 = vector.shape_cast %swap3A_122 : vector<16xf32> to vector<16xf32>
    %swap3A_124 = vector.shape_cast %broadcast_in_dim3A_48 : vector<16xf32> to vector<16xf32>
    tpu.vector_store %arg6[%swap3A_121], %swap3A_124 {strides = array<i32>} : memref<640xf32, #tpu.memory_space<vmem>>, vector<16xf32>,
    %swap3A_125 = arith.constant 304 : index
    %swap3A_126 = tpu.vector_load %arg6[%swap3A_125] {strides = array<i32>} : memref<640xf32, #tpu.memory_space<vmem>>, vector<16xf32>,
    %swap3A_127 = vector.shape_cast %swap3A_126 : vector<16xf32> to vector<16xf32>
    %swap3A_128 = vector.shape_cast %broadcast_in_dim3A_48 : vector<16xf32> to vector<16xf32>
    tpu.vector_store %arg6[%swap3A_125], %swap3A_128 {strides = array<i32>} : memref<640xf32, #tpu.memory_space<vmem>>, vector<16xf32>,
    %swap3A_129 = arith.constant 320 : index
    %swap3A_130 = tpu.vector_load %arg6[%swap3A_129] {strides = array<i32>} : memref<640xf32, #tpu.memory_space<vmem>>, vector<16xf32>,
    %swap3A_131 = vector.shape_cast %swap3A_130 : vector<16xf32> to vector<16xf32>
    %swap3A_132 = vector.shape_cast %broadcast_in_dim3A_48 : vector<16xf32> to vector<16xf32>
    tpu.vector_store %arg6[%swap3A_129], %swap3A_132 {strides = array<i32>} : memref<640xf32, #tpu.memory_space<vmem>>, vector<16xf32>,
    %swap3A_133 = arith.constant 336 : index
    %swap3A_134 = tpu.vector_load %arg6[%swap3A_133] {strides = array<i32>} : memref<640xf32, #tpu.memory_space<vmem>>, vector<16xf32>,
    %swap3A_135 = vector.shape_cast %swap3A_134 : vector<16xf32> to vector<16xf32>
    %swap3A_136 = vector.shape_cast %broadcast_in_dim3A_48 : vector<16xf32> to vector<16xf32>
    tpu.vector_store %arg6[%swap3A_133], %swap3A_136 {strides = array<i32>} : memref<640xf32, #tpu.memory_space<vmem>>, vector<16xf32>,
    %swap3A_137 = arith.constant 352 : index
    %swap3A_138 = tpu.vector_load %arg6[%swap3A_137] {strides = array<i32>} : memref<640xf32, #tpu.memory_space<vmem>>, vector<16xf32>,
    %swap3A_139 = vector.shape_cast %swap3A_138 : vector<16xf32> to vector<16xf32>
    %swap3A_140 = vector.shape_cast %broadcast_in_dim3A_48 : vector<16xf32> to vector<16xf32>
    tpu.vector_store %arg6[%swap3A_137], %swap3A_140 {strides = array<i32>} : memref<640xf32, #tpu.memory_space<vmem>>, vector<16xf32>,
    %swap3A_141 = arith.constant 368 : index
    %swap3A_142 = tpu.vector_load %arg6[%swap3A_141] {strides = array<i32>} : memref<640xf32, #tpu.memory_space<vmem>>, vector<16xf32>,
    %swap3A_143 = vector.shape_cast %swap3A_142 : vector<16xf32> to vector<16xf32>
    %swap3A_144 = vector.shape_cast %broadcast_in_dim3A_48 : vector<16xf32> to vector<16xf32>
    tpu.vector_store %arg6[%swap3A_141], %swap3A_144 {strides = array<i32>} : memref<640xf32, #tpu.memory_space<vmem>>, vector<16xf32>,
    %swap3A_145 = arith.constant 384 : index
    %swap3A_146 = tpu.vector_load %arg6[%swap3A_145] {strides = array<i32>} : memref<640xf32, #tpu.memory_space<vmem>>, vector<16xf32>,
    %swap3A_147 = vector.shape_cast %swap3A_146 : vector<16xf32> to vector<16xf32>
    %swap3A_148 = vector.shape_cast %broadcast_in_dim3A_48 : vector<16xf32> to vector<16xf32>
    tpu.vector_store %arg6[%swap3A_145], %swap3A_148 {strides = array<i32>} : memref<640xf32, #tpu.memory_space<vmem>>, vector<16xf32>,
    %swap3A_149 = arith.constant 400 : index
    %swap3A_150 = tpu.vector_load %arg6[%swap3A_149] {strides = array<i32>} : memref<640xf32, #tpu.memory_space<vmem>>, vector<16xf32>,
    %swap3A_151 = vector.shape_cast %swap3A_150 : vector<16xf32> to vector<16xf32>
    %swap3A_152 = vector.shape_cast %broadcast_in_dim3A_48 : vector<16xf32> to vector<16xf32>
    tpu.vector_store %arg6[%swap3A_149], %swap3A_152 {strides = array<i32>} : memref<640xf32, #tpu.memory_space<vmem>>, vector<16xf32>,
    %swap3A_153 = arith.constant 416 : index
    %swap3A_154 = tpu.vector_load %arg6[%swap3A_153] {strides = array<i32>} : memref<640xf32, #tpu.memory_space<vmem>>, vector<16xf32>,
    %swap3A_155 = vector.shape_cast %swap3A_154 : vector<16xf32> to vector<16xf32>
    %swap3A_156 = vector.shape_cast %broadcast_in_dim3A_48 : vector<16xf32> to vector<16xf32>
    tpu.vector_store %arg6[%swap3A_153], %swap3A_156 {strides = array<i32>} : memref<640xf32, #tpu.memory_space<vmem>>, vector<16xf32>,
    %swap3A_157 = arith.constant 432 : index
    %swap3A_158 = tpu.vector_load %arg6[%swap3A_157] {strides = array<i32>} : memref<640xf32, #tpu.memory_space<vmem>>, vector<16xf32>,
    %swap3A_159 = vector.shape_cast %swap3A_158 : vector<16xf32> to vector<16xf32>
    %swap3A_160 = vector.shape_cast %broadcast_in_dim3A_48 : vector<16xf32> to vector<16xf32>
    tpu.vector_store %arg6[%swap3A_157], %swap3A_160 {strides = array<i32>} : memref<640xf32, #tpu.memory_space<vmem>>, vector<16xf32>,
    %swap3A_161 = arith.constant 448 : index
    %swap3A_162 = tpu.vector_load %arg6[%swap3A_161] {strides = array<i32>} : memref<640xf32, #tpu.memory_space<vmem>>, vector<16xf32>,
    %swap3A_163 = vector.shape_cast %swap3A_162 : vector<16xf32> to vector<16xf32>
    %swap3A_164 = vector.shape_cast %broadcast_in_dim3A_48 : vector<16xf32> to vector<16xf32>
    tpu.vector_store %arg6[%swap3A_161], %swap3A_164 {strides = array<i32>} : memref<640xf32, #tpu.memory_space<vmem>>, vector<16xf32>,
    %swap3A_165 = arith.constant 464 : index
    %swap3A_166 = tpu.vector_load %arg6[%swap3A_165] {strides = array<i32>} : memref<640xf32, #tpu.memory_space<vmem>>, vector<16xf32>,
    %swap3A_167 = vector.shape_cast %swap3A_166 : vector<16xf32> to vector<16xf32>
    %swap3A_168 = vector.shape_cast %broadcast_in_dim3A_48 : vector<16xf32> to vector<16xf32>
    tpu.vector_store %arg6[%swap3A_165], %swap3A_168 {strides = array<i32>} : memref<640xf32, #tpu.memory_space<vmem>>, vector<16xf32>,
    %swap3A_169 = arith.constant 480 : index
    %swap3A_170 = tpu.vector_load %arg6[%swap3A_169] {strides = array<i32>} : memref<640xf32, #tpu.memory_space<vmem>>, vector<16xf32>,
    %swap3A_171 = vector.shape_cast %swap3A_170 : vector<16xf32> to vector<16xf32>
    %swap3A_172 = vector.shape_cast %broadcast_in_dim3A_48 : vector<16xf32> to vector<16xf32>
    tpu.vector_store %arg6[%swap3A_169], %swap3A_172 {strides = array<i32>} : memref<640xf32, #tpu.memory_space<vmem>>, vector<16xf32>,
    %swap3A_173 = arith.constant 496 : index
    %swap3A_174 = tpu.vector_load %arg6[%swap3A_173] {strides = array<i32>} : memref<640xf32, #tpu.memory_space<vmem>>, vector<16xf32>,
    %swap3A_175 = vector.shape_cast %swap3A_174 : vector<16xf32> to vector<16xf32>
    %swap3A_176 = vector.shape_cast %broadcast_in_dim3A_48 : vector<16xf32> to vector<16xf32>
    tpu.vector_store %arg6[%swap3A_173], %swap3A_176 {strides = array<i32>} : memref<640xf32, #tpu.memory_space<vmem>>, vector<16xf32>,
    %swap3A_177 = arith.constant 512 : index
    %swap3A_178 = tpu.vector_load %arg6[%swap3A_177] {strides = array<i32>} : memref<640xf32, #tpu.memory_space<vmem>>, vector<16xf32>,
    %swap3A_179 = vector.shape_cast %swap3A_178 : vector<16xf32> to vector<16xf32>
    %swap3A_180 = vector.shape_cast %broadcast_in_dim3A_48 : vector<16xf32> to vector<16xf32>
    tpu.vector_store %arg6[%swap3A_177], %swap3A_180 {strides = array<i32>} : memref<640xf32, #tpu.memory_space<vmem>>, vector<16xf32>,
    %swap3A_181 = arith.constant 528 : index
    %swap3A_182 = tpu.vector_load %arg6[%swap3A_181] {strides = array<i32>} : memref<640xf32, #tpu.memory_space<vmem>>, vector<16xf32>,
    %swap3A_183 = vector.shape_cast %swap3A_182 : vector<16xf32> to vector<16xf32>
    %swap3A_184 = vector.shape_cast %broadcast_in_dim3A_48 : vector<16xf32> to vector<16xf32>
    tpu.vector_store %arg6[%swap3A_181], %swap3A_184 {strides = array<i32>} : memref<640xf32, #tpu.memory_space<vmem>>, vector<16xf32>,
    %swap3A_185 = arith.constant 544 : index
    %swap3A_186 = tpu.vector_load %arg6[%swap3A_185] {strides = array<i32>} : memref<640xf32, #tpu.memory_space<vmem>>, vector<16xf32>,
    %swap3A_187 = vector.shape_cast %swap3A_186 : vector<16xf32> to vector<16xf32>
    %swap3A_188 = vector.shape_cast %broadcast_in_dim3A_48 : vector<16xf32> to vector<16xf32>
    tpu.vector_store %arg6[%swap3A_185], %swap3A_188 {strides = array<i32>} : memref<640xf32, #tpu.memory_space<vmem>>, vector<16xf32>,
    %swap3A_189 = arith.constant 560 : index
    %swap3A_190 = tpu.vector_load %arg6[%swap3A_189] {strides = array<i32>} : memref<640xf32, #tpu.memory_space<vmem>>, vector<16xf32>,
    %swap3A_191 = vector.shape_cast %swap3A_190 : vector<16xf32> to vector<16xf32>
    %swap3A_192 = vector.shape_cast %broadcast_in_dim3A_48 : vector<16xf32> to vector<16xf32>
    tpu.vector_store %arg6[%swap3A_189], %swap3A_192 {strides = array<i32>} : memref<640xf32, #tpu.memory_space<vmem>>, vector<16xf32>,
    %swap3A_193 = arith.constant 576 : index
    %swap3A_194 = tpu.vector_load %arg6[%swap3A_193] {strides = array<i32>} : memref<640xf32, #tpu.memory_space<vmem>>, vector<16xf32>,
    %swap3A_195 = vector.shape_cast %swap3A_194 : vector<16xf32> to vector<16xf32>
    %swap3A_196 = vector.shape_cast %broadcast_in_dim3A_48 : vector<16xf32> to vector<16xf32>
    tpu.vector_store %arg6[%swap3A_193], %swap3A_196 {strides = array<i32>} : memref<640xf32, #tpu.memory_space<vmem>>, vector<16xf32>,
    %swap3A_197 = arith.constant 592 : index
    %swap3A_198 = tpu.vector_load %arg6[%swap3A_197] {strides = array<i32>} : memref<640xf32, #tpu.memory_space<vmem>>, vector<16xf32>,
    %swap3A_199 = vector.shape_cast %swap3A_198 : vector<16xf32> to vector<16xf32>
    %swap3A_200 = vector.shape_cast %broadcast_in_dim3A_48 : vector<16xf32> to vector<16xf32>
    tpu.vector_store %arg6[%swap3A_197], %swap3A_200 {strides = array<i32>} : memref<640xf32, #tpu.memory_space<vmem>>, vector<16xf32>,
    %swap3A_201 = arith.constant 608 : index
    %swap3A_202 = tpu.vector_load %arg6[%swap3A_201] {strides = array<i32>} : memref<640xf32, #tpu.memory_space<vmem>>, vector<16xf32>,
    %swap3A_203 = vector.shape_cast %swap3A_202 : vector<16xf32> to vector<16xf32>
    %swap3A_204 = vector.shape_cast %broadcast_in_dim3A_48 : vector<16xf32> to vector<16xf32>
    tpu.vector_store %arg6[%swap3A_201], %swap3A_204 {strides = array<i32>} : memref<640xf32, #tpu.memory_space<vmem>>, vector<16xf32>,
    %swap3A_205 = arith.constant 624 : index
    %swap3A_206 = tpu.vector_load %arg6[%swap3A_205] {strides = array<i32>} : memref<640xf32, #tpu.memory_space<vmem>>, vector<16xf32>,
    %swap3A_207 = vector.shape_cast %swap3A_206 : vector<16xf32> to vector<16xf32>
    %swap3A_208 = vector.shape_cast %broadcast_in_dim3A_48 : vector<16xf32> to vector<16xf32>
    tpu.vector_store %arg6[%swap3A_205], %swap3A_208 {strides = array<i32>} : memref<640xf32, #tpu.memory_space<vmem>>, vector<16xf32>,
    %mul3A_209 = arith.constant 640 : i32
    %mul3A_210 = arith.muli %arg1, %mul3A_209 : i32
    "tpu.region"() ({
      %run_scoped3A = tpu.sem_alloc : memref<!tpu.dma_semaphore, #tpu.memory_space<semaphore_mem>>
      %dma_start3A = tpu.memref_slice %arg7[%mul3A_210] : memref<10240xf32, #tpu.memory_space<vmem_shared>> -> memref<640xf32, #tpu.memory_space<vmem_shared>>
      %dma_start3A_221 = tpu.memref_slice %arg7[%mul3A_210] : memref<10240xf32, #tpu.memory_space<vmem_shared>> -> memref<640xf32, #tpu.memory_space<vmem_shared>>
      tpu.enqueue_dma source(%arg6 : memref<640xf32, #tpu.memory_space<vmem>>) target(%dma_start3A_221 : memref<640xf32, #tpu.memory_space<vmem_shared>>) target_semaphore(%run_scoped3A : memref<!tpu.dma_semaphore, #tpu.memory_space<semaphore_mem>>)
      %dma_wait3A = tpu.memref_slice %arg7[%mul3A_210] : memref<10240xf32, #tpu.memory_space<vmem_shared>> -> memref<640xf32, #tpu.memory_space<vmem_shared>>
      %dma_wait3A_222 = tpu.memref_slice %arg7[%mul3A_210] : memref<10240xf32, #tpu.memory_space<vmem_shared>> -> memref<640xf32, #tpu.memory_space<vmem_shared>>
      tpu.wait_dma2 semaphore(%run_scoped3A : memref<!tpu.dma_semaphore, #tpu.memory_space<semaphore_mem>>) src(%arg6 : memref<640xf32, #tpu.memory_space<vmem>>) dst(%dma_wait3A_222 : memref<640xf32, #tpu.memory_space<vmem_shared>>)
      tpu.yield
    }) : () -> ()
    "tpu.region"() ({
      %run_scoped3A = tpu.sem_alloc : memref<!tpu.dma_semaphore, #tpu.memory_space<semaphore_mem>>
      %dma_start3A = arith.constant 0 : i32
      %dma_start3A_221 = arith.constant 0 : i32
      %dma_start3A_222 = tpu.memref_slice %arg2[%add3A, %dma_start3A, %dma_start3A_221] : memref<32x25x128xi32, #tpu.memory_space<hbm>> -> memref<1x25x128xi32, #tpu.memory_space<hbm>>
      %dma_start3A_223 = tpu.memref_squeeze %dma_start3A_222 : memref<1x25x128xi32, #tpu.memory_space<hbm>> -> memref<25x128xi32, #tpu.memory_space<hbm>>
      %dma_start3A_224 = arith.constant 0 : i32
      %dma_start3A_225 = arith.constant 0 : i32
      %dma_start3A_226 = tpu.memref_slice %arg2[%add3A, %dma_start3A_224, %dma_start3A_225] : memref<32x25x128xi32, #tpu.memory_space<hbm>> -> memref<1x25x128xi32, #tpu.memory_space<hbm>>
      %dma_start3A_227 = tpu.memref_squeeze %dma_start3A_226 : memref<1x25x128xi32, #tpu.memory_space<hbm>> -> memref<25x128xi32, #tpu.memory_space<hbm>>
      tpu.enqueue_dma source(%dma_start3A_227 : memref<25x128xi32, #tpu.memory_space<hbm>>) target(%arg4 : memref<25x128xi32, #tpu.memory_space<vmem>>) target_semaphore(%run_scoped3A : memref<!tpu.dma_semaphore, #tpu.memory_space<semaphore_mem>>)
      %dma_wait3A = arith.constant 0 : i32
      %dma_wait3A_228 = arith.constant 0 : i32
      %dma_wait3A_229 = tpu.memref_slice %arg2[%add3A, %dma_wait3A, %dma_wait3A_228] : memref<32x25x128xi32, #tpu.memory_space<hbm>> -> memref<1x25x128xi32, #tpu.memory_space<hbm>>
      %dma_wait3A_230 = tpu.memref_squeeze %dma_wait3A_229 : memref<1x25x128xi32, #tpu.memory_space<hbm>> -> memref<25x128xi32, #tpu.memory_space<hbm>>
      %dma_wait3A_231 = arith.constant 0 : i32
      %dma_wait3A_232 = arith.constant 0 : i32
      %dma_wait3A_233 = tpu.memref_slice %arg2[%add3A, %dma_wait3A_231, %dma_wait3A_232] : memref<32x25x128xi32, #tpu.memory_space<hbm>> -> memref<1x25x128xi32, #tpu.memory_space<hbm>>
      %dma_wait3A_234 = tpu.memref_squeeze %dma_wait3A_233 : memref<1x25x128xi32, #tpu.memory_space<hbm>> -> memref<25x128xi32, #tpu.memory_space<hbm>>
      tpu.wait_dma2 semaphore(%run_scoped3A : memref<!tpu.dma_semaphore, #tpu.memory_space<semaphore_mem>>) src(%dma_wait3A_234 : memref<25x128xi32, #tpu.memory_space<hbm>>) dst(%arg4 : memref<25x128xi32, #tpu.memory_space<vmem>>)
      tpu.yield
    }) : () -> ()
    %barrier3A = arith.constant 0 : index
    tpu.barrier barrier_id(%barrier3A)
    %scan3A = arith.constant 0 : i32
    %scan3A_211 = arith.constant 0 : i32
    %scan3A_212 = arith.constant 25 : i32
    %scan3A_213 = arith.addi %scan3A_211, %scan3A_212 : i32
    %scan3A_214 = arith.constant 1 : i32
    scf.for %scan3A_221 = %scan3A_211 to %scan3A_213 step %scan3A_214  : i32 {
      "tpu.region"() ({
        %run_scoped3A = tpu.sem_alloc : memref<!tpu.dma_semaphore, #tpu.memory_space<semaphore_mem>>
        %dma_start3A = arith.constant 0 : i32
        %dma_start3A_222 = tpu.memref_slice %arg4[%scan3A_221, %dma_start3A] : memref<25x128xi32, #tpu.memory_space<vmem>> -> memref<1x128xi32, #tpu.memory_space<vmem>>
        %dma_start3A_223 = tpu.memref_squeeze %dma_start3A_222 : memref<1x128xi32, #tpu.memory_space<vmem>> -> memref<128xi32, #tpu.memory_space<vmem>>
        %dma_start3A_224 = arith.constant 0 : i32
        %dma_start3A_225 = tpu.memref_slice %arg7[%dma_start3A_224] : memref<10240xf32, #tpu.memory_space<vmem_shared>> -> memref<10240xf32, #tpu.memory_space<vmem_shared>>
        tpu.enqueue_indirect_dma source(%arg5 : memref<128xf32, #tpu.memory_space<vmem>>) target(%dma_start3A_225 : memref<10240xf32, #tpu.memory_space<vmem_shared>>) offsets(%dma_start3A_223 : memref<128xi32, #tpu.memory_space<vmem>>) semaphore(%run_scoped3A : memref<!tpu.dma_semaphore, #tpu.memory_space<semaphore_mem>>) {add = true}
        %dma_wait3A = arith.constant 0 : i32
        %dma_wait3A_226 = tpu.memref_slice %arg4[%scan3A_221, %dma_wait3A] : memref<25x128xi32, #tpu.memory_space<vmem>> -> memref<1x128xi32, #tpu.memory_space<vmem>>
        %dma_wait3A_227 = tpu.memref_squeeze %dma_wait3A_226 : memref<1x128xi32, #tpu.memory_space<vmem>> -> memref<128xi32, #tpu.memory_space<vmem>>
        %dma_wait3A_228 = arith.constant 0 : i32
        %dma_wait3A_229 = tpu.memref_slice %arg7[%dma_wait3A_228] : memref<10240xf32, #tpu.memory_space<vmem_shared>> -> memref<10240xf32, #tpu.memory_space<vmem_shared>>
        tpu.wait_indirect_dma semaphore(%run_scoped3A : memref<!tpu.dma_semaphore, #tpu.memory_space<semaphore_mem>>) src(%arg5 : memref<128xf32, #tpu.memory_space<vmem>>) dst(%dma_wait3A_229 : memref<10240xf32, #tpu.memory_space<vmem_shared>>)
        tpu.yield
      }) : () -> ()
    }
    %scan3A_215 = arith.constant 25 : i32
    %barrier3A_216 = arith.constant 0 : index
    tpu.barrier barrier_id(%barrier3A_216)
    %mul3A_217 = arith.constant 640 : i32
    %mul3A_218 = arith.muli %arg1, %mul3A_217 : i32
    "tpu.region"() ({
      %run_scoped3A = tpu.sem_alloc : memref<!tpu.dma_semaphore, #tpu.memory_space<semaphore_mem>>
      %dma_start3A = tpu.memref_slice %arg7[%mul3A_218] : memref<10240xf32, #tpu.memory_space<vmem_shared>> -> memref<640xf32, #tpu.memory_space<vmem_shared>>
      %dma_start3A_221 = tpu.memref_slice %arg7[%mul3A_218] : memref<10240xf32, #tpu.memory_space<vmem_shared>> -> memref<640xf32, #tpu.memory_space<vmem_shared>>
      tpu.enqueue_dma source(%dma_start3A_221 : memref<640xf32, #tpu.memory_space<vmem_shared>>) target(%arg6 : memref<640xf32, #tpu.memory_space<vmem>>) target_semaphore(%run_scoped3A : memref<!tpu.dma_semaphore, #tpu.memory_space<semaphore_mem>>)
      %dma_wait3A = tpu.memref_slice %arg7[%mul3A_218] : memref<10240xf32, #tpu.memory_space<vmem_shared>> -> memref<640xf32, #tpu.memory_space<vmem_shared>>
      %dma_wait3A_222 = tpu.memref_slice %arg7[%mul3A_218] : memref<10240xf32, #tpu.memory_space<vmem_shared>> -> memref<640xf32, #tpu.memory_space<vmem_shared>>
      tpu.wait_dma2 semaphore(%run_scoped3A : memref<!tpu.dma_semaphore, #tpu.memory_space<semaphore_mem>>) src(%dma_wait3A_222 : memref<640xf32, #tpu.memory_space<vmem_shared>>) dst(%arg6 : memref<640xf32, #tpu.memory_space<vmem>>)
      tpu.yield
    }) : () -> ()
    %mul3A_219 = arith.constant 640 : i32
    %mul3A_220 = arith.muli %arg1, %mul3A_219 : i32
    "tpu.region"() ({
      %run_scoped3A = tpu.sem_alloc : memref<!tpu.dma_semaphore, #tpu.memory_space<semaphore_mem>>
      %dma_start3A = tpu.memref_slice %arg3[%arg0, %mul3A_220] : memref<2x10240xf32, #tpu.memory_space<hbm>> -> memref<1x640xf32, #tpu.memory_space<hbm>>
      %dma_start3A_221 = tpu.memref_squeeze %dma_start3A : memref<1x640xf32, #tpu.memory_space<hbm>> -> memref<640xf32, #tpu.memory_space<hbm>>
      %dma_start3A_222 = tpu.memref_slice %arg3[%arg0, %mul3A_220] : memref<2x10240xf32, #tpu.memory_space<hbm>> -> memref<1x640xf32, #tpu.memory_space<hbm>>
      %dma_start3A_223 = tpu.memref_squeeze %dma_start3A_222 : memref<1x640xf32, #tpu.memory_space<hbm>> -> memref<640xf32, #tpu.memory_space<hbm>>
      tpu.enqueue_dma source(%arg6 : memref<640xf32, #tpu.memory_space<vmem>>) target(%dma_start3A_223 : memref<640xf32, #tpu.memory_space<hbm>>) target_semaphore(%run_scoped3A : memref<!tpu.dma_semaphore, #tpu.memory_space<semaphore_mem>>)
      %dma_wait3A = tpu.memref_slice %arg3[%arg0, %mul3A_220] : memref<2x10240xf32, #tpu.memory_space<hbm>> -> memref<1x640xf32, #tpu.memory_space<hbm>>
      %dma_wait3A_224 = tpu.memref_squeeze %dma_wait3A : memref<1x640xf32, #tpu.memory_space<hbm>> -> memref<640xf32, #tpu.memory_space<hbm>>
      %dma_wait3A_225 = tpu.memref_slice %arg3[%arg0, %mul3A_220] : memref<2x10240xf32, #tpu.memory_space<hbm>> -> memref<1x640xf32, #tpu.memory_space<hbm>>
      %dma_wait3A_226 = tpu.memref_squeeze %dma_wait3A_225 : memref<1x640xf32, #tpu.memory_space<hbm>> -> memref<640xf32, #tpu.memory_space<hbm>>
      tpu.wait_dma2 semaphore(%run_scoped3A : memref<!tpu.dma_semaphore, #tpu.memory_space<semaphore_mem>>) src(%arg6 : memref<640xf32, #tpu.memory_space<vmem>>) dst(%dma_wait3A_226 : memref<640xf32, #tpu.memory_space<hbm>>)
      tpu.yield
    }) : () -> ()
    return
  }
}

#map = affine_map<(d0, d1) -> (0, 0)>
#map1 = affine_map<(d0, d1) -> (0, 0, 0, 0)>
#map2 = affine_map<(d0, d1) -> (0, 0, 0)>
module attributes {stable_mosaic.version = 14 : i64} {
  func.func @_pass1_body(%arg0: i32, %arg1: i32, %arg2: memref<61440x128xf32, #tpu.memory_space<hbm>>, %arg3: memref<6x16x50x128xi32, #tpu.memory_space<hbm>>, %arg4: memref<16x50x128xi32, #tpu.memory_space<hbm>>, %arg5: memref<61440x128xf32, #tpu.memory_space<hbm>>, %arg6: memref<50x128xi32, #tpu.memory_space<vmem>>, %arg7: memref<50x128xi32, #tpu.memory_space<vmem>>, %arg8: memref<128x128xf32, #tpu.memory_space<vmem>>, %arg9: memref<128x128xf32, #tpu.memory_space<vmem>>, %arg10: memref<10240x128xf32, #tpu.memory_space<vmem_shared>>, %arg11: memref<2x!tpu.dma_semaphore, #tpu.memory_space<semaphore_mem>>) attributes {dimension_semantics = [#tpu.dimension_semantics<core_parallel>, #tpu.dimension_semantics<subcore_parallel>], iteration_bounds = array<i64: 2, 16>, scalar_prefetch = 0 : i64, scratch_operands = 6 : i64, tpu.core_type = #tpu.core_type<sc_vector_subcore>, window_params = [{transform_indices = #map}, {transform_indices = #map1}, {transform_indices = #map2}, {transform_indices = #map}]} {
    "tpu.region"() ({
      %run_scoped3A_209 = tpu.sem_alloc : memref<!tpu.dma_semaphore, #tpu.memory_space<semaphore_mem>>
      %dma_start3A_210 = arith.constant 0 : i32
      %dma_start3A_211 = arith.constant 0 : i32
      %dma_start3A_212 = tpu.memref_slice %arg4[%arg1, %dma_start3A_210, %dma_start3A_211] : memref<16x50x128xi32, #tpu.memory_space<hbm>> -> memref<1x50x128xi32, #tpu.memory_space<hbm>>
      %dma_start3A_213 = tpu.memref_squeeze %dma_start3A_212 : memref<1x50x128xi32, #tpu.memory_space<hbm>> -> memref<50x128xi32, #tpu.memory_space<hbm>>
      %dma_start3A_214 = arith.constant 0 : i32
      %dma_start3A_215 = arith.constant 0 : i32
      %dma_start3A_216 = tpu.memref_slice %arg4[%arg1, %dma_start3A_214, %dma_start3A_215] : memref<16x50x128xi32, #tpu.memory_space<hbm>> -> memref<1x50x128xi32, #tpu.memory_space<hbm>>
      %dma_start3A_217 = tpu.memref_squeeze %dma_start3A_216 : memref<1x50x128xi32, #tpu.memory_space<hbm>> -> memref<50x128xi32, #tpu.memory_space<hbm>>
      tpu.enqueue_dma source(%dma_start3A_217 : memref<50x128xi32, #tpu.memory_space<hbm>>) target(%arg7 : memref<50x128xi32, #tpu.memory_space<vmem>>) target_semaphore(%run_scoped3A_209 : memref<!tpu.dma_semaphore, #tpu.memory_space<semaphore_mem>>)
      %dma_wait3A_218 = arith.constant 0 : i32
      %dma_wait3A_219 = arith.constant 0 : i32
      %dma_wait3A_220 = tpu.memref_slice %arg4[%arg1, %dma_wait3A_218, %dma_wait3A_219] : memref<16x50x128xi32, #tpu.memory_space<hbm>> -> memref<1x50x128xi32, #tpu.memory_space<hbm>>
      %dma_wait3A_221 = tpu.memref_squeeze %dma_wait3A_220 : memref<1x50x128xi32, #tpu.memory_space<hbm>> -> memref<50x128xi32, #tpu.memory_space<hbm>>
      %dma_wait3A_222 = arith.constant 0 : i32
      %dma_wait3A_223 = arith.constant 0 : i32
      %dma_wait3A_224 = tpu.memref_slice %arg4[%arg1, %dma_wait3A_222, %dma_wait3A_223] : memref<16x50x128xi32, #tpu.memory_space<hbm>> -> memref<1x50x128xi32, #tpu.memory_space<hbm>>
      %dma_wait3A_225 = tpu.memref_squeeze %dma_wait3A_224 : memref<1x50x128xi32, #tpu.memory_space<hbm>> -> memref<50x128xi32, #tpu.memory_space<hbm>>
      tpu.wait_dma2 semaphore(%run_scoped3A_209 : memref<!tpu.dma_semaphore, #tpu.memory_space<semaphore_mem>>) src(%dma_wait3A_225 : memref<50x128xi32, #tpu.memory_space<hbm>>) dst(%arg7 : memref<50x128xi32, #tpu.memory_space<vmem>>)
      tpu.yield
    }) : () -> ()
    %mul3A = arith.constant 3 : i32
    %mul3A_0 = arith.muli %arg0, %mul3A : i32
    %add3A = arith.constant 0 : i32
    %add3A_1 = arith.addi %mul3A_0, %add3A : i32
    %scan3A = arith.constant 0 : i32
    %scan3A_2 = arith.constant 0 : i32
    %scan3A_3 = arith.constant 128 : i32
    %scan3A_4 = arith.addi %scan3A_2, %scan3A_3 : i32
    %scan3A_5 = arith.constant 1 : i32
    scf.for %scan3A_209 = %scan3A_2 to %scan3A_4 step %scan3A_5  : i32 {
      %broadcast_in_dim3A = arith.constant 0.000000e+00 : f32
      %broadcast_in_dim3A_210 = vector.broadcast %broadcast_in_dim3A : f32 to vector<16xf32>
      %swap3A = arith.index_cast %scan3A_209 : i32 to index
      %swap3A_211 = arith.constant 0 : index
      %swap3A_212 = tpu.vector_load %arg8[%swap3A, %swap3A_211] {strides = array<i32>} : memref<128x128xf32, #tpu.memory_space<vmem>>, vector<1x16xf32>,
      %swap3A_213 = vector.shape_cast %swap3A_212 : vector<1x16xf32> to vector<16xf32>
      %swap3A_214 = vector.shape_cast %broadcast_in_dim3A_210 : vector<16xf32> to vector<1x16xf32>
      tpu.vector_store %arg8[%swap3A, %swap3A_211], %swap3A_214 {strides = array<i32>} : memref<128x128xf32, #tpu.memory_space<vmem>>, vector<1x16xf32>,
      %swap3A_215 = arith.index_cast %scan3A_209 : i32 to index
      %swap3A_216 = arith.constant 16 : index
      %swap3A_217 = tpu.vector_load %arg8[%swap3A_215, %swap3A_216] {strides = array<i32>} : memref<128x128xf32, #tpu.memory_space<vmem>>, vector<1x16xf32>,
      %swap3A_218 = vector.shape_cast %swap3A_217 : vector<1x16xf32> to vector<16xf32>
      %swap3A_219 = vector.shape_cast %broadcast_in_dim3A_210 : vector<16xf32> to vector<1x16xf32>
      tpu.vector_store %arg8[%swap3A_215, %swap3A_216], %swap3A_219 {strides = array<i32>} : memref<128x128xf32, #tpu.memory_space<vmem>>, vector<1x16xf32>,
      %swap3A_220 = arith.index_cast %scan3A_209 : i32 to index
      %swap3A_221 = arith.constant 32 : index
      %swap3A_222 = tpu.vector_load %arg8[%swap3A_220, %swap3A_221] {strides = array<i32>} : memref<128x128xf32, #tpu.memory_space<vmem>>, vector<1x16xf32>,
      %swap3A_223 = vector.shape_cast %swap3A_222 : vector<1x16xf32> to vector<16xf32>
      %swap3A_224 = vector.shape_cast %broadcast_in_dim3A_210 : vector<16xf32> to vector<1x16xf32>
      tpu.vector_store %arg8[%swap3A_220, %swap3A_221], %swap3A_224 {strides = array<i32>} : memref<128x128xf32, #tpu.memory_space<vmem>>, vector<1x16xf32>,
      %swap3A_225 = arith.index_cast %scan3A_209 : i32 to index
      %swap3A_226 = arith.constant 48 : index
      %swap3A_227 = tpu.vector_load %arg8[%swap3A_225, %swap3A_226] {strides = array<i32>} : memref<128x128xf32, #tpu.memory_space<vmem>>, vector<1x16xf32>,
      %swap3A_228 = vector.shape_cast %swap3A_227 : vector<1x16xf32> to vector<16xf32>
      %swap3A_229 = vector.shape_cast %broadcast_in_dim3A_210 : vector<16xf32> to vector<1x16xf32>
      tpu.vector_store %arg8[%swap3A_225, %swap3A_226], %swap3A_229 {strides = array<i32>} : memref<128x128xf32, #tpu.memory_space<vmem>>, vector<1x16xf32>,
      %swap3A_230 = arith.index_cast %scan3A_209 : i32 to index
      %swap3A_231 = arith.constant 64 : index
      %swap3A_232 = tpu.vector_load %arg8[%swap3A_230, %swap3A_231] {strides = array<i32>} : memref<128x128xf32, #tpu.memory_space<vmem>>, vector<1x16xf32>,
      %swap3A_233 = vector.shape_cast %swap3A_232 : vector<1x16xf32> to vector<16xf32>
      %swap3A_234 = vector.shape_cast %broadcast_in_dim3A_210 : vector<16xf32> to vector<1x16xf32>
      tpu.vector_store %arg8[%swap3A_230, %swap3A_231], %swap3A_234 {strides = array<i32>} : memref<128x128xf32, #tpu.memory_space<vmem>>, vector<1x16xf32>,
      %swap3A_235 = arith.index_cast %scan3A_209 : i32 to index
      %swap3A_236 = arith.constant 80 : index
      %swap3A_237 = tpu.vector_load %arg8[%swap3A_235, %swap3A_236] {strides = array<i32>} : memref<128x128xf32, #tpu.memory_space<vmem>>, vector<1x16xf32>,
      %swap3A_238 = vector.shape_cast %swap3A_237 : vector<1x16xf32> to vector<16xf32>
      %swap3A_239 = vector.shape_cast %broadcast_in_dim3A_210 : vector<16xf32> to vector<1x16xf32>
      tpu.vector_store %arg8[%swap3A_235, %swap3A_236], %swap3A_239 {strides = array<i32>} : memref<128x128xf32, #tpu.memory_space<vmem>>, vector<1x16xf32>,
      %swap3A_240 = arith.index_cast %scan3A_209 : i32 to index
      %swap3A_241 = arith.constant 96 : index
      %swap3A_242 = tpu.vector_load %arg8[%swap3A_240, %swap3A_241] {strides = array<i32>} : memref<128x128xf32, #tpu.memory_space<vmem>>, vector<1x16xf32>,
      %swap3A_243 = vector.shape_cast %swap3A_242 : vector<1x16xf32> to vector<16xf32>
      %swap3A_244 = vector.shape_cast %broadcast_in_dim3A_210 : vector<16xf32> to vector<1x16xf32>
      tpu.vector_store %arg8[%swap3A_240, %swap3A_241], %swap3A_244 {strides = array<i32>} : memref<128x128xf32, #tpu.memory_space<vmem>>, vector<1x16xf32>,
      %swap3A_245 = arith.index_cast %scan3A_209 : i32 to index
      %swap3A_246 = arith.constant 112 : index
      %swap3A_247 = tpu.vector_load %arg8[%swap3A_245, %swap3A_246] {strides = array<i32>} : memref<128x128xf32, #tpu.memory_space<vmem>>, vector<1x16xf32>,
      %swap3A_248 = vector.shape_cast %swap3A_247 : vector<1x16xf32> to vector<16xf32>
      %swap3A_249 = vector.shape_cast %broadcast_in_dim3A_210 : vector<16xf32> to vector<1x16xf32>
      tpu.vector_store %arg8[%swap3A_245, %swap3A_246], %swap3A_249 {strides = array<i32>} : memref<128x128xf32, #tpu.memory_space<vmem>>, vector<1x16xf32>,
    }
    %scan3A_6 = arith.constant 128 : i32
    %scan3A_7 = arith.constant 0 : i32
    %scan3A_8 = arith.constant 0 : i32
    %scan3A_9 = arith.constant 5 : i32
    %scan3A_10 = arith.addi %scan3A_8, %scan3A_9 : i32
    %scan3A_11 = arith.constant 1 : i32
    scf.for %scan3A_209 = %scan3A_8 to %scan3A_10 step %scan3A_11  : i32 {
      %mul3A_210 = arith.constant 640 : i32
      %mul3A_211 = arith.muli %arg1, %mul3A_210 : i32
      %mul3A_212 = arith.constant 128 : i32
      %mul3A_213 = arith.muli %scan3A_209, %mul3A_212 : i32
      %add3A_214 = arith.addi %mul3A_211, %mul3A_213 : i32
      "tpu.region"() ({
        %run_scoped3A_215 = tpu.sem_alloc : memref<!tpu.dma_semaphore, #tpu.memory_space<semaphore_mem>>
        %dma_start3A_216 = arith.constant 0 : i32
        %dma_start3A_217 = tpu.memref_slice %arg10[%add3A_214, %dma_start3A_216] : memref<10240x128xf32, #tpu.memory_space<vmem_shared>> -> memref<128x128xf32, #tpu.memory_space<vmem_shared>>
        %dma_start3A_218 = arith.constant 0 : i32
        %dma_start3A_219 = tpu.memref_slice %arg10[%add3A_214, %dma_start3A_218] : memref<10240x128xf32, #tpu.memory_space<vmem_shared>> -> memref<128x128xf32, #tpu.memory_space<vmem_shared>>
        tpu.enqueue_dma source(%arg8 : memref<128x128xf32, #tpu.memory_space<vmem>>) target(%dma_start3A_219 : memref<128x128xf32, #tpu.memory_space<vmem_shared>>) target_semaphore(%run_scoped3A_215 : memref<!tpu.dma_semaphore, #tpu.memory_space<semaphore_mem>>)
        %dma_wait3A_220 = arith.constant 0 : i32
        %dma_wait3A_221 = tpu.memref_slice %arg10[%add3A_214, %dma_wait3A_220] : memref<10240x128xf32, #tpu.memory_space<vmem_shared>> -> memref<128x128xf32, #tpu.memory_space<vmem_shared>>
        %dma_wait3A_222 = arith.constant 0 : i32
        %dma_wait3A_223 = tpu.memref_slice %arg10[%add3A_214, %dma_wait3A_222] : memref<10240x128xf32, #tpu.memory_space<vmem_shared>> -> memref<128x128xf32, #tpu.memory_space<vmem_shared>>
        tpu.wait_dma2 semaphore(%run_scoped3A_215 : memref<!tpu.dma_semaphore, #tpu.memory_space<semaphore_mem>>) src(%arg8 : memref<128x128xf32, #tpu.memory_space<vmem>>) dst(%dma_wait3A_223 : memref<128x128xf32, #tpu.memory_space<vmem_shared>>)
        tpu.yield
      }) : () -> ()
    }
    %scan3A_12 = arith.constant 5 : i32
    "tpu.region"() ({
      %run_scoped3A_209 = tpu.sem_alloc : memref<!tpu.dma_semaphore, #tpu.memory_space<semaphore_mem>>
      %dma_start3A_210 = arith.constant 0 : i32
      %dma_start3A_211 = arith.constant 0 : i32
      %dma_start3A_212 = tpu.memref_slice %arg3[%add3A_1, %arg1, %dma_start3A_210, %dma_start3A_211] : memref<6x16x50x128xi32, #tpu.memory_space<hbm>> -> memref<1x1x50x128xi32, #tpu.memory_space<hbm>>
      %dma_start3A_213 = tpu.memref_squeeze %dma_start3A_212 : memref<1x1x50x128xi32, #tpu.memory_space<hbm>> -> memref<50x128xi32, #tpu.memory_space<hbm>>
      %dma_start3A_214 = arith.constant 0 : i32
      %dma_start3A_215 = arith.constant 0 : i32
      %dma_start3A_216 = tpu.memref_slice %arg3[%add3A_1, %arg1, %dma_start3A_214, %dma_start3A_215] : memref<6x16x50x128xi32, #tpu.memory_space<hbm>> -> memref<1x1x50x128xi32, #tpu.memory_space<hbm>>
      %dma_start3A_217 = tpu.memref_squeeze %dma_start3A_216 : memref<1x1x50x128xi32, #tpu.memory_space<hbm>> -> memref<50x128xi32, #tpu.memory_space<hbm>>
      tpu.enqueue_dma source(%dma_start3A_217 : memref<50x128xi32, #tpu.memory_space<hbm>>) target(%arg6 : memref<50x128xi32, #tpu.memory_space<vmem>>) target_semaphore(%run_scoped3A_209 : memref<!tpu.dma_semaphore, #tpu.memory_space<semaphore_mem>>)
      %dma_wait3A_218 = arith.constant 0 : i32
      %dma_wait3A_219 = arith.constant 0 : i32
      %dma_wait3A_220 = tpu.memref_slice %arg3[%add3A_1, %arg1, %dma_wait3A_218, %dma_wait3A_219] : memref<6x16x50x128xi32, #tpu.memory_space<hbm>> -> memref<1x1x50x128xi32, #tpu.memory_space<hbm>>
      %dma_wait3A_221 = tpu.memref_squeeze %dma_wait3A_220 : memref<1x1x50x128xi32, #tpu.memory_space<hbm>> -> memref<50x128xi32, #tpu.memory_space<hbm>>
      %dma_wait3A_222 = arith.constant 0 : i32
      %dma_wait3A_223 = arith.constant 0 : i32
      %dma_wait3A_224 = tpu.memref_slice %arg3[%add3A_1, %arg1, %dma_wait3A_222, %dma_wait3A_223] : memref<6x16x50x128xi32, #tpu.memory_space<hbm>> -> memref<1x1x50x128xi32, #tpu.memory_space<hbm>>
      %dma_wait3A_225 = tpu.memref_squeeze %dma_wait3A_224 : memref<1x1x50x128xi32, #tpu.memory_space<hbm>> -> memref<50x128xi32, #tpu.memory_space<hbm>>
      tpu.wait_dma2 semaphore(%run_scoped3A_209 : memref<!tpu.dma_semaphore, #tpu.memory_space<semaphore_mem>>) src(%dma_wait3A_225 : memref<50x128xi32, #tpu.memory_space<hbm>>) dst(%arg6 : memref<50x128xi32, #tpu.memory_space<vmem>>)
      tpu.yield
    }) : () -> ()
    %barrier3A = arith.constant 0 : index
    tpu.barrier barrier_id(%barrier3A)
    %dma_start3A = arith.constant 0 : i32
    %dma_start3A_13 = arith.constant 0 : i32
    %dma_start3A_14 = arith.constant 0 : i32
    %dma_start3A_15 = tpu.memref_slice %arg6[%dma_start3A, %dma_start3A_14] : memref<50x128xi32, #tpu.memory_space<vmem>> -> memref<1x128xi32, #tpu.memory_space<vmem>>
    %dma_start3A_16 = tpu.memref_squeeze %dma_start3A_15 : memref<1x128xi32, #tpu.memory_space<vmem>> -> memref<128xi32, #tpu.memory_space<vmem>>
    %dma_start3A_17 = arith.constant 0 : i32
    %dma_start3A_18 = arith.constant 0 : i32
    %dma_start3A_19 = tpu.memref_slice %arg2[%dma_start3A_17, %dma_start3A_18] : memref<61440x128xf32, #tpu.memory_space<hbm>> -> memref<61440x128xf32, #tpu.memory_space<hbm>>
    %dma_start3A_20 = tpu.memref_slice %arg11[%dma_start3A_13] : memref<2x!tpu.dma_semaphore, #tpu.memory_space<semaphore_mem>> -> memref<1x!tpu.dma_semaphore, #tpu.memory_space<semaphore_mem>>
    %dma_start3A_21 = tpu.memref_squeeze %dma_start3A_20 : memref<1x!tpu.dma_semaphore, #tpu.memory_space<semaphore_mem>> -> memref<!tpu.dma_semaphore, #tpu.memory_space<semaphore_mem>>
    tpu.enqueue_indirect_dma source(%dma_start3A_19 : memref<61440x128xf32, #tpu.memory_space<hbm>>) target(%arg8 : memref<128x128xf32, #tpu.memory_space<vmem>>) offsets(%dma_start3A_16 : memref<128xi32, #tpu.memory_space<vmem>>) semaphore(%dma_start3A_21 : memref<!tpu.dma_semaphore, #tpu.memory_space<semaphore_mem>>)
    %scan3A_22 = arith.constant 0 : i32
    %scan3A_23 = arith.constant 0 : i32
    %scan3A_24 = arith.constant 24 : i32
    %scan3A_25 = arith.addi %scan3A_23, %scan3A_24 : i32
    %scan3A_26 = arith.constant 1 : i32
    scf.for %scan3A_209 = %scan3A_23 to %scan3A_25 step %scan3A_26  : i32 {
      %mul3A_210 = arith.constant 2 : i32
      %mul3A_211 = arith.muli %scan3A_209, %mul3A_210 : i32
      %dma_wait3A_212 = arith.constant 0 : i32
      %dma_wait3A_213 = arith.constant 0 : i32
      %dma_wait3A_214 = arith.constant 0 : i32
      %dma_wait3A_215 = tpu.memref_slice %arg6[%dma_wait3A_212, %dma_wait3A_214] : memref<50x128xi32, #tpu.memory_space<vmem>> -> memref<1x128xi32, #tpu.memory_space<vmem>>
      %dma_wait3A_216 = tpu.memref_squeeze %dma_wait3A_215 : memref<1x128xi32, #tpu.memory_space<vmem>> -> memref<128xi32, #tpu.memory_space<vmem>>
      %dma_wait3A_217 = arith.constant 0 : i32
      %dma_wait3A_218 = arith.constant 0 : i32
      %dma_wait3A_219 = tpu.memref_slice %arg2[%dma_wait3A_217, %dma_wait3A_218] : memref<61440x128xf32, #tpu.memory_space<hbm>> -> memref<61440x128xf32, #tpu.memory_space<hbm>>
      %dma_wait3A_220 = tpu.memref_slice %arg11[%dma_wait3A_213] : memref<2x!tpu.dma_semaphore, #tpu.memory_space<semaphore_mem>> -> memref<1x!tpu.dma_semaphore, #tpu.memory_space<semaphore_mem>>
      %dma_wait3A_221 = tpu.memref_squeeze %dma_wait3A_220 : memref<1x!tpu.dma_semaphore, #tpu.memory_space<semaphore_mem>> -> memref<!tpu.dma_semaphore, #tpu.memory_space<semaphore_mem>>
      tpu.wait_indirect_dma semaphore(%dma_wait3A_221 : memref<!tpu.dma_semaphore, #tpu.memory_space<semaphore_mem>>) src(%dma_wait3A_219 : memref<61440x128xf32, #tpu.memory_space<hbm>>) dst(%arg8 : memref<128x128xf32, #tpu.memory_space<vmem>>)
      %add3A_222 = arith.constant 0 : i32
      %add3A_223 = arith.addi %mul3A_211, %add3A_222 : i32
      %add3A_224 = arith.constant 1 : i32
      %add3A_225 = arith.addi %add3A_223, %add3A_224 : i32
      %dma_start3A_226 = arith.constant 1 : i32
      %dma_start3A_227 = arith.constant 0 : i32
      %dma_start3A_228 = tpu.memref_slice %arg6[%add3A_225, %dma_start3A_227] : memref<50x128xi32, #tpu.memory_space<vmem>> -> memref<1x128xi32, #tpu.memory_space<vmem>>
      %dma_start3A_229 = tpu.memref_squeeze %dma_start3A_228 : memref<1x128xi32, #tpu.memory_space<vmem>> -> memref<128xi32, #tpu.memory_space<vmem>>
      %dma_start3A_230 = arith.constant 0 : i32
      %dma_start3A_231 = arith.constant 0 : i32
      %dma_start3A_232 = tpu.memref_slice %arg2[%dma_start3A_230, %dma_start3A_231] : memref<61440x128xf32, #tpu.memory_space<hbm>> -> memref<61440x128xf32, #tpu.memory_space<hbm>>
      %dma_start3A_233 = tpu.memref_slice %arg11[%dma_start3A_226] : memref<2x!tpu.dma_semaphore, #tpu.memory_space<semaphore_mem>> -> memref<1x!tpu.dma_semaphore, #tpu.memory_space<semaphore_mem>>
      %dma_start3A_234 = tpu.memref_squeeze %dma_start3A_233 : memref<1x!tpu.dma_semaphore, #tpu.memory_space<semaphore_mem>> -> memref<!tpu.dma_semaphore, #tpu.memory_space<semaphore_mem>>
      tpu.enqueue_indirect_dma source(%dma_start3A_232 : memref<61440x128xf32, #tpu.memory_space<hbm>>) target(%arg9 : memref<128x128xf32, #tpu.memory_space<vmem>>) offsets(%dma_start3A_229 : memref<128xi32, #tpu.memory_space<vmem>>) semaphore(%dma_start3A_234 : memref<!tpu.dma_semaphore, #tpu.memory_space<semaphore_mem>>)
      %add3A_235 = arith.constant 0 : i32
      %add3A_236 = arith.addi %mul3A_211, %add3A_235 : i32
      "tpu.region"() ({
        %run_scoped3A_262 = tpu.sem_alloc : memref<!tpu.dma_semaphore, #tpu.memory_space<semaphore_mem>>
        %dma_start3A_263 = arith.constant 0 : i32
        %dma_start3A_264 = tpu.memref_slice %arg7[%add3A_236, %dma_start3A_263] : memref<50x128xi32, #tpu.memory_space<vmem>> -> memref<1x128xi32, #tpu.memory_space<vmem>>
        %dma_start3A_265 = tpu.memref_squeeze %dma_start3A_264 : memref<1x128xi32, #tpu.memory_space<vmem>> -> memref<128xi32, #tpu.memory_space<vmem>>
        %dma_start3A_266 = arith.constant 0 : i32
        %dma_start3A_267 = arith.constant 0 : i32
        %dma_start3A_268 = tpu.memref_slice %arg10[%dma_start3A_266, %dma_start3A_267] : memref<10240x128xf32, #tpu.memory_space<vmem_shared>> -> memref<10240x128xf32, #tpu.memory_space<vmem_shared>>
        tpu.enqueue_indirect_dma source(%arg8 : memref<128x128xf32, #tpu.memory_space<vmem>>) target(%dma_start3A_268 : memref<10240x128xf32, #tpu.memory_space<vmem_shared>>) offsets(%dma_start3A_265 : memref<128xi32, #tpu.memory_space<vmem>>) semaphore(%run_scoped3A_262 : memref<!tpu.dma_semaphore, #tpu.memory_space<semaphore_mem>>) {add = true}
        %dma_wait3A_269 = arith.constant 0 : i32
        %dma_wait3A_270 = tpu.memref_slice %arg7[%add3A_236, %dma_wait3A_269] : memref<50x128xi32, #tpu.memory_space<vmem>> -> memref<1x128xi32, #tpu.memory_space<vmem>>
        %dma_wait3A_271 = tpu.memref_squeeze %dma_wait3A_270 : memref<1x128xi32, #tpu.memory_space<vmem>> -> memref<128xi32, #tpu.memory_space<vmem>>
        %dma_wait3A_272 = arith.constant 0 : i32
        %dma_wait3A_273 = arith.constant 0 : i32
        %dma_wait3A_274 = tpu.memref_slice %arg10[%dma_wait3A_272, %dma_wait3A_273] : memref<10240x128xf32, #tpu.memory_space<vmem_shared>> -> memref<10240x128xf32, #tpu.memory_space<vmem_shared>>
        tpu.wait_indirect_dma semaphore(%run_scoped3A_262 : memref<!tpu.dma_semaphore, #tpu.memory_space<semaphore_mem>>) src(%arg8 : memref<128x128xf32, #tpu.memory_space<vmem>>) dst(%dma_wait3A_274 : memref<10240x128xf32, #tpu.memory_space<vmem_shared>>)
        tpu.yield
      }) : () -> ()
      %dma_wait3A_237 = arith.constant 0 : i32
      %dma_wait3A_238 = arith.constant 1 : i32
      %dma_wait3A_239 = arith.constant 0 : i32
      %dma_wait3A_240 = tpu.memref_slice %arg6[%dma_wait3A_237, %dma_wait3A_239] : memref<50x128xi32, #tpu.memory_space<vmem>> -> memref<1x128xi32, #tpu.memory_space<vmem>>
      %dma_wait3A_241 = tpu.memref_squeeze %dma_wait3A_240 : memref<1x128xi32, #tpu.memory_space<vmem>> -> memref<128xi32, #tpu.memory_space<vmem>>
      %dma_wait3A_242 = arith.constant 0 : i32
      %dma_wait3A_243 = arith.constant 0 : i32
      %dma_wait3A_244 = tpu.memref_slice %arg2[%dma_wait3A_242, %dma_wait3A_243] : memref<61440x128xf32, #tpu.memory_space<hbm>> -> memref<61440x128xf32, #tpu.memory_space<hbm>>
      %dma_wait3A_245 = tpu.memref_slice %arg11[%dma_wait3A_238] : memref<2x!tpu.dma_semaphore, #tpu.memory_space<semaphore_mem>> -> memref<1x!tpu.dma_semaphore, #tpu.memory_space<semaphore_mem>>
      %dma_wait3A_246 = tpu.memref_squeeze %dma_wait3A_245 : memref<1x!tpu.dma_semaphore, #tpu.memory_space<semaphore_mem>> -> memref<!tpu.dma_semaphore, #tpu.memory_space<semaphore_mem>>
      tpu.wait_indirect_dma semaphore(%dma_wait3A_246 : memref<!tpu.dma_semaphore, #tpu.memory_space<semaphore_mem>>) src(%dma_wait3A_244 : memref<61440x128xf32, #tpu.memory_space<hbm>>) dst(%arg9 : memref<128x128xf32, #tpu.memory_space<vmem>>)
      %add3A_247 = arith.constant 1 : i32
      %add3A_248 = arith.addi %mul3A_211, %add3A_247 : i32
      %add3A_249 = arith.constant 1 : i32
      %add3A_250 = arith.addi %add3A_248, %add3A_249 : i32
      %dma_start3A_251 = arith.constant 0 : i32
      %dma_start3A_252 = arith.constant 0 : i32
      %dma_start3A_253 = tpu.memref_slice %arg6[%add3A_250, %dma_start3A_252] : memref<50x128xi32, #tpu.memory_space<vmem>> -> memref<1x128xi32, #tpu.memory_space<vmem>>
      %dma_start3A_254 = tpu.memref_squeeze %dma_start3A_253 : memref<1x128xi32, #tpu.memory_space<vmem>> -> memref<128xi32, #tpu.memory_space<vmem>>
      %dma_start3A_255 = arith.constant 0 : i32
      %dma_start3A_256 = arith.constant 0 : i32
      %dma_start3A_257 = tpu.memref_slice %arg2[%dma_start3A_255, %dma_start3A_256] : memref<61440x128xf32, #tpu.memory_space<hbm>> -> memref<61440x128xf32, #tpu.memory_space<hbm>>
      %dma_start3A_258 = tpu.memref_slice %arg11[%dma_start3A_251] : memref<2x!tpu.dma_semaphore, #tpu.memory_space<semaphore_mem>> -> memref<1x!tpu.dma_semaphore, #tpu.memory_space<semaphore_mem>>
      %dma_start3A_259 = tpu.memref_squeeze %dma_start3A_258 : memref<1x!tpu.dma_semaphore, #tpu.memory_space<semaphore_mem>> -> memref<!tpu.dma_semaphore, #tpu.memory_space<semaphore_mem>>
      tpu.enqueue_indirect_dma source(%dma_start3A_257 : memref<61440x128xf32, #tpu.memory_space<hbm>>) target(%arg8 : memref<128x128xf32, #tpu.memory_space<vmem>>) offsets(%dma_start3A_254 : memref<128xi32, #tpu.memory_space<vmem>>) semaphore(%dma_start3A_259 : memref<!tpu.dma_semaphore, #tpu.memory_space<semaphore_mem>>)
      %add3A_260 = arith.constant 1 : i32
      %add3A_261 = arith.addi %mul3A_211, %add3A_260 : i32
      "tpu.region"() ({
        %run_scoped3A_262 = tpu.sem_alloc : memref<!tpu.dma_semaphore, #tpu.memory_space<semaphore_mem>>
        %dma_start3A_263 = arith.constant 0 : i32
        %dma_start3A_264 = tpu.memref_slice %arg7[%add3A_261, %dma_start3A_263] : memref<50x128xi32, #tpu.memory_space<vmem>> -> memref<1x128xi32, #tpu.memory_space<vmem>>
        %dma_start3A_265 = tpu.memref_squeeze %dma_start3A_264 : memref<1x128xi32, #tpu.memory_space<vmem>> -> memref<128xi32, #tpu.memory_space<vmem>>
        %dma_start3A_266 = arith.constant 0 : i32
        %dma_start3A_267 = arith.constant 0 : i32
        %dma_start3A_268 = tpu.memref_slice %arg10[%dma_start3A_266, %dma_start3A_267] : memref<10240x128xf32, #tpu.memory_space<vmem_shared>> -> memref<10240x128xf32, #tpu.memory_space<vmem_shared>>
        tpu.enqueue_indirect_dma source(%arg9 : memref<128x128xf32, #tpu.memory_space<vmem>>) target(%dma_start3A_268 : memref<10240x128xf32, #tpu.memory_space<vmem_shared>>) offsets(%dma_start3A_265 : memref<128xi32, #tpu.memory_space<vmem>>) semaphore(%run_scoped3A_262 : memref<!tpu.dma_semaphore, #tpu.memory_space<semaphore_mem>>) {add = true}
        %dma_wait3A_269 = arith.constant 0 : i32
        %dma_wait3A_270 = tpu.memref_slice %arg7[%add3A_261, %dma_wait3A_269] : memref<50x128xi32, #tpu.memory_space<vmem>> -> memref<1x128xi32, #tpu.memory_space<vmem>>
        %dma_wait3A_271 = tpu.memref_squeeze %dma_wait3A_270 : memref<1x128xi32, #tpu.memory_space<vmem>> -> memref<128xi32, #tpu.memory_space<vmem>>
        %dma_wait3A_272 = arith.constant 0 : i32
        %dma_wait3A_273 = arith.constant 0 : i32
        %dma_wait3A_274 = tpu.memref_slice %arg10[%dma_wait3A_272, %dma_wait3A_273] : memref<10240x128xf32, #tpu.memory_space<vmem_shared>> -> memref<10240x128xf32, #tpu.memory_space<vmem_shared>>
        tpu.wait_indirect_dma semaphore(%run_scoped3A_262 : memref<!tpu.dma_semaphore, #tpu.memory_space<semaphore_mem>>) src(%arg9 : memref<128x128xf32, #tpu.memory_space<vmem>>) dst(%dma_wait3A_274 : memref<10240x128xf32, #tpu.memory_space<vmem_shared>>)
        tpu.yield
      }) : () -> ()
    }
    %scan3A_27 = arith.constant 24 : i32
    %dma_wait3A = arith.constant 0 : i32
    %dma_wait3A_28 = arith.constant 0 : i32
    %dma_wait3A_29 = arith.constant 0 : i32
    %dma_wait3A_30 = tpu.memref_slice %arg6[%dma_wait3A, %dma_wait3A_29] : memref<50x128xi32, #tpu.memory_space<vmem>> -> memref<1x128xi32, #tpu.memory_space<vmem>>
    %dma_wait3A_31 = tpu.memref_squeeze %dma_wait3A_30 : memref<1x128xi32, #tpu.memory_space<vmem>> -> memref<128xi32, #tpu.memory_space<vmem>>
    %dma_wait3A_32 = arith.constant 0 : i32
    %dma_wait3A_33 = arith.constant 0 : i32
    %dma_wait3A_34 = tpu.memref_slice %arg2[%dma_wait3A_32, %dma_wait3A_33] : memref<61440x128xf32, #tpu.memory_space<hbm>> -> memref<61440x128xf32, #tpu.memory_space<hbm>>
    %dma_wait3A_35 = tpu.memref_slice %arg11[%dma_wait3A_28] : memref<2x!tpu.dma_semaphore, #tpu.memory_space<semaphore_mem>> -> memref<1x!tpu.dma_semaphore, #tpu.memory_space<semaphore_mem>>
    %dma_wait3A_36 = tpu.memref_squeeze %dma_wait3A_35 : memref<1x!tpu.dma_semaphore, #tpu.memory_space<semaphore_mem>> -> memref<!tpu.dma_semaphore, #tpu.memory_space<semaphore_mem>>
    tpu.wait_indirect_dma semaphore(%dma_wait3A_36 : memref<!tpu.dma_semaphore, #tpu.memory_space<semaphore_mem>>) src(%dma_wait3A_34 : memref<61440x128xf32, #tpu.memory_space<hbm>>) dst(%arg8 : memref<128x128xf32, #tpu.memory_space<vmem>>)
    %dma_start3A_37 = arith.constant 49 : i32
    %dma_start3A_38 = arith.constant 1 : i32
    %dma_start3A_39 = arith.constant 0 : i32
    %dma_start3A_40 = tpu.memref_slice %arg6[%dma_start3A_37, %dma_start3A_39] : memref<50x128xi32, #tpu.memory_space<vmem>> -> memref<1x128xi32, #tpu.memory_space<vmem>>
    %dma_start3A_41 = tpu.memref_squeeze %dma_start3A_40 : memref<1x128xi32, #tpu.memory_space<vmem>> -> memref<128xi32, #tpu.memory_space<vmem>>
    %dma_start3A_42 = arith.constant 0 : i32
    %dma_start3A_43 = arith.constant 0 : i32
    %dma_start3A_44 = tpu.memref_slice %arg2[%dma_start3A_42, %dma_start3A_43] : memref<61440x128xf32, #tpu.memory_space<hbm>> -> memref<61440x128xf32, #tpu.memory_space<hbm>>
    %dma_start3A_45 = tpu.memref_slice %arg11[%dma_start3A_38] : memref<2x!tpu.dma_semaphore, #tpu.memory_space<semaphore_mem>> -> memref<1x!tpu.dma_semaphore, #tpu.memory_space<semaphore_mem>>
    %dma_start3A_46 = tpu.memref_squeeze %dma_start3A_45 : memref<1x!tpu.dma_semaphore, #tpu.memory_space<semaphore_mem>> -> memref<!tpu.dma_semaphore, #tpu.memory_space<semaphore_mem>>
    tpu.enqueue_indirect_dma source(%dma_start3A_44 : memref<61440x128xf32, #tpu.memory_space<hbm>>) target(%arg9 : memref<128x128xf32, #tpu.memory_space<vmem>>) offsets(%dma_start3A_41 : memref<128xi32, #tpu.memory_space<vmem>>) semaphore(%dma_start3A_46 : memref<!tpu.dma_semaphore, #tpu.memory_space<semaphore_mem>>)
    %run_scoped3A = arith.constant 48 : i32
    "tpu.region"() ({
      %run_scoped3A_209 = tpu.sem_alloc : memref<!tpu.dma_semaphore, #tpu.memory_space<semaphore_mem>>
      %dma_start3A_210 = arith.constant 0 : i32
      %dma_start3A_211 = tpu.memref_slice %arg7[%run_scoped3A, %dma_start3A_210] : memref<50x128xi32, #tpu.memory_space<vmem>> -> memref<1x128xi32, #tpu.memory_space<vmem>>
      %dma_start3A_212 = tpu.memref_squeeze %dma_start3A_211 : memref<1x128xi32, #tpu.memory_space<vmem>> -> memref<128xi32, #tpu.memory_space<vmem>>
      %dma_start3A_213 = arith.constant 0 : i32
      %dma_start3A_214 = arith.constant 0 : i32
      %dma_start3A_215 = tpu.memref_slice %arg10[%dma_start3A_213, %dma_start3A_214] : memref<10240x128xf32, #tpu.memory_space<vmem_shared>> -> memref<10240x128xf32, #tpu.memory_space<vmem_shared>>
      tpu.enqueue_indirect_dma source(%arg8 : memref<128x128xf32, #tpu.memory_space<vmem>>) target(%dma_start3A_215 : memref<10240x128xf32, #tpu.memory_space<vmem_shared>>) offsets(%dma_start3A_212 : memref<128xi32, #tpu.memory_space<vmem>>) semaphore(%run_scoped3A_209 : memref<!tpu.dma_semaphore, #tpu.memory_space<semaphore_mem>>) {add = true}
      %dma_wait3A_216 = arith.constant 0 : i32
      %dma_wait3A_217 = tpu.memref_slice %arg7[%run_scoped3A, %dma_wait3A_216] : memref<50x128xi32, #tpu.memory_space<vmem>> -> memref<1x128xi32, #tpu.memory_space<vmem>>
      %dma_wait3A_218 = tpu.memref_squeeze %dma_wait3A_217 : memref<1x128xi32, #tpu.memory_space<vmem>> -> memref<128xi32, #tpu.memory_space<vmem>>
      %dma_wait3A_219 = arith.constant 0 : i32
      %dma_wait3A_220 = arith.constant 0 : i32
      %dma_wait3A_221 = tpu.memref_slice %arg10[%dma_wait3A_219, %dma_wait3A_220] : memref<10240x128xf32, #tpu.memory_space<vmem_shared>> -> memref<10240x128xf32, #tpu.memory_space<vmem_shared>>
      tpu.wait_indirect_dma semaphore(%run_scoped3A_209 : memref<!tpu.dma_semaphore, #tpu.memory_space<semaphore_mem>>) src(%arg8 : memref<128x128xf32, #tpu.memory_space<vmem>>) dst(%dma_wait3A_221 : memref<10240x128xf32, #tpu.memory_space<vmem_shared>>)
      tpu.yield
    }) : () -> ()
    %dma_wait3A_47 = arith.constant 0 : i32
    %dma_wait3A_48 = arith.constant 1 : i32
    %dma_wait3A_49 = arith.constant 0 : i32
    %dma_wait3A_50 = tpu.memref_slice %arg6[%dma_wait3A_47, %dma_wait3A_49] : memref<50x128xi32, #tpu.memory_space<vmem>> -> memref<1x128xi32, #tpu.memory_space<vmem>>
    %dma_wait3A_51 = tpu.memref_squeeze %dma_wait3A_50 : memref<1x128xi32, #tpu.memory_space<vmem>> -> memref<128xi32, #tpu.memory_space<vmem>>
    %dma_wait3A_52 = arith.constant 0 : i32
    %dma_wait3A_53 = arith.constant 0 : i32
    %dma_wait3A_54 = tpu.memref_slice %arg2[%dma_wait3A_52, %dma_wait3A_53] : memref<61440x128xf32, #tpu.memory_space<hbm>> -> memref<61440x128xf32, #tpu.memory_space<hbm>>
    %dma_wait3A_55 = tpu.memref_slice %arg11[%dma_wait3A_48] : memref<2x!tpu.dma_semaphore, #tpu.memory_space<semaphore_mem>> -> memref<1x!tpu.dma_semaphore, #tpu.memory_space<semaphore_mem>>
    %dma_wait3A_56 = tpu.memref_squeeze %dma_wait3A_55 : memref<1x!tpu.dma_semaphore, #tpu.memory_space<semaphore_mem>> -> memref<!tpu.dma_semaphore, #tpu.memory_space<semaphore_mem>>
    tpu.wait_indirect_dma semaphore(%dma_wait3A_56 : memref<!tpu.dma_semaphore, #tpu.memory_space<semaphore_mem>>) src(%dma_wait3A_54 : memref<61440x128xf32, #tpu.memory_space<hbm>>) dst(%arg9 : memref<128x128xf32, #tpu.memory_space<vmem>>)
    %run_scoped3A_57 = arith.constant 49 : i32
    "tpu.region"() ({
      %run_scoped3A_209 = tpu.sem_alloc : memref<!tpu.dma_semaphore, #tpu.memory_space<semaphore_mem>>
      %dma_start3A_210 = arith.constant 0 : i32
      %dma_start3A_211 = tpu.memref_slice %arg7[%run_scoped3A_57, %dma_start3A_210] : memref<50x128xi32, #tpu.memory_space<vmem>> -> memref<1x128xi32, #tpu.memory_space<vmem>>
      %dma_start3A_212 = tpu.memref_squeeze %dma_start3A_211 : memref<1x128xi32, #tpu.memory_space<vmem>> -> memref<128xi32, #tpu.memory_space<vmem>>
      %dma_start3A_213 = arith.constant 0 : i32
      %dma_start3A_214 = arith.constant 0 : i32
      %dma_start3A_215 = tpu.memref_slice %arg10[%dma_start3A_213, %dma_start3A_214] : memref<10240x128xf32, #tpu.memory_space<vmem_shared>> -> memref<10240x128xf32, #tpu.memory_space<vmem_shared>>
      tpu.enqueue_indirect_dma source(%arg9 : memref<128x128xf32, #tpu.memory_space<vmem>>) target(%dma_start3A_215 : memref<10240x128xf32, #tpu.memory_space<vmem_shared>>) offsets(%dma_start3A_212 : memref<128xi32, #tpu.memory_space<vmem>>) semaphore(%run_scoped3A_209 : memref<!tpu.dma_semaphore, #tpu.memory_space<semaphore_mem>>) {add = true}
      %dma_wait3A_216 = arith.constant 0 : i32
      %dma_wait3A_217 = tpu.memref_slice %arg7[%run_scoped3A_57, %dma_wait3A_216] : memref<50x128xi32, #tpu.memory_space<vmem>> -> memref<1x128xi32, #tpu.memory_space<vmem>>
      %dma_wait3A_218 = tpu.memref_squeeze %dma_wait3A_217 : memref<1x128xi32, #tpu.memory_space<vmem>> -> memref<128xi32, #tpu.memory_space<vmem>>
      %dma_wait3A_219 = arith.constant 0 : i32
      %dma_wait3A_220 = arith.constant 0 : i32
      %dma_wait3A_221 = tpu.memref_slice %arg10[%dma_wait3A_219, %dma_wait3A_220] : memref<10240x128xf32, #tpu.memory_space<vmem_shared>> -> memref<10240x128xf32, #tpu.memory_space<vmem_shared>>
      tpu.wait_indirect_dma semaphore(%run_scoped3A_209 : memref<!tpu.dma_semaphore, #tpu.memory_space<semaphore_mem>>) src(%arg9 : memref<128x128xf32, #tpu.memory_space<vmem>>) dst(%dma_wait3A_221 : memref<10240x128xf32, #tpu.memory_space<vmem_shared>>)
      tpu.yield
    }) : () -> ()
    %barrier3A_58 = arith.constant 0 : index
    tpu.barrier barrier_id(%barrier3A_58)
    %mul3A_59 = arith.constant 640 : i32
    %mul3A_60 = arith.muli %arg1, %mul3A_59 : i32
    %mul3A_61 = arith.constant 10240 : i32
    %mul3A_62 = arith.muli %add3A_1, %mul3A_61 : i32
    %add3A_63 = arith.addi %mul3A_62, %mul3A_60 : i32
    "tpu.region"() ({
      %run_scoped3A_209 = tpu.sem_alloc : memref<!tpu.dma_semaphore, #tpu.memory_space<semaphore_mem>>
      %dma_start3A_210 = arith.constant 0 : i32
      %dma_start3A_211 = tpu.memref_slice %arg5[%add3A_63, %dma_start3A_210] : memref<61440x128xf32, #tpu.memory_space<hbm>> -> memref<640x128xf32, #tpu.memory_space<hbm>>
      %dma_start3A_212 = arith.constant 0 : i32
      %dma_start3A_213 = tpu.memref_slice %arg10[%mul3A_60, %dma_start3A_212] : memref<10240x128xf32, #tpu.memory_space<vmem_shared>> -> memref<640x128xf32, #tpu.memory_space<vmem_shared>>
      tpu.enqueue_dma source(%dma_start3A_213 : memref<640x128xf32, #tpu.memory_space<vmem_shared>>) target(%dma_start3A_211 : memref<640x128xf32, #tpu.memory_space<hbm>>) target_semaphore(%run_scoped3A_209 : memref<!tpu.dma_semaphore, #tpu.memory_space<semaphore_mem>>)
      %dma_wait3A_214 = arith.constant 0 : i32
      %dma_wait3A_215 = tpu.memref_slice %arg5[%add3A_63, %dma_wait3A_214] : memref<61440x128xf32, #tpu.memory_space<hbm>> -> memref<640x128xf32, #tpu.memory_space<hbm>>
      %dma_wait3A_216 = arith.constant 0 : i32
      %dma_wait3A_217 = tpu.memref_slice %arg10[%mul3A_60, %dma_wait3A_216] : memref<10240x128xf32, #tpu.memory_space<vmem_shared>> -> memref<640x128xf32, #tpu.memory_space<vmem_shared>>
      tpu.wait_dma2 semaphore(%run_scoped3A_209 : memref<!tpu.dma_semaphore, #tpu.memory_space<semaphore_mem>>) src(%dma_wait3A_217 : memref<640x128xf32, #tpu.memory_space<vmem_shared>>) dst(%dma_wait3A_215 : memref<640x128xf32, #tpu.memory_space<hbm>>)
      tpu.yield
    }) : () -> ()
    %barrier3A_64 = arith.constant 0 : index
    tpu.barrier barrier_id(%barrier3A_64)
    %mul3A_65 = arith.constant 3 : i32
    %mul3A_66 = arith.muli %arg0, %mul3A_65 : i32
    %add3A_67 = arith.constant 1 : i32
    %add3A_68 = arith.addi %mul3A_66, %add3A_67 : i32
    %scan3A_69 = arith.constant 0 : i32
    %scan3A_70 = arith.constant 0 : i32
    %scan3A_71 = arith.constant 128 : i32
    %scan3A_72 = arith.addi %scan3A_70, %scan3A_71 : i32
    %scan3A_73 = arith.constant 1 : i32
    scf.for %scan3A_209 = %scan3A_70 to %scan3A_72 step %scan3A_73  : i32 {
      %broadcast_in_dim3A = arith.constant 0.000000e+00 : f32
      %broadcast_in_dim3A_210 = vector.broadcast %broadcast_in_dim3A : f32 to vector<16xf32>
      %swap3A = arith.index_cast %scan3A_209 : i32 to index
      %swap3A_211 = arith.constant 0 : index
      %swap3A_212 = tpu.vector_load %arg8[%swap3A, %swap3A_211] {strides = array<i32>} : memref<128x128xf32, #tpu.memory_space<vmem>>, vector<1x16xf32>,
      %swap3A_213 = vector.shape_cast %swap3A_212 : vector<1x16xf32> to vector<16xf32>
      %swap3A_214 = vector.shape_cast %broadcast_in_dim3A_210 : vector<16xf32> to vector<1x16xf32>
      tpu.vector_store %arg8[%swap3A, %swap3A_211], %swap3A_214 {strides = array<i32>} : memref<128x128xf32, #tpu.memory_space<vmem>>, vector<1x16xf32>,
      %swap3A_215 = arith.index_cast %scan3A_209 : i32 to index
      %swap3A_216 = arith.constant 16 : index
      %swap3A_217 = tpu.vector_load %arg8[%swap3A_215, %swap3A_216] {strides = array<i32>} : memref<128x128xf32, #tpu.memory_space<vmem>>, vector<1x16xf32>,
      %swap3A_218 = vector.shape_cast %swap3A_217 : vector<1x16xf32> to vector<16xf32>
      %swap3A_219 = vector.shape_cast %broadcast_in_dim3A_210 : vector<16xf32> to vector<1x16xf32>
      tpu.vector_store %arg8[%swap3A_215, %swap3A_216], %swap3A_219 {strides = array<i32>} : memref<128x128xf32, #tpu.memory_space<vmem>>, vector<1x16xf32>,
      %swap3A_220 = arith.index_cast %scan3A_209 : i32 to index
      %swap3A_221 = arith.constant 32 : index
      %swap3A_222 = tpu.vector_load %arg8[%swap3A_220, %swap3A_221] {strides = array<i32>} : memref<128x128xf32, #tpu.memory_space<vmem>>, vector<1x16xf32>,
      %swap3A_223 = vector.shape_cast %swap3A_222 : vector<1x16xf32> to vector<16xf32>
      %swap3A_224 = vector.shape_cast %broadcast_in_dim3A_210 : vector<16xf32> to vector<1x16xf32>
      tpu.vector_store %arg8[%swap3A_220, %swap3A_221], %swap3A_224 {strides = array<i32>} : memref<128x128xf32, #tpu.memory_space<vmem>>, vector<1x16xf32>,
      %swap3A_225 = arith.index_cast %scan3A_209 : i32 to index
      %swap3A_226 = arith.constant 48 : index
      %swap3A_227 = tpu.vector_load %arg8[%swap3A_225, %swap3A_226] {strides = array<i32>} : memref<128x128xf32, #tpu.memory_space<vmem>>, vector<1x16xf32>,
      %swap3A_228 = vector.shape_cast %swap3A_227 : vector<1x16xf32> to vector<16xf32>
      %swap3A_229 = vector.shape_cast %broadcast_in_dim3A_210 : vector<16xf32> to vector<1x16xf32>
      tpu.vector_store %arg8[%swap3A_225, %swap3A_226], %swap3A_229 {strides = array<i32>} : memref<128x128xf32, #tpu.memory_space<vmem>>, vector<1x16xf32>,
      %swap3A_230 = arith.index_cast %scan3A_209 : i32 to index
      %swap3A_231 = arith.constant 64 : index
      %swap3A_232 = tpu.vector_load %arg8[%swap3A_230, %swap3A_231] {strides = array<i32>} : memref<128x128xf32, #tpu.memory_space<vmem>>, vector<1x16xf32>,
      %swap3A_233 = vector.shape_cast %swap3A_232 : vector<1x16xf32> to vector<16xf32>
      %swap3A_234 = vector.shape_cast %broadcast_in_dim3A_210 : vector<16xf32> to vector<1x16xf32>
      tpu.vector_store %arg8[%swap3A_230, %swap3A_231], %swap3A_234 {strides = array<i32>} : memref<128x128xf32, #tpu.memory_space<vmem>>, vector<1x16xf32>,
      %swap3A_235 = arith.index_cast %scan3A_209 : i32 to index
      %swap3A_236 = arith.constant 80 : index
      %swap3A_237 = tpu.vector_load %arg8[%swap3A_235, %swap3A_236] {strides = array<i32>} : memref<128x128xf32, #tpu.memory_space<vmem>>, vector<1x16xf32>,
      %swap3A_238 = vector.shape_cast %swap3A_237 : vector<1x16xf32> to vector<16xf32>
      %swap3A_239 = vector.shape_cast %broadcast_in_dim3A_210 : vector<16xf32> to vector<1x16xf32>
      tpu.vector_store %arg8[%swap3A_235, %swap3A_236], %swap3A_239 {strides = array<i32>} : memref<128x128xf32, #tpu.memory_space<vmem>>, vector<1x16xf32>,
      %swap3A_240 = arith.index_cast %scan3A_209 : i32 to index
      %swap3A_241 = arith.constant 96 : index
      %swap3A_242 = tpu.vector_load %arg8[%swap3A_240, %swap3A_241] {strides = array<i32>} : memref<128x128xf32, #tpu.memory_space<vmem>>, vector<1x16xf32>,
      %swap3A_243 = vector.shape_cast %swap3A_242 : vector<1x16xf32> to vector<16xf32>
      %swap3A_244 = vector.shape_cast %broadcast_in_dim3A_210 : vector<16xf32> to vector<1x16xf32>
      tpu.vector_store %arg8[%swap3A_240, %swap3A_241], %swap3A_244 {strides = array<i32>} : memref<128x128xf32, #tpu.memory_space<vmem>>, vector<1x16xf32>,
      %swap3A_245 = arith.index_cast %scan3A_209 : i32 to index
      %swap3A_246 = arith.constant 112 : index
      %swap3A_247 = tpu.vector_load %arg8[%swap3A_245, %swap3A_246] {strides = array<i32>} : memref<128x128xf32, #tpu.memory_space<vmem>>, vector<1x16xf32>,
      %swap3A_248 = vector.shape_cast %swap3A_247 : vector<1x16xf32> to vector<16xf32>
      %swap3A_249 = vector.shape_cast %broadcast_in_dim3A_210 : vector<16xf32> to vector<1x16xf32>
      tpu.vector_store %arg8[%swap3A_245, %swap3A_246], %swap3A_249 {strides = array<i32>} : memref<128x128xf32, #tpu.memory_space<vmem>>, vector<1x16xf32>,
    }
    %scan3A_74 = arith.constant 128 : i32
    %scan3A_75 = arith.constant 0 : i32
    %scan3A_76 = arith.constant 0 : i32
    %scan3A_77 = arith.constant 5 : i32
    %scan3A_78 = arith.addi %scan3A_76, %scan3A_77 : i32
    %scan3A_79 = arith.constant 1 : i32
    scf.for %scan3A_209 = %scan3A_76 to %scan3A_78 step %scan3A_79  : i32 {
      %mul3A_210 = arith.constant 640 : i32
      %mul3A_211 = arith.muli %arg1, %mul3A_210 : i32
      %mul3A_212 = arith.constant 128 : i32
      %mul3A_213 = arith.muli %scan3A_209, %mul3A_212 : i32
      %add3A_214 = arith.addi %mul3A_211, %mul3A_213 : i32
      "tpu.region"() ({
        %run_scoped3A_215 = tpu.sem_alloc : memref<!tpu.dma_semaphore, #tpu.memory_space<semaphore_mem>>
        %dma_start3A_216 = arith.constant 0 : i32
        %dma_start3A_217 = tpu.memref_slice %arg10[%add3A_214, %dma_start3A_216] : memref<10240x128xf32, #tpu.memory_space<vmem_shared>> -> memref<128x128xf32, #tpu.memory_space<vmem_shared>>
        %dma_start3A_218 = arith.constant 0 : i32
        %dma_start3A_219 = tpu.memref_slice %arg10[%add3A_214, %dma_start3A_218] : memref<10240x128xf32, #tpu.memory_space<vmem_shared>> -> memref<128x128xf32, #tpu.memory_space<vmem_shared>>
        tpu.enqueue_dma source(%arg8 : memref<128x128xf32, #tpu.memory_space<vmem>>) target(%dma_start3A_219 : memref<128x128xf32, #tpu.memory_space<vmem_shared>>) target_semaphore(%run_scoped3A_215 : memref<!tpu.dma_semaphore, #tpu.memory_space<semaphore_mem>>)
        %dma_wait3A_220 = arith.constant 0 : i32
        %dma_wait3A_221 = tpu.memref_slice %arg10[%add3A_214, %dma_wait3A_220] : memref<10240x128xf32, #tpu.memory_space<vmem_shared>> -> memref<128x128xf32, #tpu.memory_space<vmem_shared>>
        %dma_wait3A_222 = arith.constant 0 : i32
        %dma_wait3A_223 = tpu.memref_slice %arg10[%add3A_214, %dma_wait3A_222] : memref<10240x128xf32, #tpu.memory_space<vmem_shared>> -> memref<128x128xf32, #tpu.memory_space<vmem_shared>>
        tpu.wait_dma2 semaphore(%run_scoped3A_215 : memref<!tpu.dma_semaphore, #tpu.memory_space<semaphore_mem>>) src(%arg8 : memref<128x128xf32, #tpu.memory_space<vmem>>) dst(%dma_wait3A_223 : memref<128x128xf32, #tpu.memory_space<vmem_shared>>)
        tpu.yield
      }) : () -> ()
    }
    %scan3A_80 = arith.constant 5 : i32
    "tpu.region"() ({
      %run_scoped3A_209 = tpu.sem_alloc : memref<!tpu.dma_semaphore, #tpu.memory_space<semaphore_mem>>
      %dma_start3A_210 = arith.constant 0 : i32
      %dma_start3A_211 = arith.constant 0 : i32
      %dma_start3A_212 = tpu.memref_slice %arg3[%add3A_68, %arg1, %dma_start3A_210, %dma_start3A_211] : memref<6x16x50x128xi32, #tpu.memory_space<hbm>> -> memref<1x1x50x128xi32, #tpu.memory_space<hbm>>
      %dma_start3A_213 = tpu.memref_squeeze %dma_start3A_212 : memref<1x1x50x128xi32, #tpu.memory_space<hbm>> -> memref<50x128xi32, #tpu.memory_space<hbm>>
      %dma_start3A_214 = arith.constant 0 : i32
      %dma_start3A_215 = arith.constant 0 : i32
      %dma_start3A_216 = tpu.memref_slice %arg3[%add3A_68, %arg1, %dma_start3A_214, %dma_start3A_215] : memref<6x16x50x128xi32, #tpu.memory_space<hbm>> -> memref<1x1x50x128xi32, #tpu.memory_space<hbm>>
      %dma_start3A_217 = tpu.memref_squeeze %dma_start3A_216 : memref<1x1x50x128xi32, #tpu.memory_space<hbm>> -> memref<50x128xi32, #tpu.memory_space<hbm>>
      tpu.enqueue_dma source(%dma_start3A_217 : memref<50x128xi32, #tpu.memory_space<hbm>>) target(%arg6 : memref<50x128xi32, #tpu.memory_space<vmem>>) target_semaphore(%run_scoped3A_209 : memref<!tpu.dma_semaphore, #tpu.memory_space<semaphore_mem>>)
      %dma_wait3A_218 = arith.constant 0 : i32
      %dma_wait3A_219 = arith.constant 0 : i32
      %dma_wait3A_220 = tpu.memref_slice %arg3[%add3A_68, %arg1, %dma_wait3A_218, %dma_wait3A_219] : memref<6x16x50x128xi32, #tpu.memory_space<hbm>> -> memref<1x1x50x128xi32, #tpu.memory_space<hbm>>
      %dma_wait3A_221 = tpu.memref_squeeze %dma_wait3A_220 : memref<1x1x50x128xi32, #tpu.memory_space<hbm>> -> memref<50x128xi32, #tpu.memory_space<hbm>>
      %dma_wait3A_222 = arith.constant 0 : i32
      %dma_wait3A_223 = arith.constant 0 : i32
      %dma_wait3A_224 = tpu.memref_slice %arg3[%add3A_68, %arg1, %dma_wait3A_222, %dma_wait3A_223] : memref<6x16x50x128xi32, #tpu.memory_space<hbm>> -> memref<1x1x50x128xi32, #tpu.memory_space<hbm>>
      %dma_wait3A_225 = tpu.memref_squeeze %dma_wait3A_224 : memref<1x1x50x128xi32, #tpu.memory_space<hbm>> -> memref<50x128xi32, #tpu.memory_space<hbm>>
      tpu.wait_dma2 semaphore(%run_scoped3A_209 : memref<!tpu.dma_semaphore, #tpu.memory_space<semaphore_mem>>) src(%dma_wait3A_225 : memref<50x128xi32, #tpu.memory_space<hbm>>) dst(%arg6 : memref<50x128xi32, #tpu.memory_space<vmem>>)
      tpu.yield
    }) : () -> ()
    %barrier3A_81 = arith.constant 0 : index
    tpu.barrier barrier_id(%barrier3A_81)
    %dma_start3A_82 = arith.constant 0 : i32
    %dma_start3A_83 = arith.constant 0 : i32
    %dma_start3A_84 = arith.constant 0 : i32
    %dma_start3A_85 = tpu.memref_slice %arg6[%dma_start3A_82, %dma_start3A_84] : memref<50x128xi32, #tpu.memory_space<vmem>> -> memref<1x128xi32, #tpu.memory_space<vmem>>
    %dma_start3A_86 = tpu.memref_squeeze %dma_start3A_85 : memref<1x128xi32, #tpu.memory_space<vmem>> -> memref<128xi32, #tpu.memory_space<vmem>>
    %dma_start3A_87 = arith.constant 0 : i32
    %dma_start3A_88 = arith.constant 0 : i32
    %dma_start3A_89 = tpu.memref_slice %arg2[%dma_start3A_87, %dma_start3A_88] : memref<61440x128xf32, #tpu.memory_space<hbm>> -> memref<61440x128xf32, #tpu.memory_space<hbm>>
    %dma_start3A_90 = tpu.memref_slice %arg11[%dma_start3A_83] : memref<2x!tpu.dma_semaphore, #tpu.memory_space<semaphore_mem>> -> memref<1x!tpu.dma_semaphore, #tpu.memory_space<semaphore_mem>>
    %dma_start3A_91 = tpu.memref_squeeze %dma_start3A_90 : memref<1x!tpu.dma_semaphore, #tpu.memory_space<semaphore_mem>> -> memref<!tpu.dma_semaphore, #tpu.memory_space<semaphore_mem>>
    tpu.enqueue_indirect_dma source(%dma_start3A_89 : memref<61440x128xf32, #tpu.memory_space<hbm>>) target(%arg8 : memref<128x128xf32, #tpu.memory_space<vmem>>) offsets(%dma_start3A_86 : memref<128xi32, #tpu.memory_space<vmem>>) semaphore(%dma_start3A_91 : memref<!tpu.dma_semaphore, #tpu.memory_space<semaphore_mem>>)
    %scan3A_92 = arith.constant 0 : i32
    %scan3A_93 = arith.constant 0 : i32
    %scan3A_94 = arith.constant 24 : i32
    %scan3A_95 = arith.addi %scan3A_93, %scan3A_94 : i32
    %scan3A_96 = arith.constant 1 : i32
    scf.for %scan3A_209 = %scan3A_93 to %scan3A_95 step %scan3A_96  : i32 {
      %mul3A_210 = arith.constant 2 : i32
      %mul3A_211 = arith.muli %scan3A_209, %mul3A_210 : i32
      %dma_wait3A_212 = arith.constant 0 : i32
      %dma_wait3A_213 = arith.constant 0 : i32
      %dma_wait3A_214 = arith.constant 0 : i32
      %dma_wait3A_215 = tpu.memref_slice %arg6[%dma_wait3A_212, %dma_wait3A_214] : memref<50x128xi32, #tpu.memory_space<vmem>> -> memref<1x128xi32, #tpu.memory_space<vmem>>
      %dma_wait3A_216 = tpu.memref_squeeze %dma_wait3A_215 : memref<1x128xi32, #tpu.memory_space<vmem>> -> memref<128xi32, #tpu.memory_space<vmem>>
      %dma_wait3A_217 = arith.constant 0 : i32
      %dma_wait3A_218 = arith.constant 0 : i32
      %dma_wait3A_219 = tpu.memref_slice %arg2[%dma_wait3A_217, %dma_wait3A_218] : memref<61440x128xf32, #tpu.memory_space<hbm>> -> memref<61440x128xf32, #tpu.memory_space<hbm>>
      %dma_wait3A_220 = tpu.memref_slice %arg11[%dma_wait3A_213] : memref<2x!tpu.dma_semaphore, #tpu.memory_space<semaphore_mem>> -> memref<1x!tpu.dma_semaphore, #tpu.memory_space<semaphore_mem>>
      %dma_wait3A_221 = tpu.memref_squeeze %dma_wait3A_220 : memref<1x!tpu.dma_semaphore, #tpu.memory_space<semaphore_mem>> -> memref<!tpu.dma_semaphore, #tpu.memory_space<semaphore_mem>>
      tpu.wait_indirect_dma semaphore(%dma_wait3A_221 : memref<!tpu.dma_semaphore, #tpu.memory_space<semaphore_mem>>) src(%dma_wait3A_219 : memref<61440x128xf32, #tpu.memory_space<hbm>>) dst(%arg8 : memref<128x128xf32, #tpu.memory_space<vmem>>)
      %add3A_222 = arith.constant 0 : i32
      %add3A_223 = arith.addi %mul3A_211, %add3A_222 : i32
      %add3A_224 = arith.constant 1 : i32
      %add3A_225 = arith.addi %add3A_223, %add3A_224 : i32
      %dma_start3A_226 = arith.constant 1 : i32
      %dma_start3A_227 = arith.constant 0 : i32
      %dma_start3A_228 = tpu.memref_slice %arg6[%add3A_225, %dma_start3A_227] : memref<50x128xi32, #tpu.memory_space<vmem>> -> memref<1x128xi32, #tpu.memory_space<vmem>>
      %dma_start3A_229 = tpu.memref_squeeze %dma_start3A_228 : memref<1x128xi32, #tpu.memory_space<vmem>> -> memref<128xi32, #tpu.memory_space<vmem>>
      %dma_start3A_230 = arith.constant 0 : i32
      %dma_start3A_231 = arith.constant 0 : i32
      %dma_start3A_232 = tpu.memref_slice %arg2[%dma_start3A_230, %dma_start3A_231] : memref<61440x128xf32, #tpu.memory_space<hbm>> -> memref<61440x128xf32, #tpu.memory_space<hbm>>
      %dma_start3A_233 = tpu.memref_slice %arg11[%dma_start3A_226] : memref<2x!tpu.dma_semaphore, #tpu.memory_space<semaphore_mem>> -> memref<1x!tpu.dma_semaphore, #tpu.memory_space<semaphore_mem>>
      %dma_start3A_234 = tpu.memref_squeeze %dma_start3A_233 : memref<1x!tpu.dma_semaphore, #tpu.memory_space<semaphore_mem>> -> memref<!tpu.dma_semaphore, #tpu.memory_space<semaphore_mem>>
      tpu.enqueue_indirect_dma source(%dma_start3A_232 : memref<61440x128xf32, #tpu.memory_space<hbm>>) target(%arg9 : memref<128x128xf32, #tpu.memory_space<vmem>>) offsets(%dma_start3A_229 : memref<128xi32, #tpu.memory_space<vmem>>) semaphore(%dma_start3A_234 : memref<!tpu.dma_semaphore, #tpu.memory_space<semaphore_mem>>)
      %add3A_235 = arith.constant 0 : i32
      %add3A_236 = arith.addi %mul3A_211, %add3A_235 : i32
      "tpu.region"() ({
        %run_scoped3A_262 = tpu.sem_alloc : memref<!tpu.dma_semaphore, #tpu.memory_space<semaphore_mem>>
        %dma_start3A_263 = arith.constant 0 : i32
        %dma_start3A_264 = tpu.memref_slice %arg7[%add3A_236, %dma_start3A_263] : memref<50x128xi32, #tpu.memory_space<vmem>> -> memref<1x128xi32, #tpu.memory_space<vmem>>
        %dma_start3A_265 = tpu.memref_squeeze %dma_start3A_264 : memref<1x128xi32, #tpu.memory_space<vmem>> -> memref<128xi32, #tpu.memory_space<vmem>>
        %dma_start3A_266 = arith.constant 0 : i32
        %dma_start3A_267 = arith.constant 0 : i32
        %dma_start3A_268 = tpu.memref_slice %arg10[%dma_start3A_266, %dma_start3A_267] : memref<10240x128xf32, #tpu.memory_space<vmem_shared>> -> memref<10240x128xf32, #tpu.memory_space<vmem_shared>>
        tpu.enqueue_indirect_dma source(%arg8 : memref<128x128xf32, #tpu.memory_space<vmem>>) target(%dma_start3A_268 : memref<10240x128xf32, #tpu.memory_space<vmem_shared>>) offsets(%dma_start3A_265 : memref<128xi32, #tpu.memory_space<vmem>>) semaphore(%run_scoped3A_262 : memref<!tpu.dma_semaphore, #tpu.memory_space<semaphore_mem>>) {add = true}
        %dma_wait3A_269 = arith.constant 0 : i32
        %dma_wait3A_270 = tpu.memref_slice %arg7[%add3A_236, %dma_wait3A_269] : memref<50x128xi32, #tpu.memory_space<vmem>> -> memref<1x128xi32, #tpu.memory_space<vmem>>
        %dma_wait3A_271 = tpu.memref_squeeze %dma_wait3A_270 : memref<1x128xi32, #tpu.memory_space<vmem>> -> memref<128xi32, #tpu.memory_space<vmem>>
        %dma_wait3A_272 = arith.constant 0 : i32
        %dma_wait3A_273 = arith.constant 0 : i32
        %dma_wait3A_274 = tpu.memref_slice %arg10[%dma_wait3A_272, %dma_wait3A_273] : memref<10240x128xf32, #tpu.memory_space<vmem_shared>> -> memref<10240x128xf32, #tpu.memory_space<vmem_shared>>
        tpu.wait_indirect_dma semaphore(%run_scoped3A_262 : memref<!tpu.dma_semaphore, #tpu.memory_space<semaphore_mem>>) src(%arg8 : memref<128x128xf32, #tpu.memory_space<vmem>>) dst(%dma_wait3A_274 : memref<10240x128xf32, #tpu.memory_space<vmem_shared>>)
        tpu.yield
      }) : () -> ()
      %dma_wait3A_237 = arith.constant 0 : i32
      %dma_wait3A_238 = arith.constant 1 : i32
      %dma_wait3A_239 = arith.constant 0 : i32
      %dma_wait3A_240 = tpu.memref_slice %arg6[%dma_wait3A_237, %dma_wait3A_239] : memref<50x128xi32, #tpu.memory_space<vmem>> -> memref<1x128xi32, #tpu.memory_space<vmem>>
      %dma_wait3A_241 = tpu.memref_squeeze %dma_wait3A_240 : memref<1x128xi32, #tpu.memory_space<vmem>> -> memref<128xi32, #tpu.memory_space<vmem>>
      %dma_wait3A_242 = arith.constant 0 : i32
      %dma_wait3A_243 = arith.constant 0 : i32
      %dma_wait3A_244 = tpu.memref_slice %arg2[%dma_wait3A_242, %dma_wait3A_243] : memref<61440x128xf32, #tpu.memory_space<hbm>> -> memref<61440x128xf32, #tpu.memory_space<hbm>>
      %dma_wait3A_245 = tpu.memref_slice %arg11[%dma_wait3A_238] : memref<2x!tpu.dma_semaphore, #tpu.memory_space<semaphore_mem>> -> memref<1x!tpu.dma_semaphore, #tpu.memory_space<semaphore_mem>>
      %dma_wait3A_246 = tpu.memref_squeeze %dma_wait3A_245 : memref<1x!tpu.dma_semaphore, #tpu.memory_space<semaphore_mem>> -> memref<!tpu.dma_semaphore, #tpu.memory_space<semaphore_mem>>
      tpu.wait_indirect_dma semaphore(%dma_wait3A_246 : memref<!tpu.dma_semaphore, #tpu.memory_space<semaphore_mem>>) src(%dma_wait3A_244 : memref<61440x128xf32, #tpu.memory_space<hbm>>) dst(%arg9 : memref<128x128xf32, #tpu.memory_space<vmem>>)
      %add3A_247 = arith.constant 1 : i32
      %add3A_248 = arith.addi %mul3A_211, %add3A_247 : i32
      %add3A_249 = arith.constant 1 : i32
      %add3A_250 = arith.addi %add3A_248, %add3A_249 : i32
      %dma_start3A_251 = arith.constant 0 : i32
      %dma_start3A_252 = arith.constant 0 : i32
      %dma_start3A_253 = tpu.memref_slice %arg6[%add3A_250, %dma_start3A_252] : memref<50x128xi32, #tpu.memory_space<vmem>> -> memref<1x128xi32, #tpu.memory_space<vmem>>
      %dma_start3A_254 = tpu.memref_squeeze %dma_start3A_253 : memref<1x128xi32, #tpu.memory_space<vmem>> -> memref<128xi32, #tpu.memory_space<vmem>>
      %dma_start3A_255 = arith.constant 0 : i32
      %dma_start3A_256 = arith.constant 0 : i32
      %dma_start3A_257 = tpu.memref_slice %arg2[%dma_start3A_255, %dma_start3A_256] : memref<61440x128xf32, #tpu.memory_space<hbm>> -> memref<61440x128xf32, #tpu.memory_space<hbm>>
      %dma_start3A_258 = tpu.memref_slice %arg11[%dma_start3A_251] : memref<2x!tpu.dma_semaphore, #tpu.memory_space<semaphore_mem>> -> memref<1x!tpu.dma_semaphore, #tpu.memory_space<semaphore_mem>>
      %dma_start3A_259 = tpu.memref_squeeze %dma_start3A_258 : memref<1x!tpu.dma_semaphore, #tpu.memory_space<semaphore_mem>> -> memref<!tpu.dma_semaphore, #tpu.memory_space<semaphore_mem>>
      tpu.enqueue_indirect_dma source(%dma_start3A_257 : memref<61440x128xf32, #tpu.memory_space<hbm>>) target(%arg8 : memref<128x128xf32, #tpu.memory_space<vmem>>) offsets(%dma_start3A_254 : memref<128xi32, #tpu.memory_space<vmem>>) semaphore(%dma_start3A_259 : memref<!tpu.dma_semaphore, #tpu.memory_space<semaphore_mem>>)
      %add3A_260 = arith.constant 1 : i32
      %add3A_261 = arith.addi %mul3A_211, %add3A_260 : i32
      "tpu.region"() ({
        %run_scoped3A_262 = tpu.sem_alloc : memref<!tpu.dma_semaphore, #tpu.memory_space<semaphore_mem>>
        %dma_start3A_263 = arith.constant 0 : i32
        %dma_start3A_264 = tpu.memref_slice %arg7[%add3A_261, %dma_start3A_263] : memref<50x128xi32, #tpu.memory_space<vmem>> -> memref<1x128xi32, #tpu.memory_space<vmem>>
        %dma_start3A_265 = tpu.memref_squeeze %dma_start3A_264 : memref<1x128xi32, #tpu.memory_space<vmem>> -> memref<128xi32, #tpu.memory_space<vmem>>
        %dma_start3A_266 = arith.constant 0 : i32
        %dma_start3A_267 = arith.constant 0 : i32
        %dma_start3A_268 = tpu.memref_slice %arg10[%dma_start3A_266, %dma_start3A_267] : memref<10240x128xf32, #tpu.memory_space<vmem_shared>> -> memref<10240x128xf32, #tpu.memory_space<vmem_shared>>
        tpu.enqueue_indirect_dma source(%arg9 : memref<128x128xf32, #tpu.memory_space<vmem>>) target(%dma_start3A_268 : memref<10240x128xf32, #tpu.memory_space<vmem_shared>>) offsets(%dma_start3A_265 : memref<128xi32, #tpu.memory_space<vmem>>) semaphore(%run_scoped3A_262 : memref<!tpu.dma_semaphore, #tpu.memory_space<semaphore_mem>>) {add = true}
        %dma_wait3A_269 = arith.constant 0 : i32
        %dma_wait3A_270 = tpu.memref_slice %arg7[%add3A_261, %dma_wait3A_269] : memref<50x128xi32, #tpu.memory_space<vmem>> -> memref<1x128xi32, #tpu.memory_space<vmem>>
        %dma_wait3A_271 = tpu.memref_squeeze %dma_wait3A_270 : memref<1x128xi32, #tpu.memory_space<vmem>> -> memref<128xi32, #tpu.memory_space<vmem>>
        %dma_wait3A_272 = arith.constant 0 : i32
        %dma_wait3A_273 = arith.constant 0 : i32
        %dma_wait3A_274 = tpu.memref_slice %arg10[%dma_wait3A_272, %dma_wait3A_273] : memref<10240x128xf32, #tpu.memory_space<vmem_shared>> -> memref<10240x128xf32, #tpu.memory_space<vmem_shared>>
        tpu.wait_indirect_dma semaphore(%run_scoped3A_262 : memref<!tpu.dma_semaphore, #tpu.memory_space<semaphore_mem>>) src(%arg9 : memref<128x128xf32, #tpu.memory_space<vmem>>) dst(%dma_wait3A_274 : memref<10240x128xf32, #tpu.memory_space<vmem_shared>>)
        tpu.yield
      }) : () -> ()
    }
    %scan3A_97 = arith.constant 24 : i32
    %dma_wait3A_98 = arith.constant 0 : i32
    %dma_wait3A_99 = arith.constant 0 : i32
    %dma_wait3A_100 = arith.constant 0 : i32
    %dma_wait3A_101 = tpu.memref_slice %arg6[%dma_wait3A_98, %dma_wait3A_100] : memref<50x128xi32, #tpu.memory_space<vmem>> -> memref<1x128xi32, #tpu.memory_space<vmem>>
    %dma_wait3A_102 = tpu.memref_squeeze %dma_wait3A_101 : memref<1x128xi32, #tpu.memory_space<vmem>> -> memref<128xi32, #tpu.memory_space<vmem>>
    %dma_wait3A_103 = arith.constant 0 : i32
    %dma_wait3A_104 = arith.constant 0 : i32
    %dma_wait3A_105 = tpu.memref_slice %arg2[%dma_wait3A_103, %dma_wait3A_104] : memref<61440x128xf32, #tpu.memory_space<hbm>> -> memref<61440x128xf32, #tpu.memory_space<hbm>>
    %dma_wait3A_106 = tpu.memref_slice %arg11[%dma_wait3A_99] : memref<2x!tpu.dma_semaphore, #tpu.memory_space<semaphore_mem>> -> memref<1x!tpu.dma_semaphore, #tpu.memory_space<semaphore_mem>>
    %dma_wait3A_107 = tpu.memref_squeeze %dma_wait3A_106 : memref<1x!tpu.dma_semaphore, #tpu.memory_space<semaphore_mem>> -> memref<!tpu.dma_semaphore, #tpu.memory_space<semaphore_mem>>
    tpu.wait_indirect_dma semaphore(%dma_wait3A_107 : memref<!tpu.dma_semaphore, #tpu.memory_space<semaphore_mem>>) src(%dma_wait3A_105 : memref<61440x128xf32, #tpu.memory_space<hbm>>) dst(%arg8 : memref<128x128xf32, #tpu.memory_space<vmem>>)
    %dma_start3A_108 = arith.constant 49 : i32
    %dma_start3A_109 = arith.constant 1 : i32
    %dma_start3A_110 = arith.constant 0 : i32
    %dma_start3A_111 = tpu.memref_slice %arg6[%dma_start3A_108, %dma_start3A_110] : memref<50x128xi32, #tpu.memory_space<vmem>> -> memref<1x128xi32, #tpu.memory_space<vmem>>
    %dma_start3A_112 = tpu.memref_squeeze %dma_start3A_111 : memref<1x128xi32, #tpu.memory_space<vmem>> -> memref<128xi32, #tpu.memory_space<vmem>>
    %dma_start3A_113 = arith.constant 0 : i32
    %dma_start3A_114 = arith.constant 0 : i32
    %dma_start3A_115 = tpu.memref_slice %arg2[%dma_start3A_113, %dma_start3A_114] : memref<61440x128xf32, #tpu.memory_space<hbm>> -> memref<61440x128xf32, #tpu.memory_space<hbm>>
    %dma_start3A_116 = tpu.memref_slice %arg11[%dma_start3A_109] : memref<2x!tpu.dma_semaphore, #tpu.memory_space<semaphore_mem>> -> memref<1x!tpu.dma_semaphore, #tpu.memory_space<semaphore_mem>>
    %dma_start3A_117 = tpu.memref_squeeze %dma_start3A_116 : memref<1x!tpu.dma_semaphore, #tpu.memory_space<semaphore_mem>> -> memref<!tpu.dma_semaphore, #tpu.memory_space<semaphore_mem>>
    tpu.enqueue_indirect_dma source(%dma_start3A_115 : memref<61440x128xf32, #tpu.memory_space<hbm>>) target(%arg9 : memref<128x128xf32, #tpu.memory_space<vmem>>) offsets(%dma_start3A_112 : memref<128xi32, #tpu.memory_space<vmem>>) semaphore(%dma_start3A_117 : memref<!tpu.dma_semaphore, #tpu.memory_space<semaphore_mem>>)
    %run_scoped3A_118 = arith.constant 48 : i32
    "tpu.region"() ({
      %run_scoped3A_209 = tpu.sem_alloc : memref<!tpu.dma_semaphore, #tpu.memory_space<semaphore_mem>>
      %dma_start3A_210 = arith.constant 0 : i32
      %dma_start3A_211 = tpu.memref_slice %arg7[%run_scoped3A_118, %dma_start3A_210] : memref<50x128xi32, #tpu.memory_space<vmem>> -> memref<1x128xi32, #tpu.memory_space<vmem>>
      %dma_start3A_212 = tpu.memref_squeeze %dma_start3A_211 : memref<1x128xi32, #tpu.memory_space<vmem>> -> memref<128xi32, #tpu.memory_space<vmem>>
      %dma_start3A_213 = arith.constant 0 : i32
      %dma_start3A_214 = arith.constant 0 : i32
      %dma_start3A_215 = tpu.memref_slice %arg10[%dma_start3A_213, %dma_start3A_214] : memref<10240x128xf32, #tpu.memory_space<vmem_shared>> -> memref<10240x128xf32, #tpu.memory_space<vmem_shared>>
      tpu.enqueue_indirect_dma source(%arg8 : memref<128x128xf32, #tpu.memory_space<vmem>>) target(%dma_start3A_215 : memref<10240x128xf32, #tpu.memory_space<vmem_shared>>) offsets(%dma_start3A_212 : memref<128xi32, #tpu.memory_space<vmem>>) semaphore(%run_scoped3A_209 : memref<!tpu.dma_semaphore, #tpu.memory_space<semaphore_mem>>) {add = true}
      %dma_wait3A_216 = arith.constant 0 : i32
      %dma_wait3A_217 = tpu.memref_slice %arg7[%run_scoped3A_118, %dma_wait3A_216] : memref<50x128xi32, #tpu.memory_space<vmem>> -> memref<1x128xi32, #tpu.memory_space<vmem>>
      %dma_wait3A_218 = tpu.memref_squeeze %dma_wait3A_217 : memref<1x128xi32, #tpu.memory_space<vmem>> -> memref<128xi32, #tpu.memory_space<vmem>>
      %dma_wait3A_219 = arith.constant 0 : i32
      %dma_wait3A_220 = arith.constant 0 : i32
      %dma_wait3A_221 = tpu.memref_slice %arg10[%dma_wait3A_219, %dma_wait3A_220] : memref<10240x128xf32, #tpu.memory_space<vmem_shared>> -> memref<10240x128xf32, #tpu.memory_space<vmem_shared>>
      tpu.wait_indirect_dma semaphore(%run_scoped3A_209 : memref<!tpu.dma_semaphore, #tpu.memory_space<semaphore_mem>>) src(%arg8 : memref<128x128xf32, #tpu.memory_space<vmem>>) dst(%dma_wait3A_221 : memref<10240x128xf32, #tpu.memory_space<vmem_shared>>)
      tpu.yield
    }) : () -> ()
    %dma_wait3A_119 = arith.constant 0 : i32
    %dma_wait3A_120 = arith.constant 1 : i32
    %dma_wait3A_121 = arith.constant 0 : i32
    %dma_wait3A_122 = tpu.memref_slice %arg6[%dma_wait3A_119, %dma_wait3A_121] : memref<50x128xi32, #tpu.memory_space<vmem>> -> memref<1x128xi32, #tpu.memory_space<vmem>>
    %dma_wait3A_123 = tpu.memref_squeeze %dma_wait3A_122 : memref<1x128xi32, #tpu.memory_space<vmem>> -> memref<128xi32, #tpu.memory_space<vmem>>
    %dma_wait3A_124 = arith.constant 0 : i32
    %dma_wait3A_125 = arith.constant 0 : i32
    %dma_wait3A_126 = tpu.memref_slice %arg2[%dma_wait3A_124, %dma_wait3A_125] : memref<61440x128xf32, #tpu.memory_space<hbm>> -> memref<61440x128xf32, #tpu.memory_space<hbm>>
    %dma_wait3A_127 = tpu.memref_slice %arg11[%dma_wait3A_120] : memref<2x!tpu.dma_semaphore, #tpu.memory_space<semaphore_mem>> -> memref<1x!tpu.dma_semaphore, #tpu.memory_space<semaphore_mem>>
    %dma_wait3A_128 = tpu.memref_squeeze %dma_wait3A_127 : memref<1x!tpu.dma_semaphore, #tpu.memory_space<semaphore_mem>> -> memref<!tpu.dma_semaphore, #tpu.memory_space<semaphore_mem>>
    tpu.wait_indirect_dma semaphore(%dma_wait3A_128 : memref<!tpu.dma_semaphore, #tpu.memory_space<semaphore_mem>>) src(%dma_wait3A_126 : memref<61440x128xf32, #tpu.memory_space<hbm>>) dst(%arg9 : memref<128x128xf32, #tpu.memory_space<vmem>>)
    %run_scoped3A_129 = arith.constant 49 : i32
    "tpu.region"() ({
      %run_scoped3A_209 = tpu.sem_alloc : memref<!tpu.dma_semaphore, #tpu.memory_space<semaphore_mem>>
      %dma_start3A_210 = arith.constant 0 : i32
      %dma_start3A_211 = tpu.memref_slice %arg7[%run_scoped3A_129, %dma_start3A_210] : memref<50x128xi32, #tpu.memory_space<vmem>> -> memref<1x128xi32, #tpu.memory_space<vmem>>
      %dma_start3A_212 = tpu.memref_squeeze %dma_start3A_211 : memref<1x128xi32, #tpu.memory_space<vmem>> -> memref<128xi32, #tpu.memory_space<vmem>>
      %dma_start3A_213 = arith.constant 0 : i32
      %dma_start3A_214 = arith.constant 0 : i32
      %dma_start3A_215 = tpu.memref_slice %arg10[%dma_start3A_213, %dma_start3A_214] : memref<10240x128xf32, #tpu.memory_space<vmem_shared>> -> memref<10240x128xf32, #tpu.memory_space<vmem_shared>>
      tpu.enqueue_indirect_dma source(%arg9 : memref<128x128xf32, #tpu.memory_space<vmem>>) target(%dma_start3A_215 : memref<10240x128xf32, #tpu.memory_space<vmem_shared>>) offsets(%dma_start3A_212 : memref<128xi32, #tpu.memory_space<vmem>>) semaphore(%run_scoped3A_209 : memref<!tpu.dma_semaphore, #tpu.memory_space<semaphore_mem>>) {add = true}
      %dma_wait3A_216 = arith.constant 0 : i32
      %dma_wait3A_217 = tpu.memref_slice %arg7[%run_scoped3A_129, %dma_wait3A_216] : memref<50x128xi32, #tpu.memory_space<vmem>> -> memref<1x128xi32, #tpu.memory_space<vmem>>
      %dma_wait3A_218 = tpu.memref_squeeze %dma_wait3A_217 : memref<1x128xi32, #tpu.memory_space<vmem>> -> memref<128xi32, #tpu.memory_space<vmem>>
      %dma_wait3A_219 = arith.constant 0 : i32
      %dma_wait3A_220 = arith.constant 0 : i32
      %dma_wait3A_221 = tpu.memref_slice %arg10[%dma_wait3A_219, %dma_wait3A_220] : memref<10240x128xf32, #tpu.memory_space<vmem_shared>> -> memref<10240x128xf32, #tpu.memory_space<vmem_shared>>
      tpu.wait_indirect_dma semaphore(%run_scoped3A_209 : memref<!tpu.dma_semaphore, #tpu.memory_space<semaphore_mem>>) src(%arg9 : memref<128x128xf32, #tpu.memory_space<vmem>>) dst(%dma_wait3A_221 : memref<10240x128xf32, #tpu.memory_space<vmem_shared>>)
      tpu.yield
    }) : () -> ()
    %barrier3A_130 = arith.constant 0 : index
    tpu.barrier barrier_id(%barrier3A_130)
    %mul3A_131 = arith.constant 640 : i32
    %mul3A_132 = arith.muli %arg1, %mul3A_131 : i32
    %mul3A_133 = arith.constant 10240 : i32
    %mul3A_134 = arith.muli %add3A_68, %mul3A_133 : i32
    %add3A_135 = arith.addi %mul3A_134, %mul3A_132 : i32
    "tpu.region"() ({
      %run_scoped3A_209 = tpu.sem_alloc : memref<!tpu.dma_semaphore, #tpu.memory_space<semaphore_mem>>
      %dma_start3A_210 = arith.constant 0 : i32
      %dma_start3A_211 = tpu.memref_slice %arg5[%add3A_135, %dma_start3A_210] : memref<61440x128xf32, #tpu.memory_space<hbm>> -> memref<640x128xf32, #tpu.memory_space<hbm>>
      %dma_start3A_212 = arith.constant 0 : i32
      %dma_start3A_213 = tpu.memref_slice %arg10[%mul3A_132, %dma_start3A_212] : memref<10240x128xf32, #tpu.memory_space<vmem_shared>> -> memref<640x128xf32, #tpu.memory_space<vmem_shared>>
      tpu.enqueue_dma source(%dma_start3A_213 : memref<640x128xf32, #tpu.memory_space<vmem_shared>>) target(%dma_start3A_211 : memref<640x128xf32, #tpu.memory_space<hbm>>) target_semaphore(%run_scoped3A_209 : memref<!tpu.dma_semaphore, #tpu.memory_space<semaphore_mem>>)
      %dma_wait3A_214 = arith.constant 0 : i32
      %dma_wait3A_215 = tpu.memref_slice %arg5[%add3A_135, %dma_wait3A_214] : memref<61440x128xf32, #tpu.memory_space<hbm>> -> memref<640x128xf32, #tpu.memory_space<hbm>>
      %dma_wait3A_216 = arith.constant 0 : i32
      %dma_wait3A_217 = tpu.memref_slice %arg10[%mul3A_132, %dma_wait3A_216] : memref<10240x128xf32, #tpu.memory_space<vmem_shared>> -> memref<640x128xf32, #tpu.memory_space<vmem_shared>>
      tpu.wait_dma2 semaphore(%run_scoped3A_209 : memref<!tpu.dma_semaphore, #tpu.memory_space<semaphore_mem>>) src(%dma_wait3A_217 : memref<640x128xf32, #tpu.memory_space<vmem_shared>>) dst(%dma_wait3A_215 : memref<640x128xf32, #tpu.memory_space<hbm>>)
      tpu.yield
    }) : () -> ()
    %barrier3A_136 = arith.constant 0 : index
    tpu.barrier barrier_id(%barrier3A_136)
    %mul3A_137 = arith.constant 3 : i32
    %mul3A_138 = arith.muli %arg0, %mul3A_137 : i32
    %add3A_139 = arith.constant 2 : i32
    %add3A_140 = arith.addi %mul3A_138, %add3A_139 : i32
    %scan3A_141 = arith.constant 0 : i32
    %scan3A_142 = arith.constant 0 : i32
    %scan3A_143 = arith.constant 128 : i32
    %scan3A_144 = arith.addi %scan3A_142, %scan3A_143 : i32
    %scan3A_145 = arith.constant 1 : i32
    scf.for %scan3A_209 = %scan3A_142 to %scan3A_144 step %scan3A_145  : i32 {
      %broadcast_in_dim3A = arith.constant 0.000000e+00 : f32
      %broadcast_in_dim3A_210 = vector.broadcast %broadcast_in_dim3A : f32 to vector<16xf32>
      %swap3A = arith.index_cast %scan3A_209 : i32 to index
      %swap3A_211 = arith.constant 0 : index
      %swap3A_212 = tpu.vector_load %arg8[%swap3A, %swap3A_211] {strides = array<i32>} : memref<128x128xf32, #tpu.memory_space<vmem>>, vector<1x16xf32>,
      %swap3A_213 = vector.shape_cast %swap3A_212 : vector<1x16xf32> to vector<16xf32>
      %swap3A_214 = vector.shape_cast %broadcast_in_dim3A_210 : vector<16xf32> to vector<1x16xf32>
      tpu.vector_store %arg8[%swap3A, %swap3A_211], %swap3A_214 {strides = array<i32>} : memref<128x128xf32, #tpu.memory_space<vmem>>, vector<1x16xf32>,
      %swap3A_215 = arith.index_cast %scan3A_209 : i32 to index
      %swap3A_216 = arith.constant 16 : index
      %swap3A_217 = tpu.vector_load %arg8[%swap3A_215, %swap3A_216] {strides = array<i32>} : memref<128x128xf32, #tpu.memory_space<vmem>>, vector<1x16xf32>,
      %swap3A_218 = vector.shape_cast %swap3A_217 : vector<1x16xf32> to vector<16xf32>
      %swap3A_219 = vector.shape_cast %broadcast_in_dim3A_210 : vector<16xf32> to vector<1x16xf32>
      tpu.vector_store %arg8[%swap3A_215, %swap3A_216], %swap3A_219 {strides = array<i32>} : memref<128x128xf32, #tpu.memory_space<vmem>>, vector<1x16xf32>,
      %swap3A_220 = arith.index_cast %scan3A_209 : i32 to index
      %swap3A_221 = arith.constant 32 : index
      %swap3A_222 = tpu.vector_load %arg8[%swap3A_220, %swap3A_221] {strides = array<i32>} : memref<128x128xf32, #tpu.memory_space<vmem>>, vector<1x16xf32>,
      %swap3A_223 = vector.shape_cast %swap3A_222 : vector<1x16xf32> to vector<16xf32>
      %swap3A_224 = vector.shape_cast %broadcast_in_dim3A_210 : vector<16xf32> to vector<1x16xf32>
      tpu.vector_store %arg8[%swap3A_220, %swap3A_221], %swap3A_224 {strides = array<i32>} : memref<128x128xf32, #tpu.memory_space<vmem>>, vector<1x16xf32>,
      %swap3A_225 = arith.index_cast %scan3A_209 : i32 to index
      %swap3A_226 = arith.constant 48 : index
      %swap3A_227 = tpu.vector_load %arg8[%swap3A_225, %swap3A_226] {strides = array<i32>} : memref<128x128xf32, #tpu.memory_space<vmem>>, vector<1x16xf32>,
      %swap3A_228 = vector.shape_cast %swap3A_227 : vector<1x16xf32> to vector<16xf32>
      %swap3A_229 = vector.shape_cast %broadcast_in_dim3A_210 : vector<16xf32> to vector<1x16xf32>
      tpu.vector_store %arg8[%swap3A_225, %swap3A_226], %swap3A_229 {strides = array<i32>} : memref<128x128xf32, #tpu.memory_space<vmem>>, vector<1x16xf32>,
      %swap3A_230 = arith.index_cast %scan3A_209 : i32 to index
      %swap3A_231 = arith.constant 64 : index
      %swap3A_232 = tpu.vector_load %arg8[%swap3A_230, %swap3A_231] {strides = array<i32>} : memref<128x128xf32, #tpu.memory_space<vmem>>, vector<1x16xf32>,
      %swap3A_233 = vector.shape_cast %swap3A_232 : vector<1x16xf32> to vector<16xf32>
      %swap3A_234 = vector.shape_cast %broadcast_in_dim3A_210 : vector<16xf32> to vector<1x16xf32>
      tpu.vector_store %arg8[%swap3A_230, %swap3A_231], %swap3A_234 {strides = array<i32>} : memref<128x128xf32, #tpu.memory_space<vmem>>, vector<1x16xf32>,
      %swap3A_235 = arith.index_cast %scan3A_209 : i32 to index
      %swap3A_236 = arith.constant 80 : index
      %swap3A_237 = tpu.vector_load %arg8[%swap3A_235, %swap3A_236] {strides = array<i32>} : memref<128x128xf32, #tpu.memory_space<vmem>>, vector<1x16xf32>,
      %swap3A_238 = vector.shape_cast %swap3A_237 : vector<1x16xf32> to vector<16xf32>
      %swap3A_239 = vector.shape_cast %broadcast_in_dim3A_210 : vector<16xf32> to vector<1x16xf32>
      tpu.vector_store %arg8[%swap3A_235, %swap3A_236], %swap3A_239 {strides = array<i32>} : memref<128x128xf32, #tpu.memory_space<vmem>>, vector<1x16xf32>,
      %swap3A_240 = arith.index_cast %scan3A_209 : i32 to index
      %swap3A_241 = arith.constant 96 : index
      %swap3A_242 = tpu.vector_load %arg8[%swap3A_240, %swap3A_241] {strides = array<i32>} : memref<128x128xf32, #tpu.memory_space<vmem>>, vector<1x16xf32>,
      %swap3A_243 = vector.shape_cast %swap3A_242 : vector<1x16xf32> to vector<16xf32>
      %swap3A_244 = vector.shape_cast %broadcast_in_dim3A_210 : vector<16xf32> to vector<1x16xf32>
      tpu.vector_store %arg8[%swap3A_240, %swap3A_241], %swap3A_244 {strides = array<i32>} : memref<128x128xf32, #tpu.memory_space<vmem>>, vector<1x16xf32>,
      %swap3A_245 = arith.index_cast %scan3A_209 : i32 to index
      %swap3A_246 = arith.constant 112 : index
      %swap3A_247 = tpu.vector_load %arg8[%swap3A_245, %swap3A_246] {strides = array<i32>} : memref<128x128xf32, #tpu.memory_space<vmem>>, vector<1x16xf32>,
      %swap3A_248 = vector.shape_cast %swap3A_247 : vector<1x16xf32> to vector<16xf32>
      %swap3A_249 = vector.shape_cast %broadcast_in_dim3A_210 : vector<16xf32> to vector<1x16xf32>
      tpu.vector_store %arg8[%swap3A_245, %swap3A_246], %swap3A_249 {strides = array<i32>} : memref<128x128xf32, #tpu.memory_space<vmem>>, vector<1x16xf32>,
    }
    %scan3A_146 = arith.constant 128 : i32
    %scan3A_147 = arith.constant 0 : i32
    %scan3A_148 = arith.constant 0 : i32
    %scan3A_149 = arith.constant 5 : i32
    %scan3A_150 = arith.addi %scan3A_148, %scan3A_149 : i32
    %scan3A_151 = arith.constant 1 : i32
    scf.for %scan3A_209 = %scan3A_148 to %scan3A_150 step %scan3A_151  : i32 {
      %mul3A_210 = arith.constant 640 : i32
      %mul3A_211 = arith.muli %arg1, %mul3A_210 : i32
      %mul3A_212 = arith.constant 128 : i32
      %mul3A_213 = arith.muli %scan3A_209, %mul3A_212 : i32
      %add3A_214 = arith.addi %mul3A_211, %mul3A_213 : i32
      "tpu.region"() ({
        %run_scoped3A_215 = tpu.sem_alloc : memref<!tpu.dma_semaphore, #tpu.memory_space<semaphore_mem>>
        %dma_start3A_216 = arith.constant 0 : i32
        %dma_start3A_217 = tpu.memref_slice %arg10[%add3A_214, %dma_start3A_216] : memref<10240x128xf32, #tpu.memory_space<vmem_shared>> -> memref<128x128xf32, #tpu.memory_space<vmem_shared>>
        %dma_start3A_218 = arith.constant 0 : i32
        %dma_start3A_219 = tpu.memref_slice %arg10[%add3A_214, %dma_start3A_218] : memref<10240x128xf32, #tpu.memory_space<vmem_shared>> -> memref<128x128xf32, #tpu.memory_space<vmem_shared>>
        tpu.enqueue_dma source(%arg8 : memref<128x128xf32, #tpu.memory_space<vmem>>) target(%dma_start3A_219 : memref<128x128xf32, #tpu.memory_space<vmem_shared>>) target_semaphore(%run_scoped3A_215 : memref<!tpu.dma_semaphore, #tpu.memory_space<semaphore_mem>>)
        %dma_wait3A_220 = arith.constant 0 : i32
        %dma_wait3A_221 = tpu.memref_slice %arg10[%add3A_214, %dma_wait3A_220] : memref<10240x128xf32, #tpu.memory_space<vmem_shared>> -> memref<128x128xf32, #tpu.memory_space<vmem_shared>>
        %dma_wait3A_222 = arith.constant 0 : i32
        %dma_wait3A_223 = tpu.memref_slice %arg10[%add3A_214, %dma_wait3A_222] : memref<10240x128xf32, #tpu.memory_space<vmem_shared>> -> memref<128x128xf32, #tpu.memory_space<vmem_shared>>
        tpu.wait_dma2 semaphore(%run_scoped3A_215 : memref<!tpu.dma_semaphore, #tpu.memory_space<semaphore_mem>>) src(%arg8 : memref<128x128xf32, #tpu.memory_space<vmem>>) dst(%dma_wait3A_223 : memref<128x128xf32, #tpu.memory_space<vmem_shared>>)
        tpu.yield
      }) : () -> ()
    }
    %scan3A_152 = arith.constant 5 : i32
    "tpu.region"() ({
      %run_scoped3A_209 = tpu.sem_alloc : memref<!tpu.dma_semaphore, #tpu.memory_space<semaphore_mem>>
      %dma_start3A_210 = arith.constant 0 : i32
      %dma_start3A_211 = arith.constant 0 : i32
      %dma_start3A_212 = tpu.memref_slice %arg3[%add3A_140, %arg1, %dma_start3A_210, %dma_start3A_211] : memref<6x16x50x128xi32, #tpu.memory_space<hbm>> -> memref<1x1x50x128xi32, #tpu.memory_space<hbm>>
      %dma_start3A_213 = tpu.memref_squeeze %dma_start3A_212 : memref<1x1x50x128xi32, #tpu.memory_space<hbm>> -> memref<50x128xi32, #tpu.memory_space<hbm>>
      %dma_start3A_214 = arith.constant 0 : i32
      %dma_start3A_215 = arith.constant 0 : i32
      %dma_start3A_216 = tpu.memref_slice %arg3[%add3A_140, %arg1, %dma_start3A_214, %dma_start3A_215] : memref<6x16x50x128xi32, #tpu.memory_space<hbm>> -> memref<1x1x50x128xi32, #tpu.memory_space<hbm>>
      %dma_start3A_217 = tpu.memref_squeeze %dma_start3A_216 : memref<1x1x50x128xi32, #tpu.memory_space<hbm>> -> memref<50x128xi32, #tpu.memory_space<hbm>>
      tpu.enqueue_dma source(%dma_start3A_217 : memref<50x128xi32, #tpu.memory_space<hbm>>) target(%arg6 : memref<50x128xi32, #tpu.memory_space<vmem>>) target_semaphore(%run_scoped3A_209 : memref<!tpu.dma_semaphore, #tpu.memory_space<semaphore_mem>>)
      %dma_wait3A_218 = arith.constant 0 : i32
      %dma_wait3A_219 = arith.constant 0 : i32
      %dma_wait3A_220 = tpu.memref_slice %arg3[%add3A_140, %arg1, %dma_wait3A_218, %dma_wait3A_219] : memref<6x16x50x128xi32, #tpu.memory_space<hbm>> -> memref<1x1x50x128xi32, #tpu.memory_space<hbm>>
      %dma_wait3A_221 = tpu.memref_squeeze %dma_wait3A_220 : memref<1x1x50x128xi32, #tpu.memory_space<hbm>> -> memref<50x128xi32, #tpu.memory_space<hbm>>
      %dma_wait3A_222 = arith.constant 0 : i32
      %dma_wait3A_223 = arith.constant 0 : i32
      %dma_wait3A_224 = tpu.memref_slice %arg3[%add3A_140, %arg1, %dma_wait3A_222, %dma_wait3A_223] : memref<6x16x50x128xi32, #tpu.memory_space<hbm>> -> memref<1x1x50x128xi32, #tpu.memory_space<hbm>>
      %dma_wait3A_225 = tpu.memref_squeeze %dma_wait3A_224 : memref<1x1x50x128xi32, #tpu.memory_space<hbm>> -> memref<50x128xi32, #tpu.memory_space<hbm>>
      tpu.wait_dma2 semaphore(%run_scoped3A_209 : memref<!tpu.dma_semaphore, #tpu.memory_space<semaphore_mem>>) src(%dma_wait3A_225 : memref<50x128xi32, #tpu.memory_space<hbm>>) dst(%arg6 : memref<50x128xi32, #tpu.memory_space<vmem>>)
      tpu.yield
    }) : () -> ()
    %barrier3A_153 = arith.constant 0 : index
    tpu.barrier barrier_id(%barrier3A_153)
    %dma_start3A_154 = arith.constant 0 : i32
    %dma_start3A_155 = arith.constant 0 : i32
    %dma_start3A_156 = arith.constant 0 : i32
    %dma_start3A_157 = tpu.memref_slice %arg6[%dma_start3A_154, %dma_start3A_156] : memref<50x128xi32, #tpu.memory_space<vmem>> -> memref<1x128xi32, #tpu.memory_space<vmem>>
    %dma_start3A_158 = tpu.memref_squeeze %dma_start3A_157 : memref<1x128xi32, #tpu.memory_space<vmem>> -> memref<128xi32, #tpu.memory_space<vmem>>
    %dma_start3A_159 = arith.constant 0 : i32
    %dma_start3A_160 = arith.constant 0 : i32
    %dma_start3A_161 = tpu.memref_slice %arg2[%dma_start3A_159, %dma_start3A_160] : memref<61440x128xf32, #tpu.memory_space<hbm>> -> memref<61440x128xf32, #tpu.memory_space<hbm>>
    %dma_start3A_162 = tpu.memref_slice %arg11[%dma_start3A_155] : memref<2x!tpu.dma_semaphore, #tpu.memory_space<semaphore_mem>> -> memref<1x!tpu.dma_semaphore, #tpu.memory_space<semaphore_mem>>
    %dma_start3A_163 = tpu.memref_squeeze %dma_start3A_162 : memref<1x!tpu.dma_semaphore, #tpu.memory_space<semaphore_mem>> -> memref<!tpu.dma_semaphore, #tpu.memory_space<semaphore_mem>>
    tpu.enqueue_indirect_dma source(%dma_start3A_161 : memref<61440x128xf32, #tpu.memory_space<hbm>>) target(%arg8 : memref<128x128xf32, #tpu.memory_space<vmem>>) offsets(%dma_start3A_158 : memref<128xi32, #tpu.memory_space<vmem>>) semaphore(%dma_start3A_163 : memref<!tpu.dma_semaphore, #tpu.memory_space<semaphore_mem>>)
    %scan3A_164 = arith.constant 0 : i32
    %scan3A_165 = arith.constant 0 : i32
    %scan3A_166 = arith.constant 24 : i32
    %scan3A_167 = arith.addi %scan3A_165, %scan3A_166 : i32
    %scan3A_168 = arith.constant 1 : i32
    scf.for %scan3A_209 = %scan3A_165 to %scan3A_167 step %scan3A_168  : i32 {
      %mul3A_210 = arith.constant 2 : i32
      %mul3A_211 = arith.muli %scan3A_209, %mul3A_210 : i32
      %dma_wait3A_212 = arith.constant 0 : i32
      %dma_wait3A_213 = arith.constant 0 : i32
      %dma_wait3A_214 = arith.constant 0 : i32
      %dma_wait3A_215 = tpu.memref_slice %arg6[%dma_wait3A_212, %dma_wait3A_214] : memref<50x128xi32, #tpu.memory_space<vmem>> -> memref<1x128xi32, #tpu.memory_space<vmem>>
      %dma_wait3A_216 = tpu.memref_squeeze %dma_wait3A_215 : memref<1x128xi32, #tpu.memory_space<vmem>> -> memref<128xi32, #tpu.memory_space<vmem>>
      %dma_wait3A_217 = arith.constant 0 : i32
      %dma_wait3A_218 = arith.constant 0 : i32
      %dma_wait3A_219 = tpu.memref_slice %arg2[%dma_wait3A_217, %dma_wait3A_218] : memref<61440x128xf32, #tpu.memory_space<hbm>> -> memref<61440x128xf32, #tpu.memory_space<hbm>>
      %dma_wait3A_220 = tpu.memref_slice %arg11[%dma_wait3A_213] : memref<2x!tpu.dma_semaphore, #tpu.memory_space<semaphore_mem>> -> memref<1x!tpu.dma_semaphore, #tpu.memory_space<semaphore_mem>>
      %dma_wait3A_221 = tpu.memref_squeeze %dma_wait3A_220 : memref<1x!tpu.dma_semaphore, #tpu.memory_space<semaphore_mem>> -> memref<!tpu.dma_semaphore, #tpu.memory_space<semaphore_mem>>
      tpu.wait_indirect_dma semaphore(%dma_wait3A_221 : memref<!tpu.dma_semaphore, #tpu.memory_space<semaphore_mem>>) src(%dma_wait3A_219 : memref<61440x128xf32, #tpu.memory_space<hbm>>) dst(%arg8 : memref<128x128xf32, #tpu.memory_space<vmem>>)
      %add3A_222 = arith.constant 0 : i32
      %add3A_223 = arith.addi %mul3A_211, %add3A_222 : i32
      %add3A_224 = arith.constant 1 : i32
      %add3A_225 = arith.addi %add3A_223, %add3A_224 : i32
      %dma_start3A_226 = arith.constant 1 : i32
      %dma_start3A_227 = arith.constant 0 : i32
      %dma_start3A_228 = tpu.memref_slice %arg6[%add3A_225, %dma_start3A_227] : memref<50x128xi32, #tpu.memory_space<vmem>> -> memref<1x128xi32, #tpu.memory_space<vmem>>
      %dma_start3A_229 = tpu.memref_squeeze %dma_start3A_228 : memref<1x128xi32, #tpu.memory_space<vmem>> -> memref<128xi32, #tpu.memory_space<vmem>>
      %dma_start3A_230 = arith.constant 0 : i32
      %dma_start3A_231 = arith.constant 0 : i32
      %dma_start3A_232 = tpu.memref_slice %arg2[%dma_start3A_230, %dma_start3A_231] : memref<61440x128xf32, #tpu.memory_space<hbm>> -> memref<61440x128xf32, #tpu.memory_space<hbm>>
      %dma_start3A_233 = tpu.memref_slice %arg11[%dma_start3A_226] : memref<2x!tpu.dma_semaphore, #tpu.memory_space<semaphore_mem>> -> memref<1x!tpu.dma_semaphore, #tpu.memory_space<semaphore_mem>>
      %dma_start3A_234 = tpu.memref_squeeze %dma_start3A_233 : memref<1x!tpu.dma_semaphore, #tpu.memory_space<semaphore_mem>> -> memref<!tpu.dma_semaphore, #tpu.memory_space<semaphore_mem>>
      tpu.enqueue_indirect_dma source(%dma_start3A_232 : memref<61440x128xf32, #tpu.memory_space<hbm>>) target(%arg9 : memref<128x128xf32, #tpu.memory_space<vmem>>) offsets(%dma_start3A_229 : memref<128xi32, #tpu.memory_space<vmem>>) semaphore(%dma_start3A_234 : memref<!tpu.dma_semaphore, #tpu.memory_space<semaphore_mem>>)
      %add3A_235 = arith.constant 0 : i32
      %add3A_236 = arith.addi %mul3A_211, %add3A_235 : i32
      "tpu.region"() ({
        %run_scoped3A_262 = tpu.sem_alloc : memref<!tpu.dma_semaphore, #tpu.memory_space<semaphore_mem>>
        %dma_start3A_263 = arith.constant 0 : i32
        %dma_start3A_264 = tpu.memref_slice %arg7[%add3A_236, %dma_start3A_263] : memref<50x128xi32, #tpu.memory_space<vmem>> -> memref<1x128xi32, #tpu.memory_space<vmem>>
        %dma_start3A_265 = tpu.memref_squeeze %dma_start3A_264 : memref<1x128xi32, #tpu.memory_space<vmem>> -> memref<128xi32, #tpu.memory_space<vmem>>
        %dma_start3A_266 = arith.constant 0 : i32
        %dma_start3A_267 = arith.constant 0 : i32
        %dma_start3A_268 = tpu.memref_slice %arg10[%dma_start3A_266, %dma_start3A_267] : memref<10240x128xf32, #tpu.memory_space<vmem_shared>> -> memref<10240x128xf32, #tpu.memory_space<vmem_shared>>
        tpu.enqueue_indirect_dma source(%arg8 : memref<128x128xf32, #tpu.memory_space<vmem>>) target(%dma_start3A_268 : memref<10240x128xf32, #tpu.memory_space<vmem_shared>>) offsets(%dma_start3A_265 : memref<128xi32, #tpu.memory_space<vmem>>) semaphore(%run_scoped3A_262 : memref<!tpu.dma_semaphore, #tpu.memory_space<semaphore_mem>>) {add = true}
        %dma_wait3A_269 = arith.constant 0 : i32
        %dma_wait3A_270 = tpu.memref_slice %arg7[%add3A_236, %dma_wait3A_269] : memref<50x128xi32, #tpu.memory_space<vmem>> -> memref<1x128xi32, #tpu.memory_space<vmem>>
        %dma_wait3A_271 = tpu.memref_squeeze %dma_wait3A_270 : memref<1x128xi32, #tpu.memory_space<vmem>> -> memref<128xi32, #tpu.memory_space<vmem>>
        %dma_wait3A_272 = arith.constant 0 : i32
        %dma_wait3A_273 = arith.constant 0 : i32
        %dma_wait3A_274 = tpu.memref_slice %arg10[%dma_wait3A_272, %dma_wait3A_273] : memref<10240x128xf32, #tpu.memory_space<vmem_shared>> -> memref<10240x128xf32, #tpu.memory_space<vmem_shared>>
        tpu.wait_indirect_dma semaphore(%run_scoped3A_262 : memref<!tpu.dma_semaphore, #tpu.memory_space<semaphore_mem>>) src(%arg8 : memref<128x128xf32, #tpu.memory_space<vmem>>) dst(%dma_wait3A_274 : memref<10240x128xf32, #tpu.memory_space<vmem_shared>>)
        tpu.yield
      }) : () -> ()
      %dma_wait3A_237 = arith.constant 0 : i32
      %dma_wait3A_238 = arith.constant 1 : i32
      %dma_wait3A_239 = arith.constant 0 : i32
      %dma_wait3A_240 = tpu.memref_slice %arg6[%dma_wait3A_237, %dma_wait3A_239] : memref<50x128xi32, #tpu.memory_space<vmem>> -> memref<1x128xi32, #tpu.memory_space<vmem>>
      %dma_wait3A_241 = tpu.memref_squeeze %dma_wait3A_240 : memref<1x128xi32, #tpu.memory_space<vmem>> -> memref<128xi32, #tpu.memory_space<vmem>>
      %dma_wait3A_242 = arith.constant 0 : i32
      %dma_wait3A_243 = arith.constant 0 : i32
      %dma_wait3A_244 = tpu.memref_slice %arg2[%dma_wait3A_242, %dma_wait3A_243] : memref<61440x128xf32, #tpu.memory_space<hbm>> -> memref<61440x128xf32, #tpu.memory_space<hbm>>
      %dma_wait3A_245 = tpu.memref_slice %arg11[%dma_wait3A_238] : memref<2x!tpu.dma_semaphore, #tpu.memory_space<semaphore_mem>> -> memref<1x!tpu.dma_semaphore, #tpu.memory_space<semaphore_mem>>
      %dma_wait3A_246 = tpu.memref_squeeze %dma_wait3A_245 : memref<1x!tpu.dma_semaphore, #tpu.memory_space<semaphore_mem>> -> memref<!tpu.dma_semaphore, #tpu.memory_space<semaphore_mem>>
      tpu.wait_indirect_dma semaphore(%dma_wait3A_246 : memref<!tpu.dma_semaphore, #tpu.memory_space<semaphore_mem>>) src(%dma_wait3A_244 : memref<61440x128xf32, #tpu.memory_space<hbm>>) dst(%arg9 : memref<128x128xf32, #tpu.memory_space<vmem>>)
      %add3A_247 = arith.constant 1 : i32
      %add3A_248 = arith.addi %mul3A_211, %add3A_247 : i32
      %add3A_249 = arith.constant 1 : i32
      %add3A_250 = arith.addi %add3A_248, %add3A_249 : i32
      %dma_start3A_251 = arith.constant 0 : i32
      %dma_start3A_252 = arith.constant 0 : i32
      %dma_start3A_253 = tpu.memref_slice %arg6[%add3A_250, %dma_start3A_252] : memref<50x128xi32, #tpu.memory_space<vmem>> -> memref<1x128xi32, #tpu.memory_space<vmem>>
      %dma_start3A_254 = tpu.memref_squeeze %dma_start3A_253 : memref<1x128xi32, #tpu.memory_space<vmem>> -> memref<128xi32, #tpu.memory_space<vmem>>
      %dma_start3A_255 = arith.constant 0 : i32
      %dma_start3A_256 = arith.constant 0 : i32
      %dma_start3A_257 = tpu.memref_slice %arg2[%dma_start3A_255, %dma_start3A_256] : memref<61440x128xf32, #tpu.memory_space<hbm>> -> memref<61440x128xf32, #tpu.memory_space<hbm>>
      %dma_start3A_258 = tpu.memref_slice %arg11[%dma_start3A_251] : memref<2x!tpu.dma_semaphore, #tpu.memory_space<semaphore_mem>> -> memref<1x!tpu.dma_semaphore, #tpu.memory_space<semaphore_mem>>
      %dma_start3A_259 = tpu.memref_squeeze %dma_start3A_258 : memref<1x!tpu.dma_semaphore, #tpu.memory_space<semaphore_mem>> -> memref<!tpu.dma_semaphore, #tpu.memory_space<semaphore_mem>>
      tpu.enqueue_indirect_dma source(%dma_start3A_257 : memref<61440x128xf32, #tpu.memory_space<hbm>>) target(%arg8 : memref<128x128xf32, #tpu.memory_space<vmem>>) offsets(%dma_start3A_254 : memref<128xi32, #tpu.memory_space<vmem>>) semaphore(%dma_start3A_259 : memref<!tpu.dma_semaphore, #tpu.memory_space<semaphore_mem>>)
      %add3A_260 = arith.constant 1 : i32
      %add3A_261 = arith.addi %mul3A_211, %add3A_260 : i32
      "tpu.region"() ({
        %run_scoped3A_262 = tpu.sem_alloc : memref<!tpu.dma_semaphore, #tpu.memory_space<semaphore_mem>>
        %dma_start3A_263 = arith.constant 0 : i32
        %dma_start3A_264 = tpu.memref_slice %arg7[%add3A_261, %dma_start3A_263] : memref<50x128xi32, #tpu.memory_space<vmem>> -> memref<1x128xi32, #tpu.memory_space<vmem>>
        %dma_start3A_265 = tpu.memref_squeeze %dma_start3A_264 : memref<1x128xi32, #tpu.memory_space<vmem>> -> memref<128xi32, #tpu.memory_space<vmem>>
        %dma_start3A_266 = arith.constant 0 : i32
        %dma_start3A_267 = arith.constant 0 : i32
        %dma_start3A_268 = tpu.memref_slice %arg10[%dma_start3A_266, %dma_start3A_267] : memref<10240x128xf32, #tpu.memory_space<vmem_shared>> -> memref<10240x128xf32, #tpu.memory_space<vmem_shared>>
        tpu.enqueue_indirect_dma source(%arg9 : memref<128x128xf32, #tpu.memory_space<vmem>>) target(%dma_start3A_268 : memref<10240x128xf32, #tpu.memory_space<vmem_shared>>) offsets(%dma_start3A_265 : memref<128xi32, #tpu.memory_space<vmem>>) semaphore(%run_scoped3A_262 : memref<!tpu.dma_semaphore, #tpu.memory_space<semaphore_mem>>) {add = true}
        %dma_wait3A_269 = arith.constant 0 : i32
        %dma_wait3A_270 = tpu.memref_slice %arg7[%add3A_261, %dma_wait3A_269] : memref<50x128xi32, #tpu.memory_space<vmem>> -> memref<1x128xi32, #tpu.memory_space<vmem>>
        %dma_wait3A_271 = tpu.memref_squeeze %dma_wait3A_270 : memref<1x128xi32, #tpu.memory_space<vmem>> -> memref<128xi32, #tpu.memory_space<vmem>>
        %dma_wait3A_272 = arith.constant 0 : i32
        %dma_wait3A_273 = arith.constant 0 : i32
        %dma_wait3A_274 = tpu.memref_slice %arg10[%dma_wait3A_272, %dma_wait3A_273] : memref<10240x128xf32, #tpu.memory_space<vmem_shared>> -> memref<10240x128xf32, #tpu.memory_space<vmem_shared>>
        tpu.wait_indirect_dma semaphore(%run_scoped3A_262 : memref<!tpu.dma_semaphore, #tpu.memory_space<semaphore_mem>>) src(%arg9 : memref<128x128xf32, #tpu.memory_space<vmem>>) dst(%dma_wait3A_274 : memref<10240x128xf32, #tpu.memory_space<vmem_shared>>)
        tpu.yield
      }) : () -> ()
    }
    %scan3A_169 = arith.constant 24 : i32
    %dma_wait3A_170 = arith.constant 0 : i32
    %dma_wait3A_171 = arith.constant 0 : i32
    %dma_wait3A_172 = arith.constant 0 : i32
    %dma_wait3A_173 = tpu.memref_slice %arg6[%dma_wait3A_170, %dma_wait3A_172] : memref<50x128xi32, #tpu.memory_space<vmem>> -> memref<1x128xi32, #tpu.memory_space<vmem>>
    %dma_wait3A_174 = tpu.memref_squeeze %dma_wait3A_173 : memref<1x128xi32, #tpu.memory_space<vmem>> -> memref<128xi32, #tpu.memory_space<vmem>>
    %dma_wait3A_175 = arith.constant 0 : i32
    %dma_wait3A_176 = arith.constant 0 : i32
    %dma_wait3A_177 = tpu.memref_slice %arg2[%dma_wait3A_175, %dma_wait3A_176] : memref<61440x128xf32, #tpu.memory_space<hbm>> -> memref<61440x128xf32, #tpu.memory_space<hbm>>
    %dma_wait3A_178 = tpu.memref_slice %arg11[%dma_wait3A_171] : memref<2x!tpu.dma_semaphore, #tpu.memory_space<semaphore_mem>> -> memref<1x!tpu.dma_semaphore, #tpu.memory_space<semaphore_mem>>
    %dma_wait3A_179 = tpu.memref_squeeze %dma_wait3A_178 : memref<1x!tpu.dma_semaphore, #tpu.memory_space<semaphore_mem>> -> memref<!tpu.dma_semaphore, #tpu.memory_space<semaphore_mem>>
    tpu.wait_indirect_dma semaphore(%dma_wait3A_179 : memref<!tpu.dma_semaphore, #tpu.memory_space<semaphore_mem>>) src(%dma_wait3A_177 : memref<61440x128xf32, #tpu.memory_space<hbm>>) dst(%arg8 : memref<128x128xf32, #tpu.memory_space<vmem>>)
    %dma_start3A_180 = arith.constant 49 : i32
    %dma_start3A_181 = arith.constant 1 : i32
    %dma_start3A_182 = arith.constant 0 : i32
    %dma_start3A_183 = tpu.memref_slice %arg6[%dma_start3A_180, %dma_start3A_182] : memref<50x128xi32, #tpu.memory_space<vmem>> -> memref<1x128xi32, #tpu.memory_space<vmem>>
    %dma_start3A_184 = tpu.memref_squeeze %dma_start3A_183 : memref<1x128xi32, #tpu.memory_space<vmem>> -> memref<128xi32, #tpu.memory_space<vmem>>
    %dma_start3A_185 = arith.constant 0 : i32
    %dma_start3A_186 = arith.constant 0 : i32
    %dma_start3A_187 = tpu.memref_slice %arg2[%dma_start3A_185, %dma_start3A_186] : memref<61440x128xf32, #tpu.memory_space<hbm>> -> memref<61440x128xf32, #tpu.memory_space<hbm>>
    %dma_start3A_188 = tpu.memref_slice %arg11[%dma_start3A_181] : memref<2x!tpu.dma_semaphore, #tpu.memory_space<semaphore_mem>> -> memref<1x!tpu.dma_semaphore, #tpu.memory_space<semaphore_mem>>
    %dma_start3A_189 = tpu.memref_squeeze %dma_start3A_188 : memref<1x!tpu.dma_semaphore, #tpu.memory_space<semaphore_mem>> -> memref<!tpu.dma_semaphore, #tpu.memory_space<semaphore_mem>>
    tpu.enqueue_indirect_dma source(%dma_start3A_187 : memref<61440x128xf32, #tpu.memory_space<hbm>>) target(%arg9 : memref<128x128xf32, #tpu.memory_space<vmem>>) offsets(%dma_start3A_184 : memref<128xi32, #tpu.memory_space<vmem>>) semaphore(%dma_start3A_189 : memref<!tpu.dma_semaphore, #tpu.memory_space<semaphore_mem>>)
    %run_scoped3A_190 = arith.constant 48 : i32
    "tpu.region"() ({
      %run_scoped3A_209 = tpu.sem_alloc : memref<!tpu.dma_semaphore, #tpu.memory_space<semaphore_mem>>
      %dma_start3A_210 = arith.constant 0 : i32
      %dma_start3A_211 = tpu.memref_slice %arg7[%run_scoped3A_190, %dma_start3A_210] : memref<50x128xi32, #tpu.memory_space<vmem>> -> memref<1x128xi32, #tpu.memory_space<vmem>>
      %dma_start3A_212 = tpu.memref_squeeze %dma_start3A_211 : memref<1x128xi32, #tpu.memory_space<vmem>> -> memref<128xi32, #tpu.memory_space<vmem>>
      %dma_start3A_213 = arith.constant 0 : i32
      %dma_start3A_214 = arith.constant 0 : i32
      %dma_start3A_215 = tpu.memref_slice %arg10[%dma_start3A_213, %dma_start3A_214] : memref<10240x128xf32, #tpu.memory_space<vmem_shared>> -> memref<10240x128xf32, #tpu.memory_space<vmem_shared>>
      tpu.enqueue_indirect_dma source(%arg8 : memref<128x128xf32, #tpu.memory_space<vmem>>) target(%dma_start3A_215 : memref<10240x128xf32, #tpu.memory_space<vmem_shared>>) offsets(%dma_start3A_212 : memref<128xi32, #tpu.memory_space<vmem>>) semaphore(%run_scoped3A_209 : memref<!tpu.dma_semaphore, #tpu.memory_space<semaphore_mem>>) {add = true}
      %dma_wait3A_216 = arith.constant 0 : i32
      %dma_wait3A_217 = tpu.memref_slice %arg7[%run_scoped3A_190, %dma_wait3A_216] : memref<50x128xi32, #tpu.memory_space<vmem>> -> memref<1x128xi32, #tpu.memory_space<vmem>>
      %dma_wait3A_218 = tpu.memref_squeeze %dma_wait3A_217 : memref<1x128xi32, #tpu.memory_space<vmem>> -> memref<128xi32, #tpu.memory_space<vmem>>
      %dma_wait3A_219 = arith.constant 0 : i32
      %dma_wait3A_220 = arith.constant 0 : i32
      %dma_wait3A_221 = tpu.memref_slice %arg10[%dma_wait3A_219, %dma_wait3A_220] : memref<10240x128xf32, #tpu.memory_space<vmem_shared>> -> memref<10240x128xf32, #tpu.memory_space<vmem_shared>>
      tpu.wait_indirect_dma semaphore(%run_scoped3A_209 : memref<!tpu.dma_semaphore, #tpu.memory_space<semaphore_mem>>) src(%arg8 : memref<128x128xf32, #tpu.memory_space<vmem>>) dst(%dma_wait3A_221 : memref<10240x128xf32, #tpu.memory_space<vmem_shared>>)
      tpu.yield
    }) : () -> ()
    %dma_wait3A_191 = arith.constant 0 : i32
    %dma_wait3A_192 = arith.constant 1 : i32
    %dma_wait3A_193 = arith.constant 0 : i32
    %dma_wait3A_194 = tpu.memref_slice %arg6[%dma_wait3A_191, %dma_wait3A_193] : memref<50x128xi32, #tpu.memory_space<vmem>> -> memref<1x128xi32, #tpu.memory_space<vmem>>
    %dma_wait3A_195 = tpu.memref_squeeze %dma_wait3A_194 : memref<1x128xi32, #tpu.memory_space<vmem>> -> memref<128xi32, #tpu.memory_space<vmem>>
    %dma_wait3A_196 = arith.constant 0 : i32
    %dma_wait3A_197 = arith.constant 0 : i32
    %dma_wait3A_198 = tpu.memref_slice %arg2[%dma_wait3A_196, %dma_wait3A_197] : memref<61440x128xf32, #tpu.memory_space<hbm>> -> memref<61440x128xf32, #tpu.memory_space<hbm>>
    %dma_wait3A_199 = tpu.memref_slice %arg11[%dma_wait3A_192] : memref<2x!tpu.dma_semaphore, #tpu.memory_space<semaphore_mem>> -> memref<1x!tpu.dma_semaphore, #tpu.memory_space<semaphore_mem>>
    %dma_wait3A_200 = tpu.memref_squeeze %dma_wait3A_199 : memref<1x!tpu.dma_semaphore, #tpu.memory_space<semaphore_mem>> -> memref<!tpu.dma_semaphore, #tpu.memory_space<semaphore_mem>>
    tpu.wait_indirect_dma semaphore(%dma_wait3A_200 : memref<!tpu.dma_semaphore, #tpu.memory_space<semaphore_mem>>) src(%dma_wait3A_198 : memref<61440x128xf32, #tpu.memory_space<hbm>>) dst(%arg9 : memref<128x128xf32, #tpu.memory_space<vmem>>)
    %run_scoped3A_201 = arith.constant 49 : i32
    "tpu.region"() ({
      %run_scoped3A_209 = tpu.sem_alloc : memref<!tpu.dma_semaphore, #tpu.memory_space<semaphore_mem>>
      %dma_start3A_210 = arith.constant 0 : i32
      %dma_start3A_211 = tpu.memref_slice %arg7[%run_scoped3A_201, %dma_start3A_210] : memref<50x128xi32, #tpu.memory_space<vmem>> -> memref<1x128xi32, #tpu.memory_space<vmem>>
      %dma_start3A_212 = tpu.memref_squeeze %dma_start3A_211 : memref<1x128xi32, #tpu.memory_space<vmem>> -> memref<128xi32, #tpu.memory_space<vmem>>
      %dma_start3A_213 = arith.constant 0 : i32
      %dma_start3A_214 = arith.constant 0 : i32
      %dma_start3A_215 = tpu.memref_slice %arg10[%dma_start3A_213, %dma_start3A_214] : memref<10240x128xf32, #tpu.memory_space<vmem_shared>> -> memref<10240x128xf32, #tpu.memory_space<vmem_shared>>
      tpu.enqueue_indirect_dma source(%arg9 : memref<128x128xf32, #tpu.memory_space<vmem>>) target(%dma_start3A_215 : memref<10240x128xf32, #tpu.memory_space<vmem_shared>>) offsets(%dma_start3A_212 : memref<128xi32, #tpu.memory_space<vmem>>) semaphore(%run_scoped3A_209 : memref<!tpu.dma_semaphore, #tpu.memory_space<semaphore_mem>>) {add = true}
      %dma_wait3A_216 = arith.constant 0 : i32
      %dma_wait3A_217 = tpu.memref_slice %arg7[%run_scoped3A_201, %dma_wait3A_216] : memref<50x128xi32, #tpu.memory_space<vmem>> -> memref<1x128xi32, #tpu.memory_space<vmem>>
      %dma_wait3A_218 = tpu.memref_squeeze %dma_wait3A_217 : memref<1x128xi32, #tpu.memory_space<vmem>> -> memref<128xi32, #tpu.memory_space<vmem>>
      %dma_wait3A_219 = arith.constant 0 : i32
      %dma_wait3A_220 = arith.constant 0 : i32
      %dma_wait3A_221 = tpu.memref_slice %arg10[%dma_wait3A_219, %dma_wait3A_220] : memref<10240x128xf32, #tpu.memory_space<vmem_shared>> -> memref<10240x128xf32, #tpu.memory_space<vmem_shared>>
      tpu.wait_indirect_dma semaphore(%run_scoped3A_209 : memref<!tpu.dma_semaphore, #tpu.memory_space<semaphore_mem>>) src(%arg9 : memref<128x128xf32, #tpu.memory_space<vmem>>) dst(%dma_wait3A_221 : memref<10240x128xf32, #tpu.memory_space<vmem_shared>>)
      tpu.yield
    }) : () -> ()
    %barrier3A_202 = arith.constant 0 : index
    tpu.barrier barrier_id(%barrier3A_202)
    %mul3A_203 = arith.constant 640 : i32
    %mul3A_204 = arith.muli %arg1, %mul3A_203 : i32
    %mul3A_205 = arith.constant 10240 : i32
    %mul3A_206 = arith.muli %add3A_140, %mul3A_205 : i32
    %add3A_207 = arith.addi %mul3A_206, %mul3A_204 : i32
    "tpu.region"() ({
      %run_scoped3A_209 = tpu.sem_alloc : memref<!tpu.dma_semaphore, #tpu.memory_space<semaphore_mem>>
      %dma_start3A_210 = arith.constant 0 : i32
      %dma_start3A_211 = tpu.memref_slice %arg5[%add3A_207, %dma_start3A_210] : memref<61440x128xf32, #tpu.memory_space<hbm>> -> memref<640x128xf32, #tpu.memory_space<hbm>>
      %dma_start3A_212 = arith.constant 0 : i32
      %dma_start3A_213 = tpu.memref_slice %arg10[%mul3A_204, %dma_start3A_212] : memref<10240x128xf32, #tpu.memory_space<vmem_shared>> -> memref<640x128xf32, #tpu.memory_space<vmem_shared>>
      tpu.enqueue_dma source(%dma_start3A_213 : memref<640x128xf32, #tpu.memory_space<vmem_shared>>) target(%dma_start3A_211 : memref<640x128xf32, #tpu.memory_space<hbm>>) target_semaphore(%run_scoped3A_209 : memref<!tpu.dma_semaphore, #tpu.memory_space<semaphore_mem>>)
      %dma_wait3A_214 = arith.constant 0 : i32
      %dma_wait3A_215 = tpu.memref_slice %arg5[%add3A_207, %dma_wait3A_214] : memref<61440x128xf32, #tpu.memory_space<hbm>> -> memref<640x128xf32, #tpu.memory_space<hbm>>
      %dma_wait3A_216 = arith.constant 0 : i32
      %dma_wait3A_217 = tpu.memref_slice %arg10[%mul3A_204, %dma_wait3A_216] : memref<10240x128xf32, #tpu.memory_space<vmem_shared>> -> memref<640x128xf32, #tpu.memory_space<vmem_shared>>
      tpu.wait_dma2 semaphore(%run_scoped3A_209 : memref<!tpu.dma_semaphore, #tpu.memory_space<semaphore_mem>>) src(%dma_wait3A_217 : memref<640x128xf32, #tpu.memory_space<vmem_shared>>) dst(%dma_wait3A_215 : memref<640x128xf32, #tpu.memory_space<hbm>>)
      tpu.yield
    }) : () -> ()
    %barrier3A_208 = arith.constant 0 : index
    tpu.barrier barrier_id(%barrier3A_208)
    return
  }
}

#map = affine_map<(d0, d1) -> (0, 0)>
#map1 = affine_map<(d0, d1) -> (0, 0, 0, 0)>
#map2 = affine_map<(d0, d1) -> (0, 0, 0)>
#map3 = affine_map<(d0, d1) -> (0)>
module attributes {stable_mosaic.version = 14 : i64} {
  func.func @_pass2_body(%arg0: i32, %arg1: i32, %arg2: memref<61440x128xf32, #tpu.memory_space<hbm>>, %arg3: memref<6x16x50x128xi32, #tpu.memory_space<hbm>>, %arg4: memref<16x50x128xi32, #tpu.memory_space<hbm>>, %arg5: memref<32x80xi32, #tpu.memory_space<hbm>>, %arg6: memref<6x32x80xi32, #tpu.memory_space<hbm>>, %arg7: memref<10240xf32, #tpu.memory_space<hbm>>, %arg8: memref<15360x128xf32, #tpu.memory_space<hbm>>, %arg9: memref<15360x128xf32, #tpu.memory_space<hbm>>, %arg10: memref<2560xf32, #tpu.memory_space<hbm>>, %arg11: memref<50x128xi32, #tpu.memory_space<vmem>>, %arg12: memref<50x128xi32, #tpu.memory_space<vmem>>, %arg13: memref<128x128xf32, #tpu.memory_space<vmem>>, %arg14: memref<128x128xf32, #tpu.memory_space<vmem>>, %arg15: memref<80xi32, #tpu.memory_space<vmem>>, %arg16: memref<80xi32, #tpu.memory_space<vmem>>, %arg17: memref<80xf32, #tpu.memory_space<vmem>>, %arg18: memref<10240x128xf32, #tpu.memory_space<vmem_shared>>, %arg19: memref<2x!tpu.dma_semaphore, #tpu.memory_space<semaphore_mem>>) attributes {dimension_semantics = [#tpu.dimension_semantics<core_parallel>, #tpu.dimension_semantics<subcore_parallel>], iteration_bounds = array<i64: 2, 16>, scalar_prefetch = 0 : i64, scratch_operands = 9 : i64, tpu.core_type = #tpu.core_type<sc_vector_subcore>, window_params = [{transform_indices = #map}, {transform_indices = #map1}, {transform_indices = #map2}, {transform_indices = #map}, {transform_indices = #map2}, {transform_indices = #map3}, {transform_indices = #map}, {transform_indices = #map}, {transform_indices = #map3}]} {
    %eq3A = arith.constant 0 : i32
    %eq3A_0 = arith.cmpi eq, %arg0, %eq3A : i32
    %convert_element_type3A = arith.extui %eq3A_0 : i1 to i32
    %cond3A = arith.constant 0 : i32
    %cond3A_1 = arith.cmpi ne, %convert_element_type3A, %cond3A : i32
    scf.if %cond3A_1 {
      %mul3A_520 = arith.constant 160 : i32
      %mul3A_521 = arith.muli %arg1, %mul3A_520 : i32
      %add3A_522 = arith.constant 0 : i32
      %add3A_523 = arith.addi %mul3A_521, %add3A_522 : i32
      %mul3A_524 = arith.constant 2 : i32
      %mul3A_525 = arith.muli %mul3A_524, %arg1 : i32
      %add3A_526 = arith.constant 0 : i32
      %add3A_527 = arith.addi %mul3A_525, %add3A_526 : i32
      "tpu.region"() ({
        %run_scoped3A_556 = tpu.sem_alloc : memref<!tpu.dma_semaphore, #tpu.memory_space<semaphore_mem>>
        %dma_start3A_557 = arith.constant 0 : i32
        %dma_start3A_558 = tpu.memref_slice %arg5[%add3A_527, %dma_start3A_557] : memref<32x80xi32, #tpu.memory_space<hbm>> -> memref<1x80xi32, #tpu.memory_space<hbm>>
        %dma_start3A_559 = tpu.memref_squeeze %dma_start3A_558 : memref<1x80xi32, #tpu.memory_space<hbm>> -> memref<80xi32, #tpu.memory_space<hbm>>
        %dma_start3A_560 = arith.constant 0 : i32
        %dma_start3A_561 = tpu.memref_slice %arg5[%add3A_527, %dma_start3A_560] : memref<32x80xi32, #tpu.memory_space<hbm>> -> memref<1x80xi32, #tpu.memory_space<hbm>>
        %dma_start3A_562 = tpu.memref_squeeze %dma_start3A_561 : memref<1x80xi32, #tpu.memory_space<hbm>> -> memref<80xi32, #tpu.memory_space<hbm>>
        tpu.enqueue_dma source(%dma_start3A_562 : memref<80xi32, #tpu.memory_space<hbm>>) target(%arg15 : memref<80xi32, #tpu.memory_space<vmem>>) target_semaphore(%run_scoped3A_556 : memref<!tpu.dma_semaphore, #tpu.memory_space<semaphore_mem>>)
        %dma_wait3A_563 = arith.constant 0 : i32
        %dma_wait3A_564 = tpu.memref_slice %arg5[%add3A_527, %dma_wait3A_563] : memref<32x80xi32, #tpu.memory_space<hbm>> -> memref<1x80xi32, #tpu.memory_space<hbm>>
        %dma_wait3A_565 = tpu.memref_squeeze %dma_wait3A_564 : memref<1x80xi32, #tpu.memory_space<hbm>> -> memref<80xi32, #tpu.memory_space<hbm>>
        %dma_wait3A_566 = arith.constant 0 : i32
        %dma_wait3A_567 = tpu.memref_slice %arg5[%add3A_527, %dma_wait3A_566] : memref<32x80xi32, #tpu.memory_space<hbm>> -> memref<1x80xi32, #tpu.memory_space<hbm>>
        %dma_wait3A_568 = tpu.memref_squeeze %dma_wait3A_567 : memref<1x80xi32, #tpu.memory_space<hbm>> -> memref<80xi32, #tpu.memory_space<hbm>>
        tpu.wait_dma2 semaphore(%run_scoped3A_556 : memref<!tpu.dma_semaphore, #tpu.memory_space<semaphore_mem>>) src(%dma_wait3A_568 : memref<80xi32, #tpu.memory_space<hbm>>) dst(%arg15 : memref<80xi32, #tpu.memory_space<vmem>>)
        tpu.yield
      }) : () -> ()
      %dma_start3A_528 = arith.constant 0 : i32
      %dma_start3A_529 = arith.constant 0 : i32
      %dma_start3A_530 = tpu.memref_slice %arg7[%dma_start3A_529] : memref<10240xf32, #tpu.memory_space<hbm>> -> memref<10240xf32, #tpu.memory_space<hbm>>
      %dma_start3A_531 = tpu.memref_slice %arg19[%dma_start3A_528] : memref<2x!tpu.dma_semaphore, #tpu.memory_space<semaphore_mem>> -> memref<1x!tpu.dma_semaphore, #tpu.memory_space<semaphore_mem>>
      %dma_start3A_532 = tpu.memref_squeeze %dma_start3A_531 : memref<1x!tpu.dma_semaphore, #tpu.memory_space<semaphore_mem>> -> memref<!tpu.dma_semaphore, #tpu.memory_space<semaphore_mem>>
      tpu.enqueue_indirect_dma source(%dma_start3A_530 : memref<10240xf32, #tpu.memory_space<hbm>>) target(%arg17 : memref<80xf32, #tpu.memory_space<vmem>>) offsets(%arg15 : memref<80xi32, #tpu.memory_space<vmem>>) semaphore(%dma_start3A_532 : memref<!tpu.dma_semaphore, #tpu.memory_space<semaphore_mem>>)
      %dma_wait3A_533 = arith.constant 0 : i32
      %dma_wait3A_534 = arith.constant 0 : i32
      %dma_wait3A_535 = tpu.memref_slice %arg7[%dma_wait3A_534] : memref<10240xf32, #tpu.memory_space<hbm>> -> memref<10240xf32, #tpu.memory_space<hbm>>
      %dma_wait3A_536 = tpu.memref_slice %arg19[%dma_wait3A_533] : memref<2x!tpu.dma_semaphore, #tpu.memory_space<semaphore_mem>> -> memref<1x!tpu.dma_semaphore, #tpu.memory_space<semaphore_mem>>
      %dma_wait3A_537 = tpu.memref_squeeze %dma_wait3A_536 : memref<1x!tpu.dma_semaphore, #tpu.memory_space<semaphore_mem>> -> memref<!tpu.dma_semaphore, #tpu.memory_space<semaphore_mem>>
      tpu.wait_indirect_dma semaphore(%dma_wait3A_537 : memref<!tpu.dma_semaphore, #tpu.memory_space<semaphore_mem>>) src(%dma_wait3A_535 : memref<10240xf32, #tpu.memory_space<hbm>>) dst(%arg17 : memref<80xf32, #tpu.memory_space<vmem>>)
      "tpu.region"() ({
        %run_scoped3A_556 = tpu.sem_alloc : memref<!tpu.dma_semaphore, #tpu.memory_space<semaphore_mem>>
        %dma_start3A_557 = tpu.memref_slice %arg10[%add3A_523] : memref<2560xf32, #tpu.memory_space<hbm>> -> memref<80xf32, #tpu.memory_space<hbm>>
        %dma_start3A_558 = tpu.memref_slice %arg10[%add3A_523] : memref<2560xf32, #tpu.memory_space<hbm>> -> memref<80xf32, #tpu.memory_space<hbm>>
        tpu.enqueue_dma source(%arg17 : memref<80xf32, #tpu.memory_space<vmem>>) target(%dma_start3A_558 : memref<80xf32, #tpu.memory_space<hbm>>) target_semaphore(%run_scoped3A_556 : memref<!tpu.dma_semaphore, #tpu.memory_space<semaphore_mem>>)
        %dma_wait3A_559 = tpu.memref_slice %arg10[%add3A_523] : memref<2560xf32, #tpu.memory_space<hbm>> -> memref<80xf32, #tpu.memory_space<hbm>>
        %dma_wait3A_560 = tpu.memref_slice %arg10[%add3A_523] : memref<2560xf32, #tpu.memory_space<hbm>> -> memref<80xf32, #tpu.memory_space<hbm>>
        tpu.wait_dma2 semaphore(%run_scoped3A_556 : memref<!tpu.dma_semaphore, #tpu.memory_space<semaphore_mem>>) src(%arg17 : memref<80xf32, #tpu.memory_space<vmem>>) dst(%dma_wait3A_560 : memref<80xf32, #tpu.memory_space<hbm>>)
        tpu.yield
      }) : () -> ()
      %mul3A_538 = arith.constant 160 : i32
      %mul3A_539 = arith.muli %arg1, %mul3A_538 : i32
      %add3A_540 = arith.constant 80 : i32
      %add3A_541 = arith.addi %mul3A_539, %add3A_540 : i32
      %mul3A_542 = arith.constant 2 : i32
      %mul3A_543 = arith.muli %mul3A_542, %arg1 : i32
      %add3A_544 = arith.constant 1 : i32
      %add3A_545 = arith.addi %mul3A_543, %add3A_544 : i32
      "tpu.region"() ({
        %run_scoped3A_556 = tpu.sem_alloc : memref<!tpu.dma_semaphore, #tpu.memory_space<semaphore_mem>>
        %dma_start3A_557 = arith.constant 0 : i32
        %dma_start3A_558 = tpu.memref_slice %arg5[%add3A_545, %dma_start3A_557] : memref<32x80xi32, #tpu.memory_space<hbm>> -> memref<1x80xi32, #tpu.memory_space<hbm>>
        %dma_start3A_559 = tpu.memref_squeeze %dma_start3A_558 : memref<1x80xi32, #tpu.memory_space<hbm>> -> memref<80xi32, #tpu.memory_space<hbm>>
        %dma_start3A_560 = arith.constant 0 : i32
        %dma_start3A_561 = tpu.memref_slice %arg5[%add3A_545, %dma_start3A_560] : memref<32x80xi32, #tpu.memory_space<hbm>> -> memref<1x80xi32, #tpu.memory_space<hbm>>
        %dma_start3A_562 = tpu.memref_squeeze %dma_start3A_561 : memref<1x80xi32, #tpu.memory_space<hbm>> -> memref<80xi32, #tpu.memory_space<hbm>>
        tpu.enqueue_dma source(%dma_start3A_562 : memref<80xi32, #tpu.memory_space<hbm>>) target(%arg15 : memref<80xi32, #tpu.memory_space<vmem>>) target_semaphore(%run_scoped3A_556 : memref<!tpu.dma_semaphore, #tpu.memory_space<semaphore_mem>>)
        %dma_wait3A_563 = arith.constant 0 : i32
        %dma_wait3A_564 = tpu.memref_slice %arg5[%add3A_545, %dma_wait3A_563] : memref<32x80xi32, #tpu.memory_space<hbm>> -> memref<1x80xi32, #tpu.memory_space<hbm>>
        %dma_wait3A_565 = tpu.memref_squeeze %dma_wait3A_564 : memref<1x80xi32, #tpu.memory_space<hbm>> -> memref<80xi32, #tpu.memory_space<hbm>>
        %dma_wait3A_566 = arith.constant 0 : i32
        %dma_wait3A_567 = tpu.memref_slice %arg5[%add3A_545, %dma_wait3A_566] : memref<32x80xi32, #tpu.memory_space<hbm>> -> memref<1x80xi32, #tpu.memory_space<hbm>>
        %dma_wait3A_568 = tpu.memref_squeeze %dma_wait3A_567 : memref<1x80xi32, #tpu.memory_space<hbm>> -> memref<80xi32, #tpu.memory_space<hbm>>
        tpu.wait_dma2 semaphore(%run_scoped3A_556 : memref<!tpu.dma_semaphore, #tpu.memory_space<semaphore_mem>>) src(%dma_wait3A_568 : memref<80xi32, #tpu.memory_space<hbm>>) dst(%arg15 : memref<80xi32, #tpu.memory_space<vmem>>)
        tpu.yield
      }) : () -> ()
      %dma_start3A_546 = arith.constant 0 : i32
      %dma_start3A_547 = arith.constant 0 : i32
      %dma_start3A_548 = tpu.memref_slice %arg7[%dma_start3A_547] : memref<10240xf32, #tpu.memory_space<hbm>> -> memref<10240xf32, #tpu.memory_space<hbm>>
      %dma_start3A_549 = tpu.memref_slice %arg19[%dma_start3A_546] : memref<2x!tpu.dma_semaphore, #tpu.memory_space<semaphore_mem>> -> memref<1x!tpu.dma_semaphore, #tpu.memory_space<semaphore_mem>>
      %dma_start3A_550 = tpu.memref_squeeze %dma_start3A_549 : memref<1x!tpu.dma_semaphore, #tpu.memory_space<semaphore_mem>> -> memref<!tpu.dma_semaphore, #tpu.memory_space<semaphore_mem>>
      tpu.enqueue_indirect_dma source(%dma_start3A_548 : memref<10240xf32, #tpu.memory_space<hbm>>) target(%arg17 : memref<80xf32, #tpu.memory_space<vmem>>) offsets(%arg15 : memref<80xi32, #tpu.memory_space<vmem>>) semaphore(%dma_start3A_550 : memref<!tpu.dma_semaphore, #tpu.memory_space<semaphore_mem>>)
      %dma_wait3A_551 = arith.constant 0 : i32
      %dma_wait3A_552 = arith.constant 0 : i32
      %dma_wait3A_553 = tpu.memref_slice %arg7[%dma_wait3A_552] : memref<10240xf32, #tpu.memory_space<hbm>> -> memref<10240xf32, #tpu.memory_space<hbm>>
      %dma_wait3A_554 = tpu.memref_slice %arg19[%dma_wait3A_551] : memref<2x!tpu.dma_semaphore, #tpu.memory_space<semaphore_mem>> -> memref<1x!tpu.dma_semaphore, #tpu.memory_space<semaphore_mem>>
      %dma_wait3A_555 = tpu.memref_squeeze %dma_wait3A_554 : memref<1x!tpu.dma_semaphore, #tpu.memory_space<semaphore_mem>> -> memref<!tpu.dma_semaphore, #tpu.memory_space<semaphore_mem>>
      tpu.wait_indirect_dma semaphore(%dma_wait3A_555 : memref<!tpu.dma_semaphore, #tpu.memory_space<semaphore_mem>>) src(%dma_wait3A_553 : memref<10240xf32, #tpu.memory_space<hbm>>) dst(%arg17 : memref<80xf32, #tpu.memory_space<vmem>>)
      "tpu.region"() ({
        %run_scoped3A_556 = tpu.sem_alloc : memref<!tpu.dma_semaphore, #tpu.memory_space<semaphore_mem>>
        %dma_start3A_557 = tpu.memref_slice %arg10[%add3A_541] : memref<2560xf32, #tpu.memory_space<hbm>> -> memref<80xf32, #tpu.memory_space<hbm>>
        %dma_start3A_558 = tpu.memref_slice %arg10[%add3A_541] : memref<2560xf32, #tpu.memory_space<hbm>> -> memref<80xf32, #tpu.memory_space<hbm>>
        tpu.enqueue_dma source(%arg17 : memref<80xf32, #tpu.memory_space<vmem>>) target(%dma_start3A_558 : memref<80xf32, #tpu.memory_space<hbm>>) target_semaphore(%run_scoped3A_556 : memref<!tpu.dma_semaphore, #tpu.memory_space<semaphore_mem>>)
        %dma_wait3A_559 = tpu.memref_slice %arg10[%add3A_541] : memref<2560xf32, #tpu.memory_space<hbm>> -> memref<80xf32, #tpu.memory_space<hbm>>
        %dma_wait3A_560 = tpu.memref_slice %arg10[%add3A_541] : memref<2560xf32, #tpu.memory_space<hbm>> -> memref<80xf32, #tpu.memory_space<hbm>>
        tpu.wait_dma2 semaphore(%run_scoped3A_556 : memref<!tpu.dma_semaphore, #tpu.memory_space<semaphore_mem>>) src(%arg17 : memref<80xf32, #tpu.memory_space<vmem>>) dst(%dma_wait3A_560 : memref<80xf32, #tpu.memory_space<hbm>>)
        tpu.yield
      }) : () -> ()
    } else {
    }
    "tpu.region"() ({
      %run_scoped3A_520 = tpu.sem_alloc : memref<!tpu.dma_semaphore, #tpu.memory_space<semaphore_mem>>
      %dma_start3A_521 = arith.constant 0 : i32
      %dma_start3A_522 = arith.constant 0 : i32
      %dma_start3A_523 = tpu.memref_slice %arg4[%arg1, %dma_start3A_521, %dma_start3A_522] : memref<16x50x128xi32, #tpu.memory_space<hbm>> -> memref<1x50x128xi32, #tpu.memory_space<hbm>>
      %dma_start3A_524 = tpu.memref_squeeze %dma_start3A_523 : memref<1x50x128xi32, #tpu.memory_space<hbm>> -> memref<50x128xi32, #tpu.memory_space<hbm>>
      %dma_start3A_525 = arith.constant 0 : i32
      %dma_start3A_526 = arith.constant 0 : i32
      %dma_start3A_527 = tpu.memref_slice %arg4[%arg1, %dma_start3A_525, %dma_start3A_526] : memref<16x50x128xi32, #tpu.memory_space<hbm>> -> memref<1x50x128xi32, #tpu.memory_space<hbm>>
      %dma_start3A_528 = tpu.memref_squeeze %dma_start3A_527 : memref<1x50x128xi32, #tpu.memory_space<hbm>> -> memref<50x128xi32, #tpu.memory_space<hbm>>
      tpu.enqueue_dma source(%dma_start3A_528 : memref<50x128xi32, #tpu.memory_space<hbm>>) target(%arg12 : memref<50x128xi32, #tpu.memory_space<vmem>>) target_semaphore(%run_scoped3A_520 : memref<!tpu.dma_semaphore, #tpu.memory_space<semaphore_mem>>)
      %dma_wait3A_529 = arith.constant 0 : i32
      %dma_wait3A_530 = arith.constant 0 : i32
      %dma_wait3A_531 = tpu.memref_slice %arg4[%arg1, %dma_wait3A_529, %dma_wait3A_530] : memref<16x50x128xi32, #tpu.memory_space<hbm>> -> memref<1x50x128xi32, #tpu.memory_space<hbm>>
      %dma_wait3A_532 = tpu.memref_squeeze %dma_wait3A_531 : memref<1x50x128xi32, #tpu.memory_space<hbm>> -> memref<50x128xi32, #tpu.memory_space<hbm>>
      %dma_wait3A_533 = arith.constant 0 : i32
      %dma_wait3A_534 = arith.constant 0 : i32
      %dma_wait3A_535 = tpu.memref_slice %arg4[%arg1, %dma_wait3A_533, %dma_wait3A_534] : memref<16x50x128xi32, #tpu.memory_space<hbm>> -> memref<1x50x128xi32, #tpu.memory_space<hbm>>
      %dma_wait3A_536 = tpu.memref_squeeze %dma_wait3A_535 : memref<1x50x128xi32, #tpu.memory_space<hbm>> -> memref<50x128xi32, #tpu.memory_space<hbm>>
      tpu.wait_dma2 semaphore(%run_scoped3A_520 : memref<!tpu.dma_semaphore, #tpu.memory_space<semaphore_mem>>) src(%dma_wait3A_536 : memref<50x128xi32, #tpu.memory_space<hbm>>) dst(%arg12 : memref<50x128xi32, #tpu.memory_space<vmem>>)
      tpu.yield
    }) : () -> ()
    %mul3A = arith.constant 3 : i32
    %mul3A_2 = arith.muli %arg0, %mul3A : i32
    %add3A = arith.constant 0 : i32
    %add3A_3 = arith.addi %mul3A_2, %add3A : i32
    %scan3A = arith.constant 0 : i32
    %scan3A_4 = arith.constant 0 : i32
    %scan3A_5 = arith.constant 128 : i32
    %scan3A_6 = arith.addi %scan3A_4, %scan3A_5 : i32
    %scan3A_7 = arith.constant 1 : i32
    scf.for %scan3A_520 = %scan3A_4 to %scan3A_6 step %scan3A_7  : i32 {
      %broadcast_in_dim3A = arith.constant 0.000000e+00 : f32
      %broadcast_in_dim3A_521 = vector.broadcast %broadcast_in_dim3A : f32 to vector<16xf32>
      %swap3A = arith.index_cast %scan3A_520 : i32 to index
      %swap3A_522 = arith.constant 0 : index
      %swap3A_523 = tpu.vector_load %arg13[%swap3A, %swap3A_522] {strides = array<i32>} : memref<128x128xf32, #tpu.memory_space<vmem>>, vector<1x16xf32>,
      %swap3A_524 = vector.shape_cast %swap3A_523 : vector<1x16xf32> to vector<16xf32>
      %swap3A_525 = vector.shape_cast %broadcast_in_dim3A_521 : vector<16xf32> to vector<1x16xf32>
      tpu.vector_store %arg13[%swap3A, %swap3A_522], %swap3A_525 {strides = array<i32>} : memref<128x128xf32, #tpu.memory_space<vmem>>, vector<1x16xf32>,
      %swap3A_526 = arith.index_cast %scan3A_520 : i32 to index
      %swap3A_527 = arith.constant 16 : index
      %swap3A_528 = tpu.vector_load %arg13[%swap3A_526, %swap3A_527] {strides = array<i32>} : memref<128x128xf32, #tpu.memory_space<vmem>>, vector<1x16xf32>,
      %swap3A_529 = vector.shape_cast %swap3A_528 : vector<1x16xf32> to vector<16xf32>
      %swap3A_530 = vector.shape_cast %broadcast_in_dim3A_521 : vector<16xf32> to vector<1x16xf32>
      tpu.vector_store %arg13[%swap3A_526, %swap3A_527], %swap3A_530 {strides = array<i32>} : memref<128x128xf32, #tpu.memory_space<vmem>>, vector<1x16xf32>,
      %swap3A_531 = arith.index_cast %scan3A_520 : i32 to index
      %swap3A_532 = arith.constant 32 : index
      %swap3A_533 = tpu.vector_load %arg13[%swap3A_531, %swap3A_532] {strides = array<i32>} : memref<128x128xf32, #tpu.memory_space<vmem>>, vector<1x16xf32>,
      %swap3A_534 = vector.shape_cast %swap3A_533 : vector<1x16xf32> to vector<16xf32>
      %swap3A_535 = vector.shape_cast %broadcast_in_dim3A_521 : vector<16xf32> to vector<1x16xf32>
      tpu.vector_store %arg13[%swap3A_531, %swap3A_532], %swap3A_535 {strides = array<i32>} : memref<128x128xf32, #tpu.memory_space<vmem>>, vector<1x16xf32>,
      %swap3A_536 = arith.index_cast %scan3A_520 : i32 to index
      %swap3A_537 = arith.constant 48 : index
      %swap3A_538 = tpu.vector_load %arg13[%swap3A_536, %swap3A_537] {strides = array<i32>} : memref<128x128xf32, #tpu.memory_space<vmem>>, vector<1x16xf32>,
      %swap3A_539 = vector.shape_cast %swap3A_538 : vector<1x16xf32> to vector<16xf32>
      %swap3A_540 = vector.shape_cast %broadcast_in_dim3A_521 : vector<16xf32> to vector<1x16xf32>
      tpu.vector_store %arg13[%swap3A_536, %swap3A_537], %swap3A_540 {strides = array<i32>} : memref<128x128xf32, #tpu.memory_space<vmem>>, vector<1x16xf32>,
      %swap3A_541 = arith.index_cast %scan3A_520 : i32 to index
      %swap3A_542 = arith.constant 64 : index
      %swap3A_543 = tpu.vector_load %arg13[%swap3A_541, %swap3A_542] {strides = array<i32>} : memref<128x128xf32, #tpu.memory_space<vmem>>, vector<1x16xf32>,
      %swap3A_544 = vector.shape_cast %swap3A_543 : vector<1x16xf32> to vector<16xf32>
      %swap3A_545 = vector.shape_cast %broadcast_in_dim3A_521 : vector<16xf32> to vector<1x16xf32>
      tpu.vector_store %arg13[%swap3A_541, %swap3A_542], %swap3A_545 {strides = array<i32>} : memref<128x128xf32, #tpu.memory_space<vmem>>, vector<1x16xf32>,
      %swap3A_546 = arith.index_cast %scan3A_520 : i32 to index
      %swap3A_547 = arith.constant 80 : index
      %swap3A_548 = tpu.vector_load %arg13[%swap3A_546, %swap3A_547] {strides = array<i32>} : memref<128x128xf32, #tpu.memory_space<vmem>>, vector<1x16xf32>,
      %swap3A_549 = vector.shape_cast %swap3A_548 : vector<1x16xf32> to vector<16xf32>
      %swap3A_550 = vector.shape_cast %broadcast_in_dim3A_521 : vector<16xf32> to vector<1x16xf32>
      tpu.vector_store %arg13[%swap3A_546, %swap3A_547], %swap3A_550 {strides = array<i32>} : memref<128x128xf32, #tpu.memory_space<vmem>>, vector<1x16xf32>,
      %swap3A_551 = arith.index_cast %scan3A_520 : i32 to index
      %swap3A_552 = arith.constant 96 : index
      %swap3A_553 = tpu.vector_load %arg13[%swap3A_551, %swap3A_552] {strides = array<i32>} : memref<128x128xf32, #tpu.memory_space<vmem>>, vector<1x16xf32>,
      %swap3A_554 = vector.shape_cast %swap3A_553 : vector<1x16xf32> to vector<16xf32>
      %swap3A_555 = vector.shape_cast %broadcast_in_dim3A_521 : vector<16xf32> to vector<1x16xf32>
      tpu.vector_store %arg13[%swap3A_551, %swap3A_552], %swap3A_555 {strides = array<i32>} : memref<128x128xf32, #tpu.memory_space<vmem>>, vector<1x16xf32>,
      %swap3A_556 = arith.index_cast %scan3A_520 : i32 to index
      %swap3A_557 = arith.constant 112 : index
      %swap3A_558 = tpu.vector_load %arg13[%swap3A_556, %swap3A_557] {strides = array<i32>} : memref<128x128xf32, #tpu.memory_space<vmem>>, vector<1x16xf32>,
      %swap3A_559 = vector.shape_cast %swap3A_558 : vector<1x16xf32> to vector<16xf32>
      %swap3A_560 = vector.shape_cast %broadcast_in_dim3A_521 : vector<16xf32> to vector<1x16xf32>
      tpu.vector_store %arg13[%swap3A_556, %swap3A_557], %swap3A_560 {strides = array<i32>} : memref<128x128xf32, #tpu.memory_space<vmem>>, vector<1x16xf32>,
    }
    %scan3A_8 = arith.constant 128 : i32
    %scan3A_9 = arith.constant 0 : i32
    %scan3A_10 = arith.constant 0 : i32
    %scan3A_11 = arith.constant 5 : i32
    %scan3A_12 = arith.addi %scan3A_10, %scan3A_11 : i32
    %scan3A_13 = arith.constant 1 : i32
    scf.for %scan3A_520 = %scan3A_10 to %scan3A_12 step %scan3A_13  : i32 {
      %mul3A_521 = arith.constant 640 : i32
      %mul3A_522 = arith.muli %arg1, %mul3A_521 : i32
      %mul3A_523 = arith.constant 128 : i32
      %mul3A_524 = arith.muli %scan3A_520, %mul3A_523 : i32
      %add3A_525 = arith.addi %mul3A_522, %mul3A_524 : i32
      "tpu.region"() ({
        %run_scoped3A_526 = tpu.sem_alloc : memref<!tpu.dma_semaphore, #tpu.memory_space<semaphore_mem>>
        %dma_start3A_527 = arith.constant 0 : i32
        %dma_start3A_528 = tpu.memref_slice %arg18[%add3A_525, %dma_start3A_527] : memref<10240x128xf32, #tpu.memory_space<vmem_shared>> -> memref<128x128xf32, #tpu.memory_space<vmem_shared>>
        %dma_start3A_529 = arith.constant 0 : i32
        %dma_start3A_530 = tpu.memref_slice %arg18[%add3A_525, %dma_start3A_529] : memref<10240x128xf32, #tpu.memory_space<vmem_shared>> -> memref<128x128xf32, #tpu.memory_space<vmem_shared>>
        tpu.enqueue_dma source(%arg13 : memref<128x128xf32, #tpu.memory_space<vmem>>) target(%dma_start3A_530 : memref<128x128xf32, #tpu.memory_space<vmem_shared>>) target_semaphore(%run_scoped3A_526 : memref<!tpu.dma_semaphore, #tpu.memory_space<semaphore_mem>>)
        %dma_wait3A_531 = arith.constant 0 : i32
        %dma_wait3A_532 = tpu.memref_slice %arg18[%add3A_525, %dma_wait3A_531] : memref<10240x128xf32, #tpu.memory_space<vmem_shared>> -> memref<128x128xf32, #tpu.memory_space<vmem_shared>>
        %dma_wait3A_533 = arith.constant 0 : i32
        %dma_wait3A_534 = tpu.memref_slice %arg18[%add3A_525, %dma_wait3A_533] : memref<10240x128xf32, #tpu.memory_space<vmem_shared>> -> memref<128x128xf32, #tpu.memory_space<vmem_shared>>
        tpu.wait_dma2 semaphore(%run_scoped3A_526 : memref<!tpu.dma_semaphore, #tpu.memory_space<semaphore_mem>>) src(%arg13 : memref<128x128xf32, #tpu.memory_space<vmem>>) dst(%dma_wait3A_534 : memref<128x128xf32, #tpu.memory_space<vmem_shared>>)
        tpu.yield
      }) : () -> ()
    }
    %scan3A_14 = arith.constant 5 : i32
    "tpu.region"() ({
      %run_scoped3A_520 = tpu.sem_alloc : memref<!tpu.dma_semaphore, #tpu.memory_space<semaphore_mem>>
      %dma_start3A_521 = arith.constant 0 : i32
      %dma_start3A_522 = arith.constant 0 : i32
      %dma_start3A_523 = tpu.memref_slice %arg3[%add3A_3, %arg1, %dma_start3A_521, %dma_start3A_522] : memref<6x16x50x128xi32, #tpu.memory_space<hbm>> -> memref<1x1x50x128xi32, #tpu.memory_space<hbm>>
      %dma_start3A_524 = tpu.memref_squeeze %dma_start3A_523 : memref<1x1x50x128xi32, #tpu.memory_space<hbm>> -> memref<50x128xi32, #tpu.memory_space<hbm>>
      %dma_start3A_525 = arith.constant 0 : i32
      %dma_start3A_526 = arith.constant 0 : i32
      %dma_start3A_527 = tpu.memref_slice %arg3[%add3A_3, %arg1, %dma_start3A_525, %dma_start3A_526] : memref<6x16x50x128xi32, #tpu.memory_space<hbm>> -> memref<1x1x50x128xi32, #tpu.memory_space<hbm>>
      %dma_start3A_528 = tpu.memref_squeeze %dma_start3A_527 : memref<1x1x50x128xi32, #tpu.memory_space<hbm>> -> memref<50x128xi32, #tpu.memory_space<hbm>>
      tpu.enqueue_dma source(%dma_start3A_528 : memref<50x128xi32, #tpu.memory_space<hbm>>) target(%arg11 : memref<50x128xi32, #tpu.memory_space<vmem>>) target_semaphore(%run_scoped3A_520 : memref<!tpu.dma_semaphore, #tpu.memory_space<semaphore_mem>>)
      %dma_wait3A_529 = arith.constant 0 : i32
      %dma_wait3A_530 = arith.constant 0 : i32
      %dma_wait3A_531 = tpu.memref_slice %arg3[%add3A_3, %arg1, %dma_wait3A_529, %dma_wait3A_530] : memref<6x16x50x128xi32, #tpu.memory_space<hbm>> -> memref<1x1x50x128xi32, #tpu.memory_space<hbm>>
      %dma_wait3A_532 = tpu.memref_squeeze %dma_wait3A_531 : memref<1x1x50x128xi32, #tpu.memory_space<hbm>> -> memref<50x128xi32, #tpu.memory_space<hbm>>
      %dma_wait3A_533 = arith.constant 0 : i32
      %dma_wait3A_534 = arith.constant 0 : i32
      %dma_wait3A_535 = tpu.memref_slice %arg3[%add3A_3, %arg1, %dma_wait3A_533, %dma_wait3A_534] : memref<6x16x50x128xi32, #tpu.memory_space<hbm>> -> memref<1x1x50x128xi32, #tpu.memory_space<hbm>>
      %dma_wait3A_536 = tpu.memref_squeeze %dma_wait3A_535 : memref<1x1x50x128xi32, #tpu.memory_space<hbm>> -> memref<50x128xi32, #tpu.memory_space<hbm>>
      tpu.wait_dma2 semaphore(%run_scoped3A_520 : memref<!tpu.dma_semaphore, #tpu.memory_space<semaphore_mem>>) src(%dma_wait3A_536 : memref<50x128xi32, #tpu.memory_space<hbm>>) dst(%arg11 : memref<50x128xi32, #tpu.memory_space<vmem>>)
      tpu.yield
    }) : () -> ()
    %barrier3A = arith.constant 0 : index
    tpu.barrier barrier_id(%barrier3A)
    %dma_start3A = arith.constant 0 : i32
    %dma_start3A_15 = arith.constant 0 : i32
    %dma_start3A_16 = arith.constant 0 : i32
    %dma_start3A_17 = tpu.memref_slice %arg11[%dma_start3A, %dma_start3A_16] : memref<50x128xi32, #tpu.memory_space<vmem>> -> memref<1x128xi32, #tpu.memory_space<vmem>>
    %dma_start3A_18 = tpu.memref_squeeze %dma_start3A_17 : memref<1x128xi32, #tpu.memory_space<vmem>> -> memref<128xi32, #tpu.memory_space<vmem>>
    %dma_start3A_19 = arith.constant 0 : i32
    %dma_start3A_20 = arith.constant 0 : i32
    %dma_start3A_21 = tpu.memref_slice %arg2[%dma_start3A_19, %dma_start3A_20] : memref<61440x128xf32, #tpu.memory_space<hbm>> -> memref<61440x128xf32, #tpu.memory_space<hbm>>
    %dma_start3A_22 = tpu.memref_slice %arg19[%dma_start3A_15] : memref<2x!tpu.dma_semaphore, #tpu.memory_space<semaphore_mem>> -> memref<1x!tpu.dma_semaphore, #tpu.memory_space<semaphore_mem>>
    %dma_start3A_23 = tpu.memref_squeeze %dma_start3A_22 : memref<1x!tpu.dma_semaphore, #tpu.memory_space<semaphore_mem>> -> memref<!tpu.dma_semaphore, #tpu.memory_space<semaphore_mem>>
    tpu.enqueue_indirect_dma source(%dma_start3A_21 : memref<61440x128xf32, #tpu.memory_space<hbm>>) target(%arg13 : memref<128x128xf32, #tpu.memory_space<vmem>>) offsets(%dma_start3A_18 : memref<128xi32, #tpu.memory_space<vmem>>) semaphore(%dma_start3A_23 : memref<!tpu.dma_semaphore, #tpu.memory_space<semaphore_mem>>)
    %scan3A_24 = arith.constant 0 : i32
    %scan3A_25 = arith.constant 0 : i32
    %scan3A_26 = arith.constant 24 : i32
    %scan3A_27 = arith.addi %scan3A_25, %scan3A_26 : i32
    %scan3A_28 = arith.constant 1 : i32
    scf.for %scan3A_520 = %scan3A_25 to %scan3A_27 step %scan3A_28  : i32 {
      %mul3A_521 = arith.constant 2 : i32
      %mul3A_522 = arith.muli %scan3A_520, %mul3A_521 : i32
      %dma_wait3A_523 = arith.constant 0 : i32
      %dma_wait3A_524 = arith.constant 0 : i32
      %dma_wait3A_525 = arith.constant 0 : i32
      %dma_wait3A_526 = tpu.memref_slice %arg11[%dma_wait3A_523, %dma_wait3A_525] : memref<50x128xi32, #tpu.memory_space<vmem>> -> memref<1x128xi32, #tpu.memory_space<vmem>>
      %dma_wait3A_527 = tpu.memref_squeeze %dma_wait3A_526 : memref<1x128xi32, #tpu.memory_space<vmem>> -> memref<128xi32, #tpu.memory_space<vmem>>
      %dma_wait3A_528 = arith.constant 0 : i32
      %dma_wait3A_529 = arith.constant 0 : i32
      %dma_wait3A_530 = tpu.memref_slice %arg2[%dma_wait3A_528, %dma_wait3A_529] : memref<61440x128xf32, #tpu.memory_space<hbm>> -> memref<61440x128xf32, #tpu.memory_space<hbm>>
      %dma_wait3A_531 = tpu.memref_slice %arg19[%dma_wait3A_524] : memref<2x!tpu.dma_semaphore, #tpu.memory_space<semaphore_mem>> -> memref<1x!tpu.dma_semaphore, #tpu.memory_space<semaphore_mem>>
      %dma_wait3A_532 = tpu.memref_squeeze %dma_wait3A_531 : memref<1x!tpu.dma_semaphore, #tpu.memory_space<semaphore_mem>> -> memref<!tpu.dma_semaphore, #tpu.memory_space<semaphore_mem>>
      tpu.wait_indirect_dma semaphore(%dma_wait3A_532 : memref<!tpu.dma_semaphore, #tpu.memory_space<semaphore_mem>>) src(%dma_wait3A_530 : memref<61440x128xf32, #tpu.memory_space<hbm>>) dst(%arg13 : memref<128x128xf32, #tpu.memory_space<vmem>>)
      %add3A_533 = arith.constant 0 : i32
      %add3A_534 = arith.addi %mul3A_522, %add3A_533 : i32
      %add3A_535 = arith.constant 1 : i32
      %add3A_536 = arith.addi %add3A_534, %add3A_535 : i32
      %dma_start3A_537 = arith.constant 1 : i32
      %dma_start3A_538 = arith.constant 0 : i32
      %dma_start3A_539 = tpu.memref_slice %arg11[%add3A_536, %dma_start3A_538] : memref<50x128xi32, #tpu.memory_space<vmem>> -> memref<1x128xi32, #tpu.memory_space<vmem>>
      %dma_start3A_540 = tpu.memref_squeeze %dma_start3A_539 : memref<1x128xi32, #tpu.memory_space<vmem>> -> memref<128xi32, #tpu.memory_space<vmem>>
      %dma_start3A_541 = arith.constant 0 : i32
      %dma_start3A_542 = arith.constant 0 : i32
      %dma_start3A_543 = tpu.memref_slice %arg2[%dma_start3A_541, %dma_start3A_542] : memref<61440x128xf32, #tpu.memory_space<hbm>> -> memref<61440x128xf32, #tpu.memory_space<hbm>>
      %dma_start3A_544 = tpu.memref_slice %arg19[%dma_start3A_537] : memref<2x!tpu.dma_semaphore, #tpu.memory_space<semaphore_mem>> -> memref<1x!tpu.dma_semaphore, #tpu.memory_space<semaphore_mem>>
      %dma_start3A_545 = tpu.memref_squeeze %dma_start3A_544 : memref<1x!tpu.dma_semaphore, #tpu.memory_space<semaphore_mem>> -> memref<!tpu.dma_semaphore, #tpu.memory_space<semaphore_mem>>
      tpu.enqueue_indirect_dma source(%dma_start3A_543 : memref<61440x128xf32, #tpu.memory_space<hbm>>) target(%arg14 : memref<128x128xf32, #tpu.memory_space<vmem>>) offsets(%dma_start3A_540 : memref<128xi32, #tpu.memory_space<vmem>>) semaphore(%dma_start3A_545 : memref<!tpu.dma_semaphore, #tpu.memory_space<semaphore_mem>>)
      %add3A_546 = arith.constant 0 : i32
      %add3A_547 = arith.addi %mul3A_522, %add3A_546 : i32
      "tpu.region"() ({
        %run_scoped3A_573 = tpu.sem_alloc : memref<!tpu.dma_semaphore, #tpu.memory_space<semaphore_mem>>
        %dma_start3A_574 = arith.constant 0 : i32
        %dma_start3A_575 = tpu.memref_slice %arg12[%add3A_547, %dma_start3A_574] : memref<50x128xi32, #tpu.memory_space<vmem>> -> memref<1x128xi32, #tpu.memory_space<vmem>>
        %dma_start3A_576 = tpu.memref_squeeze %dma_start3A_575 : memref<1x128xi32, #tpu.memory_space<vmem>> -> memref<128xi32, #tpu.memory_space<vmem>>
        %dma_start3A_577 = arith.constant 0 : i32
        %dma_start3A_578 = arith.constant 0 : i32
        %dma_start3A_579 = tpu.memref_slice %arg18[%dma_start3A_577, %dma_start3A_578] : memref<10240x128xf32, #tpu.memory_space<vmem_shared>> -> memref<10240x128xf32, #tpu.memory_space<vmem_shared>>
        tpu.enqueue_indirect_dma source(%arg13 : memref<128x128xf32, #tpu.memory_space<vmem>>) target(%dma_start3A_579 : memref<10240x128xf32, #tpu.memory_space<vmem_shared>>) offsets(%dma_start3A_576 : memref<128xi32, #tpu.memory_space<vmem>>) semaphore(%run_scoped3A_573 : memref<!tpu.dma_semaphore, #tpu.memory_space<semaphore_mem>>) {add = true}
        %dma_wait3A_580 = arith.constant 0 : i32
        %dma_wait3A_581 = tpu.memref_slice %arg12[%add3A_547, %dma_wait3A_580] : memref<50x128xi32, #tpu.memory_space<vmem>> -> memref<1x128xi32, #tpu.memory_space<vmem>>
        %dma_wait3A_582 = tpu.memref_squeeze %dma_wait3A_581 : memref<1x128xi32, #tpu.memory_space<vmem>> -> memref<128xi32, #tpu.memory_space<vmem>>
        %dma_wait3A_583 = arith.constant 0 : i32
        %dma_wait3A_584 = arith.constant 0 : i32
        %dma_wait3A_585 = tpu.memref_slice %arg18[%dma_wait3A_583, %dma_wait3A_584] : memref<10240x128xf32, #tpu.memory_space<vmem_shared>> -> memref<10240x128xf32, #tpu.memory_space<vmem_shared>>
        tpu.wait_indirect_dma semaphore(%run_scoped3A_573 : memref<!tpu.dma_semaphore, #tpu.memory_space<semaphore_mem>>) src(%arg13 : memref<128x128xf32, #tpu.memory_space<vmem>>) dst(%dma_wait3A_585 : memref<10240x128xf32, #tpu.memory_space<vmem_shared>>)
        tpu.yield
      }) : () -> ()
      %dma_wait3A_548 = arith.constant 0 : i32
      %dma_wait3A_549 = arith.constant 1 : i32
      %dma_wait3A_550 = arith.constant 0 : i32
      %dma_wait3A_551 = tpu.memref_slice %arg11[%dma_wait3A_548, %dma_wait3A_550] : memref<50x128xi32, #tpu.memory_space<vmem>> -> memref<1x128xi32, #tpu.memory_space<vmem>>
      %dma_wait3A_552 = tpu.memref_squeeze %dma_wait3A_551 : memref<1x128xi32, #tpu.memory_space<vmem>> -> memref<128xi32, #tpu.memory_space<vmem>>
      %dma_wait3A_553 = arith.constant 0 : i32
      %dma_wait3A_554 = arith.constant 0 : i32
      %dma_wait3A_555 = tpu.memref_slice %arg2[%dma_wait3A_553, %dma_wait3A_554] : memref<61440x128xf32, #tpu.memory_space<hbm>> -> memref<61440x128xf32, #tpu.memory_space<hbm>>
      %dma_wait3A_556 = tpu.memref_slice %arg19[%dma_wait3A_549] : memref<2x!tpu.dma_semaphore, #tpu.memory_space<semaphore_mem>> -> memref<1x!tpu.dma_semaphore, #tpu.memory_space<semaphore_mem>>
      %dma_wait3A_557 = tpu.memref_squeeze %dma_wait3A_556 : memref<1x!tpu.dma_semaphore, #tpu.memory_space<semaphore_mem>> -> memref<!tpu.dma_semaphore, #tpu.memory_space<semaphore_mem>>
      tpu.wait_indirect_dma semaphore(%dma_wait3A_557 : memref<!tpu.dma_semaphore, #tpu.memory_space<semaphore_mem>>) src(%dma_wait3A_555 : memref<61440x128xf32, #tpu.memory_space<hbm>>) dst(%arg14 : memref<128x128xf32, #tpu.memory_space<vmem>>)
      %add3A_558 = arith.constant 1 : i32
      %add3A_559 = arith.addi %mul3A_522, %add3A_558 : i32
      %add3A_560 = arith.constant 1 : i32
      %add3A_561 = arith.addi %add3A_559, %add3A_560 : i32
      %dma_start3A_562 = arith.constant 0 : i32
      %dma_start3A_563 = arith.constant 0 : i32
      %dma_start3A_564 = tpu.memref_slice %arg11[%add3A_561, %dma_start3A_563] : memref<50x128xi32, #tpu.memory_space<vmem>> -> memref<1x128xi32, #tpu.memory_space<vmem>>
      %dma_start3A_565 = tpu.memref_squeeze %dma_start3A_564 : memref<1x128xi32, #tpu.memory_space<vmem>> -> memref<128xi32, #tpu.memory_space<vmem>>
      %dma_start3A_566 = arith.constant 0 : i32
      %dma_start3A_567 = arith.constant 0 : i32
      %dma_start3A_568 = tpu.memref_slice %arg2[%dma_start3A_566, %dma_start3A_567] : memref<61440x128xf32, #tpu.memory_space<hbm>> -> memref<61440x128xf32, #tpu.memory_space<hbm>>
      %dma_start3A_569 = tpu.memref_slice %arg19[%dma_start3A_562] : memref<2x!tpu.dma_semaphore, #tpu.memory_space<semaphore_mem>> -> memref<1x!tpu.dma_semaphore, #tpu.memory_space<semaphore_mem>>
      %dma_start3A_570 = tpu.memref_squeeze %dma_start3A_569 : memref<1x!tpu.dma_semaphore, #tpu.memory_space<semaphore_mem>> -> memref<!tpu.dma_semaphore, #tpu.memory_space<semaphore_mem>>
      tpu.enqueue_indirect_dma source(%dma_start3A_568 : memref<61440x128xf32, #tpu.memory_space<hbm>>) target(%arg13 : memref<128x128xf32, #tpu.memory_space<vmem>>) offsets(%dma_start3A_565 : memref<128xi32, #tpu.memory_space<vmem>>) semaphore(%dma_start3A_570 : memref<!tpu.dma_semaphore, #tpu.memory_space<semaphore_mem>>)
      %add3A_571 = arith.constant 1 : i32
      %add3A_572 = arith.addi %mul3A_522, %add3A_571 : i32
      "tpu.region"() ({
        %run_scoped3A_573 = tpu.sem_alloc : memref<!tpu.dma_semaphore, #tpu.memory_space<semaphore_mem>>
        %dma_start3A_574 = arith.constant 0 : i32
        %dma_start3A_575 = tpu.memref_slice %arg12[%add3A_572, %dma_start3A_574] : memref<50x128xi32, #tpu.memory_space<vmem>> -> memref<1x128xi32, #tpu.memory_space<vmem>>
        %dma_start3A_576 = tpu.memref_squeeze %dma_start3A_575 : memref<1x128xi32, #tpu.memory_space<vmem>> -> memref<128xi32, #tpu.memory_space<vmem>>
        %dma_start3A_577 = arith.constant 0 : i32
        %dma_start3A_578 = arith.constant 0 : i32
        %dma_start3A_579 = tpu.memref_slice %arg18[%dma_start3A_577, %dma_start3A_578] : memref<10240x128xf32, #tpu.memory_space<vmem_shared>> -> memref<10240x128xf32, #tpu.memory_space<vmem_shared>>
        tpu.enqueue_indirect_dma source(%arg14 : memref<128x128xf32, #tpu.memory_space<vmem>>) target(%dma_start3A_579 : memref<10240x128xf32, #tpu.memory_space<vmem_shared>>) offsets(%dma_start3A_576 : memref<128xi32, #tpu.memory_space<vmem>>) semaphore(%run_scoped3A_573 : memref<!tpu.dma_semaphore, #tpu.memory_space<semaphore_mem>>) {add = true}
        %dma_wait3A_580 = arith.constant 0 : i32
        %dma_wait3A_581 = tpu.memref_slice %arg12[%add3A_572, %dma_wait3A_580] : memref<50x128xi32, #tpu.memory_space<vmem>> -> memref<1x128xi32, #tpu.memory_space<vmem>>
        %dma_wait3A_582 = tpu.memref_squeeze %dma_wait3A_581 : memref<1x128xi32, #tpu.memory_space<vmem>> -> memref<128xi32, #tpu.memory_space<vmem>>
        %dma_wait3A_583 = arith.constant 0 : i32
        %dma_wait3A_584 = arith.constant 0 : i32
        %dma_wait3A_585 = tpu.memref_slice %arg18[%dma_wait3A_583, %dma_wait3A_584] : memref<10240x128xf32, #tpu.memory_space<vmem_shared>> -> memref<10240x128xf32, #tpu.memory_space<vmem_shared>>
        tpu.wait_indirect_dma semaphore(%run_scoped3A_573 : memref<!tpu.dma_semaphore, #tpu.memory_space<semaphore_mem>>) src(%arg14 : memref<128x128xf32, #tpu.memory_space<vmem>>) dst(%dma_wait3A_585 : memref<10240x128xf32, #tpu.memory_space<vmem_shared>>)
        tpu.yield
      }) : () -> ()
    }
    %scan3A_29 = arith.constant 24 : i32
    %dma_wait3A = arith.constant 0 : i32
    %dma_wait3A_30 = arith.constant 0 : i32
    %dma_wait3A_31 = arith.constant 0 : i32
    %dma_wait3A_32 = tpu.memref_slice %arg11[%dma_wait3A, %dma_wait3A_31] : memref<50x128xi32, #tpu.memory_space<vmem>> -> memref<1x128xi32, #tpu.memory_space<vmem>>
    %dma_wait3A_33 = tpu.memref_squeeze %dma_wait3A_32 : memref<1x128xi32, #tpu.memory_space<vmem>> -> memref<128xi32, #tpu.memory_space<vmem>>
    %dma_wait3A_34 = arith.constant 0 : i32
    %dma_wait3A_35 = arith.constant 0 : i32
    %dma_wait3A_36 = tpu.memref_slice %arg2[%dma_wait3A_34, %dma_wait3A_35] : memref<61440x128xf32, #tpu.memory_space<hbm>> -> memref<61440x128xf32, #tpu.memory_space<hbm>>
    %dma_wait3A_37 = tpu.memref_slice %arg19[%dma_wait3A_30] : memref<2x!tpu.dma_semaphore, #tpu.memory_space<semaphore_mem>> -> memref<1x!tpu.dma_semaphore, #tpu.memory_space<semaphore_mem>>
    %dma_wait3A_38 = tpu.memref_squeeze %dma_wait3A_37 : memref<1x!tpu.dma_semaphore, #tpu.memory_space<semaphore_mem>> -> memref<!tpu.dma_semaphore, #tpu.memory_space<semaphore_mem>>
    tpu.wait_indirect_dma semaphore(%dma_wait3A_38 : memref<!tpu.dma_semaphore, #tpu.memory_space<semaphore_mem>>) src(%dma_wait3A_36 : memref<61440x128xf32, #tpu.memory_space<hbm>>) dst(%arg13 : memref<128x128xf32, #tpu.memory_space<vmem>>)
    %dma_start3A_39 = arith.constant 49 : i32
    %dma_start3A_40 = arith.constant 1 : i32
    %dma_start3A_41 = arith.constant 0 : i32
    %dma_start3A_42 = tpu.memref_slice %arg11[%dma_start3A_39, %dma_start3A_41] : memref<50x128xi32, #tpu.memory_space<vmem>> -> memref<1x128xi32, #tpu.memory_space<vmem>>
    %dma_start3A_43 = tpu.memref_squeeze %dma_start3A_42 : memref<1x128xi32, #tpu.memory_space<vmem>> -> memref<128xi32, #tpu.memory_space<vmem>>
    %dma_start3A_44 = arith.constant 0 : i32
    %dma_start3A_45 = arith.constant 0 : i32
    %dma_start3A_46 = tpu.memref_slice %arg2[%dma_start3A_44, %dma_start3A_45] : memref<61440x128xf32, #tpu.memory_space<hbm>> -> memref<61440x128xf32, #tpu.memory_space<hbm>>
    %dma_start3A_47 = tpu.memref_slice %arg19[%dma_start3A_40] : memref<2x!tpu.dma_semaphore, #tpu.memory_space<semaphore_mem>> -> memref<1x!tpu.dma_semaphore, #tpu.memory_space<semaphore_mem>>
    %dma_start3A_48 = tpu.memref_squeeze %dma_start3A_47 : memref<1x!tpu.dma_semaphore, #tpu.memory_space<semaphore_mem>> -> memref<!tpu.dma_semaphore, #tpu.memory_space<semaphore_mem>>
    tpu.enqueue_indirect_dma source(%dma_start3A_46 : memref<61440x128xf32, #tpu.memory_space<hbm>>) target(%arg14 : memref<128x128xf32, #tpu.memory_space<vmem>>) offsets(%dma_start3A_43 : memref<128xi32, #tpu.memory_space<vmem>>) semaphore(%dma_start3A_48 : memref<!tpu.dma_semaphore, #tpu.memory_space<semaphore_mem>>)
    %run_scoped3A = arith.constant 48 : i32
    "tpu.region"() ({
      %run_scoped3A_520 = tpu.sem_alloc : memref<!tpu.dma_semaphore, #tpu.memory_space<semaphore_mem>>
      %dma_start3A_521 = arith.constant 0 : i32
      %dma_start3A_522 = tpu.memref_slice %arg12[%run_scoped3A, %dma_start3A_521] : memref<50x128xi32, #tpu.memory_space<vmem>> -> memref<1x128xi32, #tpu.memory_space<vmem>>
      %dma_start3A_523 = tpu.memref_squeeze %dma_start3A_522 : memref<1x128xi32, #tpu.memory_space<vmem>> -> memref<128xi32, #tpu.memory_space<vmem>>
      %dma_start3A_524 = arith.constant 0 : i32
      %dma_start3A_525 = arith.constant 0 : i32
      %dma_start3A_526 = tpu.memref_slice %arg18[%dma_start3A_524, %dma_start3A_525] : memref<10240x128xf32, #tpu.memory_space<vmem_shared>> -> memref<10240x128xf32, #tpu.memory_space<vmem_shared>>
      tpu.enqueue_indirect_dma source(%arg13 : memref<128x128xf32, #tpu.memory_space<vmem>>) target(%dma_start3A_526 : memref<10240x128xf32, #tpu.memory_space<vmem_shared>>) offsets(%dma_start3A_523 : memref<128xi32, #tpu.memory_space<vmem>>) semaphore(%run_scoped3A_520 : memref<!tpu.dma_semaphore, #tpu.memory_space<semaphore_mem>>) {add = true}
      %dma_wait3A_527 = arith.constant 0 : i32
      %dma_wait3A_528 = tpu.memref_slice %arg12[%run_scoped3A, %dma_wait3A_527] : memref<50x128xi32, #tpu.memory_space<vmem>> -> memref<1x128xi32, #tpu.memory_space<vmem>>
      %dma_wait3A_529 = tpu.memref_squeeze %dma_wait3A_528 : memref<1x128xi32, #tpu.memory_space<vmem>> -> memref<128xi32, #tpu.memory_space<vmem>>
      %dma_wait3A_530 = arith.constant 0 : i32
      %dma_wait3A_531 = arith.constant 0 : i32
      %dma_wait3A_532 = tpu.memref_slice %arg18[%dma_wait3A_530, %dma_wait3A_531] : memref<10240x128xf32, #tpu.memory_space<vmem_shared>> -> memref<10240x128xf32, #tpu.memory_space<vmem_shared>>
      tpu.wait_indirect_dma semaphore(%run_scoped3A_520 : memref<!tpu.dma_semaphore, #tpu.memory_space<semaphore_mem>>) src(%arg13 : memref<128x128xf32, #tpu.memory_space<vmem>>) dst(%dma_wait3A_532 : memref<10240x128xf32, #tpu.memory_space<vmem_shared>>)
      tpu.yield
    }) : () -> ()
    %dma_wait3A_49 = arith.constant 0 : i32
    %dma_wait3A_50 = arith.constant 1 : i32
    %dma_wait3A_51 = arith.constant 0 : i32
    %dma_wait3A_52 = tpu.memref_slice %arg11[%dma_wait3A_49, %dma_wait3A_51] : memref<50x128xi32, #tpu.memory_space<vmem>> -> memref<1x128xi32, #tpu.memory_space<vmem>>
    %dma_wait3A_53 = tpu.memref_squeeze %dma_wait3A_52 : memref<1x128xi32, #tpu.memory_space<vmem>> -> memref<128xi32, #tpu.memory_space<vmem>>
    %dma_wait3A_54 = arith.constant 0 : i32
    %dma_wait3A_55 = arith.constant 0 : i32
    %dma_wait3A_56 = tpu.memref_slice %arg2[%dma_wait3A_54, %dma_wait3A_55] : memref<61440x128xf32, #tpu.memory_space<hbm>> -> memref<61440x128xf32, #tpu.memory_space<hbm>>
    %dma_wait3A_57 = tpu.memref_slice %arg19[%dma_wait3A_50] : memref<2x!tpu.dma_semaphore, #tpu.memory_space<semaphore_mem>> -> memref<1x!tpu.dma_semaphore, #tpu.memory_space<semaphore_mem>>
    %dma_wait3A_58 = tpu.memref_squeeze %dma_wait3A_57 : memref<1x!tpu.dma_semaphore, #tpu.memory_space<semaphore_mem>> -> memref<!tpu.dma_semaphore, #tpu.memory_space<semaphore_mem>>
    tpu.wait_indirect_dma semaphore(%dma_wait3A_58 : memref<!tpu.dma_semaphore, #tpu.memory_space<semaphore_mem>>) src(%dma_wait3A_56 : memref<61440x128xf32, #tpu.memory_space<hbm>>) dst(%arg14 : memref<128x128xf32, #tpu.memory_space<vmem>>)
    %run_scoped3A_59 = arith.constant 49 : i32
    "tpu.region"() ({
      %run_scoped3A_520 = tpu.sem_alloc : memref<!tpu.dma_semaphore, #tpu.memory_space<semaphore_mem>>
      %dma_start3A_521 = arith.constant 0 : i32
      %dma_start3A_522 = tpu.memref_slice %arg12[%run_scoped3A_59, %dma_start3A_521] : memref<50x128xi32, #tpu.memory_space<vmem>> -> memref<1x128xi32, #tpu.memory_space<vmem>>
      %dma_start3A_523 = tpu.memref_squeeze %dma_start3A_522 : memref<1x128xi32, #tpu.memory_space<vmem>> -> memref<128xi32, #tpu.memory_space<vmem>>
      %dma_start3A_524 = arith.constant 0 : i32
      %dma_start3A_525 = arith.constant 0 : i32
      %dma_start3A_526 = tpu.memref_slice %arg18[%dma_start3A_524, %dma_start3A_525] : memref<10240x128xf32, #tpu.memory_space<vmem_shared>> -> memref<10240x128xf32, #tpu.memory_space<vmem_shared>>
      tpu.enqueue_indirect_dma source(%arg14 : memref<128x128xf32, #tpu.memory_space<vmem>>) target(%dma_start3A_526 : memref<10240x128xf32, #tpu.memory_space<vmem_shared>>) offsets(%dma_start3A_523 : memref<128xi32, #tpu.memory_space<vmem>>) semaphore(%run_scoped3A_520 : memref<!tpu.dma_semaphore, #tpu.memory_space<semaphore_mem>>) {add = true}
      %dma_wait3A_527 = arith.constant 0 : i32
      %dma_wait3A_528 = tpu.memref_slice %arg12[%run_scoped3A_59, %dma_wait3A_527] : memref<50x128xi32, #tpu.memory_space<vmem>> -> memref<1x128xi32, #tpu.memory_space<vmem>>
      %dma_wait3A_529 = tpu.memref_squeeze %dma_wait3A_528 : memref<1x128xi32, #tpu.memory_space<vmem>> -> memref<128xi32, #tpu.memory_space<vmem>>
      %dma_wait3A_530 = arith.constant 0 : i32
      %dma_wait3A_531 = arith.constant 0 : i32
      %dma_wait3A_532 = tpu.memref_slice %arg18[%dma_wait3A_530, %dma_wait3A_531] : memref<10240x128xf32, #tpu.memory_space<vmem_shared>> -> memref<10240x128xf32, #tpu.memory_space<vmem_shared>>
      tpu.wait_indirect_dma semaphore(%run_scoped3A_520 : memref<!tpu.dma_semaphore, #tpu.memory_space<semaphore_mem>>) src(%arg14 : memref<128x128xf32, #tpu.memory_space<vmem>>) dst(%dma_wait3A_532 : memref<10240x128xf32, #tpu.memory_space<vmem_shared>>)
      tpu.yield
    }) : () -> ()
    %barrier3A_60 = arith.constant 0 : index
    tpu.barrier barrier_id(%barrier3A_60)
    %mul3A_61 = arith.constant 160 : i32
    %mul3A_62 = arith.muli %arg1, %mul3A_61 : i32
    %add3A_63 = arith.constant 0 : i32
    %add3A_64 = arith.addi %mul3A_62, %add3A_63 : i32
    %mul3A_65 = arith.constant 2 : i32
    %mul3A_66 = arith.muli %mul3A_65, %arg1 : i32
    %add3A_67 = arith.constant 0 : i32
    %add3A_68 = arith.addi %mul3A_66, %add3A_67 : i32
    "tpu.region"() ({
      %run_scoped3A_520 = tpu.sem_alloc : memref<!tpu.dma_semaphore, #tpu.memory_space<semaphore_mem>>
      %dma_start3A_521 = arith.constant 0 : i32
      %dma_start3A_522 = tpu.memref_slice %arg5[%add3A_68, %dma_start3A_521] : memref<32x80xi32, #tpu.memory_space<hbm>> -> memref<1x80xi32, #tpu.memory_space<hbm>>
      %dma_start3A_523 = tpu.memref_squeeze %dma_start3A_522 : memref<1x80xi32, #tpu.memory_space<hbm>> -> memref<80xi32, #tpu.memory_space<hbm>>
      %dma_start3A_524 = arith.constant 0 : i32
      %dma_start3A_525 = tpu.memref_slice %arg5[%add3A_68, %dma_start3A_524] : memref<32x80xi32, #tpu.memory_space<hbm>> -> memref<1x80xi32, #tpu.memory_space<hbm>>
      %dma_start3A_526 = tpu.memref_squeeze %dma_start3A_525 : memref<1x80xi32, #tpu.memory_space<hbm>> -> memref<80xi32, #tpu.memory_space<hbm>>
      tpu.enqueue_dma source(%dma_start3A_526 : memref<80xi32, #tpu.memory_space<hbm>>) target(%arg15 : memref<80xi32, #tpu.memory_space<vmem>>) target_semaphore(%run_scoped3A_520 : memref<!tpu.dma_semaphore, #tpu.memory_space<semaphore_mem>>)
      %dma_wait3A_527 = arith.constant 0 : i32
      %dma_wait3A_528 = tpu.memref_slice %arg5[%add3A_68, %dma_wait3A_527] : memref<32x80xi32, #tpu.memory_space<hbm>> -> memref<1x80xi32, #tpu.memory_space<hbm>>
      %dma_wait3A_529 = tpu.memref_squeeze %dma_wait3A_528 : memref<1x80xi32, #tpu.memory_space<hbm>> -> memref<80xi32, #tpu.memory_space<hbm>>
      %dma_wait3A_530 = arith.constant 0 : i32
      %dma_wait3A_531 = tpu.memref_slice %arg5[%add3A_68, %dma_wait3A_530] : memref<32x80xi32, #tpu.memory_space<hbm>> -> memref<1x80xi32, #tpu.memory_space<hbm>>
      %dma_wait3A_532 = tpu.memref_squeeze %dma_wait3A_531 : memref<1x80xi32, #tpu.memory_space<hbm>> -> memref<80xi32, #tpu.memory_space<hbm>>
      tpu.wait_dma2 semaphore(%run_scoped3A_520 : memref<!tpu.dma_semaphore, #tpu.memory_space<semaphore_mem>>) src(%dma_wait3A_532 : memref<80xi32, #tpu.memory_space<hbm>>) dst(%arg15 : memref<80xi32, #tpu.memory_space<vmem>>)
      tpu.yield
    }) : () -> ()
    %dma_start3A_69 = arith.constant 0 : i32
    %dma_start3A_70 = arith.constant 0 : i32
    %dma_start3A_71 = arith.constant 0 : i32
    %dma_start3A_72 = tpu.memref_slice %arg13[%dma_start3A_70, %dma_start3A_71] : memref<128x128xf32, #tpu.memory_space<vmem>> -> memref<80x128xf32, #tpu.memory_space<vmem>>
    %dma_start3A_73 = arith.constant 0 : i32
    %dma_start3A_74 = arith.constant 0 : i32
    %dma_start3A_75 = tpu.memref_slice %arg18[%dma_start3A_73, %dma_start3A_74] : memref<10240x128xf32, #tpu.memory_space<vmem_shared>> -> memref<10240x128xf32, #tpu.memory_space<vmem_shared>>
    %dma_start3A_76 = tpu.memref_slice %arg19[%dma_start3A_69] : memref<2x!tpu.dma_semaphore, #tpu.memory_space<semaphore_mem>> -> memref<1x!tpu.dma_semaphore, #tpu.memory_space<semaphore_mem>>
    %dma_start3A_77 = tpu.memref_squeeze %dma_start3A_76 : memref<1x!tpu.dma_semaphore, #tpu.memory_space<semaphore_mem>> -> memref<!tpu.dma_semaphore, #tpu.memory_space<semaphore_mem>>
    tpu.enqueue_indirect_dma source(%dma_start3A_75 : memref<10240x128xf32, #tpu.memory_space<vmem_shared>>) target(%dma_start3A_72 : memref<80x128xf32, #tpu.memory_space<vmem>>) offsets(%arg15 : memref<80xi32, #tpu.memory_space<vmem>>) semaphore(%dma_start3A_77 : memref<!tpu.dma_semaphore, #tpu.memory_space<semaphore_mem>>)
    %dma_wait3A_78 = arith.constant 0 : i32
    %dma_wait3A_79 = arith.constant 0 : i32
    %dma_wait3A_80 = arith.constant 0 : i32
    %dma_wait3A_81 = tpu.memref_slice %arg13[%dma_wait3A_79, %dma_wait3A_80] : memref<128x128xf32, #tpu.memory_space<vmem>> -> memref<80x128xf32, #tpu.memory_space<vmem>>
    %dma_wait3A_82 = arith.constant 0 : i32
    %dma_wait3A_83 = arith.constant 0 : i32
    %dma_wait3A_84 = tpu.memref_slice %arg18[%dma_wait3A_82, %dma_wait3A_83] : memref<10240x128xf32, #tpu.memory_space<vmem_shared>> -> memref<10240x128xf32, #tpu.memory_space<vmem_shared>>
    %dma_wait3A_85 = tpu.memref_slice %arg19[%dma_wait3A_78] : memref<2x!tpu.dma_semaphore, #tpu.memory_space<semaphore_mem>> -> memref<1x!tpu.dma_semaphore, #tpu.memory_space<semaphore_mem>>
    %dma_wait3A_86 = tpu.memref_squeeze %dma_wait3A_85 : memref<1x!tpu.dma_semaphore, #tpu.memory_space<semaphore_mem>> -> memref<!tpu.dma_semaphore, #tpu.memory_space<semaphore_mem>>
    tpu.wait_indirect_dma semaphore(%dma_wait3A_86 : memref<!tpu.dma_semaphore, #tpu.memory_space<semaphore_mem>>) src(%dma_wait3A_84 : memref<10240x128xf32, #tpu.memory_space<vmem_shared>>) dst(%dma_wait3A_81 : memref<80x128xf32, #tpu.memory_space<vmem>>)
    %mul3A_87 = arith.constant 2560 : i32
    %mul3A_88 = arith.muli %add3A_3, %mul3A_87 : i32
    %add3A_89 = arith.addi %mul3A_88, %add3A_64 : i32
    "tpu.region"() ({
      %run_scoped3A_520 = tpu.sem_alloc : memref<!tpu.dma_semaphore, #tpu.memory_space<semaphore_mem>>
      %dma_start3A_521 = arith.constant 0 : i32
      %dma_start3A_522 = arith.constant 0 : i32
      %dma_start3A_523 = tpu.memref_slice %arg13[%dma_start3A_521, %dma_start3A_522] : memref<128x128xf32, #tpu.memory_space<vmem>> -> memref<80x128xf32, #tpu.memory_space<vmem>>
      %dma_start3A_524 = arith.constant 0 : i32
      %dma_start3A_525 = tpu.memref_slice %arg8[%add3A_89, %dma_start3A_524] : memref<15360x128xf32, #tpu.memory_space<hbm>> -> memref<80x128xf32, #tpu.memory_space<hbm>>
      %dma_start3A_526 = arith.constant 0 : i32
      %dma_start3A_527 = tpu.memref_slice %arg8[%add3A_89, %dma_start3A_526] : memref<15360x128xf32, #tpu.memory_space<hbm>> -> memref<80x128xf32, #tpu.memory_space<hbm>>
      %dma_start3A_528 = arith.constant 0 : i32
      %dma_start3A_529 = arith.constant 0 : i32
      %dma_start3A_530 = tpu.memref_slice %arg13[%dma_start3A_528, %dma_start3A_529] : memref<128x128xf32, #tpu.memory_space<vmem>> -> memref<80x128xf32, #tpu.memory_space<vmem>>
      tpu.enqueue_dma source(%dma_start3A_530 : memref<80x128xf32, #tpu.memory_space<vmem>>) target(%dma_start3A_527 : memref<80x128xf32, #tpu.memory_space<hbm>>) target_semaphore(%run_scoped3A_520 : memref<!tpu.dma_semaphore, #tpu.memory_space<semaphore_mem>>)
      %dma_wait3A_531 = arith.constant 0 : i32
      %dma_wait3A_532 = arith.constant 0 : i32
      %dma_wait3A_533 = tpu.memref_slice %arg13[%dma_wait3A_531, %dma_wait3A_532] : memref<128x128xf32, #tpu.memory_space<vmem>> -> memref<80x128xf32, #tpu.memory_space<vmem>>
      %dma_wait3A_534 = arith.constant 0 : i32
      %dma_wait3A_535 = tpu.memref_slice %arg8[%add3A_89, %dma_wait3A_534] : memref<15360x128xf32, #tpu.memory_space<hbm>> -> memref<80x128xf32, #tpu.memory_space<hbm>>
      %dma_wait3A_536 = arith.constant 0 : i32
      %dma_wait3A_537 = tpu.memref_slice %arg8[%add3A_89, %dma_wait3A_536] : memref<15360x128xf32, #tpu.memory_space<hbm>> -> memref<80x128xf32, #tpu.memory_space<hbm>>
      %dma_wait3A_538 = arith.constant 0 : i32
      %dma_wait3A_539 = arith.constant 0 : i32
      %dma_wait3A_540 = tpu.memref_slice %arg13[%dma_wait3A_538, %dma_wait3A_539] : memref<128x128xf32, #tpu.memory_space<vmem>> -> memref<80x128xf32, #tpu.memory_space<vmem>>
      tpu.wait_dma2 semaphore(%run_scoped3A_520 : memref<!tpu.dma_semaphore, #tpu.memory_space<semaphore_mem>>) src(%dma_wait3A_540 : memref<80x128xf32, #tpu.memory_space<vmem>>) dst(%dma_wait3A_537 : memref<80x128xf32, #tpu.memory_space<hbm>>)
      tpu.yield
    }) : () -> ()
    %mul3A_90 = arith.constant 2 : i32
    %mul3A_91 = arith.muli %mul3A_90, %arg1 : i32
    %add3A_92 = arith.constant 0 : i32
    %add3A_93 = arith.addi %mul3A_91, %add3A_92 : i32
    "tpu.region"() ({
      %run_scoped3A_520 = tpu.sem_alloc : memref<!tpu.dma_semaphore, #tpu.memory_space<semaphore_mem>>
      %dma_start3A_521 = arith.constant 0 : i32
      %dma_start3A_522 = tpu.memref_slice %arg6[%add3A_3, %add3A_93, %dma_start3A_521] : memref<6x32x80xi32, #tpu.memory_space<hbm>> -> memref<1x1x80xi32, #tpu.memory_space<hbm>>
      %dma_start3A_523 = tpu.memref_squeeze %dma_start3A_522 : memref<1x1x80xi32, #tpu.memory_space<hbm>> -> memref<80xi32, #tpu.memory_space<hbm>>
      %dma_start3A_524 = arith.constant 0 : i32
      %dma_start3A_525 = tpu.memref_slice %arg6[%add3A_3, %add3A_93, %dma_start3A_524] : memref<6x32x80xi32, #tpu.memory_space<hbm>> -> memref<1x1x80xi32, #tpu.memory_space<hbm>>
      %dma_start3A_526 = tpu.memref_squeeze %dma_start3A_525 : memref<1x1x80xi32, #tpu.memory_space<hbm>> -> memref<80xi32, #tpu.memory_space<hbm>>
      tpu.enqueue_dma source(%dma_start3A_526 : memref<80xi32, #tpu.memory_space<hbm>>) target(%arg16 : memref<80xi32, #tpu.memory_space<vmem>>) target_semaphore(%run_scoped3A_520 : memref<!tpu.dma_semaphore, #tpu.memory_space<semaphore_mem>>)
      %dma_wait3A_527 = arith.constant 0 : i32
      %dma_wait3A_528 = tpu.memref_slice %arg6[%add3A_3, %add3A_93, %dma_wait3A_527] : memref<6x32x80xi32, #tpu.memory_space<hbm>> -> memref<1x1x80xi32, #tpu.memory_space<hbm>>
      %dma_wait3A_529 = tpu.memref_squeeze %dma_wait3A_528 : memref<1x1x80xi32, #tpu.memory_space<hbm>> -> memref<80xi32, #tpu.memory_space<hbm>>
      %dma_wait3A_530 = arith.constant 0 : i32
      %dma_wait3A_531 = tpu.memref_slice %arg6[%add3A_3, %add3A_93, %dma_wait3A_530] : memref<6x32x80xi32, #tpu.memory_space<hbm>> -> memref<1x1x80xi32, #tpu.memory_space<hbm>>
      %dma_wait3A_532 = tpu.memref_squeeze %dma_wait3A_531 : memref<1x1x80xi32, #tpu.memory_space<hbm>> -> memref<80xi32, #tpu.memory_space<hbm>>
      tpu.wait_dma2 semaphore(%run_scoped3A_520 : memref<!tpu.dma_semaphore, #tpu.memory_space<semaphore_mem>>) src(%dma_wait3A_532 : memref<80xi32, #tpu.memory_space<hbm>>) dst(%arg16 : memref<80xi32, #tpu.memory_space<vmem>>)
      tpu.yield
    }) : () -> ()
    %dma_start3A_94 = arith.constant 0 : i32
    %dma_start3A_95 = arith.constant 0 : i32
    %dma_start3A_96 = arith.constant 0 : i32
    %dma_start3A_97 = tpu.memref_slice %arg13[%dma_start3A_95, %dma_start3A_96] : memref<128x128xf32, #tpu.memory_space<vmem>> -> memref<80x128xf32, #tpu.memory_space<vmem>>
    %dma_start3A_98 = arith.constant 0 : i32
    %dma_start3A_99 = arith.constant 0 : i32
    %dma_start3A_100 = tpu.memref_slice %arg2[%dma_start3A_98, %dma_start3A_99] : memref<61440x128xf32, #tpu.memory_space<hbm>> -> memref<61440x128xf32, #tpu.memory_space<hbm>>
    %dma_start3A_101 = tpu.memref_slice %arg19[%dma_start3A_94] : memref<2x!tpu.dma_semaphore, #tpu.memory_space<semaphore_mem>> -> memref<1x!tpu.dma_semaphore, #tpu.memory_space<semaphore_mem>>
    %dma_start3A_102 = tpu.memref_squeeze %dma_start3A_101 : memref<1x!tpu.dma_semaphore, #tpu.memory_space<semaphore_mem>> -> memref<!tpu.dma_semaphore, #tpu.memory_space<semaphore_mem>>
    tpu.enqueue_indirect_dma source(%dma_start3A_100 : memref<61440x128xf32, #tpu.memory_space<hbm>>) target(%dma_start3A_97 : memref<80x128xf32, #tpu.memory_space<vmem>>) offsets(%arg16 : memref<80xi32, #tpu.memory_space<vmem>>) semaphore(%dma_start3A_102 : memref<!tpu.dma_semaphore, #tpu.memory_space<semaphore_mem>>)
    %dma_wait3A_103 = arith.constant 0 : i32
    %dma_wait3A_104 = arith.constant 0 : i32
    %dma_wait3A_105 = arith.constant 0 : i32
    %dma_wait3A_106 = tpu.memref_slice %arg13[%dma_wait3A_104, %dma_wait3A_105] : memref<128x128xf32, #tpu.memory_space<vmem>> -> memref<80x128xf32, #tpu.memory_space<vmem>>
    %dma_wait3A_107 = arith.constant 0 : i32
    %dma_wait3A_108 = arith.constant 0 : i32
    %dma_wait3A_109 = tpu.memref_slice %arg2[%dma_wait3A_107, %dma_wait3A_108] : memref<61440x128xf32, #tpu.memory_space<hbm>> -> memref<61440x128xf32, #tpu.memory_space<hbm>>
    %dma_wait3A_110 = tpu.memref_slice %arg19[%dma_wait3A_103] : memref<2x!tpu.dma_semaphore, #tpu.memory_space<semaphore_mem>> -> memref<1x!tpu.dma_semaphore, #tpu.memory_space<semaphore_mem>>
    %dma_wait3A_111 = tpu.memref_squeeze %dma_wait3A_110 : memref<1x!tpu.dma_semaphore, #tpu.memory_space<semaphore_mem>> -> memref<!tpu.dma_semaphore, #tpu.memory_space<semaphore_mem>>
    tpu.wait_indirect_dma semaphore(%dma_wait3A_111 : memref<!tpu.dma_semaphore, #tpu.memory_space<semaphore_mem>>) src(%dma_wait3A_109 : memref<61440x128xf32, #tpu.memory_space<hbm>>) dst(%dma_wait3A_106 : memref<80x128xf32, #tpu.memory_space<vmem>>)
    %mul3A_112 = arith.constant 2560 : i32
    %mul3A_113 = arith.muli %add3A_3, %mul3A_112 : i32
    %add3A_114 = arith.addi %mul3A_113, %add3A_64 : i32
    "tpu.region"() ({
      %run_scoped3A_520 = tpu.sem_alloc : memref<!tpu.dma_semaphore, #tpu.memory_space<semaphore_mem>>
      %dma_start3A_521 = arith.constant 0 : i32
      %dma_start3A_522 = arith.constant 0 : i32
      %dma_start3A_523 = tpu.memref_slice %arg13[%dma_start3A_521, %dma_start3A_522] : memref<128x128xf32, #tpu.memory_space<vmem>> -> memref<80x128xf32, #tpu.memory_space<vmem>>
      %dma_start3A_524 = arith.constant 0 : i32
      %dma_start3A_525 = tpu.memref_slice %arg9[%add3A_114, %dma_start3A_524] : memref<15360x128xf32, #tpu.memory_space<hbm>> -> memref<80x128xf32, #tpu.memory_space<hbm>>
      %dma_start3A_526 = arith.constant 0 : i32
      %dma_start3A_527 = tpu.memref_slice %arg9[%add3A_114, %dma_start3A_526] : memref<15360x128xf32, #tpu.memory_space<hbm>> -> memref<80x128xf32, #tpu.memory_space<hbm>>
      %dma_start3A_528 = arith.constant 0 : i32
      %dma_start3A_529 = arith.constant 0 : i32
      %dma_start3A_530 = tpu.memref_slice %arg13[%dma_start3A_528, %dma_start3A_529] : memref<128x128xf32, #tpu.memory_space<vmem>> -> memref<80x128xf32, #tpu.memory_space<vmem>>
      tpu.enqueue_dma source(%dma_start3A_530 : memref<80x128xf32, #tpu.memory_space<vmem>>) target(%dma_start3A_527 : memref<80x128xf32, #tpu.memory_space<hbm>>) target_semaphore(%run_scoped3A_520 : memref<!tpu.dma_semaphore, #tpu.memory_space<semaphore_mem>>)
      %dma_wait3A_531 = arith.constant 0 : i32
      %dma_wait3A_532 = arith.constant 0 : i32
      %dma_wait3A_533 = tpu.memref_slice %arg13[%dma_wait3A_531, %dma_wait3A_532] : memref<128x128xf32, #tpu.memory_space<vmem>> -> memref<80x128xf32, #tpu.memory_space<vmem>>
      %dma_wait3A_534 = arith.constant 0 : i32
      %dma_wait3A_535 = tpu.memref_slice %arg9[%add3A_114, %dma_wait3A_534] : memref<15360x128xf32, #tpu.memory_space<hbm>> -> memref<80x128xf32, #tpu.memory_space<hbm>>
      %dma_wait3A_536 = arith.constant 0 : i32
      %dma_wait3A_537 = tpu.memref_slice %arg9[%add3A_114, %dma_wait3A_536] : memref<15360x128xf32, #tpu.memory_space<hbm>> -> memref<80x128xf32, #tpu.memory_space<hbm>>
      %dma_wait3A_538 = arith.constant 0 : i32
      %dma_wait3A_539 = arith.constant 0 : i32
      %dma_wait3A_540 = tpu.memref_slice %arg13[%dma_wait3A_538, %dma_wait3A_539] : memref<128x128xf32, #tpu.memory_space<vmem>> -> memref<80x128xf32, #tpu.memory_space<vmem>>
      tpu.wait_dma2 semaphore(%run_scoped3A_520 : memref<!tpu.dma_semaphore, #tpu.memory_space<semaphore_mem>>) src(%dma_wait3A_540 : memref<80x128xf32, #tpu.memory_space<vmem>>) dst(%dma_wait3A_537 : memref<80x128xf32, #tpu.memory_space<hbm>>)
      tpu.yield
    }) : () -> ()
    %mul3A_115 = arith.constant 160 : i32
    %mul3A_116 = arith.muli %arg1, %mul3A_115 : i32
    %add3A_117 = arith.constant 80 : i32
    %add3A_118 = arith.addi %mul3A_116, %add3A_117 : i32
    %mul3A_119 = arith.constant 2 : i32
    %mul3A_120 = arith.muli %mul3A_119, %arg1 : i32
    %add3A_121 = arith.constant 1 : i32
    %add3A_122 = arith.addi %mul3A_120, %add3A_121 : i32
    "tpu.region"() ({
      %run_scoped3A_520 = tpu.sem_alloc : memref<!tpu.dma_semaphore, #tpu.memory_space<semaphore_mem>>
      %dma_start3A_521 = arith.constant 0 : i32
      %dma_start3A_522 = tpu.memref_slice %arg5[%add3A_122, %dma_start3A_521] : memref<32x80xi32, #tpu.memory_space<hbm>> -> memref<1x80xi32, #tpu.memory_space<hbm>>
      %dma_start3A_523 = tpu.memref_squeeze %dma_start3A_522 : memref<1x80xi32, #tpu.memory_space<hbm>> -> memref<80xi32, #tpu.memory_space<hbm>>
      %dma_start3A_524 = arith.constant 0 : i32
      %dma_start3A_525 = tpu.memref_slice %arg5[%add3A_122, %dma_start3A_524] : memref<32x80xi32, #tpu.memory_space<hbm>> -> memref<1x80xi32, #tpu.memory_space<hbm>>
      %dma_start3A_526 = tpu.memref_squeeze %dma_start3A_525 : memref<1x80xi32, #tpu.memory_space<hbm>> -> memref<80xi32, #tpu.memory_space<hbm>>
      tpu.enqueue_dma source(%dma_start3A_526 : memref<80xi32, #tpu.memory_space<hbm>>) target(%arg15 : memref<80xi32, #tpu.memory_space<vmem>>) target_semaphore(%run_scoped3A_520 : memref<!tpu.dma_semaphore, #tpu.memory_space<semaphore_mem>>)
      %dma_wait3A_527 = arith.constant 0 : i32
      %dma_wait3A_528 = tpu.memref_slice %arg5[%add3A_122, %dma_wait3A_527] : memref<32x80xi32, #tpu.memory_space<hbm>> -> memref<1x80xi32, #tpu.memory_space<hbm>>
      %dma_wait3A_529 = tpu.memref_squeeze %dma_wait3A_528 : memref<1x80xi32, #tpu.memory_space<hbm>> -> memref<80xi32, #tpu.memory_space<hbm>>
      %dma_wait3A_530 = arith.constant 0 : i32
      %dma_wait3A_531 = tpu.memref_slice %arg5[%add3A_122, %dma_wait3A_530] : memref<32x80xi32, #tpu.memory_space<hbm>> -> memref<1x80xi32, #tpu.memory_space<hbm>>
      %dma_wait3A_532 = tpu.memref_squeeze %dma_wait3A_531 : memref<1x80xi32, #tpu.memory_space<hbm>> -> memref<80xi32, #tpu.memory_space<hbm>>
      tpu.wait_dma2 semaphore(%run_scoped3A_520 : memref<!tpu.dma_semaphore, #tpu.memory_space<semaphore_mem>>) src(%dma_wait3A_532 : memref<80xi32, #tpu.memory_space<hbm>>) dst(%arg15 : memref<80xi32, #tpu.memory_space<vmem>>)
      tpu.yield
    }) : () -> ()
    %dma_start3A_123 = arith.constant 0 : i32
    %dma_start3A_124 = arith.constant 0 : i32
    %dma_start3A_125 = arith.constant 0 : i32
    %dma_start3A_126 = tpu.memref_slice %arg13[%dma_start3A_124, %dma_start3A_125] : memref<128x128xf32, #tpu.memory_space<vmem>> -> memref<80x128xf32, #tpu.memory_space<vmem>>
    %dma_start3A_127 = arith.constant 0 : i32
    %dma_start3A_128 = arith.constant 0 : i32
    %dma_start3A_129 = tpu.memref_slice %arg18[%dma_start3A_127, %dma_start3A_128] : memref<10240x128xf32, #tpu.memory_space<vmem_shared>> -> memref<10240x128xf32, #tpu.memory_space<vmem_shared>>
    %dma_start3A_130 = tpu.memref_slice %arg19[%dma_start3A_123] : memref<2x!tpu.dma_semaphore, #tpu.memory_space<semaphore_mem>> -> memref<1x!tpu.dma_semaphore, #tpu.memory_space<semaphore_mem>>
    %dma_start3A_131 = tpu.memref_squeeze %dma_start3A_130 : memref<1x!tpu.dma_semaphore, #tpu.memory_space<semaphore_mem>> -> memref<!tpu.dma_semaphore, #tpu.memory_space<semaphore_mem>>
    tpu.enqueue_indirect_dma source(%dma_start3A_129 : memref<10240x128xf32, #tpu.memory_space<vmem_shared>>) target(%dma_start3A_126 : memref<80x128xf32, #tpu.memory_space<vmem>>) offsets(%arg15 : memref<80xi32, #tpu.memory_space<vmem>>) semaphore(%dma_start3A_131 : memref<!tpu.dma_semaphore, #tpu.memory_space<semaphore_mem>>)
    %dma_wait3A_132 = arith.constant 0 : i32
    %dma_wait3A_133 = arith.constant 0 : i32
    %dma_wait3A_134 = arith.constant 0 : i32
    %dma_wait3A_135 = tpu.memref_slice %arg13[%dma_wait3A_133, %dma_wait3A_134] : memref<128x128xf32, #tpu.memory_space<vmem>> -> memref<80x128xf32, #tpu.memory_space<vmem>>
    %dma_wait3A_136 = arith.constant 0 : i32
    %dma_wait3A_137 = arith.constant 0 : i32
    %dma_wait3A_138 = tpu.memref_slice %arg18[%dma_wait3A_136, %dma_wait3A_137] : memref<10240x128xf32, #tpu.memory_space<vmem_shared>> -> memref<10240x128xf32, #tpu.memory_space<vmem_shared>>
    %dma_wait3A_139 = tpu.memref_slice %arg19[%dma_wait3A_132] : memref<2x!tpu.dma_semaphore, #tpu.memory_space<semaphore_mem>> -> memref<1x!tpu.dma_semaphore, #tpu.memory_space<semaphore_mem>>
    %dma_wait3A_140 = tpu.memref_squeeze %dma_wait3A_139 : memref<1x!tpu.dma_semaphore, #tpu.memory_space<semaphore_mem>> -> memref<!tpu.dma_semaphore, #tpu.memory_space<semaphore_mem>>
    tpu.wait_indirect_dma semaphore(%dma_wait3A_140 : memref<!tpu.dma_semaphore, #tpu.memory_space<semaphore_mem>>) src(%dma_wait3A_138 : memref<10240x128xf32, #tpu.memory_space<vmem_shared>>) dst(%dma_wait3A_135 : memref<80x128xf32, #tpu.memory_space<vmem>>)
    %mul3A_141 = arith.constant 2560 : i32
    %mul3A_142 = arith.muli %add3A_3, %mul3A_141 : i32
    %add3A_143 = arith.addi %mul3A_142, %add3A_118 : i32
    "tpu.region"() ({
      %run_scoped3A_520 = tpu.sem_alloc : memref<!tpu.dma_semaphore, #tpu.memory_space<semaphore_mem>>
      %dma_start3A_521 = arith.constant 0 : i32
      %dma_start3A_522 = arith.constant 0 : i32
      %dma_start3A_523 = tpu.memref_slice %arg13[%dma_start3A_521, %dma_start3A_522] : memref<128x128xf32, #tpu.memory_space<vmem>> -> memref<80x128xf32, #tpu.memory_space<vmem>>
      %dma_start3A_524 = arith.constant 0 : i32
      %dma_start3A_525 = tpu.memref_slice %arg8[%add3A_143, %dma_start3A_524] : memref<15360x128xf32, #tpu.memory_space<hbm>> -> memref<80x128xf32, #tpu.memory_space<hbm>>
      %dma_start3A_526 = arith.constant 0 : i32
      %dma_start3A_527 = tpu.memref_slice %arg8[%add3A_143, %dma_start3A_526] : memref<15360x128xf32, #tpu.memory_space<hbm>> -> memref<80x128xf32, #tpu.memory_space<hbm>>
      %dma_start3A_528 = arith.constant 0 : i32
      %dma_start3A_529 = arith.constant 0 : i32
      %dma_start3A_530 = tpu.memref_slice %arg13[%dma_start3A_528, %dma_start3A_529] : memref<128x128xf32, #tpu.memory_space<vmem>> -> memref<80x128xf32, #tpu.memory_space<vmem>>
      tpu.enqueue_dma source(%dma_start3A_530 : memref<80x128xf32, #tpu.memory_space<vmem>>) target(%dma_start3A_527 : memref<80x128xf32, #tpu.memory_space<hbm>>) target_semaphore(%run_scoped3A_520 : memref<!tpu.dma_semaphore, #tpu.memory_space<semaphore_mem>>)
      %dma_wait3A_531 = arith.constant 0 : i32
      %dma_wait3A_532 = arith.constant 0 : i32
      %dma_wait3A_533 = tpu.memref_slice %arg13[%dma_wait3A_531, %dma_wait3A_532] : memref<128x128xf32, #tpu.memory_space<vmem>> -> memref<80x128xf32, #tpu.memory_space<vmem>>
      %dma_wait3A_534 = arith.constant 0 : i32
      %dma_wait3A_535 = tpu.memref_slice %arg8[%add3A_143, %dma_wait3A_534] : memref<15360x128xf32, #tpu.memory_space<hbm>> -> memref<80x128xf32, #tpu.memory_space<hbm>>
      %dma_wait3A_536 = arith.constant 0 : i32
      %dma_wait3A_537 = tpu.memref_slice %arg8[%add3A_143, %dma_wait3A_536] : memref<15360x128xf32, #tpu.memory_space<hbm>> -> memref<80x128xf32, #tpu.memory_space<hbm>>
      %dma_wait3A_538 = arith.constant 0 : i32
      %dma_wait3A_539 = arith.constant 0 : i32
      %dma_wait3A_540 = tpu.memref_slice %arg13[%dma_wait3A_538, %dma_wait3A_539] : memref<128x128xf32, #tpu.memory_space<vmem>> -> memref<80x128xf32, #tpu.memory_space<vmem>>
      tpu.wait_dma2 semaphore(%run_scoped3A_520 : memref<!tpu.dma_semaphore, #tpu.memory_space<semaphore_mem>>) src(%dma_wait3A_540 : memref<80x128xf32, #tpu.memory_space<vmem>>) dst(%dma_wait3A_537 : memref<80x128xf32, #tpu.memory_space<hbm>>)
      tpu.yield
    }) : () -> ()
    %mul3A_144 = arith.constant 2 : i32
    %mul3A_145 = arith.muli %mul3A_144, %arg1 : i32
    %add3A_146 = arith.constant 1 : i32
    %add3A_147 = arith.addi %mul3A_145, %add3A_146 : i32
    "tpu.region"() ({
      %run_scoped3A_520 = tpu.sem_alloc : memref<!tpu.dma_semaphore, #tpu.memory_space<semaphore_mem>>
      %dma_start3A_521 = arith.constant 0 : i32
      %dma_start3A_522 = tpu.memref_slice %arg6[%add3A_3, %add3A_147, %dma_start3A_521] : memref<6x32x80xi32, #tpu.memory_space<hbm>> -> memref<1x1x80xi32, #tpu.memory_space<hbm>>
      %dma_start3A_523 = tpu.memref_squeeze %dma_start3A_522 : memref<1x1x80xi32, #tpu.memory_space<hbm>> -> memref<80xi32, #tpu.memory_space<hbm>>
      %dma_start3A_524 = arith.constant 0 : i32
      %dma_start3A_525 = tpu.memref_slice %arg6[%add3A_3, %add3A_147, %dma_start3A_524] : memref<6x32x80xi32, #tpu.memory_space<hbm>> -> memref<1x1x80xi32, #tpu.memory_space<hbm>>
      %dma_start3A_526 = tpu.memref_squeeze %dma_start3A_525 : memref<1x1x80xi32, #tpu.memory_space<hbm>> -> memref<80xi32, #tpu.memory_space<hbm>>
      tpu.enqueue_dma source(%dma_start3A_526 : memref<80xi32, #tpu.memory_space<hbm>>) target(%arg16 : memref<80xi32, #tpu.memory_space<vmem>>) target_semaphore(%run_scoped3A_520 : memref<!tpu.dma_semaphore, #tpu.memory_space<semaphore_mem>>)
      %dma_wait3A_527 = arith.constant 0 : i32
      %dma_wait3A_528 = tpu.memref_slice %arg6[%add3A_3, %add3A_147, %dma_wait3A_527] : memref<6x32x80xi32, #tpu.memory_space<hbm>> -> memref<1x1x80xi32, #tpu.memory_space<hbm>>
      %dma_wait3A_529 = tpu.memref_squeeze %dma_wait3A_528 : memref<1x1x80xi32, #tpu.memory_space<hbm>> -> memref<80xi32, #tpu.memory_space<hbm>>
      %dma_wait3A_530 = arith.constant 0 : i32
      %dma_wait3A_531 = tpu.memref_slice %arg6[%add3A_3, %add3A_147, %dma_wait3A_530] : memref<6x32x80xi32, #tpu.memory_space<hbm>> -> memref<1x1x80xi32, #tpu.memory_space<hbm>>
      %dma_wait3A_532 = tpu.memref_squeeze %dma_wait3A_531 : memref<1x1x80xi32, #tpu.memory_space<hbm>> -> memref<80xi32, #tpu.memory_space<hbm>>
      tpu.wait_dma2 semaphore(%run_scoped3A_520 : memref<!tpu.dma_semaphore, #tpu.memory_space<semaphore_mem>>) src(%dma_wait3A_532 : memref<80xi32, #tpu.memory_space<hbm>>) dst(%arg16 : memref<80xi32, #tpu.memory_space<vmem>>)
      tpu.yield
    }) : () -> ()
    %dma_start3A_148 = arith.constant 0 : i32
    %dma_start3A_149 = arith.constant 0 : i32
    %dma_start3A_150 = arith.constant 0 : i32
    %dma_start3A_151 = tpu.memref_slice %arg13[%dma_start3A_149, %dma_start3A_150] : memref<128x128xf32, #tpu.memory_space<vmem>> -> memref<80x128xf32, #tpu.memory_space<vmem>>
    %dma_start3A_152 = arith.constant 0 : i32
    %dma_start3A_153 = arith.constant 0 : i32
    %dma_start3A_154 = tpu.memref_slice %arg2[%dma_start3A_152, %dma_start3A_153] : memref<61440x128xf32, #tpu.memory_space<hbm>> -> memref<61440x128xf32, #tpu.memory_space<hbm>>
    %dma_start3A_155 = tpu.memref_slice %arg19[%dma_start3A_148] : memref<2x!tpu.dma_semaphore, #tpu.memory_space<semaphore_mem>> -> memref<1x!tpu.dma_semaphore, #tpu.memory_space<semaphore_mem>>
    %dma_start3A_156 = tpu.memref_squeeze %dma_start3A_155 : memref<1x!tpu.dma_semaphore, #tpu.memory_space<semaphore_mem>> -> memref<!tpu.dma_semaphore, #tpu.memory_space<semaphore_mem>>
    tpu.enqueue_indirect_dma source(%dma_start3A_154 : memref<61440x128xf32, #tpu.memory_space<hbm>>) target(%dma_start3A_151 : memref<80x128xf32, #tpu.memory_space<vmem>>) offsets(%arg16 : memref<80xi32, #tpu.memory_space<vmem>>) semaphore(%dma_start3A_156 : memref<!tpu.dma_semaphore, #tpu.memory_space<semaphore_mem>>)
    %dma_wait3A_157 = arith.constant 0 : i32
    %dma_wait3A_158 = arith.constant 0 : i32
    %dma_wait3A_159 = arith.constant 0 : i32
    %dma_wait3A_160 = tpu.memref_slice %arg13[%dma_wait3A_158, %dma_wait3A_159] : memref<128x128xf32, #tpu.memory_space<vmem>> -> memref<80x128xf32, #tpu.memory_space<vmem>>
    %dma_wait3A_161 = arith.constant 0 : i32
    %dma_wait3A_162 = arith.constant 0 : i32
    %dma_wait3A_163 = tpu.memref_slice %arg2[%dma_wait3A_161, %dma_wait3A_162] : memref<61440x128xf32, #tpu.memory_space<hbm>> -> memref<61440x128xf32, #tpu.memory_space<hbm>>
    %dma_wait3A_164 = tpu.memref_slice %arg19[%dma_wait3A_157] : memref<2x!tpu.dma_semaphore, #tpu.memory_space<semaphore_mem>> -> memref<1x!tpu.dma_semaphore, #tpu.memory_space<semaphore_mem>>
    %dma_wait3A_165 = tpu.memref_squeeze %dma_wait3A_164 : memref<1x!tpu.dma_semaphore, #tpu.memory_space<semaphore_mem>> -> memref<!tpu.dma_semaphore, #tpu.memory_space<semaphore_mem>>
    tpu.wait_indirect_dma semaphore(%dma_wait3A_165 : memref<!tpu.dma_semaphore, #tpu.memory_space<semaphore_mem>>) src(%dma_wait3A_163 : memref<61440x128xf32, #tpu.memory_space<hbm>>) dst(%dma_wait3A_160 : memref<80x128xf32, #tpu.memory_space<vmem>>)
    %mul3A_166 = arith.constant 2560 : i32
    %mul3A_167 = arith.muli %add3A_3, %mul3A_166 : i32
    %add3A_168 = arith.addi %mul3A_167, %add3A_118 : i32
    "tpu.region"() ({
      %run_scoped3A_520 = tpu.sem_alloc : memref<!tpu.dma_semaphore, #tpu.memory_space<semaphore_mem>>
      %dma_start3A_521 = arith.constant 0 : i32
      %dma_start3A_522 = arith.constant 0 : i32
      %dma_start3A_523 = tpu.memref_slice %arg13[%dma_start3A_521, %dma_start3A_522] : memref<128x128xf32, #tpu.memory_space<vmem>> -> memref<80x128xf32, #tpu.memory_space<vmem>>
      %dma_start3A_524 = arith.constant 0 : i32
      %dma_start3A_525 = tpu.memref_slice %arg9[%add3A_168, %dma_start3A_524] : memref<15360x128xf32, #tpu.memory_space<hbm>> -> memref<80x128xf32, #tpu.memory_space<hbm>>
      %dma_start3A_526 = arith.constant 0 : i32
      %dma_start3A_527 = tpu.memref_slice %arg9[%add3A_168, %dma_start3A_526] : memref<15360x128xf32, #tpu.memory_space<hbm>> -> memref<80x128xf32, #tpu.memory_space<hbm>>
      %dma_start3A_528 = arith.constant 0 : i32
      %dma_start3A_529 = arith.constant 0 : i32
      %dma_start3A_530 = tpu.memref_slice %arg13[%dma_start3A_528, %dma_start3A_529] : memref<128x128xf32, #tpu.memory_space<vmem>> -> memref<80x128xf32, #tpu.memory_space<vmem>>
      tpu.enqueue_dma source(%dma_start3A_530 : memref<80x128xf32, #tpu.memory_space<vmem>>) target(%dma_start3A_527 : memref<80x128xf32, #tpu.memory_space<hbm>>) target_semaphore(%run_scoped3A_520 : memref<!tpu.dma_semaphore, #tpu.memory_space<semaphore_mem>>)
      %dma_wait3A_531 = arith.constant 0 : i32
      %dma_wait3A_532 = arith.constant 0 : i32
      %dma_wait3A_533 = tpu.memref_slice %arg13[%dma_wait3A_531, %dma_wait3A_532] : memref<128x128xf32, #tpu.memory_space<vmem>> -> memref<80x128xf32, #tpu.memory_space<vmem>>
      %dma_wait3A_534 = arith.constant 0 : i32
      %dma_wait3A_535 = tpu.memref_slice %arg9[%add3A_168, %dma_wait3A_534] : memref<15360x128xf32, #tpu.memory_space<hbm>> -> memref<80x128xf32, #tpu.memory_space<hbm>>
      %dma_wait3A_536 = arith.constant 0 : i32
      %dma_wait3A_537 = tpu.memref_slice %arg9[%add3A_168, %dma_wait3A_536] : memref<15360x128xf32, #tpu.memory_space<hbm>> -> memref<80x128xf32, #tpu.memory_space<hbm>>
      %dma_wait3A_538 = arith.constant 0 : i32
      %dma_wait3A_539 = arith.constant 0 : i32
      %dma_wait3A_540 = tpu.memref_slice %arg13[%dma_wait3A_538, %dma_wait3A_539] : memref<128x128xf32, #tpu.memory_space<vmem>> -> memref<80x128xf32, #tpu.memory_space<vmem>>
      tpu.wait_dma2 semaphore(%run_scoped3A_520 : memref<!tpu.dma_semaphore, #tpu.memory_space<semaphore_mem>>) src(%dma_wait3A_540 : memref<80x128xf32, #tpu.memory_space<vmem>>) dst(%dma_wait3A_537 : memref<80x128xf32, #tpu.memory_space<hbm>>)
      tpu.yield
    }) : () -> ()
    %barrier3A_169 = arith.constant 0 : index
    tpu.barrier barrier_id(%barrier3A_169)
    %mul3A_170 = arith.constant 3 : i32
    %mul3A_171 = arith.muli %arg0, %mul3A_170 : i32
    %add3A_172 = arith.constant 1 : i32
    %add3A_173 = arith.addi %mul3A_171, %add3A_172 : i32
    %scan3A_174 = arith.constant 0 : i32
    %scan3A_175 = arith.constant 0 : i32
    %scan3A_176 = arith.constant 128 : i32
    %scan3A_177 = arith.addi %scan3A_175, %scan3A_176 : i32
    %scan3A_178 = arith.constant 1 : i32
    scf.for %scan3A_520 = %scan3A_175 to %scan3A_177 step %scan3A_178  : i32 {
      %broadcast_in_dim3A = arith.constant 0.000000e+00 : f32
      %broadcast_in_dim3A_521 = vector.broadcast %broadcast_in_dim3A : f32 to vector<16xf32>
      %swap3A = arith.index_cast %scan3A_520 : i32 to index
      %swap3A_522 = arith.constant 0 : index
      %swap3A_523 = tpu.vector_load %arg13[%swap3A, %swap3A_522] {strides = array<i32>} : memref<128x128xf32, #tpu.memory_space<vmem>>, vector<1x16xf32>,
      %swap3A_524 = vector.shape_cast %swap3A_523 : vector<1x16xf32> to vector<16xf32>
      %swap3A_525 = vector.shape_cast %broadcast_in_dim3A_521 : vector<16xf32> to vector<1x16xf32>
      tpu.vector_store %arg13[%swap3A, %swap3A_522], %swap3A_525 {strides = array<i32>} : memref<128x128xf32, #tpu.memory_space<vmem>>, vector<1x16xf32>,
      %swap3A_526 = arith.index_cast %scan3A_520 : i32 to index
      %swap3A_527 = arith.constant 16 : index
      %swap3A_528 = tpu.vector_load %arg13[%swap3A_526, %swap3A_527] {strides = array<i32>} : memref<128x128xf32, #tpu.memory_space<vmem>>, vector<1x16xf32>,
      %swap3A_529 = vector.shape_cast %swap3A_528 : vector<1x16xf32> to vector<16xf32>
      %swap3A_530 = vector.shape_cast %broadcast_in_dim3A_521 : vector<16xf32> to vector<1x16xf32>
      tpu.vector_store %arg13[%swap3A_526, %swap3A_527], %swap3A_530 {strides = array<i32>} : memref<128x128xf32, #tpu.memory_space<vmem>>, vector<1x16xf32>,
      %swap3A_531 = arith.index_cast %scan3A_520 : i32 to index
      %swap3A_532 = arith.constant 32 : index
      %swap3A_533 = tpu.vector_load %arg13[%swap3A_531, %swap3A_532] {strides = array<i32>} : memref<128x128xf32, #tpu.memory_space<vmem>>, vector<1x16xf32>,
      %swap3A_534 = vector.shape_cast %swap3A_533 : vector<1x16xf32> to vector<16xf32>
      %swap3A_535 = vector.shape_cast %broadcast_in_dim3A_521 : vector<16xf32> to vector<1x16xf32>
      tpu.vector_store %arg13[%swap3A_531, %swap3A_532], %swap3A_535 {strides = array<i32>} : memref<128x128xf32, #tpu.memory_space<vmem>>, vector<1x16xf32>,
      %swap3A_536 = arith.index_cast %scan3A_520 : i32 to index
      %swap3A_537 = arith.constant 48 : index
      %swap3A_538 = tpu.vector_load %arg13[%swap3A_536, %swap3A_537] {strides = array<i32>} : memref<128x128xf32, #tpu.memory_space<vmem>>, vector<1x16xf32>,
      %swap3A_539 = vector.shape_cast %swap3A_538 : vector<1x16xf32> to vector<16xf32>
      %swap3A_540 = vector.shape_cast %broadcast_in_dim3A_521 : vector<16xf32> to vector<1x16xf32>
      tpu.vector_store %arg13[%swap3A_536, %swap3A_537], %swap3A_540 {strides = array<i32>} : memref<128x128xf32, #tpu.memory_space<vmem>>, vector<1x16xf32>,
      %swap3A_541 = arith.index_cast %scan3A_520 : i32 to index
      %swap3A_542 = arith.constant 64 : index
      %swap3A_543 = tpu.vector_load %arg13[%swap3A_541, %swap3A_542] {strides = array<i32>} : memref<128x128xf32, #tpu.memory_space<vmem>>, vector<1x16xf32>,
      %swap3A_544 = vector.shape_cast %swap3A_543 : vector<1x16xf32> to vector<16xf32>
      %swap3A_545 = vector.shape_cast %broadcast_in_dim3A_521 : vector<16xf32> to vector<1x16xf32>
      tpu.vector_store %arg13[%swap3A_541, %swap3A_542], %swap3A_545 {strides = array<i32>} : memref<128x128xf32, #tpu.memory_space<vmem>>, vector<1x16xf32>,
      %swap3A_546 = arith.index_cast %scan3A_520 : i32 to index
      %swap3A_547 = arith.constant 80 : index
      %swap3A_548 = tpu.vector_load %arg13[%swap3A_546, %swap3A_547] {strides = array<i32>} : memref<128x128xf32, #tpu.memory_space<vmem>>, vector<1x16xf32>,
      %swap3A_549 = vector.shape_cast %swap3A_548 : vector<1x16xf32> to vector<16xf32>
      %swap3A_550 = vector.shape_cast %broadcast_in_dim3A_521 : vector<16xf32> to vector<1x16xf32>
      tpu.vector_store %arg13[%swap3A_546, %swap3A_547], %swap3A_550 {strides = array<i32>} : memref<128x128xf32, #tpu.memory_space<vmem>>, vector<1x16xf32>,
      %swap3A_551 = arith.index_cast %scan3A_520 : i32 to index
      %swap3A_552 = arith.constant 96 : index
      %swap3A_553 = tpu.vector_load %arg13[%swap3A_551, %swap3A_552] {strides = array<i32>} : memref<128x128xf32, #tpu.memory_space<vmem>>, vector<1x16xf32>,
      %swap3A_554 = vector.shape_cast %swap3A_553 : vector<1x16xf32> to vector<16xf32>
      %swap3A_555 = vector.shape_cast %broadcast_in_dim3A_521 : vector<16xf32> to vector<1x16xf32>
      tpu.vector_store %arg13[%swap3A_551, %swap3A_552], %swap3A_555 {strides = array<i32>} : memref<128x128xf32, #tpu.memory_space<vmem>>, vector<1x16xf32>,
      %swap3A_556 = arith.index_cast %scan3A_520 : i32 to index
      %swap3A_557 = arith.constant 112 : index
      %swap3A_558 = tpu.vector_load %arg13[%swap3A_556, %swap3A_557] {strides = array<i32>} : memref<128x128xf32, #tpu.memory_space<vmem>>, vector<1x16xf32>,
      %swap3A_559 = vector.shape_cast %swap3A_558 : vector<1x16xf32> to vector<16xf32>
      %swap3A_560 = vector.shape_cast %broadcast_in_dim3A_521 : vector<16xf32> to vector<1x16xf32>
      tpu.vector_store %arg13[%swap3A_556, %swap3A_557], %swap3A_560 {strides = array<i32>} : memref<128x128xf32, #tpu.memory_space<vmem>>, vector<1x16xf32>,
    }
    %scan3A_179 = arith.constant 128 : i32
    %scan3A_180 = arith.constant 0 : i32
    %scan3A_181 = arith.constant 0 : i32
    %scan3A_182 = arith.constant 5 : i32
    %scan3A_183 = arith.addi %scan3A_181, %scan3A_182 : i32
    %scan3A_184 = arith.constant 1 : i32
    scf.for %scan3A_520 = %scan3A_181 to %scan3A_183 step %scan3A_184  : i32 {
      %mul3A_521 = arith.constant 640 : i32
      %mul3A_522 = arith.muli %arg1, %mul3A_521 : i32
      %mul3A_523 = arith.constant 128 : i32
      %mul3A_524 = arith.muli %scan3A_520, %mul3A_523 : i32
      %add3A_525 = arith.addi %mul3A_522, %mul3A_524 : i32
      "tpu.region"() ({
        %run_scoped3A_526 = tpu.sem_alloc : memref<!tpu.dma_semaphore, #tpu.memory_space<semaphore_mem>>
        %dma_start3A_527 = arith.constant 0 : i32
        %dma_start3A_528 = tpu.memref_slice %arg18[%add3A_525, %dma_start3A_527] : memref<10240x128xf32, #tpu.memory_space<vmem_shared>> -> memref<128x128xf32, #tpu.memory_space<vmem_shared>>
        %dma_start3A_529 = arith.constant 0 : i32
        %dma_start3A_530 = tpu.memref_slice %arg18[%add3A_525, %dma_start3A_529] : memref<10240x128xf32, #tpu.memory_space<vmem_shared>> -> memref<128x128xf32, #tpu.memory_space<vmem_shared>>
        tpu.enqueue_dma source(%arg13 : memref<128x128xf32, #tpu.memory_space<vmem>>) target(%dma_start3A_530 : memref<128x128xf32, #tpu.memory_space<vmem_shared>>) target_semaphore(%run_scoped3A_526 : memref<!tpu.dma_semaphore, #tpu.memory_space<semaphore_mem>>)
        %dma_wait3A_531 = arith.constant 0 : i32
        %dma_wait3A_532 = tpu.memref_slice %arg18[%add3A_525, %dma_wait3A_531] : memref<10240x128xf32, #tpu.memory_space<vmem_shared>> -> memref<128x128xf32, #tpu.memory_space<vmem_shared>>
        %dma_wait3A_533 = arith.constant 0 : i32
        %dma_wait3A_534 = tpu.memref_slice %arg18[%add3A_525, %dma_wait3A_533] : memref<10240x128xf32, #tpu.memory_space<vmem_shared>> -> memref<128x128xf32, #tpu.memory_space<vmem_shared>>
        tpu.wait_dma2 semaphore(%run_scoped3A_526 : memref<!tpu.dma_semaphore, #tpu.memory_space<semaphore_mem>>) src(%arg13 : memref<128x128xf32, #tpu.memory_space<vmem>>) dst(%dma_wait3A_534 : memref<128x128xf32, #tpu.memory_space<vmem_shared>>)
        tpu.yield
      }) : () -> ()
    }
    %scan3A_185 = arith.constant 5 : i32
    "tpu.region"() ({
      %run_scoped3A_520 = tpu.sem_alloc : memref<!tpu.dma_semaphore, #tpu.memory_space<semaphore_mem>>
      %dma_start3A_521 = arith.constant 0 : i32
      %dma_start3A_522 = arith.constant 0 : i32
      %dma_start3A_523 = tpu.memref_slice %arg3[%add3A_173, %arg1, %dma_start3A_521, %dma_start3A_522] : memref<6x16x50x128xi32, #tpu.memory_space<hbm>> -> memref<1x1x50x128xi32, #tpu.memory_space<hbm>>
      %dma_start3A_524 = tpu.memref_squeeze %dma_start3A_523 : memref<1x1x50x128xi32, #tpu.memory_space<hbm>> -> memref<50x128xi32, #tpu.memory_space<hbm>>
      %dma_start3A_525 = arith.constant 0 : i32
      %dma_start3A_526 = arith.constant 0 : i32
      %dma_start3A_527 = tpu.memref_slice %arg3[%add3A_173, %arg1, %dma_start3A_525, %dma_start3A_526] : memref<6x16x50x128xi32, #tpu.memory_space<hbm>> -> memref<1x1x50x128xi32, #tpu.memory_space<hbm>>
      %dma_start3A_528 = tpu.memref_squeeze %dma_start3A_527 : memref<1x1x50x128xi32, #tpu.memory_space<hbm>> -> memref<50x128xi32, #tpu.memory_space<hbm>>
      tpu.enqueue_dma source(%dma_start3A_528 : memref<50x128xi32, #tpu.memory_space<hbm>>) target(%arg11 : memref<50x128xi32, #tpu.memory_space<vmem>>) target_semaphore(%run_scoped3A_520 : memref<!tpu.dma_semaphore, #tpu.memory_space<semaphore_mem>>)
      %dma_wait3A_529 = arith.constant 0 : i32
      %dma_wait3A_530 = arith.constant 0 : i32
      %dma_wait3A_531 = tpu.memref_slice %arg3[%add3A_173, %arg1, %dma_wait3A_529, %dma_wait3A_530] : memref<6x16x50x128xi32, #tpu.memory_space<hbm>> -> memref<1x1x50x128xi32, #tpu.memory_space<hbm>>
      %dma_wait3A_532 = tpu.memref_squeeze %dma_wait3A_531 : memref<1x1x50x128xi32, #tpu.memory_space<hbm>> -> memref<50x128xi32, #tpu.memory_space<hbm>>
      %dma_wait3A_533 = arith.constant 0 : i32
      %dma_wait3A_534 = arith.constant 0 : i32
      %dma_wait3A_535 = tpu.memref_slice %arg3[%add3A_173, %arg1, %dma_wait3A_533, %dma_wait3A_534] : memref<6x16x50x128xi32, #tpu.memory_space<hbm>> -> memref<1x1x50x128xi32, #tpu.memory_space<hbm>>
      %dma_wait3A_536 = tpu.memref_squeeze %dma_wait3A_535 : memref<1x1x50x128xi32, #tpu.memory_space<hbm>> -> memref<50x128xi32, #tpu.memory_space<hbm>>
      tpu.wait_dma2 semaphore(%run_scoped3A_520 : memref<!tpu.dma_semaphore, #tpu.memory_space<semaphore_mem>>) src(%dma_wait3A_536 : memref<50x128xi32, #tpu.memory_space<hbm>>) dst(%arg11 : memref<50x128xi32, #tpu.memory_space<vmem>>)
      tpu.yield
    }) : () -> ()
    %barrier3A_186 = arith.constant 0 : index
    tpu.barrier barrier_id(%barrier3A_186)
    %dma_start3A_187 = arith.constant 0 : i32
    %dma_start3A_188 = arith.constant 0 : i32
    %dma_start3A_189 = arith.constant 0 : i32
    %dma_start3A_190 = tpu.memref_slice %arg11[%dma_start3A_187, %dma_start3A_189] : memref<50x128xi32, #tpu.memory_space<vmem>> -> memref<1x128xi32, #tpu.memory_space<vmem>>
    %dma_start3A_191 = tpu.memref_squeeze %dma_start3A_190 : memref<1x128xi32, #tpu.memory_space<vmem>> -> memref<128xi32, #tpu.memory_space<vmem>>
    %dma_start3A_192 = arith.constant 0 : i32
    %dma_start3A_193 = arith.constant 0 : i32
    %dma_start3A_194 = tpu.memref_slice %arg2[%dma_start3A_192, %dma_start3A_193] : memref<61440x128xf32, #tpu.memory_space<hbm>> -> memref<61440x128xf32, #tpu.memory_space<hbm>>
    %dma_start3A_195 = tpu.memref_slice %arg19[%dma_start3A_188] : memref<2x!tpu.dma_semaphore, #tpu.memory_space<semaphore_mem>> -> memref<1x!tpu.dma_semaphore, #tpu.memory_space<semaphore_mem>>
    %dma_start3A_196 = tpu.memref_squeeze %dma_start3A_195 : memref<1x!tpu.dma_semaphore, #tpu.memory_space<semaphore_mem>> -> memref<!tpu.dma_semaphore, #tpu.memory_space<semaphore_mem>>
    tpu.enqueue_indirect_dma source(%dma_start3A_194 : memref<61440x128xf32, #tpu.memory_space<hbm>>) target(%arg13 : memref<128x128xf32, #tpu.memory_space<vmem>>) offsets(%dma_start3A_191 : memref<128xi32, #tpu.memory_space<vmem>>) semaphore(%dma_start3A_196 : memref<!tpu.dma_semaphore, #tpu.memory_space<semaphore_mem>>)
    %scan3A_197 = arith.constant 0 : i32
    %scan3A_198 = arith.constant 0 : i32
    %scan3A_199 = arith.constant 24 : i32
    %scan3A_200 = arith.addi %scan3A_198, %scan3A_199 : i32
    %scan3A_201 = arith.constant 1 : i32
    scf.for %scan3A_520 = %scan3A_198 to %scan3A_200 step %scan3A_201  : i32 {
      %mul3A_521 = arith.constant 2 : i32
      %mul3A_522 = arith.muli %scan3A_520, %mul3A_521 : i32
      %dma_wait3A_523 = arith.constant 0 : i32
      %dma_wait3A_524 = arith.constant 0 : i32
      %dma_wait3A_525 = arith.constant 0 : i32
      %dma_wait3A_526 = tpu.memref_slice %arg11[%dma_wait3A_523, %dma_wait3A_525] : memref<50x128xi32, #tpu.memory_space<vmem>> -> memref<1x128xi32, #tpu.memory_space<vmem>>
      %dma_wait3A_527 = tpu.memref_squeeze %dma_wait3A_526 : memref<1x128xi32, #tpu.memory_space<vmem>> -> memref<128xi32, #tpu.memory_space<vmem>>
      %dma_wait3A_528 = arith.constant 0 : i32
      %dma_wait3A_529 = arith.constant 0 : i32
      %dma_wait3A_530 = tpu.memref_slice %arg2[%dma_wait3A_528, %dma_wait3A_529] : memref<61440x128xf32, #tpu.memory_space<hbm>> -> memref<61440x128xf32, #tpu.memory_space<hbm>>
      %dma_wait3A_531 = tpu.memref_slice %arg19[%dma_wait3A_524] : memref<2x!tpu.dma_semaphore, #tpu.memory_space<semaphore_mem>> -> memref<1x!tpu.dma_semaphore, #tpu.memory_space<semaphore_mem>>
      %dma_wait3A_532 = tpu.memref_squeeze %dma_wait3A_531 : memref<1x!tpu.dma_semaphore, #tpu.memory_space<semaphore_mem>> -> memref<!tpu.dma_semaphore, #tpu.memory_space<semaphore_mem>>
      tpu.wait_indirect_dma semaphore(%dma_wait3A_532 : memref<!tpu.dma_semaphore, #tpu.memory_space<semaphore_mem>>) src(%dma_wait3A_530 : memref<61440x128xf32, #tpu.memory_space<hbm>>) dst(%arg13 : memref<128x128xf32, #tpu.memory_space<vmem>>)
      %add3A_533 = arith.constant 0 : i32
      %add3A_534 = arith.addi %mul3A_522, %add3A_533 : i32
      %add3A_535 = arith.constant 1 : i32
      %add3A_536 = arith.addi %add3A_534, %add3A_535 : i32
      %dma_start3A_537 = arith.constant 1 : i32
      %dma_start3A_538 = arith.constant 0 : i32
      %dma_start3A_539 = tpu.memref_slice %arg11[%add3A_536, %dma_start3A_538] : memref<50x128xi32, #tpu.memory_space<vmem>> -> memref<1x128xi32, #tpu.memory_space<vmem>>
      %dma_start3A_540 = tpu.memref_squeeze %dma_start3A_539 : memref<1x128xi32, #tpu.memory_space<vmem>> -> memref<128xi32, #tpu.memory_space<vmem>>
      %dma_start3A_541 = arith.constant 0 : i32
      %dma_start3A_542 = arith.constant 0 : i32
      %dma_start3A_543 = tpu.memref_slice %arg2[%dma_start3A_541, %dma_start3A_542] : memref<61440x128xf32, #tpu.memory_space<hbm>> -> memref<61440x128xf32, #tpu.memory_space<hbm>>
      %dma_start3A_544 = tpu.memref_slice %arg19[%dma_start3A_537] : memref<2x!tpu.dma_semaphore, #tpu.memory_space<semaphore_mem>> -> memref<1x!tpu.dma_semaphore, #tpu.memory_space<semaphore_mem>>
      %dma_start3A_545 = tpu.memref_squeeze %dma_start3A_544 : memref<1x!tpu.dma_semaphore, #tpu.memory_space<semaphore_mem>> -> memref<!tpu.dma_semaphore, #tpu.memory_space<semaphore_mem>>
      tpu.enqueue_indirect_dma source(%dma_start3A_543 : memref<61440x128xf32, #tpu.memory_space<hbm>>) target(%arg14 : memref<128x128xf32, #tpu.memory_space<vmem>>) offsets(%dma_start3A_540 : memref<128xi32, #tpu.memory_space<vmem>>) semaphore(%dma_start3A_545 : memref<!tpu.dma_semaphore, #tpu.memory_space<semaphore_mem>>)
      %add3A_546 = arith.constant 0 : i32
      %add3A_547 = arith.addi %mul3A_522, %add3A_546 : i32
      "tpu.region"() ({
        %run_scoped3A_573 = tpu.sem_alloc : memref<!tpu.dma_semaphore, #tpu.memory_space<semaphore_mem>>
        %dma_start3A_574 = arith.constant 0 : i32
        %dma_start3A_575 = tpu.memref_slice %arg12[%add3A_547, %dma_start3A_574] : memref<50x128xi32, #tpu.memory_space<vmem>> -> memref<1x128xi32, #tpu.memory_space<vmem>>
        %dma_start3A_576 = tpu.memref_squeeze %dma_start3A_575 : memref<1x128xi32, #tpu.memory_space<vmem>> -> memref<128xi32, #tpu.memory_space<vmem>>
        %dma_start3A_577 = arith.constant 0 : i32
        %dma_start3A_578 = arith.constant 0 : i32
        %dma_start3A_579 = tpu.memref_slice %arg18[%dma_start3A_577, %dma_start3A_578] : memref<10240x128xf32, #tpu.memory_space<vmem_shared>> -> memref<10240x128xf32, #tpu.memory_space<vmem_shared>>
        tpu.enqueue_indirect_dma source(%arg13 : memref<128x128xf32, #tpu.memory_space<vmem>>) target(%dma_start3A_579 : memref<10240x128xf32, #tpu.memory_space<vmem_shared>>) offsets(%dma_start3A_576 : memref<128xi32, #tpu.memory_space<vmem>>) semaphore(%run_scoped3A_573 : memref<!tpu.dma_semaphore, #tpu.memory_space<semaphore_mem>>) {add = true}
        %dma_wait3A_580 = arith.constant 0 : i32
        %dma_wait3A_581 = tpu.memref_slice %arg12[%add3A_547, %dma_wait3A_580] : memref<50x128xi32, #tpu.memory_space<vmem>> -> memref<1x128xi32, #tpu.memory_space<vmem>>
        %dma_wait3A_582 = tpu.memref_squeeze %dma_wait3A_581 : memref<1x128xi32, #tpu.memory_space<vmem>> -> memref<128xi32, #tpu.memory_space<vmem>>
        %dma_wait3A_583 = arith.constant 0 : i32
        %dma_wait3A_584 = arith.constant 0 : i32
        %dma_wait3A_585 = tpu.memref_slice %arg18[%dma_wait3A_583, %dma_wait3A_584] : memref<10240x128xf32, #tpu.memory_space<vmem_shared>> -> memref<10240x128xf32, #tpu.memory_space<vmem_shared>>
        tpu.wait_indirect_dma semaphore(%run_scoped3A_573 : memref<!tpu.dma_semaphore, #tpu.memory_space<semaphore_mem>>) src(%arg13 : memref<128x128xf32, #tpu.memory_space<vmem>>) dst(%dma_wait3A_585 : memref<10240x128xf32, #tpu.memory_space<vmem_shared>>)
        tpu.yield
      }) : () -> ()
      %dma_wait3A_548 = arith.constant 0 : i32
      %dma_wait3A_549 = arith.constant 1 : i32
      %dma_wait3A_550 = arith.constant 0 : i32
      %dma_wait3A_551 = tpu.memref_slice %arg11[%dma_wait3A_548, %dma_wait3A_550] : memref<50x128xi32, #tpu.memory_space<vmem>> -> memref<1x128xi32, #tpu.memory_space<vmem>>
      %dma_wait3A_552 = tpu.memref_squeeze %dma_wait3A_551 : memref<1x128xi32, #tpu.memory_space<vmem>> -> memref<128xi32, #tpu.memory_space<vmem>>
      %dma_wait3A_553 = arith.constant 0 : i32
      %dma_wait3A_554 = arith.constant 0 : i32
      %dma_wait3A_555 = tpu.memref_slice %arg2[%dma_wait3A_553, %dma_wait3A_554] : memref<61440x128xf32, #tpu.memory_space<hbm>> -> memref<61440x128xf32, #tpu.memory_space<hbm>>
      %dma_wait3A_556 = tpu.memref_slice %arg19[%dma_wait3A_549] : memref<2x!tpu.dma_semaphore, #tpu.memory_space<semaphore_mem>> -> memref<1x!tpu.dma_semaphore, #tpu.memory_space<semaphore_mem>>
      %dma_wait3A_557 = tpu.memref_squeeze %dma_wait3A_556 : memref<1x!tpu.dma_semaphore, #tpu.memory_space<semaphore_mem>> -> memref<!tpu.dma_semaphore, #tpu.memory_space<semaphore_mem>>
      tpu.wait_indirect_dma semaphore(%dma_wait3A_557 : memref<!tpu.dma_semaphore, #tpu.memory_space<semaphore_mem>>) src(%dma_wait3A_555 : memref<61440x128xf32, #tpu.memory_space<hbm>>) dst(%arg14 : memref<128x128xf32, #tpu.memory_space<vmem>>)
      %add3A_558 = arith.constant 1 : i32
      %add3A_559 = arith.addi %mul3A_522, %add3A_558 : i32
      %add3A_560 = arith.constant 1 : i32
      %add3A_561 = arith.addi %add3A_559, %add3A_560 : i32
      %dma_start3A_562 = arith.constant 0 : i32
      %dma_start3A_563 = arith.constant 0 : i32
      %dma_start3A_564 = tpu.memref_slice %arg11[%add3A_561, %dma_start3A_563] : memref<50x128xi32, #tpu.memory_space<vmem>> -> memref<1x128xi32, #tpu.memory_space<vmem>>
      %dma_start3A_565 = tpu.memref_squeeze %dma_start3A_564 : memref<1x128xi32, #tpu.memory_space<vmem>> -> memref<128xi32, #tpu.memory_space<vmem>>
      %dma_start3A_566 = arith.constant 0 : i32
      %dma_start3A_567 = arith.constant 0 : i32
      %dma_start3A_568 = tpu.memref_slice %arg2[%dma_start3A_566, %dma_start3A_567] : memref<61440x128xf32, #tpu.memory_space<hbm>> -> memref<61440x128xf32, #tpu.memory_space<hbm>>
      %dma_start3A_569 = tpu.memref_slice %arg19[%dma_start3A_562] : memref<2x!tpu.dma_semaphore, #tpu.memory_space<semaphore_mem>> -> memref<1x!tpu.dma_semaphore, #tpu.memory_space<semaphore_mem>>
      %dma_start3A_570 = tpu.memref_squeeze %dma_start3A_569 : memref<1x!tpu.dma_semaphore, #tpu.memory_space<semaphore_mem>> -> memref<!tpu.dma_semaphore, #tpu.memory_space<semaphore_mem>>
      tpu.enqueue_indirect_dma source(%dma_start3A_568 : memref<61440x128xf32, #tpu.memory_space<hbm>>) target(%arg13 : memref<128x128xf32, #tpu.memory_space<vmem>>) offsets(%dma_start3A_565 : memref<128xi32, #tpu.memory_space<vmem>>) semaphore(%dma_start3A_570 : memref<!tpu.dma_semaphore, #tpu.memory_space<semaphore_mem>>)
      %add3A_571 = arith.constant 1 : i32
      %add3A_572 = arith.addi %mul3A_522, %add3A_571 : i32
      "tpu.region"() ({
        %run_scoped3A_573 = tpu.sem_alloc : memref<!tpu.dma_semaphore, #tpu.memory_space<semaphore_mem>>
        %dma_start3A_574 = arith.constant 0 : i32
        %dma_start3A_575 = tpu.memref_slice %arg12[%add3A_572, %dma_start3A_574] : memref<50x128xi32, #tpu.memory_space<vmem>> -> memref<1x128xi32, #tpu.memory_space<vmem>>
        %dma_start3A_576 = tpu.memref_squeeze %dma_start3A_575 : memref<1x128xi32, #tpu.memory_space<vmem>> -> memref<128xi32, #tpu.memory_space<vmem>>
        %dma_start3A_577 = arith.constant 0 : i32
        %dma_start3A_578 = arith.constant 0 : i32
        %dma_start3A_579 = tpu.memref_slice %arg18[%dma_start3A_577, %dma_start3A_578] : memref<10240x128xf32, #tpu.memory_space<vmem_shared>> -> memref<10240x128xf32, #tpu.memory_space<vmem_shared>>
        tpu.enqueue_indirect_dma source(%arg14 : memref<128x128xf32, #tpu.memory_space<vmem>>) target(%dma_start3A_579 : memref<10240x128xf32, #tpu.memory_space<vmem_shared>>) offsets(%dma_start3A_576 : memref<128xi32, #tpu.memory_space<vmem>>) semaphore(%run_scoped3A_573 : memref<!tpu.dma_semaphore, #tpu.memory_space<semaphore_mem>>) {add = true}
        %dma_wait3A_580 = arith.constant 0 : i32
        %dma_wait3A_581 = tpu.memref_slice %arg12[%add3A_572, %dma_wait3A_580] : memref<50x128xi32, #tpu.memory_space<vmem>> -> memref<1x128xi32, #tpu.memory_space<vmem>>
        %dma_wait3A_582 = tpu.memref_squeeze %dma_wait3A_581 : memref<1x128xi32, #tpu.memory_space<vmem>> -> memref<128xi32, #tpu.memory_space<vmem>>
        %dma_wait3A_583 = arith.constant 0 : i32
        %dma_wait3A_584 = arith.constant 0 : i32
        %dma_wait3A_585 = tpu.memref_slice %arg18[%dma_wait3A_583, %dma_wait3A_584] : memref<10240x128xf32, #tpu.memory_space<vmem_shared>> -> memref<10240x128xf32, #tpu.memory_space<vmem_shared>>
        tpu.wait_indirect_dma semaphore(%run_scoped3A_573 : memref<!tpu.dma_semaphore, #tpu.memory_space<semaphore_mem>>) src(%arg14 : memref<128x128xf32, #tpu.memory_space<vmem>>) dst(%dma_wait3A_585 : memref<10240x128xf32, #tpu.memory_space<vmem_shared>>)
        tpu.yield
      }) : () -> ()
    }
    %scan3A_202 = arith.constant 24 : i32
    %dma_wait3A_203 = arith.constant 0 : i32
    %dma_wait3A_204 = arith.constant 0 : i32
    %dma_wait3A_205 = arith.constant 0 : i32
    %dma_wait3A_206 = tpu.memref_slice %arg11[%dma_wait3A_203, %dma_wait3A_205] : memref<50x128xi32, #tpu.memory_space<vmem>> -> memref<1x128xi32, #tpu.memory_space<vmem>>
    %dma_wait3A_207 = tpu.memref_squeeze %dma_wait3A_206 : memref<1x128xi32, #tpu.memory_space<vmem>> -> memref<128xi32, #tpu.memory_space<vmem>>
    %dma_wait3A_208 = arith.constant 0 : i32
    %dma_wait3A_209 = arith.constant 0 : i32
    %dma_wait3A_210 = tpu.memref_slice %arg2[%dma_wait3A_208, %dma_wait3A_209] : memref<61440x128xf32, #tpu.memory_space<hbm>> -> memref<61440x128xf32, #tpu.memory_space<hbm>>
    %dma_wait3A_211 = tpu.memref_slice %arg19[%dma_wait3A_204] : memref<2x!tpu.dma_semaphore, #tpu.memory_space<semaphore_mem>> -> memref<1x!tpu.dma_semaphore, #tpu.memory_space<semaphore_mem>>
    %dma_wait3A_212 = tpu.memref_squeeze %dma_wait3A_211 : memref<1x!tpu.dma_semaphore, #tpu.memory_space<semaphore_mem>> -> memref<!tpu.dma_semaphore, #tpu.memory_space<semaphore_mem>>
    tpu.wait_indirect_dma semaphore(%dma_wait3A_212 : memref<!tpu.dma_semaphore, #tpu.memory_space<semaphore_mem>>) src(%dma_wait3A_210 : memref<61440x128xf32, #tpu.memory_space<hbm>>) dst(%arg13 : memref<128x128xf32, #tpu.memory_space<vmem>>)
    %dma_start3A_213 = arith.constant 49 : i32
    %dma_start3A_214 = arith.constant 1 : i32
    %dma_start3A_215 = arith.constant 0 : i32
    %dma_start3A_216 = tpu.memref_slice %arg11[%dma_start3A_213, %dma_start3A_215] : memref<50x128xi32, #tpu.memory_space<vmem>> -> memref<1x128xi32, #tpu.memory_space<vmem>>
    %dma_start3A_217 = tpu.memref_squeeze %dma_start3A_216 : memref<1x128xi32, #tpu.memory_space<vmem>> -> memref<128xi32, #tpu.memory_space<vmem>>
    %dma_start3A_218 = arith.constant 0 : i32
    %dma_start3A_219 = arith.constant 0 : i32
    %dma_start3A_220 = tpu.memref_slice %arg2[%dma_start3A_218, %dma_start3A_219] : memref<61440x128xf32, #tpu.memory_space<hbm>> -> memref<61440x128xf32, #tpu.memory_space<hbm>>
    %dma_start3A_221 = tpu.memref_slice %arg19[%dma_start3A_214] : memref<2x!tpu.dma_semaphore, #tpu.memory_space<semaphore_mem>> -> memref<1x!tpu.dma_semaphore, #tpu.memory_space<semaphore_mem>>
    %dma_start3A_222 = tpu.memref_squeeze %dma_start3A_221 : memref<1x!tpu.dma_semaphore, #tpu.memory_space<semaphore_mem>> -> memref<!tpu.dma_semaphore, #tpu.memory_space<semaphore_mem>>
    tpu.enqueue_indirect_dma source(%dma_start3A_220 : memref<61440x128xf32, #tpu.memory_space<hbm>>) target(%arg14 : memref<128x128xf32, #tpu.memory_space<vmem>>) offsets(%dma_start3A_217 : memref<128xi32, #tpu.memory_space<vmem>>) semaphore(%dma_start3A_222 : memref<!tpu.dma_semaphore, #tpu.memory_space<semaphore_mem>>)
    %run_scoped3A_223 = arith.constant 48 : i32
    "tpu.region"() ({
      %run_scoped3A_520 = tpu.sem_alloc : memref<!tpu.dma_semaphore, #tpu.memory_space<semaphore_mem>>
      %dma_start3A_521 = arith.constant 0 : i32
      %dma_start3A_522 = tpu.memref_slice %arg12[%run_scoped3A_223, %dma_start3A_521] : memref<50x128xi32, #tpu.memory_space<vmem>> -> memref<1x128xi32, #tpu.memory_space<vmem>>
      %dma_start3A_523 = tpu.memref_squeeze %dma_start3A_522 : memref<1x128xi32, #tpu.memory_space<vmem>> -> memref<128xi32, #tpu.memory_space<vmem>>
      %dma_start3A_524 = arith.constant 0 : i32
      %dma_start3A_525 = arith.constant 0 : i32
      %dma_start3A_526 = tpu.memref_slice %arg18[%dma_start3A_524, %dma_start3A_525] : memref<10240x128xf32, #tpu.memory_space<vmem_shared>> -> memref<10240x128xf32, #tpu.memory_space<vmem_shared>>
      tpu.enqueue_indirect_dma source(%arg13 : memref<128x128xf32, #tpu.memory_space<vmem>>) target(%dma_start3A_526 : memref<10240x128xf32, #tpu.memory_space<vmem_shared>>) offsets(%dma_start3A_523 : memref<128xi32, #tpu.memory_space<vmem>>) semaphore(%run_scoped3A_520 : memref<!tpu.dma_semaphore, #tpu.memory_space<semaphore_mem>>) {add = true}
      %dma_wait3A_527 = arith.constant 0 : i32
      %dma_wait3A_528 = tpu.memref_slice %arg12[%run_scoped3A_223, %dma_wait3A_527] : memref<50x128xi32, #tpu.memory_space<vmem>> -> memref<1x128xi32, #tpu.memory_space<vmem>>
      %dma_wait3A_529 = tpu.memref_squeeze %dma_wait3A_528 : memref<1x128xi32, #tpu.memory_space<vmem>> -> memref<128xi32, #tpu.memory_space<vmem>>
      %dma_wait3A_530 = arith.constant 0 : i32
      %dma_wait3A_531 = arith.constant 0 : i32
      %dma_wait3A_532 = tpu.memref_slice %arg18[%dma_wait3A_530, %dma_wait3A_531] : memref<10240x128xf32, #tpu.memory_space<vmem_shared>> -> memref<10240x128xf32, #tpu.memory_space<vmem_shared>>
      tpu.wait_indirect_dma semaphore(%run_scoped3A_520 : memref<!tpu.dma_semaphore, #tpu.memory_space<semaphore_mem>>) src(%arg13 : memref<128x128xf32, #tpu.memory_space<vmem>>) dst(%dma_wait3A_532 : memref<10240x128xf32, #tpu.memory_space<vmem_shared>>)
      tpu.yield
    }) : () -> ()
    %dma_wait3A_224 = arith.constant 0 : i32
    %dma_wait3A_225 = arith.constant 1 : i32
    %dma_wait3A_226 = arith.constant 0 : i32
    %dma_wait3A_227 = tpu.memref_slice %arg11[%dma_wait3A_224, %dma_wait3A_226] : memref<50x128xi32, #tpu.memory_space<vmem>> -> memref<1x128xi32, #tpu.memory_space<vmem>>
    %dma_wait3A_228 = tpu.memref_squeeze %dma_wait3A_227 : memref<1x128xi32, #tpu.memory_space<vmem>> -> memref<128xi32, #tpu.memory_space<vmem>>
    %dma_wait3A_229 = arith.constant 0 : i32
    %dma_wait3A_230 = arith.constant 0 : i32
    %dma_wait3A_231 = tpu.memref_slice %arg2[%dma_wait3A_229, %dma_wait3A_230] : memref<61440x128xf32, #tpu.memory_space<hbm>> -> memref<61440x128xf32, #tpu.memory_space<hbm>>
    %dma_wait3A_232 = tpu.memref_slice %arg19[%dma_wait3A_225] : memref<2x!tpu.dma_semaphore, #tpu.memory_space<semaphore_mem>> -> memref<1x!tpu.dma_semaphore, #tpu.memory_space<semaphore_mem>>
    %dma_wait3A_233 = tpu.memref_squeeze %dma_wait3A_232 : memref<1x!tpu.dma_semaphore, #tpu.memory_space<semaphore_mem>> -> memref<!tpu.dma_semaphore, #tpu.memory_space<semaphore_mem>>
    tpu.wait_indirect_dma semaphore(%dma_wait3A_233 : memref<!tpu.dma_semaphore, #tpu.memory_space<semaphore_mem>>) src(%dma_wait3A_231 : memref<61440x128xf32, #tpu.memory_space<hbm>>) dst(%arg14 : memref<128x128xf32, #tpu.memory_space<vmem>>)
    %run_scoped3A_234 = arith.constant 49 : i32
    "tpu.region"() ({
      %run_scoped3A_520 = tpu.sem_alloc : memref<!tpu.dma_semaphore, #tpu.memory_space<semaphore_mem>>
      %dma_start3A_521 = arith.constant 0 : i32
      %dma_start3A_522 = tpu.memref_slice %arg12[%run_scoped3A_234, %dma_start3A_521] : memref<50x128xi32, #tpu.memory_space<vmem>> -> memref<1x128xi32, #tpu.memory_space<vmem>>
      %dma_start3A_523 = tpu.memref_squeeze %dma_start3A_522 : memref<1x128xi32, #tpu.memory_space<vmem>> -> memref<128xi32, #tpu.memory_space<vmem>>
      %dma_start3A_524 = arith.constant 0 : i32
      %dma_start3A_525 = arith.constant 0 : i32
      %dma_start3A_526 = tpu.memref_slice %arg18[%dma_start3A_524, %dma_start3A_525] : memref<10240x128xf32, #tpu.memory_space<vmem_shared>> -> memref<10240x128xf32, #tpu.memory_space<vmem_shared>>
      tpu.enqueue_indirect_dma source(%arg14 : memref<128x128xf32, #tpu.memory_space<vmem>>) target(%dma_start3A_526 : memref<10240x128xf32, #tpu.memory_space<vmem_shared>>) offsets(%dma_start3A_523 : memref<128xi32, #tpu.memory_space<vmem>>) semaphore(%run_scoped3A_520 : memref<!tpu.dma_semaphore, #tpu.memory_space<semaphore_mem>>) {add = true}
      %dma_wait3A_527 = arith.constant 0 : i32
      %dma_wait3A_528 = tpu.memref_slice %arg12[%run_scoped3A_234, %dma_wait3A_527] : memref<50x128xi32, #tpu.memory_space<vmem>> -> memref<1x128xi32, #tpu.memory_space<vmem>>
      %dma_wait3A_529 = tpu.memref_squeeze %dma_wait3A_528 : memref<1x128xi32, #tpu.memory_space<vmem>> -> memref<128xi32, #tpu.memory_space<vmem>>
      %dma_wait3A_530 = arith.constant 0 : i32
      %dma_wait3A_531 = arith.constant 0 : i32
      %dma_wait3A_532 = tpu.memref_slice %arg18[%dma_wait3A_530, %dma_wait3A_531] : memref<10240x128xf32, #tpu.memory_space<vmem_shared>> -> memref<10240x128xf32, #tpu.memory_space<vmem_shared>>
      tpu.wait_indirect_dma semaphore(%run_scoped3A_520 : memref<!tpu.dma_semaphore, #tpu.memory_space<semaphore_mem>>) src(%arg14 : memref<128x128xf32, #tpu.memory_space<vmem>>) dst(%dma_wait3A_532 : memref<10240x128xf32, #tpu.memory_space<vmem_shared>>)
      tpu.yield
    }) : () -> ()
    %barrier3A_235 = arith.constant 0 : index
    tpu.barrier barrier_id(%barrier3A_235)
    %mul3A_236 = arith.constant 160 : i32
    %mul3A_237 = arith.muli %arg1, %mul3A_236 : i32
    %add3A_238 = arith.constant 0 : i32
    %add3A_239 = arith.addi %mul3A_237, %add3A_238 : i32
    %mul3A_240 = arith.constant 2 : i32
    %mul3A_241 = arith.muli %mul3A_240, %arg1 : i32
    %add3A_242 = arith.constant 0 : i32
    %add3A_243 = arith.addi %mul3A_241, %add3A_242 : i32
    "tpu.region"() ({
      %run_scoped3A_520 = tpu.sem_alloc : memref<!tpu.dma_semaphore, #tpu.memory_space<semaphore_mem>>
      %dma_start3A_521 = arith.constant 0 : i32
      %dma_start3A_522 = tpu.memref_slice %arg5[%add3A_243, %dma_start3A_521] : memref<32x80xi32, #tpu.memory_space<hbm>> -> memref<1x80xi32, #tpu.memory_space<hbm>>
      %dma_start3A_523 = tpu.memref_squeeze %dma_start3A_522 : memref<1x80xi32, #tpu.memory_space<hbm>> -> memref<80xi32, #tpu.memory_space<hbm>>
      %dma_start3A_524 = arith.constant 0 : i32
      %dma_start3A_525 = tpu.memref_slice %arg5[%add3A_243, %dma_start3A_524] : memref<32x80xi32, #tpu.memory_space<hbm>> -> memref<1x80xi32, #tpu.memory_space<hbm>>
      %dma_start3A_526 = tpu.memref_squeeze %dma_start3A_525 : memref<1x80xi32, #tpu.memory_space<hbm>> -> memref<80xi32, #tpu.memory_space<hbm>>
      tpu.enqueue_dma source(%dma_start3A_526 : memref<80xi32, #tpu.memory_space<hbm>>) target(%arg15 : memref<80xi32, #tpu.memory_space<vmem>>) target_semaphore(%run_scoped3A_520 : memref<!tpu.dma_semaphore, #tpu.memory_space<semaphore_mem>>)
      %dma_wait3A_527 = arith.constant 0 : i32
      %dma_wait3A_528 = tpu.memref_slice %arg5[%add3A_243, %dma_wait3A_527] : memref<32x80xi32, #tpu.memory_space<hbm>> -> memref<1x80xi32, #tpu.memory_space<hbm>>
      %dma_wait3A_529 = tpu.memref_squeeze %dma_wait3A_528 : memref<1x80xi32, #tpu.memory_space<hbm>> -> memref<80xi32, #tpu.memory_space<hbm>>
      %dma_wait3A_530 = arith.constant 0 : i32
      %dma_wait3A_531 = tpu.memref_slice %arg5[%add3A_243, %dma_wait3A_530] : memref<32x80xi32, #tpu.memory_space<hbm>> -> memref<1x80xi32, #tpu.memory_space<hbm>>
      %dma_wait3A_532 = tpu.memref_squeeze %dma_wait3A_531 : memref<1x80xi32, #tpu.memory_space<hbm>> -> memref<80xi32, #tpu.memory_space<hbm>>
      tpu.wait_dma2 semaphore(%run_scoped3A_520 : memref<!tpu.dma_semaphore, #tpu.memory_space<semaphore_mem>>) src(%dma_wait3A_532 : memref<80xi32, #tpu.memory_space<hbm>>) dst(%arg15 : memref<80xi32, #tpu.memory_space<vmem>>)
      tpu.yield
    }) : () -> ()
    %dma_start3A_244 = arith.constant 0 : i32
    %dma_start3A_245 = arith.constant 0 : i32
    %dma_start3A_246 = arith.constant 0 : i32
    %dma_start3A_247 = tpu.memref_slice %arg13[%dma_start3A_245, %dma_start3A_246] : memref<128x128xf32, #tpu.memory_space<vmem>> -> memref<80x128xf32, #tpu.memory_space<vmem>>
    %dma_start3A_248 = arith.constant 0 : i32
    %dma_start3A_249 = arith.constant 0 : i32
    %dma_start3A_250 = tpu.memref_slice %arg18[%dma_start3A_248, %dma_start3A_249] : memref<10240x128xf32, #tpu.memory_space<vmem_shared>> -> memref<10240x128xf32, #tpu.memory_space<vmem_shared>>
    %dma_start3A_251 = tpu.memref_slice %arg19[%dma_start3A_244] : memref<2x!tpu.dma_semaphore, #tpu.memory_space<semaphore_mem>> -> memref<1x!tpu.dma_semaphore, #tpu.memory_space<semaphore_mem>>
    %dma_start3A_252 = tpu.memref_squeeze %dma_start3A_251 : memref<1x!tpu.dma_semaphore, #tpu.memory_space<semaphore_mem>> -> memref<!tpu.dma_semaphore, #tpu.memory_space<semaphore_mem>>
    tpu.enqueue_indirect_dma source(%dma_start3A_250 : memref<10240x128xf32, #tpu.memory_space<vmem_shared>>) target(%dma_start3A_247 : memref<80x128xf32, #tpu.memory_space<vmem>>) offsets(%arg15 : memref<80xi32, #tpu.memory_space<vmem>>) semaphore(%dma_start3A_252 : memref<!tpu.dma_semaphore, #tpu.memory_space<semaphore_mem>>)
    %dma_wait3A_253 = arith.constant 0 : i32
    %dma_wait3A_254 = arith.constant 0 : i32
    %dma_wait3A_255 = arith.constant 0 : i32
    %dma_wait3A_256 = tpu.memref_slice %arg13[%dma_wait3A_254, %dma_wait3A_255] : memref<128x128xf32, #tpu.memory_space<vmem>> -> memref<80x128xf32, #tpu.memory_space<vmem>>
    %dma_wait3A_257 = arith.constant 0 : i32
    %dma_wait3A_258 = arith.constant 0 : i32
    %dma_wait3A_259 = tpu.memref_slice %arg18[%dma_wait3A_257, %dma_wait3A_258] : memref<10240x128xf32, #tpu.memory_space<vmem_shared>> -> memref<10240x128xf32, #tpu.memory_space<vmem_shared>>
    %dma_wait3A_260 = tpu.memref_slice %arg19[%dma_wait3A_253] : memref<2x!tpu.dma_semaphore, #tpu.memory_space<semaphore_mem>> -> memref<1x!tpu.dma_semaphore, #tpu.memory_space<semaphore_mem>>
    %dma_wait3A_261 = tpu.memref_squeeze %dma_wait3A_260 : memref<1x!tpu.dma_semaphore, #tpu.memory_space<semaphore_mem>> -> memref<!tpu.dma_semaphore, #tpu.memory_space<semaphore_mem>>
    tpu.wait_indirect_dma semaphore(%dma_wait3A_261 : memref<!tpu.dma_semaphore, #tpu.memory_space<semaphore_mem>>) src(%dma_wait3A_259 : memref<10240x128xf32, #tpu.memory_space<vmem_shared>>) dst(%dma_wait3A_256 : memref<80x128xf32, #tpu.memory_space<vmem>>)
    %mul3A_262 = arith.constant 2560 : i32
    %mul3A_263 = arith.muli %add3A_173, %mul3A_262 : i32
    %add3A_264 = arith.addi %mul3A_263, %add3A_239 : i32
    "tpu.region"() ({
      %run_scoped3A_520 = tpu.sem_alloc : memref<!tpu.dma_semaphore, #tpu.memory_space<semaphore_mem>>
      %dma_start3A_521 = arith.constant 0 : i32
      %dma_start3A_522 = arith.constant 0 : i32
      %dma_start3A_523 = tpu.memref_slice %arg13[%dma_start3A_521, %dma_start3A_522] : memref<128x128xf32, #tpu.memory_space<vmem>> -> memref<80x128xf32, #tpu.memory_space<vmem>>
      %dma_start3A_524 = arith.constant 0 : i32
      %dma_start3A_525 = tpu.memref_slice %arg8[%add3A_264, %dma_start3A_524] : memref<15360x128xf32, #tpu.memory_space<hbm>> -> memref<80x128xf32, #tpu.memory_space<hbm>>
      %dma_start3A_526 = arith.constant 0 : i32
      %dma_start3A_527 = tpu.memref_slice %arg8[%add3A_264, %dma_start3A_526] : memref<15360x128xf32, #tpu.memory_space<hbm>> -> memref<80x128xf32, #tpu.memory_space<hbm>>
      %dma_start3A_528 = arith.constant 0 : i32
      %dma_start3A_529 = arith.constant 0 : i32
      %dma_start3A_530 = tpu.memref_slice %arg13[%dma_start3A_528, %dma_start3A_529] : memref<128x128xf32, #tpu.memory_space<vmem>> -> memref<80x128xf32, #tpu.memory_space<vmem>>
      tpu.enqueue_dma source(%dma_start3A_530 : memref<80x128xf32, #tpu.memory_space<vmem>>) target(%dma_start3A_527 : memref<80x128xf32, #tpu.memory_space<hbm>>) target_semaphore(%run_scoped3A_520 : memref<!tpu.dma_semaphore, #tpu.memory_space<semaphore_mem>>)
      %dma_wait3A_531 = arith.constant 0 : i32
      %dma_wait3A_532 = arith.constant 0 : i32
      %dma_wait3A_533 = tpu.memref_slice %arg13[%dma_wait3A_531, %dma_wait3A_532] : memref<128x128xf32, #tpu.memory_space<vmem>> -> memref<80x128xf32, #tpu.memory_space<vmem>>
      %dma_wait3A_534 = arith.constant 0 : i32
      %dma_wait3A_535 = tpu.memref_slice %arg8[%add3A_264, %dma_wait3A_534] : memref<15360x128xf32, #tpu.memory_space<hbm>> -> memref<80x128xf32, #tpu.memory_space<hbm>>
      %dma_wait3A_536 = arith.constant 0 : i32
      %dma_wait3A_537 = tpu.memref_slice %arg8[%add3A_264, %dma_wait3A_536] : memref<15360x128xf32, #tpu.memory_space<hbm>> -> memref<80x128xf32, #tpu.memory_space<hbm>>
      %dma_wait3A_538 = arith.constant 0 : i32
      %dma_wait3A_539 = arith.constant 0 : i32
      %dma_wait3A_540 = tpu.memref_slice %arg13[%dma_wait3A_538, %dma_wait3A_539] : memref<128x128xf32, #tpu.memory_space<vmem>> -> memref<80x128xf32, #tpu.memory_space<vmem>>
      tpu.wait_dma2 semaphore(%run_scoped3A_520 : memref<!tpu.dma_semaphore, #tpu.memory_space<semaphore_mem>>) src(%dma_wait3A_540 : memref<80x128xf32, #tpu.memory_space<vmem>>) dst(%dma_wait3A_537 : memref<80x128xf32, #tpu.memory_space<hbm>>)
      tpu.yield
    }) : () -> ()
    %mul3A_265 = arith.constant 2 : i32
    %mul3A_266 = arith.muli %mul3A_265, %arg1 : i32
    %add3A_267 = arith.constant 0 : i32
    %add3A_268 = arith.addi %mul3A_266, %add3A_267 : i32
    "tpu.region"() ({
      %run_scoped3A_520 = tpu.sem_alloc : memref<!tpu.dma_semaphore, #tpu.memory_space<semaphore_mem>>
      %dma_start3A_521 = arith.constant 0 : i32
      %dma_start3A_522 = tpu.memref_slice %arg6[%add3A_173, %add3A_268, %dma_start3A_521] : memref<6x32x80xi32, #tpu.memory_space<hbm>> -> memref<1x1x80xi32, #tpu.memory_space<hbm>>
      %dma_start3A_523 = tpu.memref_squeeze %dma_start3A_522 : memref<1x1x80xi32, #tpu.memory_space<hbm>> -> memref<80xi32, #tpu.memory_space<hbm>>
      %dma_start3A_524 = arith.constant 0 : i32
      %dma_start3A_525 = tpu.memref_slice %arg6[%add3A_173, %add3A_268, %dma_start3A_524] : memref<6x32x80xi32, #tpu.memory_space<hbm>> -> memref<1x1x80xi32, #tpu.memory_space<hbm>>
      %dma_start3A_526 = tpu.memref_squeeze %dma_start3A_525 : memref<1x1x80xi32, #tpu.memory_space<hbm>> -> memref<80xi32, #tpu.memory_space<hbm>>
      tpu.enqueue_dma source(%dma_start3A_526 : memref<80xi32, #tpu.memory_space<hbm>>) target(%arg16 : memref<80xi32, #tpu.memory_space<vmem>>) target_semaphore(%run_scoped3A_520 : memref<!tpu.dma_semaphore, #tpu.memory_space<semaphore_mem>>)
      %dma_wait3A_527 = arith.constant 0 : i32
      %dma_wait3A_528 = tpu.memref_slice %arg6[%add3A_173, %add3A_268, %dma_wait3A_527] : memref<6x32x80xi32, #tpu.memory_space<hbm>> -> memref<1x1x80xi32, #tpu.memory_space<hbm>>
      %dma_wait3A_529 = tpu.memref_squeeze %dma_wait3A_528 : memref<1x1x80xi32, #tpu.memory_space<hbm>> -> memref<80xi32, #tpu.memory_space<hbm>>
      %dma_wait3A_530 = arith.constant 0 : i32
      %dma_wait3A_531 = tpu.memref_slice %arg6[%add3A_173, %add3A_268, %dma_wait3A_530] : memref<6x32x80xi32, #tpu.memory_space<hbm>> -> memref<1x1x80xi32, #tpu.memory_space<hbm>>
      %dma_wait3A_532 = tpu.memref_squeeze %dma_wait3A_531 : memref<1x1x80xi32, #tpu.memory_space<hbm>> -> memref<80xi32, #tpu.memory_space<hbm>>
      tpu.wait_dma2 semaphore(%run_scoped3A_520 : memref<!tpu.dma_semaphore, #tpu.memory_space<semaphore_mem>>) src(%dma_wait3A_532 : memref<80xi32, #tpu.memory_space<hbm>>) dst(%arg16 : memref<80xi32, #tpu.memory_space<vmem>>)
      tpu.yield
    }) : () -> ()
    %dma_start3A_269 = arith.constant 0 : i32
    %dma_start3A_270 = arith.constant 0 : i32
    %dma_start3A_271 = arith.constant 0 : i32
    %dma_start3A_272 = tpu.memref_slice %arg13[%dma_start3A_270, %dma_start3A_271] : memref<128x128xf32, #tpu.memory_space<vmem>> -> memref<80x128xf32, #tpu.memory_space<vmem>>
    %dma_start3A_273 = arith.constant 0 : i32
    %dma_start3A_274 = arith.constant 0 : i32
    %dma_start3A_275 = tpu.memref_slice %arg2[%dma_start3A_273, %dma_start3A_274] : memref<61440x128xf32, #tpu.memory_space<hbm>> -> memref<61440x128xf32, #tpu.memory_space<hbm>>
    %dma_start3A_276 = tpu.memref_slice %arg19[%dma_start3A_269] : memref<2x!tpu.dma_semaphore, #tpu.memory_space<semaphore_mem>> -> memref<1x!tpu.dma_semaphore, #tpu.memory_space<semaphore_mem>>
    %dma_start3A_277 = tpu.memref_squeeze %dma_start3A_276 : memref<1x!tpu.dma_semaphore, #tpu.memory_space<semaphore_mem>> -> memref<!tpu.dma_semaphore, #tpu.memory_space<semaphore_mem>>
    tpu.enqueue_indirect_dma source(%dma_start3A_275 : memref<61440x128xf32, #tpu.memory_space<hbm>>) target(%dma_start3A_272 : memref<80x128xf32, #tpu.memory_space<vmem>>) offsets(%arg16 : memref<80xi32, #tpu.memory_space<vmem>>) semaphore(%dma_start3A_277 : memref<!tpu.dma_semaphore, #tpu.memory_space<semaphore_mem>>)
    %dma_wait3A_278 = arith.constant 0 : i32
    %dma_wait3A_279 = arith.constant 0 : i32
    %dma_wait3A_280 = arith.constant 0 : i32
    %dma_wait3A_281 = tpu.memref_slice %arg13[%dma_wait3A_279, %dma_wait3A_280] : memref<128x128xf32, #tpu.memory_space<vmem>> -> memref<80x128xf32, #tpu.memory_space<vmem>>
    %dma_wait3A_282 = arith.constant 0 : i32
    %dma_wait3A_283 = arith.constant 0 : i32
    %dma_wait3A_284 = tpu.memref_slice %arg2[%dma_wait3A_282, %dma_wait3A_283] : memref<61440x128xf32, #tpu.memory_space<hbm>> -> memref<61440x128xf32, #tpu.memory_space<hbm>>
    %dma_wait3A_285 = tpu.memref_slice %arg19[%dma_wait3A_278] : memref<2x!tpu.dma_semaphore, #tpu.memory_space<semaphore_mem>> -> memref<1x!tpu.dma_semaphore, #tpu.memory_space<semaphore_mem>>
    %dma_wait3A_286 = tpu.memref_squeeze %dma_wait3A_285 : memref<1x!tpu.dma_semaphore, #tpu.memory_space<semaphore_mem>> -> memref<!tpu.dma_semaphore, #tpu.memory_space<semaphore_mem>>
    tpu.wait_indirect_dma semaphore(%dma_wait3A_286 : memref<!tpu.dma_semaphore, #tpu.memory_space<semaphore_mem>>) src(%dma_wait3A_284 : memref<61440x128xf32, #tpu.memory_space<hbm>>) dst(%dma_wait3A_281 : memref<80x128xf32, #tpu.memory_space<vmem>>)
    %mul3A_287 = arith.constant 2560 : i32
    %mul3A_288 = arith.muli %add3A_173, %mul3A_287 : i32
    %add3A_289 = arith.addi %mul3A_288, %add3A_239 : i32
    "tpu.region"() ({
      %run_scoped3A_520 = tpu.sem_alloc : memref<!tpu.dma_semaphore, #tpu.memory_space<semaphore_mem>>
      %dma_start3A_521 = arith.constant 0 : i32
      %dma_start3A_522 = arith.constant 0 : i32
      %dma_start3A_523 = tpu.memref_slice %arg13[%dma_start3A_521, %dma_start3A_522] : memref<128x128xf32, #tpu.memory_space<vmem>> -> memref<80x128xf32, #tpu.memory_space<vmem>>
      %dma_start3A_524 = arith.constant 0 : i32
      %dma_start3A_525 = tpu.memref_slice %arg9[%add3A_289, %dma_start3A_524] : memref<15360x128xf32, #tpu.memory_space<hbm>> -> memref<80x128xf32, #tpu.memory_space<hbm>>
      %dma_start3A_526 = arith.constant 0 : i32
      %dma_start3A_527 = tpu.memref_slice %arg9[%add3A_289, %dma_start3A_526] : memref<15360x128xf32, #tpu.memory_space<hbm>> -> memref<80x128xf32, #tpu.memory_space<hbm>>
      %dma_start3A_528 = arith.constant 0 : i32
      %dma_start3A_529 = arith.constant 0 : i32
      %dma_start3A_530 = tpu.memref_slice %arg13[%dma_start3A_528, %dma_start3A_529] : memref<128x128xf32, #tpu.memory_space<vmem>> -> memref<80x128xf32, #tpu.memory_space<vmem>>
      tpu.enqueue_dma source(%dma_start3A_530 : memref<80x128xf32, #tpu.memory_space<vmem>>) target(%dma_start3A_527 : memref<80x128xf32, #tpu.memory_space<hbm>>) target_semaphore(%run_scoped3A_520 : memref<!tpu.dma_semaphore, #tpu.memory_space<semaphore_mem>>)
      %dma_wait3A_531 = arith.constant 0 : i32
      %dma_wait3A_532 = arith.constant 0 : i32
      %dma_wait3A_533 = tpu.memref_slice %arg13[%dma_wait3A_531, %dma_wait3A_532] : memref<128x128xf32, #tpu.memory_space<vmem>> -> memref<80x128xf32, #tpu.memory_space<vmem>>
      %dma_wait3A_534 = arith.constant 0 : i32
      %dma_wait3A_535 = tpu.memref_slice %arg9[%add3A_289, %dma_wait3A_534] : memref<15360x128xf32, #tpu.memory_space<hbm>> -> memref<80x128xf32, #tpu.memory_space<hbm>>
      %dma_wait3A_536 = arith.constant 0 : i32
      %dma_wait3A_537 = tpu.memref_slice %arg9[%add3A_289, %dma_wait3A_536] : memref<15360x128xf32, #tpu.memory_space<hbm>> -> memref<80x128xf32, #tpu.memory_space<hbm>>
      %dma_wait3A_538 = arith.constant 0 : i32
      %dma_wait3A_539 = arith.constant 0 : i32
      %dma_wait3A_540 = tpu.memref_slice %arg13[%dma_wait3A_538, %dma_wait3A_539] : memref<128x128xf32, #tpu.memory_space<vmem>> -> memref<80x128xf32, #tpu.memory_space<vmem>>
      tpu.wait_dma2 semaphore(%run_scoped3A_520 : memref<!tpu.dma_semaphore, #tpu.memory_space<semaphore_mem>>) src(%dma_wait3A_540 : memref<80x128xf32, #tpu.memory_space<vmem>>) dst(%dma_wait3A_537 : memref<80x128xf32, #tpu.memory_space<hbm>>)
      tpu.yield
    }) : () -> ()
    %mul3A_290 = arith.constant 160 : i32
    %mul3A_291 = arith.muli %arg1, %mul3A_290 : i32
    %add3A_292 = arith.constant 80 : i32
    %add3A_293 = arith.addi %mul3A_291, %add3A_292 : i32
    %mul3A_294 = arith.constant 2 : i32
    %mul3A_295 = arith.muli %mul3A_294, %arg1 : i32
    %add3A_296 = arith.constant 1 : i32
    %add3A_297 = arith.addi %mul3A_295, %add3A_296 : i32
    "tpu.region"() ({
      %run_scoped3A_520 = tpu.sem_alloc : memref<!tpu.dma_semaphore, #tpu.memory_space<semaphore_mem>>
      %dma_start3A_521 = arith.constant 0 : i32
      %dma_start3A_522 = tpu.memref_slice %arg5[%add3A_297, %dma_start3A_521] : memref<32x80xi32, #tpu.memory_space<hbm>> -> memref<1x80xi32, #tpu.memory_space<hbm>>
      %dma_start3A_523 = tpu.memref_squeeze %dma_start3A_522 : memref<1x80xi32, #tpu.memory_space<hbm>> -> memref<80xi32, #tpu.memory_space<hbm>>
      %dma_start3A_524 = arith.constant 0 : i32
      %dma_start3A_525 = tpu.memref_slice %arg5[%add3A_297, %dma_start3A_524] : memref<32x80xi32, #tpu.memory_space<hbm>> -> memref<1x80xi32, #tpu.memory_space<hbm>>
      %dma_start3A_526 = tpu.memref_squeeze %dma_start3A_525 : memref<1x80xi32, #tpu.memory_space<hbm>> -> memref<80xi32, #tpu.memory_space<hbm>>
      tpu.enqueue_dma source(%dma_start3A_526 : memref<80xi32, #tpu.memory_space<hbm>>) target(%arg15 : memref<80xi32, #tpu.memory_space<vmem>>) target_semaphore(%run_scoped3A_520 : memref<!tpu.dma_semaphore, #tpu.memory_space<semaphore_mem>>)
      %dma_wait3A_527 = arith.constant 0 : i32
      %dma_wait3A_528 = tpu.memref_slice %arg5[%add3A_297, %dma_wait3A_527] : memref<32x80xi32, #tpu.memory_space<hbm>> -> memref<1x80xi32, #tpu.memory_space<hbm>>
      %dma_wait3A_529 = tpu.memref_squeeze %dma_wait3A_528 : memref<1x80xi32, #tpu.memory_space<hbm>> -> memref<80xi32, #tpu.memory_space<hbm>>
      %dma_wait3A_530 = arith.constant 0 : i32
      %dma_wait3A_531 = tpu.memref_slice %arg5[%add3A_297, %dma_wait3A_530] : memref<32x80xi32, #tpu.memory_space<hbm>> -> memref<1x80xi32, #tpu.memory_space<hbm>>
      %dma_wait3A_532 = tpu.memref_squeeze %dma_wait3A_531 : memref<1x80xi32, #tpu.memory_space<hbm>> -> memref<80xi32, #tpu.memory_space<hbm>>
      tpu.wait_dma2 semaphore(%run_scoped3A_520 : memref<!tpu.dma_semaphore, #tpu.memory_space<semaphore_mem>>) src(%dma_wait3A_532 : memref<80xi32, #tpu.memory_space<hbm>>) dst(%arg15 : memref<80xi32, #tpu.memory_space<vmem>>)
      tpu.yield
    }) : () -> ()
    %dma_start3A_298 = arith.constant 0 : i32
    %dma_start3A_299 = arith.constant 0 : i32
    %dma_start3A_300 = arith.constant 0 : i32
    %dma_start3A_301 = tpu.memref_slice %arg13[%dma_start3A_299, %dma_start3A_300] : memref<128x128xf32, #tpu.memory_space<vmem>> -> memref<80x128xf32, #tpu.memory_space<vmem>>
    %dma_start3A_302 = arith.constant 0 : i32
    %dma_start3A_303 = arith.constant 0 : i32
    %dma_start3A_304 = tpu.memref_slice %arg18[%dma_start3A_302, %dma_start3A_303] : memref<10240x128xf32, #tpu.memory_space<vmem_shared>> -> memref<10240x128xf32, #tpu.memory_space<vmem_shared>>
    %dma_start3A_305 = tpu.memref_slice %arg19[%dma_start3A_298] : memref<2x!tpu.dma_semaphore, #tpu.memory_space<semaphore_mem>> -> memref<1x!tpu.dma_semaphore, #tpu.memory_space<semaphore_mem>>
    %dma_start3A_306 = tpu.memref_squeeze %dma_start3A_305 : memref<1x!tpu.dma_semaphore, #tpu.memory_space<semaphore_mem>> -> memref<!tpu.dma_semaphore, #tpu.memory_space<semaphore_mem>>
    tpu.enqueue_indirect_dma source(%dma_start3A_304 : memref<10240x128xf32, #tpu.memory_space<vmem_shared>>) target(%dma_start3A_301 : memref<80x128xf32, #tpu.memory_space<vmem>>) offsets(%arg15 : memref<80xi32, #tpu.memory_space<vmem>>) semaphore(%dma_start3A_306 : memref<!tpu.dma_semaphore, #tpu.memory_space<semaphore_mem>>)
    %dma_wait3A_307 = arith.constant 0 : i32
    %dma_wait3A_308 = arith.constant 0 : i32
    %dma_wait3A_309 = arith.constant 0 : i32
    %dma_wait3A_310 = tpu.memref_slice %arg13[%dma_wait3A_308, %dma_wait3A_309] : memref<128x128xf32, #tpu.memory_space<vmem>> -> memref<80x128xf32, #tpu.memory_space<vmem>>
    %dma_wait3A_311 = arith.constant 0 : i32
    %dma_wait3A_312 = arith.constant 0 : i32
    %dma_wait3A_313 = tpu.memref_slice %arg18[%dma_wait3A_311, %dma_wait3A_312] : memref<10240x128xf32, #tpu.memory_space<vmem_shared>> -> memref<10240x128xf32, #tpu.memory_space<vmem_shared>>
    %dma_wait3A_314 = tpu.memref_slice %arg19[%dma_wait3A_307] : memref<2x!tpu.dma_semaphore, #tpu.memory_space<semaphore_mem>> -> memref<1x!tpu.dma_semaphore, #tpu.memory_space<semaphore_mem>>
    %dma_wait3A_315 = tpu.memref_squeeze %dma_wait3A_314 : memref<1x!tpu.dma_semaphore, #tpu.memory_space<semaphore_mem>> -> memref<!tpu.dma_semaphore, #tpu.memory_space<semaphore_mem>>
    tpu.wait_indirect_dma semaphore(%dma_wait3A_315 : memref<!tpu.dma_semaphore, #tpu.memory_space<semaphore_mem>>) src(%dma_wait3A_313 : memref<10240x128xf32, #tpu.memory_space<vmem_shared>>) dst(%dma_wait3A_310 : memref<80x128xf32, #tpu.memory_space<vmem>>)
    %mul3A_316 = arith.constant 2560 : i32
    %mul3A_317 = arith.muli %add3A_173, %mul3A_316 : i32
    %add3A_318 = arith.addi %mul3A_317, %add3A_293 : i32
    "tpu.region"() ({
      %run_scoped3A_520 = tpu.sem_alloc : memref<!tpu.dma_semaphore, #tpu.memory_space<semaphore_mem>>
      %dma_start3A_521 = arith.constant 0 : i32
      %dma_start3A_522 = arith.constant 0 : i32
      %dma_start3A_523 = tpu.memref_slice %arg13[%dma_start3A_521, %dma_start3A_522] : memref<128x128xf32, #tpu.memory_space<vmem>> -> memref<80x128xf32, #tpu.memory_space<vmem>>
      %dma_start3A_524 = arith.constant 0 : i32
      %dma_start3A_525 = tpu.memref_slice %arg8[%add3A_318, %dma_start3A_524] : memref<15360x128xf32, #tpu.memory_space<hbm>> -> memref<80x128xf32, #tpu.memory_space<hbm>>
      %dma_start3A_526 = arith.constant 0 : i32
      %dma_start3A_527 = tpu.memref_slice %arg8[%add3A_318, %dma_start3A_526] : memref<15360x128xf32, #tpu.memory_space<hbm>> -> memref<80x128xf32, #tpu.memory_space<hbm>>
      %dma_start3A_528 = arith.constant 0 : i32
      %dma_start3A_529 = arith.constant 0 : i32
      %dma_start3A_530 = tpu.memref_slice %arg13[%dma_start3A_528, %dma_start3A_529] : memref<128x128xf32, #tpu.memory_space<vmem>> -> memref<80x128xf32, #tpu.memory_space<vmem>>
      tpu.enqueue_dma source(%dma_start3A_530 : memref<80x128xf32, #tpu.memory_space<vmem>>) target(%dma_start3A_527 : memref<80x128xf32, #tpu.memory_space<hbm>>) target_semaphore(%run_scoped3A_520 : memref<!tpu.dma_semaphore, #tpu.memory_space<semaphore_mem>>)
      %dma_wait3A_531 = arith.constant 0 : i32
      %dma_wait3A_532 = arith.constant 0 : i32
      %dma_wait3A_533 = tpu.memref_slice %arg13[%dma_wait3A_531, %dma_wait3A_532] : memref<128x128xf32, #tpu.memory_space<vmem>> -> memref<80x128xf32, #tpu.memory_space<vmem>>
      %dma_wait3A_534 = arith.constant 0 : i32
      %dma_wait3A_535 = tpu.memref_slice %arg8[%add3A_318, %dma_wait3A_534] : memref<15360x128xf32, #tpu.memory_space<hbm>> -> memref<80x128xf32, #tpu.memory_space<hbm>>
      %dma_wait3A_536 = arith.constant 0 : i32
      %dma_wait3A_537 = tpu.memref_slice %arg8[%add3A_318, %dma_wait3A_536] : memref<15360x128xf32, #tpu.memory_space<hbm>> -> memref<80x128xf32, #tpu.memory_space<hbm>>
      %dma_wait3A_538 = arith.constant 0 : i32
      %dma_wait3A_539 = arith.constant 0 : i32
      %dma_wait3A_540 = tpu.memref_slice %arg13[%dma_wait3A_538, %dma_wait3A_539] : memref<128x128xf32, #tpu.memory_space<vmem>> -> memref<80x128xf32, #tpu.memory_space<vmem>>
      tpu.wait_dma2 semaphore(%run_scoped3A_520 : memref<!tpu.dma_semaphore, #tpu.memory_space<semaphore_mem>>) src(%dma_wait3A_540 : memref<80x128xf32, #tpu.memory_space<vmem>>) dst(%dma_wait3A_537 : memref<80x128xf32, #tpu.memory_space<hbm>>)
      tpu.yield
    }) : () -> ()
    %mul3A_319 = arith.constant 2 : i32
    %mul3A_320 = arith.muli %mul3A_319, %arg1 : i32
    %add3A_321 = arith.constant 1 : i32
    %add3A_322 = arith.addi %mul3A_320, %add3A_321 : i32
    "tpu.region"() ({
      %run_scoped3A_520 = tpu.sem_alloc : memref<!tpu.dma_semaphore, #tpu.memory_space<semaphore_mem>>
      %dma_start3A_521 = arith.constant 0 : i32
      %dma_start3A_522 = tpu.memref_slice %arg6[%add3A_173, %add3A_322, %dma_start3A_521] : memref<6x32x80xi32, #tpu.memory_space<hbm>> -> memref<1x1x80xi32, #tpu.memory_space<hbm>>
      %dma_start3A_523 = tpu.memref_squeeze %dma_start3A_522 : memref<1x1x80xi32, #tpu.memory_space<hbm>> -> memref<80xi32, #tpu.memory_space<hbm>>
      %dma_start3A_524 = arith.constant 0 : i32
      %dma_start3A_525 = tpu.memref_slice %arg6[%add3A_173, %add3A_322, %dma_start3A_524] : memref<6x32x80xi32, #tpu.memory_space<hbm>> -> memref<1x1x80xi32, #tpu.memory_space<hbm>>
      %dma_start3A_526 = tpu.memref_squeeze %dma_start3A_525 : memref<1x1x80xi32, #tpu.memory_space<hbm>> -> memref<80xi32, #tpu.memory_space<hbm>>
      tpu.enqueue_dma source(%dma_start3A_526 : memref<80xi32, #tpu.memory_space<hbm>>) target(%arg16 : memref<80xi32, #tpu.memory_space<vmem>>) target_semaphore(%run_scoped3A_520 : memref<!tpu.dma_semaphore, #tpu.memory_space<semaphore_mem>>)
      %dma_wait3A_527 = arith.constant 0 : i32
      %dma_wait3A_528 = tpu.memref_slice %arg6[%add3A_173, %add3A_322, %dma_wait3A_527] : memref<6x32x80xi32, #tpu.memory_space<hbm>> -> memref<1x1x80xi32, #tpu.memory_space<hbm>>
      %dma_wait3A_529 = tpu.memref_squeeze %dma_wait3A_528 : memref<1x1x80xi32, #tpu.memory_space<hbm>> -> memref<80xi32, #tpu.memory_space<hbm>>
      %dma_wait3A_530 = arith.constant 0 : i32
      %dma_wait3A_531 = tpu.memref_slice %arg6[%add3A_173, %add3A_322, %dma_wait3A_530] : memref<6x32x80xi32, #tpu.memory_space<hbm>> -> memref<1x1x80xi32, #tpu.memory_space<hbm>>
      %dma_wait3A_532 = tpu.memref_squeeze %dma_wait3A_531 : memref<1x1x80xi32, #tpu.memory_space<hbm>> -> memref<80xi32, #tpu.memory_space<hbm>>
      tpu.wait_dma2 semaphore(%run_scoped3A_520 : memref<!tpu.dma_semaphore, #tpu.memory_space<semaphore_mem>>) src(%dma_wait3A_532 : memref<80xi32, #tpu.memory_space<hbm>>) dst(%arg16 : memref<80xi32, #tpu.memory_space<vmem>>)
      tpu.yield
    }) : () -> ()
    %dma_start3A_323 = arith.constant 0 : i32
    %dma_start3A_324 = arith.constant 0 : i32
    %dma_start3A_325 = arith.constant 0 : i32
    %dma_start3A_326 = tpu.memref_slice %arg13[%dma_start3A_324, %dma_start3A_325] : memref<128x128xf32, #tpu.memory_space<vmem>> -> memref<80x128xf32, #tpu.memory_space<vmem>>
    %dma_start3A_327 = arith.constant 0 : i32
    %dma_start3A_328 = arith.constant 0 : i32
    %dma_start3A_329 = tpu.memref_slice %arg2[%dma_start3A_327, %dma_start3A_328] : memref<61440x128xf32, #tpu.memory_space<hbm>> -> memref<61440x128xf32, #tpu.memory_space<hbm>>
    %dma_start3A_330 = tpu.memref_slice %arg19[%dma_start3A_323] : memref<2x!tpu.dma_semaphore, #tpu.memory_space<semaphore_mem>> -> memref<1x!tpu.dma_semaphore, #tpu.memory_space<semaphore_mem>>
    %dma_start3A_331 = tpu.memref_squeeze %dma_start3A_330 : memref<1x!tpu.dma_semaphore, #tpu.memory_space<semaphore_mem>> -> memref<!tpu.dma_semaphore, #tpu.memory_space<semaphore_mem>>
    tpu.enqueue_indirect_dma source(%dma_start3A_329 : memref<61440x128xf32, #tpu.memory_space<hbm>>) target(%dma_start3A_326 : memref<80x128xf32, #tpu.memory_space<vmem>>) offsets(%arg16 : memref<80xi32, #tpu.memory_space<vmem>>) semaphore(%dma_start3A_331 : memref<!tpu.dma_semaphore, #tpu.memory_space<semaphore_mem>>)
    %dma_wait3A_332 = arith.constant 0 : i32
    %dma_wait3A_333 = arith.constant 0 : i32
    %dma_wait3A_334 = arith.constant 0 : i32
    %dma_wait3A_335 = tpu.memref_slice %arg13[%dma_wait3A_333, %dma_wait3A_334] : memref<128x128xf32, #tpu.memory_space<vmem>> -> memref<80x128xf32, #tpu.memory_space<vmem>>
    %dma_wait3A_336 = arith.constant 0 : i32
    %dma_wait3A_337 = arith.constant 0 : i32
    %dma_wait3A_338 = tpu.memref_slice %arg2[%dma_wait3A_336, %dma_wait3A_337] : memref<61440x128xf32, #tpu.memory_space<hbm>> -> memref<61440x128xf32, #tpu.memory_space<hbm>>
    %dma_wait3A_339 = tpu.memref_slice %arg19[%dma_wait3A_332] : memref<2x!tpu.dma_semaphore, #tpu.memory_space<semaphore_mem>> -> memref<1x!tpu.dma_semaphore, #tpu.memory_space<semaphore_mem>>
    %dma_wait3A_340 = tpu.memref_squeeze %dma_wait3A_339 : memref<1x!tpu.dma_semaphore, #tpu.memory_space<semaphore_mem>> -> memref<!tpu.dma_semaphore, #tpu.memory_space<semaphore_mem>>
    tpu.wait_indirect_dma semaphore(%dma_wait3A_340 : memref<!tpu.dma_semaphore, #tpu.memory_space<semaphore_mem>>) src(%dma_wait3A_338 : memref<61440x128xf32, #tpu.memory_space<hbm>>) dst(%dma_wait3A_335 : memref<80x128xf32, #tpu.memory_space<vmem>>)
    %mul3A_341 = arith.constant 2560 : i32
    %mul3A_342 = arith.muli %add3A_173, %mul3A_341 : i32
    %add3A_343 = arith.addi %mul3A_342, %add3A_293 : i32
    "tpu.region"() ({
      %run_scoped3A_520 = tpu.sem_alloc : memref<!tpu.dma_semaphore, #tpu.memory_space<semaphore_mem>>
      %dma_start3A_521 = arith.constant 0 : i32
      %dma_start3A_522 = arith.constant 0 : i32
      %dma_start3A_523 = tpu.memref_slice %arg13[%dma_start3A_521, %dma_start3A_522] : memref<128x128xf32, #tpu.memory_space<vmem>> -> memref<80x128xf32, #tpu.memory_space<vmem>>
      %dma_start3A_524 = arith.constant 0 : i32
      %dma_start3A_525 = tpu.memref_slice %arg9[%add3A_343, %dma_start3A_524] : memref<15360x128xf32, #tpu.memory_space<hbm>> -> memref<80x128xf32, #tpu.memory_space<hbm>>
      %dma_start3A_526 = arith.constant 0 : i32
      %dma_start3A_527 = tpu.memref_slice %arg9[%add3A_343, %dma_start3A_526] : memref<15360x128xf32, #tpu.memory_space<hbm>> -> memref<80x128xf32, #tpu.memory_space<hbm>>
      %dma_start3A_528 = arith.constant 0 : i32
      %dma_start3A_529 = arith.constant 0 : i32
      %dma_start3A_530 = tpu.memref_slice %arg13[%dma_start3A_528, %dma_start3A_529] : memref<128x128xf32, #tpu.memory_space<vmem>> -> memref<80x128xf32, #tpu.memory_space<vmem>>
      tpu.enqueue_dma source(%dma_start3A_530 : memref<80x128xf32, #tpu.memory_space<vmem>>) target(%dma_start3A_527 : memref<80x128xf32, #tpu.memory_space<hbm>>) target_semaphore(%run_scoped3A_520 : memref<!tpu.dma_semaphore, #tpu.memory_space<semaphore_mem>>)
      %dma_wait3A_531 = arith.constant 0 : i32
      %dma_wait3A_532 = arith.constant 0 : i32
      %dma_wait3A_533 = tpu.memref_slice %arg13[%dma_wait3A_531, %dma_wait3A_532] : memref<128x128xf32, #tpu.memory_space<vmem>> -> memref<80x128xf32, #tpu.memory_space<vmem>>
      %dma_wait3A_534 = arith.constant 0 : i32
      %dma_wait3A_535 = tpu.memref_slice %arg9[%add3A_343, %dma_wait3A_534] : memref<15360x128xf32, #tpu.memory_space<hbm>> -> memref<80x128xf32, #tpu.memory_space<hbm>>
      %dma_wait3A_536 = arith.constant 0 : i32
      %dma_wait3A_537 = tpu.memref_slice %arg9[%add3A_343, %dma_wait3A_536] : memref<15360x128xf32, #tpu.memory_space<hbm>> -> memref<80x128xf32, #tpu.memory_space<hbm>>
      %dma_wait3A_538 = arith.constant 0 : i32
      %dma_wait3A_539 = arith.constant 0 : i32
      %dma_wait3A_540 = tpu.memref_slice %arg13[%dma_wait3A_538, %dma_wait3A_539] : memref<128x128xf32, #tpu.memory_space<vmem>> -> memref<80x128xf32, #tpu.memory_space<vmem>>
      tpu.wait_dma2 semaphore(%run_scoped3A_520 : memref<!tpu.dma_semaphore, #tpu.memory_space<semaphore_mem>>) src(%dma_wait3A_540 : memref<80x128xf32, #tpu.memory_space<vmem>>) dst(%dma_wait3A_537 : memref<80x128xf32, #tpu.memory_space<hbm>>)
      tpu.yield
    }) : () -> ()
    %barrier3A_344 = arith.constant 0 : index
    tpu.barrier barrier_id(%barrier3A_344)
    %mul3A_345 = arith.constant 3 : i32
    %mul3A_346 = arith.muli %arg0, %mul3A_345 : i32
    %add3A_347 = arith.constant 2 : i32
    %add3A_348 = arith.addi %mul3A_346, %add3A_347 : i32
    %scan3A_349 = arith.constant 0 : i32
    %scan3A_350 = arith.constant 0 : i32
    %scan3A_351 = arith.constant 128 : i32
    %scan3A_352 = arith.addi %scan3A_350, %scan3A_351 : i32
    %scan3A_353 = arith.constant 1 : i32
    scf.for %scan3A_520 = %scan3A_350 to %scan3A_352 step %scan3A_353  : i32 {
      %broadcast_in_dim3A = arith.constant 0.000000e+00 : f32
      %broadcast_in_dim3A_521 = vector.broadcast %broadcast_in_dim3A : f32 to vector<16xf32>
      %swap3A = arith.index_cast %scan3A_520 : i32 to index
      %swap3A_522 = arith.constant 0 : index
      %swap3A_523 = tpu.vector_load %arg13[%swap3A, %swap3A_522] {strides = array<i32>} : memref<128x128xf32, #tpu.memory_space<vmem>>, vector<1x16xf32>,
      %swap3A_524 = vector.shape_cast %swap3A_523 : vector<1x16xf32> to vector<16xf32>
      %swap3A_525 = vector.shape_cast %broadcast_in_dim3A_521 : vector<16xf32> to vector<1x16xf32>
      tpu.vector_store %arg13[%swap3A, %swap3A_522], %swap3A_525 {strides = array<i32>} : memref<128x128xf32, #tpu.memory_space<vmem>>, vector<1x16xf32>,
      %swap3A_526 = arith.index_cast %scan3A_520 : i32 to index
      %swap3A_527 = arith.constant 16 : index
      %swap3A_528 = tpu.vector_load %arg13[%swap3A_526, %swap3A_527] {strides = array<i32>} : memref<128x128xf32, #tpu.memory_space<vmem>>, vector<1x16xf32>,
      %swap3A_529 = vector.shape_cast %swap3A_528 : vector<1x16xf32> to vector<16xf32>
      %swap3A_530 = vector.shape_cast %broadcast_in_dim3A_521 : vector<16xf32> to vector<1x16xf32>
      tpu.vector_store %arg13[%swap3A_526, %swap3A_527], %swap3A_530 {strides = array<i32>} : memref<128x128xf32, #tpu.memory_space<vmem>>, vector<1x16xf32>,
      %swap3A_531 = arith.index_cast %scan3A_520 : i32 to index
      %swap3A_532 = arith.constant 32 : index
      %swap3A_533 = tpu.vector_load %arg13[%swap3A_531, %swap3A_532] {strides = array<i32>} : memref<128x128xf32, #tpu.memory_space<vmem>>, vector<1x16xf32>,
      %swap3A_534 = vector.shape_cast %swap3A_533 : vector<1x16xf32> to vector<16xf32>
      %swap3A_535 = vector.shape_cast %broadcast_in_dim3A_521 : vector<16xf32> to vector<1x16xf32>
      tpu.vector_store %arg13[%swap3A_531, %swap3A_532], %swap3A_535 {strides = array<i32>} : memref<128x128xf32, #tpu.memory_space<vmem>>, vector<1x16xf32>,
      %swap3A_536 = arith.index_cast %scan3A_520 : i32 to index
      %swap3A_537 = arith.constant 48 : index
      %swap3A_538 = tpu.vector_load %arg13[%swap3A_536, %swap3A_537] {strides = array<i32>} : memref<128x128xf32, #tpu.memory_space<vmem>>, vector<1x16xf32>,
      %swap3A_539 = vector.shape_cast %swap3A_538 : vector<1x16xf32> to vector<16xf32>
      %swap3A_540 = vector.shape_cast %broadcast_in_dim3A_521 : vector<16xf32> to vector<1x16xf32>
      tpu.vector_store %arg13[%swap3A_536, %swap3A_537], %swap3A_540 {strides = array<i32>} : memref<128x128xf32, #tpu.memory_space<vmem>>, vector<1x16xf32>,
      %swap3A_541 = arith.index_cast %scan3A_520 : i32 to index
      %swap3A_542 = arith.constant 64 : index
      %swap3A_543 = tpu.vector_load %arg13[%swap3A_541, %swap3A_542] {strides = array<i32>} : memref<128x128xf32, #tpu.memory_space<vmem>>, vector<1x16xf32>,
      %swap3A_544 = vector.shape_cast %swap3A_543 : vector<1x16xf32> to vector<16xf32>
      %swap3A_545 = vector.shape_cast %broadcast_in_dim3A_521 : vector<16xf32> to vector<1x16xf32>
      tpu.vector_store %arg13[%swap3A_541, %swap3A_542], %swap3A_545 {strides = array<i32>} : memref<128x128xf32, #tpu.memory_space<vmem>>, vector<1x16xf32>,
      %swap3A_546 = arith.index_cast %scan3A_520 : i32 to index
      %swap3A_547 = arith.constant 80 : index
      %swap3A_548 = tpu.vector_load %arg13[%swap3A_546, %swap3A_547] {strides = array<i32>} : memref<128x128xf32, #tpu.memory_space<vmem>>, vector<1x16xf32>,
      %swap3A_549 = vector.shape_cast %swap3A_548 : vector<1x16xf32> to vector<16xf32>
      %swap3A_550 = vector.shape_cast %broadcast_in_dim3A_521 : vector<16xf32> to vector<1x16xf32>
      tpu.vector_store %arg13[%swap3A_546, %swap3A_547], %swap3A_550 {strides = array<i32>} : memref<128x128xf32, #tpu.memory_space<vmem>>, vector<1x16xf32>,
      %swap3A_551 = arith.index_cast %scan3A_520 : i32 to index
      %swap3A_552 = arith.constant 96 : index
      %swap3A_553 = tpu.vector_load %arg13[%swap3A_551, %swap3A_552] {strides = array<i32>} : memref<128x128xf32, #tpu.memory_space<vmem>>, vector<1x16xf32>,
      %swap3A_554 = vector.shape_cast %swap3A_553 : vector<1x16xf32> to vector<16xf32>
      %swap3A_555 = vector.shape_cast %broadcast_in_dim3A_521 : vector<16xf32> to vector<1x16xf32>
      tpu.vector_store %arg13[%swap3A_551, %swap3A_552], %swap3A_555 {strides = array<i32>} : memref<128x128xf32, #tpu.memory_space<vmem>>, vector<1x16xf32>,
      %swap3A_556 = arith.index_cast %scan3A_520 : i32 to index
      %swap3A_557 = arith.constant 112 : index
      %swap3A_558 = tpu.vector_load %arg13[%swap3A_556, %swap3A_557] {strides = array<i32>} : memref<128x128xf32, #tpu.memory_space<vmem>>, vector<1x16xf32>,
      %swap3A_559 = vector.shape_cast %swap3A_558 : vector<1x16xf32> to vector<16xf32>
      %swap3A_560 = vector.shape_cast %broadcast_in_dim3A_521 : vector<16xf32> to vector<1x16xf32>
      tpu.vector_store %arg13[%swap3A_556, %swap3A_557], %swap3A_560 {strides = array<i32>} : memref<128x128xf32, #tpu.memory_space<vmem>>, vector<1x16xf32>,
    }
    %scan3A_354 = arith.constant 128 : i32
    %scan3A_355 = arith.constant 0 : i32
    %scan3A_356 = arith.constant 0 : i32
    %scan3A_357 = arith.constant 5 : i32
    %scan3A_358 = arith.addi %scan3A_356, %scan3A_357 : i32
    %scan3A_359 = arith.constant 1 : i32
    scf.for %scan3A_520 = %scan3A_356 to %scan3A_358 step %scan3A_359  : i32 {
      %mul3A_521 = arith.constant 640 : i32
      %mul3A_522 = arith.muli %arg1, %mul3A_521 : i32
      %mul3A_523 = arith.constant 128 : i32
      %mul3A_524 = arith.muli %scan3A_520, %mul3A_523 : i32
      %add3A_525 = arith.addi %mul3A_522, %mul3A_524 : i32
      "tpu.region"() ({
        %run_scoped3A_526 = tpu.sem_alloc : memref<!tpu.dma_semaphore, #tpu.memory_space<semaphore_mem>>
        %dma_start3A_527 = arith.constant 0 : i32
        %dma_start3A_528 = tpu.memref_slice %arg18[%add3A_525, %dma_start3A_527] : memref<10240x128xf32, #tpu.memory_space<vmem_shared>> -> memref<128x128xf32, #tpu.memory_space<vmem_shared>>
        %dma_start3A_529 = arith.constant 0 : i32
        %dma_start3A_530 = tpu.memref_slice %arg18[%add3A_525, %dma_start3A_529] : memref<10240x128xf32, #tpu.memory_space<vmem_shared>> -> memref<128x128xf32, #tpu.memory_space<vmem_shared>>
        tpu.enqueue_dma source(%arg13 : memref<128x128xf32, #tpu.memory_space<vmem>>) target(%dma_start3A_530 : memref<128x128xf32, #tpu.memory_space<vmem_shared>>) target_semaphore(%run_scoped3A_526 : memref<!tpu.dma_semaphore, #tpu.memory_space<semaphore_mem>>)
        %dma_wait3A_531 = arith.constant 0 : i32
        %dma_wait3A_532 = tpu.memref_slice %arg18[%add3A_525, %dma_wait3A_531] : memref<10240x128xf32, #tpu.memory_space<vmem_shared>> -> memref<128x128xf32, #tpu.memory_space<vmem_shared>>
        %dma_wait3A_533 = arith.constant 0 : i32
        %dma_wait3A_534 = tpu.memref_slice %arg18[%add3A_525, %dma_wait3A_533] : memref<10240x128xf32, #tpu.memory_space<vmem_shared>> -> memref<128x128xf32, #tpu.memory_space<vmem_shared>>
        tpu.wait_dma2 semaphore(%run_scoped3A_526 : memref<!tpu.dma_semaphore, #tpu.memory_space<semaphore_mem>>) src(%arg13 : memref<128x128xf32, #tpu.memory_space<vmem>>) dst(%dma_wait3A_534 : memref<128x128xf32, #tpu.memory_space<vmem_shared>>)
        tpu.yield
      }) : () -> ()
    }
    %scan3A_360 = arith.constant 5 : i32
    "tpu.region"() ({
      %run_scoped3A_520 = tpu.sem_alloc : memref<!tpu.dma_semaphore, #tpu.memory_space<semaphore_mem>>
      %dma_start3A_521 = arith.constant 0 : i32
      %dma_start3A_522 = arith.constant 0 : i32
      %dma_start3A_523 = tpu.memref_slice %arg3[%add3A_348, %arg1, %dma_start3A_521, %dma_start3A_522] : memref<6x16x50x128xi32, #tpu.memory_space<hbm>> -> memref<1x1x50x128xi32, #tpu.memory_space<hbm>>
      %dma_start3A_524 = tpu.memref_squeeze %dma_start3A_523 : memref<1x1x50x128xi32, #tpu.memory_space<hbm>> -> memref<50x128xi32, #tpu.memory_space<hbm>>
      %dma_start3A_525 = arith.constant 0 : i32
      %dma_start3A_526 = arith.constant 0 : i32
      %dma_start3A_527 = tpu.memref_slice %arg3[%add3A_348, %arg1, %dma_start3A_525, %dma_start3A_526] : memref<6x16x50x128xi32, #tpu.memory_space<hbm>> -> memref<1x1x50x128xi32, #tpu.memory_space<hbm>>
      %dma_start3A_528 = tpu.memref_squeeze %dma_start3A_527 : memref<1x1x50x128xi32, #tpu.memory_space<hbm>> -> memref<50x128xi32, #tpu.memory_space<hbm>>
      tpu.enqueue_dma source(%dma_start3A_528 : memref<50x128xi32, #tpu.memory_space<hbm>>) target(%arg11 : memref<50x128xi32, #tpu.memory_space<vmem>>) target_semaphore(%run_scoped3A_520 : memref<!tpu.dma_semaphore, #tpu.memory_space<semaphore_mem>>)
      %dma_wait3A_529 = arith.constant 0 : i32
      %dma_wait3A_530 = arith.constant 0 : i32
      %dma_wait3A_531 = tpu.memref_slice %arg3[%add3A_348, %arg1, %dma_wait3A_529, %dma_wait3A_530] : memref<6x16x50x128xi32, #tpu.memory_space<hbm>> -> memref<1x1x50x128xi32, #tpu.memory_space<hbm>>
      %dma_wait3A_532 = tpu.memref_squeeze %dma_wait3A_531 : memref<1x1x50x128xi32, #tpu.memory_space<hbm>> -> memref<50x128xi32, #tpu.memory_space<hbm>>
      %dma_wait3A_533 = arith.constant 0 : i32
      %dma_wait3A_534 = arith.constant 0 : i32
      %dma_wait3A_535 = tpu.memref_slice %arg3[%add3A_348, %arg1, %dma_wait3A_533, %dma_wait3A_534] : memref<6x16x50x128xi32, #tpu.memory_space<hbm>> -> memref<1x1x50x128xi32, #tpu.memory_space<hbm>>
      %dma_wait3A_536 = tpu.memref_squeeze %dma_wait3A_535 : memref<1x1x50x128xi32, #tpu.memory_space<hbm>> -> memref<50x128xi32, #tpu.memory_space<hbm>>
      tpu.wait_dma2 semaphore(%run_scoped3A_520 : memref<!tpu.dma_semaphore, #tpu.memory_space<semaphore_mem>>) src(%dma_wait3A_536 : memref<50x128xi32, #tpu.memory_space<hbm>>) dst(%arg11 : memref<50x128xi32, #tpu.memory_space<vmem>>)
      tpu.yield
    }) : () -> ()
    %barrier3A_361 = arith.constant 0 : index
    tpu.barrier barrier_id(%barrier3A_361)
    %dma_start3A_362 = arith.constant 0 : i32
    %dma_start3A_363 = arith.constant 0 : i32
    %dma_start3A_364 = arith.constant 0 : i32
    %dma_start3A_365 = tpu.memref_slice %arg11[%dma_start3A_362, %dma_start3A_364] : memref<50x128xi32, #tpu.memory_space<vmem>> -> memref<1x128xi32, #tpu.memory_space<vmem>>
    %dma_start3A_366 = tpu.memref_squeeze %dma_start3A_365 : memref<1x128xi32, #tpu.memory_space<vmem>> -> memref<128xi32, #tpu.memory_space<vmem>>
    %dma_start3A_367 = arith.constant 0 : i32
    %dma_start3A_368 = arith.constant 0 : i32
    %dma_start3A_369 = tpu.memref_slice %arg2[%dma_start3A_367, %dma_start3A_368] : memref<61440x128xf32, #tpu.memory_space<hbm>> -> memref<61440x128xf32, #tpu.memory_space<hbm>>
    %dma_start3A_370 = tpu.memref_slice %arg19[%dma_start3A_363] : memref<2x!tpu.dma_semaphore, #tpu.memory_space<semaphore_mem>> -> memref<1x!tpu.dma_semaphore, #tpu.memory_space<semaphore_mem>>
    %dma_start3A_371 = tpu.memref_squeeze %dma_start3A_370 : memref<1x!tpu.dma_semaphore, #tpu.memory_space<semaphore_mem>> -> memref<!tpu.dma_semaphore, #tpu.memory_space<semaphore_mem>>
    tpu.enqueue_indirect_dma source(%dma_start3A_369 : memref<61440x128xf32, #tpu.memory_space<hbm>>) target(%arg13 : memref<128x128xf32, #tpu.memory_space<vmem>>) offsets(%dma_start3A_366 : memref<128xi32, #tpu.memory_space<vmem>>) semaphore(%dma_start3A_371 : memref<!tpu.dma_semaphore, #tpu.memory_space<semaphore_mem>>)
    %scan3A_372 = arith.constant 0 : i32
    %scan3A_373 = arith.constant 0 : i32
    %scan3A_374 = arith.constant 24 : i32
    %scan3A_375 = arith.addi %scan3A_373, %scan3A_374 : i32
    %scan3A_376 = arith.constant 1 : i32
    scf.for %scan3A_520 = %scan3A_373 to %scan3A_375 step %scan3A_376  : i32 {
      %mul3A_521 = arith.constant 2 : i32
      %mul3A_522 = arith.muli %scan3A_520, %mul3A_521 : i32
      %dma_wait3A_523 = arith.constant 0 : i32
      %dma_wait3A_524 = arith.constant 0 : i32
      %dma_wait3A_525 = arith.constant 0 : i32
      %dma_wait3A_526 = tpu.memref_slice %arg11[%dma_wait3A_523, %dma_wait3A_525] : memref<50x128xi32, #tpu.memory_space<vmem>> -> memref<1x128xi32, #tpu.memory_space<vmem>>
      %dma_wait3A_527 = tpu.memref_squeeze %dma_wait3A_526 : memref<1x128xi32, #tpu.memory_space<vmem>> -> memref<128xi32, #tpu.memory_space<vmem>>
      %dma_wait3A_528 = arith.constant 0 : i32
      %dma_wait3A_529 = arith.constant 0 : i32
      %dma_wait3A_530 = tpu.memref_slice %arg2[%dma_wait3A_528, %dma_wait3A_529] : memref<61440x128xf32, #tpu.memory_space<hbm>> -> memref<61440x128xf32, #tpu.memory_space<hbm>>
      %dma_wait3A_531 = tpu.memref_slice %arg19[%dma_wait3A_524] : memref<2x!tpu.dma_semaphore, #tpu.memory_space<semaphore_mem>> -> memref<1x!tpu.dma_semaphore, #tpu.memory_space<semaphore_mem>>
      %dma_wait3A_532 = tpu.memref_squeeze %dma_wait3A_531 : memref<1x!tpu.dma_semaphore, #tpu.memory_space<semaphore_mem>> -> memref<!tpu.dma_semaphore, #tpu.memory_space<semaphore_mem>>
      tpu.wait_indirect_dma semaphore(%dma_wait3A_532 : memref<!tpu.dma_semaphore, #tpu.memory_space<semaphore_mem>>) src(%dma_wait3A_530 : memref<61440x128xf32, #tpu.memory_space<hbm>>) dst(%arg13 : memref<128x128xf32, #tpu.memory_space<vmem>>)
      %add3A_533 = arith.constant 0 : i32
      %add3A_534 = arith.addi %mul3A_522, %add3A_533 : i32
      %add3A_535 = arith.constant 1 : i32
      %add3A_536 = arith.addi %add3A_534, %add3A_535 : i32
      %dma_start3A_537 = arith.constant 1 : i32
      %dma_start3A_538 = arith.constant 0 : i32
      %dma_start3A_539 = tpu.memref_slice %arg11[%add3A_536, %dma_start3A_538] : memref<50x128xi32, #tpu.memory_space<vmem>> -> memref<1x128xi32, #tpu.memory_space<vmem>>
      %dma_start3A_540 = tpu.memref_squeeze %dma_start3A_539 : memref<1x128xi32, #tpu.memory_space<vmem>> -> memref<128xi32, #tpu.memory_space<vmem>>
      %dma_start3A_541 = arith.constant 0 : i32
      %dma_start3A_542 = arith.constant 0 : i32
      %dma_start3A_543 = tpu.memref_slice %arg2[%dma_start3A_541, %dma_start3A_542] : memref<61440x128xf32, #tpu.memory_space<hbm>> -> memref<61440x128xf32, #tpu.memory_space<hbm>>
      %dma_start3A_544 = tpu.memref_slice %arg19[%dma_start3A_537] : memref<2x!tpu.dma_semaphore, #tpu.memory_space<semaphore_mem>> -> memref<1x!tpu.dma_semaphore, #tpu.memory_space<semaphore_mem>>
      %dma_start3A_545 = tpu.memref_squeeze %dma_start3A_544 : memref<1x!tpu.dma_semaphore, #tpu.memory_space<semaphore_mem>> -> memref<!tpu.dma_semaphore, #tpu.memory_space<semaphore_mem>>
      tpu.enqueue_indirect_dma source(%dma_start3A_543 : memref<61440x128xf32, #tpu.memory_space<hbm>>) target(%arg14 : memref<128x128xf32, #tpu.memory_space<vmem>>) offsets(%dma_start3A_540 : memref<128xi32, #tpu.memory_space<vmem>>) semaphore(%dma_start3A_545 : memref<!tpu.dma_semaphore, #tpu.memory_space<semaphore_mem>>)
      %add3A_546 = arith.constant 0 : i32
      %add3A_547 = arith.addi %mul3A_522, %add3A_546 : i32
      "tpu.region"() ({
        %run_scoped3A_573 = tpu.sem_alloc : memref<!tpu.dma_semaphore, #tpu.memory_space<semaphore_mem>>
        %dma_start3A_574 = arith.constant 0 : i32
        %dma_start3A_575 = tpu.memref_slice %arg12[%add3A_547, %dma_start3A_574] : memref<50x128xi32, #tpu.memory_space<vmem>> -> memref<1x128xi32, #tpu.memory_space<vmem>>
        %dma_start3A_576 = tpu.memref_squeeze %dma_start3A_575 : memref<1x128xi32, #tpu.memory_space<vmem>> -> memref<128xi32, #tpu.memory_space<vmem>>
        %dma_start3A_577 = arith.constant 0 : i32
        %dma_start3A_578 = arith.constant 0 : i32
        %dma_start3A_579 = tpu.memref_slice %arg18[%dma_start3A_577, %dma_start3A_578] : memref<10240x128xf32, #tpu.memory_space<vmem_shared>> -> memref<10240x128xf32, #tpu.memory_space<vmem_shared>>
        tpu.enqueue_indirect_dma source(%arg13 : memref<128x128xf32, #tpu.memory_space<vmem>>) target(%dma_start3A_579 : memref<10240x128xf32, #tpu.memory_space<vmem_shared>>) offsets(%dma_start3A_576 : memref<128xi32, #tpu.memory_space<vmem>>) semaphore(%run_scoped3A_573 : memref<!tpu.dma_semaphore, #tpu.memory_space<semaphore_mem>>) {add = true}
        %dma_wait3A_580 = arith.constant 0 : i32
        %dma_wait3A_581 = tpu.memref_slice %arg12[%add3A_547, %dma_wait3A_580] : memref<50x128xi32, #tpu.memory_space<vmem>> -> memref<1x128xi32, #tpu.memory_space<vmem>>
        %dma_wait3A_582 = tpu.memref_squeeze %dma_wait3A_581 : memref<1x128xi32, #tpu.memory_space<vmem>> -> memref<128xi32, #tpu.memory_space<vmem>>
        %dma_wait3A_583 = arith.constant 0 : i32
        %dma_wait3A_584 = arith.constant 0 : i32
        %dma_wait3A_585 = tpu.memref_slice %arg18[%dma_wait3A_583, %dma_wait3A_584] : memref<10240x128xf32, #tpu.memory_space<vmem_shared>> -> memref<10240x128xf32, #tpu.memory_space<vmem_shared>>
        tpu.wait_indirect_dma semaphore(%run_scoped3A_573 : memref<!tpu.dma_semaphore, #tpu.memory_space<semaphore_mem>>) src(%arg13 : memref<128x128xf32, #tpu.memory_space<vmem>>) dst(%dma_wait3A_585 : memref<10240x128xf32, #tpu.memory_space<vmem_shared>>)
        tpu.yield
      }) : () -> ()
      %dma_wait3A_548 = arith.constant 0 : i32
      %dma_wait3A_549 = arith.constant 1 : i32
      %dma_wait3A_550 = arith.constant 0 : i32
      %dma_wait3A_551 = tpu.memref_slice %arg11[%dma_wait3A_548, %dma_wait3A_550] : memref<50x128xi32, #tpu.memory_space<vmem>> -> memref<1x128xi32, #tpu.memory_space<vmem>>
      %dma_wait3A_552 = tpu.memref_squeeze %dma_wait3A_551 : memref<1x128xi32, #tpu.memory_space<vmem>> -> memref<128xi32, #tpu.memory_space<vmem>>
      %dma_wait3A_553 = arith.constant 0 : i32
      %dma_wait3A_554 = arith.constant 0 : i32
      %dma_wait3A_555 = tpu.memref_slice %arg2[%dma_wait3A_553, %dma_wait3A_554] : memref<61440x128xf32, #tpu.memory_space<hbm>> -> memref<61440x128xf32, #tpu.memory_space<hbm>>
      %dma_wait3A_556 = tpu.memref_slice %arg19[%dma_wait3A_549] : memref<2x!tpu.dma_semaphore, #tpu.memory_space<semaphore_mem>> -> memref<1x!tpu.dma_semaphore, #tpu.memory_space<semaphore_mem>>
      %dma_wait3A_557 = tpu.memref_squeeze %dma_wait3A_556 : memref<1x!tpu.dma_semaphore, #tpu.memory_space<semaphore_mem>> -> memref<!tpu.dma_semaphore, #tpu.memory_space<semaphore_mem>>
      tpu.wait_indirect_dma semaphore(%dma_wait3A_557 : memref<!tpu.dma_semaphore, #tpu.memory_space<semaphore_mem>>) src(%dma_wait3A_555 : memref<61440x128xf32, #tpu.memory_space<hbm>>) dst(%arg14 : memref<128x128xf32, #tpu.memory_space<vmem>>)
      %add3A_558 = arith.constant 1 : i32
      %add3A_559 = arith.addi %mul3A_522, %add3A_558 : i32
      %add3A_560 = arith.constant 1 : i32
      %add3A_561 = arith.addi %add3A_559, %add3A_560 : i32
      %dma_start3A_562 = arith.constant 0 : i32
      %dma_start3A_563 = arith.constant 0 : i32
      %dma_start3A_564 = tpu.memref_slice %arg11[%add3A_561, %dma_start3A_563] : memref<50x128xi32, #tpu.memory_space<vmem>> -> memref<1x128xi32, #tpu.memory_space<vmem>>
      %dma_start3A_565 = tpu.memref_squeeze %dma_start3A_564 : memref<1x128xi32, #tpu.memory_space<vmem>> -> memref<128xi32, #tpu.memory_space<vmem>>
      %dma_start3A_566 = arith.constant 0 : i32
      %dma_start3A_567 = arith.constant 0 : i32
      %dma_start3A_568 = tpu.memref_slice %arg2[%dma_start3A_566, %dma_start3A_567] : memref<61440x128xf32, #tpu.memory_space<hbm>> -> memref<61440x128xf32, #tpu.memory_space<hbm>>
      %dma_start3A_569 = tpu.memref_slice %arg19[%dma_start3A_562] : memref<2x!tpu.dma_semaphore, #tpu.memory_space<semaphore_mem>> -> memref<1x!tpu.dma_semaphore, #tpu.memory_space<semaphore_mem>>
      %dma_start3A_570 = tpu.memref_squeeze %dma_start3A_569 : memref<1x!tpu.dma_semaphore, #tpu.memory_space<semaphore_mem>> -> memref<!tpu.dma_semaphore, #tpu.memory_space<semaphore_mem>>
      tpu.enqueue_indirect_dma source(%dma_start3A_568 : memref<61440x128xf32, #tpu.memory_space<hbm>>) target(%arg13 : memref<128x128xf32, #tpu.memory_space<vmem>>) offsets(%dma_start3A_565 : memref<128xi32, #tpu.memory_space<vmem>>) semaphore(%dma_start3A_570 : memref<!tpu.dma_semaphore, #tpu.memory_space<semaphore_mem>>)
      %add3A_571 = arith.constant 1 : i32
      %add3A_572 = arith.addi %mul3A_522, %add3A_571 : i32
      "tpu.region"() ({
        %run_scoped3A_573 = tpu.sem_alloc : memref<!tpu.dma_semaphore, #tpu.memory_space<semaphore_mem>>
        %dma_start3A_574 = arith.constant 0 : i32
        %dma_start3A_575 = tpu.memref_slice %arg12[%add3A_572, %dma_start3A_574] : memref<50x128xi32, #tpu.memory_space<vmem>> -> memref<1x128xi32, #tpu.memory_space<vmem>>
        %dma_start3A_576 = tpu.memref_squeeze %dma_start3A_575 : memref<1x128xi32, #tpu.memory_space<vmem>> -> memref<128xi32, #tpu.memory_space<vmem>>
        %dma_start3A_577 = arith.constant 0 : i32
        %dma_start3A_578 = arith.constant 0 : i32
        %dma_start3A_579 = tpu.memref_slice %arg18[%dma_start3A_577, %dma_start3A_578] : memref<10240x128xf32, #tpu.memory_space<vmem_shared>> -> memref<10240x128xf32, #tpu.memory_space<vmem_shared>>
        tpu.enqueue_indirect_dma source(%arg14 : memref<128x128xf32, #tpu.memory_space<vmem>>) target(%dma_start3A_579 : memref<10240x128xf32, #tpu.memory_space<vmem_shared>>) offsets(%dma_start3A_576 : memref<128xi32, #tpu.memory_space<vmem>>) semaphore(%run_scoped3A_573 : memref<!tpu.dma_semaphore, #tpu.memory_space<semaphore_mem>>) {add = true}
        %dma_wait3A_580 = arith.constant 0 : i32
        %dma_wait3A_581 = tpu.memref_slice %arg12[%add3A_572, %dma_wait3A_580] : memref<50x128xi32, #tpu.memory_space<vmem>> -> memref<1x128xi32, #tpu.memory_space<vmem>>
        %dma_wait3A_582 = tpu.memref_squeeze %dma_wait3A_581 : memref<1x128xi32, #tpu.memory_space<vmem>> -> memref<128xi32, #tpu.memory_space<vmem>>
        %dma_wait3A_583 = arith.constant 0 : i32
        %dma_wait3A_584 = arith.constant 0 : i32
        %dma_wait3A_585 = tpu.memref_slice %arg18[%dma_wait3A_583, %dma_wait3A_584] : memref<10240x128xf32, #tpu.memory_space<vmem_shared>> -> memref<10240x128xf32, #tpu.memory_space<vmem_shared>>
        tpu.wait_indirect_dma semaphore(%run_scoped3A_573 : memref<!tpu.dma_semaphore, #tpu.memory_space<semaphore_mem>>) src(%arg14 : memref<128x128xf32, #tpu.memory_space<vmem>>) dst(%dma_wait3A_585 : memref<10240x128xf32, #tpu.memory_space<vmem_shared>>)
        tpu.yield
      }) : () -> ()
    }
    %scan3A_377 = arith.constant 24 : i32
    %dma_wait3A_378 = arith.constant 0 : i32
    %dma_wait3A_379 = arith.constant 0 : i32
    %dma_wait3A_380 = arith.constant 0 : i32
    %dma_wait3A_381 = tpu.memref_slice %arg11[%dma_wait3A_378, %dma_wait3A_380] : memref<50x128xi32, #tpu.memory_space<vmem>> -> memref<1x128xi32, #tpu.memory_space<vmem>>
    %dma_wait3A_382 = tpu.memref_squeeze %dma_wait3A_381 : memref<1x128xi32, #tpu.memory_space<vmem>> -> memref<128xi32, #tpu.memory_space<vmem>>
    %dma_wait3A_383 = arith.constant 0 : i32
    %dma_wait3A_384 = arith.constant 0 : i32
    %dma_wait3A_385 = tpu.memref_slice %arg2[%dma_wait3A_383, %dma_wait3A_384] : memref<61440x128xf32, #tpu.memory_space<hbm>> -> memref<61440x128xf32, #tpu.memory_space<hbm>>
    %dma_wait3A_386 = tpu.memref_slice %arg19[%dma_wait3A_379] : memref<2x!tpu.dma_semaphore, #tpu.memory_space<semaphore_mem>> -> memref<1x!tpu.dma_semaphore, #tpu.memory_space<semaphore_mem>>
    %dma_wait3A_387 = tpu.memref_squeeze %dma_wait3A_386 : memref<1x!tpu.dma_semaphore, #tpu.memory_space<semaphore_mem>> -> memref<!tpu.dma_semaphore, #tpu.memory_space<semaphore_mem>>
    tpu.wait_indirect_dma semaphore(%dma_wait3A_387 : memref<!tpu.dma_semaphore, #tpu.memory_space<semaphore_mem>>) src(%dma_wait3A_385 : memref<61440x128xf32, #tpu.memory_space<hbm>>) dst(%arg13 : memref<128x128xf32, #tpu.memory_space<vmem>>)
    %dma_start3A_388 = arith.constant 49 : i32
    %dma_start3A_389 = arith.constant 1 : i32
    %dma_start3A_390 = arith.constant 0 : i32
    %dma_start3A_391 = tpu.memref_slice %arg11[%dma_start3A_388, %dma_start3A_390] : memref<50x128xi32, #tpu.memory_space<vmem>> -> memref<1x128xi32, #tpu.memory_space<vmem>>
    %dma_start3A_392 = tpu.memref_squeeze %dma_start3A_391 : memref<1x128xi32, #tpu.memory_space<vmem>> -> memref<128xi32, #tpu.memory_space<vmem>>
    %dma_start3A_393 = arith.constant 0 : i32
    %dma_start3A_394 = arith.constant 0 : i32
    %dma_start3A_395 = tpu.memref_slice %arg2[%dma_start3A_393, %dma_start3A_394] : memref<61440x128xf32, #tpu.memory_space<hbm>> -> memref<61440x128xf32, #tpu.memory_space<hbm>>
    %dma_start3A_396 = tpu.memref_slice %arg19[%dma_start3A_389] : memref<2x!tpu.dma_semaphore, #tpu.memory_space<semaphore_mem>> -> memref<1x!tpu.dma_semaphore, #tpu.memory_space<semaphore_mem>>
    %dma_start3A_397 = tpu.memref_squeeze %dma_start3A_396 : memref<1x!tpu.dma_semaphore, #tpu.memory_space<semaphore_mem>> -> memref<!tpu.dma_semaphore, #tpu.memory_space<semaphore_mem>>
    tpu.enqueue_indirect_dma source(%dma_start3A_395 : memref<61440x128xf32, #tpu.memory_space<hbm>>) target(%arg14 : memref<128x128xf32, #tpu.memory_space<vmem>>) offsets(%dma_start3A_392 : memref<128xi32, #tpu.memory_space<vmem>>) semaphore(%dma_start3A_397 : memref<!tpu.dma_semaphore, #tpu.memory_space<semaphore_mem>>)
    %run_scoped3A_398 = arith.constant 48 : i32
    "tpu.region"() ({
      %run_scoped3A_520 = tpu.sem_alloc : memref<!tpu.dma_semaphore, #tpu.memory_space<semaphore_mem>>
      %dma_start3A_521 = arith.constant 0 : i32
      %dma_start3A_522 = tpu.memref_slice %arg12[%run_scoped3A_398, %dma_start3A_521] : memref<50x128xi32, #tpu.memory_space<vmem>> -> memref<1x128xi32, #tpu.memory_space<vmem>>
      %dma_start3A_523 = tpu.memref_squeeze %dma_start3A_522 : memref<1x128xi32, #tpu.memory_space<vmem>> -> memref<128xi32, #tpu.memory_space<vmem>>
      %dma_start3A_524 = arith.constant 0 : i32
      %dma_start3A_525 = arith.constant 0 : i32
      %dma_start3A_526 = tpu.memref_slice %arg18[%dma_start3A_524, %dma_start3A_525] : memref<10240x128xf32, #tpu.memory_space<vmem_shared>> -> memref<10240x128xf32, #tpu.memory_space<vmem_shared>>
      tpu.enqueue_indirect_dma source(%arg13 : memref<128x128xf32, #tpu.memory_space<vmem>>) target(%dma_start3A_526 : memref<10240x128xf32, #tpu.memory_space<vmem_shared>>) offsets(%dma_start3A_523 : memref<128xi32, #tpu.memory_space<vmem>>) semaphore(%run_scoped3A_520 : memref<!tpu.dma_semaphore, #tpu.memory_space<semaphore_mem>>) {add = true}
      %dma_wait3A_527 = arith.constant 0 : i32
      %dma_wait3A_528 = tpu.memref_slice %arg12[%run_scoped3A_398, %dma_wait3A_527] : memref<50x128xi32, #tpu.memory_space<vmem>> -> memref<1x128xi32, #tpu.memory_space<vmem>>
      %dma_wait3A_529 = tpu.memref_squeeze %dma_wait3A_528 : memref<1x128xi32, #tpu.memory_space<vmem>> -> memref<128xi32, #tpu.memory_space<vmem>>
      %dma_wait3A_530 = arith.constant 0 : i32
      %dma_wait3A_531 = arith.constant 0 : i32
      %dma_wait3A_532 = tpu.memref_slice %arg18[%dma_wait3A_530, %dma_wait3A_531] : memref<10240x128xf32, #tpu.memory_space<vmem_shared>> -> memref<10240x128xf32, #tpu.memory_space<vmem_shared>>
      tpu.wait_indirect_dma semaphore(%run_scoped3A_520 : memref<!tpu.dma_semaphore, #tpu.memory_space<semaphore_mem>>) src(%arg13 : memref<128x128xf32, #tpu.memory_space<vmem>>) dst(%dma_wait3A_532 : memref<10240x128xf32, #tpu.memory_space<vmem_shared>>)
      tpu.yield
    }) : () -> ()
    %dma_wait3A_399 = arith.constant 0 : i32
    %dma_wait3A_400 = arith.constant 1 : i32
    %dma_wait3A_401 = arith.constant 0 : i32
    %dma_wait3A_402 = tpu.memref_slice %arg11[%dma_wait3A_399, %dma_wait3A_401] : memref<50x128xi32, #tpu.memory_space<vmem>> -> memref<1x128xi32, #tpu.memory_space<vmem>>
    %dma_wait3A_403 = tpu.memref_squeeze %dma_wait3A_402 : memref<1x128xi32, #tpu.memory_space<vmem>> -> memref<128xi32, #tpu.memory_space<vmem>>
    %dma_wait3A_404 = arith.constant 0 : i32
    %dma_wait3A_405 = arith.constant 0 : i32
    %dma_wait3A_406 = tpu.memref_slice %arg2[%dma_wait3A_404, %dma_wait3A_405] : memref<61440x128xf32, #tpu.memory_space<hbm>> -> memref<61440x128xf32, #tpu.memory_space<hbm>>
    %dma_wait3A_407 = tpu.memref_slice %arg19[%dma_wait3A_400] : memref<2x!tpu.dma_semaphore, #tpu.memory_space<semaphore_mem>> -> memref<1x!tpu.dma_semaphore, #tpu.memory_space<semaphore_mem>>
    %dma_wait3A_408 = tpu.memref_squeeze %dma_wait3A_407 : memref<1x!tpu.dma_semaphore, #tpu.memory_space<semaphore_mem>> -> memref<!tpu.dma_semaphore, #tpu.memory_space<semaphore_mem>>
    tpu.wait_indirect_dma semaphore(%dma_wait3A_408 : memref<!tpu.dma_semaphore, #tpu.memory_space<semaphore_mem>>) src(%dma_wait3A_406 : memref<61440x128xf32, #tpu.memory_space<hbm>>) dst(%arg14 : memref<128x128xf32, #tpu.memory_space<vmem>>)
    %run_scoped3A_409 = arith.constant 49 : i32
    "tpu.region"() ({
      %run_scoped3A_520 = tpu.sem_alloc : memref<!tpu.dma_semaphore, #tpu.memory_space<semaphore_mem>>
      %dma_start3A_521 = arith.constant 0 : i32
      %dma_start3A_522 = tpu.memref_slice %arg12[%run_scoped3A_409, %dma_start3A_521] : memref<50x128xi32, #tpu.memory_space<vmem>> -> memref<1x128xi32, #tpu.memory_space<vmem>>
      %dma_start3A_523 = tpu.memref_squeeze %dma_start3A_522 : memref<1x128xi32, #tpu.memory_space<vmem>> -> memref<128xi32, #tpu.memory_space<vmem>>
      %dma_start3A_524 = arith.constant 0 : i32
      %dma_start3A_525 = arith.constant 0 : i32
      %dma_start3A_526 = tpu.memref_slice %arg18[%dma_start3A_524, %dma_start3A_525] : memref<10240x128xf32, #tpu.memory_space<vmem_shared>> -> memref<10240x128xf32, #tpu.memory_space<vmem_shared>>
      tpu.enqueue_indirect_dma source(%arg14 : memref<128x128xf32, #tpu.memory_space<vmem>>) target(%dma_start3A_526 : memref<10240x128xf32, #tpu.memory_space<vmem_shared>>) offsets(%dma_start3A_523 : memref<128xi32, #tpu.memory_space<vmem>>) semaphore(%run_scoped3A_520 : memref<!tpu.dma_semaphore, #tpu.memory_space<semaphore_mem>>) {add = true}
      %dma_wait3A_527 = arith.constant 0 : i32
      %dma_wait3A_528 = tpu.memref_slice %arg12[%run_scoped3A_409, %dma_wait3A_527] : memref<50x128xi32, #tpu.memory_space<vmem>> -> memref<1x128xi32, #tpu.memory_space<vmem>>
      %dma_wait3A_529 = tpu.memref_squeeze %dma_wait3A_528 : memref<1x128xi32, #tpu.memory_space<vmem>> -> memref<128xi32, #tpu.memory_space<vmem>>
      %dma_wait3A_530 = arith.constant 0 : i32
      %dma_wait3A_531 = arith.constant 0 : i32
      %dma_wait3A_532 = tpu.memref_slice %arg18[%dma_wait3A_530, %dma_wait3A_531] : memref<10240x128xf32, #tpu.memory_space<vmem_shared>> -> memref<10240x128xf32, #tpu.memory_space<vmem_shared>>
      tpu.wait_indirect_dma semaphore(%run_scoped3A_520 : memref<!tpu.dma_semaphore, #tpu.memory_space<semaphore_mem>>) src(%arg14 : memref<128x128xf32, #tpu.memory_space<vmem>>) dst(%dma_wait3A_532 : memref<10240x128xf32, #tpu.memory_space<vmem_shared>>)
      tpu.yield
    }) : () -> ()
    %barrier3A_410 = arith.constant 0 : index
    tpu.barrier barrier_id(%barrier3A_410)
    %mul3A_411 = arith.constant 160 : i32
    %mul3A_412 = arith.muli %arg1, %mul3A_411 : i32
    %add3A_413 = arith.constant 0 : i32
    %add3A_414 = arith.addi %mul3A_412, %add3A_413 : i32
    %mul3A_415 = arith.constant 2 : i32
    %mul3A_416 = arith.muli %mul3A_415, %arg1 : i32
    %add3A_417 = arith.constant 0 : i32
    %add3A_418 = arith.addi %mul3A_416, %add3A_417 : i32
    "tpu.region"() ({
      %run_scoped3A_520 = tpu.sem_alloc : memref<!tpu.dma_semaphore, #tpu.memory_space<semaphore_mem>>
      %dma_start3A_521 = arith.constant 0 : i32
      %dma_start3A_522 = tpu.memref_slice %arg5[%add3A_418, %dma_start3A_521] : memref<32x80xi32, #tpu.memory_space<hbm>> -> memref<1x80xi32, #tpu.memory_space<hbm>>
      %dma_start3A_523 = tpu.memref_squeeze %dma_start3A_522 : memref<1x80xi32, #tpu.memory_space<hbm>> -> memref<80xi32, #tpu.memory_space<hbm>>
      %dma_start3A_524 = arith.constant 0 : i32
      %dma_start3A_525 = tpu.memref_slice %arg5[%add3A_418, %dma_start3A_524] : memref<32x80xi32, #tpu.memory_space<hbm>> -> memref<1x80xi32, #tpu.memory_space<hbm>>
      %dma_start3A_526 = tpu.memref_squeeze %dma_start3A_525 : memref<1x80xi32, #tpu.memory_space<hbm>> -> memref<80xi32, #tpu.memory_space<hbm>>
      tpu.enqueue_dma source(%dma_start3A_526 : memref<80xi32, #tpu.memory_space<hbm>>) target(%arg15 : memref<80xi32, #tpu.memory_space<vmem>>) target_semaphore(%run_scoped3A_520 : memref<!tpu.dma_semaphore, #tpu.memory_space<semaphore_mem>>)
      %dma_wait3A_527 = arith.constant 0 : i32
      %dma_wait3A_528 = tpu.memref_slice %arg5[%add3A_418, %dma_wait3A_527] : memref<32x80xi32, #tpu.memory_space<hbm>> -> memref<1x80xi32, #tpu.memory_space<hbm>>
      %dma_wait3A_529 = tpu.memref_squeeze %dma_wait3A_528 : memref<1x80xi32, #tpu.memory_space<hbm>> -> memref<80xi32, #tpu.memory_space<hbm>>
      %dma_wait3A_530 = arith.constant 0 : i32
      %dma_wait3A_531 = tpu.memref_slice %arg5[%add3A_418, %dma_wait3A_530] : memref<32x80xi32, #tpu.memory_space<hbm>> -> memref<1x80xi32, #tpu.memory_space<hbm>>
      %dma_wait3A_532 = tpu.memref_squeeze %dma_wait3A_531 : memref<1x80xi32, #tpu.memory_space<hbm>> -> memref<80xi32, #tpu.memory_space<hbm>>
      tpu.wait_dma2 semaphore(%run_scoped3A_520 : memref<!tpu.dma_semaphore, #tpu.memory_space<semaphore_mem>>) src(%dma_wait3A_532 : memref<80xi32, #tpu.memory_space<hbm>>) dst(%arg15 : memref<80xi32, #tpu.memory_space<vmem>>)
      tpu.yield
    }) : () -> ()
    %dma_start3A_419 = arith.constant 0 : i32
    %dma_start3A_420 = arith.constant 0 : i32
    %dma_start3A_421 = arith.constant 0 : i32
    %dma_start3A_422 = tpu.memref_slice %arg13[%dma_start3A_420, %dma_start3A_421] : memref<128x128xf32, #tpu.memory_space<vmem>> -> memref<80x128xf32, #tpu.memory_space<vmem>>
    %dma_start3A_423 = arith.constant 0 : i32
    %dma_start3A_424 = arith.constant 0 : i32
    %dma_start3A_425 = tpu.memref_slice %arg18[%dma_start3A_423, %dma_start3A_424] : memref<10240x128xf32, #tpu.memory_space<vmem_shared>> -> memref<10240x128xf32, #tpu.memory_space<vmem_shared>>
    %dma_start3A_426 = tpu.memref_slice %arg19[%dma_start3A_419] : memref<2x!tpu.dma_semaphore, #tpu.memory_space<semaphore_mem>> -> memref<1x!tpu.dma_semaphore, #tpu.memory_space<semaphore_mem>>
    %dma_start3A_427 = tpu.memref_squeeze %dma_start3A_426 : memref<1x!tpu.dma_semaphore, #tpu.memory_space<semaphore_mem>> -> memref<!tpu.dma_semaphore, #tpu.memory_space<semaphore_mem>>
    tpu.enqueue_indirect_dma source(%dma_start3A_425 : memref<10240x128xf32, #tpu.memory_space<vmem_shared>>) target(%dma_start3A_422 : memref<80x128xf32, #tpu.memory_space<vmem>>) offsets(%arg15 : memref<80xi32, #tpu.memory_space<vmem>>) semaphore(%dma_start3A_427 : memref<!tpu.dma_semaphore, #tpu.memory_space<semaphore_mem>>)
    %dma_wait3A_428 = arith.constant 0 : i32
    %dma_wait3A_429 = arith.constant 0 : i32
    %dma_wait3A_430 = arith.constant 0 : i32
    %dma_wait3A_431 = tpu.memref_slice %arg13[%dma_wait3A_429, %dma_wait3A_430] : memref<128x128xf32, #tpu.memory_space<vmem>> -> memref<80x128xf32, #tpu.memory_space<vmem>>
    %dma_wait3A_432 = arith.constant 0 : i32
    %dma_wait3A_433 = arith.constant 0 : i32
    %dma_wait3A_434 = tpu.memref_slice %arg18[%dma_wait3A_432, %dma_wait3A_433] : memref<10240x128xf32, #tpu.memory_space<vmem_shared>> -> memref<10240x128xf32, #tpu.memory_space<vmem_shared>>
    %dma_wait3A_435 = tpu.memref_slice %arg19[%dma_wait3A_428] : memref<2x!tpu.dma_semaphore, #tpu.memory_space<semaphore_mem>> -> memref<1x!tpu.dma_semaphore, #tpu.memory_space<semaphore_mem>>
    %dma_wait3A_436 = tpu.memref_squeeze %dma_wait3A_435 : memref<1x!tpu.dma_semaphore, #tpu.memory_space<semaphore_mem>> -> memref<!tpu.dma_semaphore, #tpu.memory_space<semaphore_mem>>
    tpu.wait_indirect_dma semaphore(%dma_wait3A_436 : memref<!tpu.dma_semaphore, #tpu.memory_space<semaphore_mem>>) src(%dma_wait3A_434 : memref<10240x128xf32, #tpu.memory_space<vmem_shared>>) dst(%dma_wait3A_431 : memref<80x128xf32, #tpu.memory_space<vmem>>)
    %mul3A_437 = arith.constant 2560 : i32
    %mul3A_438 = arith.muli %add3A_348, %mul3A_437 : i32
    %add3A_439 = arith.addi %mul3A_438, %add3A_414 : i32
    "tpu.region"() ({
      %run_scoped3A_520 = tpu.sem_alloc : memref<!tpu.dma_semaphore, #tpu.memory_space<semaphore_mem>>
      %dma_start3A_521 = arith.constant 0 : i32
      %dma_start3A_522 = arith.constant 0 : i32
      %dma_start3A_523 = tpu.memref_slice %arg13[%dma_start3A_521, %dma_start3A_522] : memref<128x128xf32, #tpu.memory_space<vmem>> -> memref<80x128xf32, #tpu.memory_space<vmem>>
      %dma_start3A_524 = arith.constant 0 : i32
      %dma_start3A_525 = tpu.memref_slice %arg8[%add3A_439, %dma_start3A_524] : memref<15360x128xf32, #tpu.memory_space<hbm>> -> memref<80x128xf32, #tpu.memory_space<hbm>>
      %dma_start3A_526 = arith.constant 0 : i32
      %dma_start3A_527 = tpu.memref_slice %arg8[%add3A_439, %dma_start3A_526] : memref<15360x128xf32, #tpu.memory_space<hbm>> -> memref<80x128xf32, #tpu.memory_space<hbm>>
      %dma_start3A_528 = arith.constant 0 : i32
      %dma_start3A_529 = arith.constant 0 : i32
      %dma_start3A_530 = tpu.memref_slice %arg13[%dma_start3A_528, %dma_start3A_529] : memref<128x128xf32, #tpu.memory_space<vmem>> -> memref<80x128xf32, #tpu.memory_space<vmem>>
      tpu.enqueue_dma source(%dma_start3A_530 : memref<80x128xf32, #tpu.memory_space<vmem>>) target(%dma_start3A_527 : memref<80x128xf32, #tpu.memory_space<hbm>>) target_semaphore(%run_scoped3A_520 : memref<!tpu.dma_semaphore, #tpu.memory_space<semaphore_mem>>)
      %dma_wait3A_531 = arith.constant 0 : i32
      %dma_wait3A_532 = arith.constant 0 : i32
      %dma_wait3A_533 = tpu.memref_slice %arg13[%dma_wait3A_531, %dma_wait3A_532] : memref<128x128xf32, #tpu.memory_space<vmem>> -> memref<80x128xf32, #tpu.memory_space<vmem>>
      %dma_wait3A_534 = arith.constant 0 : i32
      %dma_wait3A_535 = tpu.memref_slice %arg8[%add3A_439, %dma_wait3A_534] : memref<15360x128xf32, #tpu.memory_space<hbm>> -> memref<80x128xf32, #tpu.memory_space<hbm>>
      %dma_wait3A_536 = arith.constant 0 : i32
      %dma_wait3A_537 = tpu.memref_slice %arg8[%add3A_439, %dma_wait3A_536] : memref<15360x128xf32, #tpu.memory_space<hbm>> -> memref<80x128xf32, #tpu.memory_space<hbm>>
      %dma_wait3A_538 = arith.constant 0 : i32
      %dma_wait3A_539 = arith.constant 0 : i32
      %dma_wait3A_540 = tpu.memref_slice %arg13[%dma_wait3A_538, %dma_wait3A_539] : memref<128x128xf32, #tpu.memory_space<vmem>> -> memref<80x128xf32, #tpu.memory_space<vmem>>
      tpu.wait_dma2 semaphore(%run_scoped3A_520 : memref<!tpu.dma_semaphore, #tpu.memory_space<semaphore_mem>>) src(%dma_wait3A_540 : memref<80x128xf32, #tpu.memory_space<vmem>>) dst(%dma_wait3A_537 : memref<80x128xf32, #tpu.memory_space<hbm>>)
      tpu.yield
    }) : () -> ()
    %mul3A_440 = arith.constant 2 : i32
    %mul3A_441 = arith.muli %mul3A_440, %arg1 : i32
    %add3A_442 = arith.constant 0 : i32
    %add3A_443 = arith.addi %mul3A_441, %add3A_442 : i32
    "tpu.region"() ({
      %run_scoped3A_520 = tpu.sem_alloc : memref<!tpu.dma_semaphore, #tpu.memory_space<semaphore_mem>>
      %dma_start3A_521 = arith.constant 0 : i32
      %dma_start3A_522 = tpu.memref_slice %arg6[%add3A_348, %add3A_443, %dma_start3A_521] : memref<6x32x80xi32, #tpu.memory_space<hbm>> -> memref<1x1x80xi32, #tpu.memory_space<hbm>>
      %dma_start3A_523 = tpu.memref_squeeze %dma_start3A_522 : memref<1x1x80xi32, #tpu.memory_space<hbm>> -> memref<80xi32, #tpu.memory_space<hbm>>
      %dma_start3A_524 = arith.constant 0 : i32
      %dma_start3A_525 = tpu.memref_slice %arg6[%add3A_348, %add3A_443, %dma_start3A_524] : memref<6x32x80xi32, #tpu.memory_space<hbm>> -> memref<1x1x80xi32, #tpu.memory_space<hbm>>
      %dma_start3A_526 = tpu.memref_squeeze %dma_start3A_525 : memref<1x1x80xi32, #tpu.memory_space<hbm>> -> memref<80xi32, #tpu.memory_space<hbm>>
      tpu.enqueue_dma source(%dma_start3A_526 : memref<80xi32, #tpu.memory_space<hbm>>) target(%arg16 : memref<80xi32, #tpu.memory_space<vmem>>) target_semaphore(%run_scoped3A_520 : memref<!tpu.dma_semaphore, #tpu.memory_space<semaphore_mem>>)
      %dma_wait3A_527 = arith.constant 0 : i32
      %dma_wait3A_528 = tpu.memref_slice %arg6[%add3A_348, %add3A_443, %dma_wait3A_527] : memref<6x32x80xi32, #tpu.memory_space<hbm>> -> memref<1x1x80xi32, #tpu.memory_space<hbm>>
      %dma_wait3A_529 = tpu.memref_squeeze %dma_wait3A_528 : memref<1x1x80xi32, #tpu.memory_space<hbm>> -> memref<80xi32, #tpu.memory_space<hbm>>
      %dma_wait3A_530 = arith.constant 0 : i32
      %dma_wait3A_531 = tpu.memref_slice %arg6[%add3A_348, %add3A_443, %dma_wait3A_530] : memref<6x32x80xi32, #tpu.memory_space<hbm>> -> memref<1x1x80xi32, #tpu.memory_space<hbm>>
      %dma_wait3A_532 = tpu.memref_squeeze %dma_wait3A_531 : memref<1x1x80xi32, #tpu.memory_space<hbm>> -> memref<80xi32, #tpu.memory_space<hbm>>
      tpu.wait_dma2 semaphore(%run_scoped3A_520 : memref<!tpu.dma_semaphore, #tpu.memory_space<semaphore_mem>>) src(%dma_wait3A_532 : memref<80xi32, #tpu.memory_space<hbm>>) dst(%arg16 : memref<80xi32, #tpu.memory_space<vmem>>)
      tpu.yield
    }) : () -> ()
    %dma_start3A_444 = arith.constant 0 : i32
    %dma_start3A_445 = arith.constant 0 : i32
    %dma_start3A_446 = arith.constant 0 : i32
    %dma_start3A_447 = tpu.memref_slice %arg13[%dma_start3A_445, %dma_start3A_446] : memref<128x128xf32, #tpu.memory_space<vmem>> -> memref<80x128xf32, #tpu.memory_space<vmem>>
    %dma_start3A_448 = arith.constant 0 : i32
    %dma_start3A_449 = arith.constant 0 : i32
    %dma_start3A_450 = tpu.memref_slice %arg2[%dma_start3A_448, %dma_start3A_449] : memref<61440x128xf32, #tpu.memory_space<hbm>> -> memref<61440x128xf32, #tpu.memory_space<hbm>>
    %dma_start3A_451 = tpu.memref_slice %arg19[%dma_start3A_444] : memref<2x!tpu.dma_semaphore, #tpu.memory_space<semaphore_mem>> -> memref<1x!tpu.dma_semaphore, #tpu.memory_space<semaphore_mem>>
    %dma_start3A_452 = tpu.memref_squeeze %dma_start3A_451 : memref<1x!tpu.dma_semaphore, #tpu.memory_space<semaphore_mem>> -> memref<!tpu.dma_semaphore, #tpu.memory_space<semaphore_mem>>
    tpu.enqueue_indirect_dma source(%dma_start3A_450 : memref<61440x128xf32, #tpu.memory_space<hbm>>) target(%dma_start3A_447 : memref<80x128xf32, #tpu.memory_space<vmem>>) offsets(%arg16 : memref<80xi32, #tpu.memory_space<vmem>>) semaphore(%dma_start3A_452 : memref<!tpu.dma_semaphore, #tpu.memory_space<semaphore_mem>>)
    %dma_wait3A_453 = arith.constant 0 : i32
    %dma_wait3A_454 = arith.constant 0 : i32
    %dma_wait3A_455 = arith.constant 0 : i32
    %dma_wait3A_456 = tpu.memref_slice %arg13[%dma_wait3A_454, %dma_wait3A_455] : memref<128x128xf32, #tpu.memory_space<vmem>> -> memref<80x128xf32, #tpu.memory_space<vmem>>
    %dma_wait3A_457 = arith.constant 0 : i32
    %dma_wait3A_458 = arith.constant 0 : i32
    %dma_wait3A_459 = tpu.memref_slice %arg2[%dma_wait3A_457, %dma_wait3A_458] : memref<61440x128xf32, #tpu.memory_space<hbm>> -> memref<61440x128xf32, #tpu.memory_space<hbm>>
    %dma_wait3A_460 = tpu.memref_slice %arg19[%dma_wait3A_453] : memref<2x!tpu.dma_semaphore, #tpu.memory_space<semaphore_mem>> -> memref<1x!tpu.dma_semaphore, #tpu.memory_space<semaphore_mem>>
    %dma_wait3A_461 = tpu.memref_squeeze %dma_wait3A_460 : memref<1x!tpu.dma_semaphore, #tpu.memory_space<semaphore_mem>> -> memref<!tpu.dma_semaphore, #tpu.memory_space<semaphore_mem>>
    tpu.wait_indirect_dma semaphore(%dma_wait3A_461 : memref<!tpu.dma_semaphore, #tpu.memory_space<semaphore_mem>>) src(%dma_wait3A_459 : memref<61440x128xf32, #tpu.memory_space<hbm>>) dst(%dma_wait3A_456 : memref<80x128xf32, #tpu.memory_space<vmem>>)
    %mul3A_462 = arith.constant 2560 : i32
    %mul3A_463 = arith.muli %add3A_348, %mul3A_462 : i32
    %add3A_464 = arith.addi %mul3A_463, %add3A_414 : i32
    "tpu.region"() ({
      %run_scoped3A_520 = tpu.sem_alloc : memref<!tpu.dma_semaphore, #tpu.memory_space<semaphore_mem>>
      %dma_start3A_521 = arith.constant 0 : i32
      %dma_start3A_522 = arith.constant 0 : i32
      %dma_start3A_523 = tpu.memref_slice %arg13[%dma_start3A_521, %dma_start3A_522] : memref<128x128xf32, #tpu.memory_space<vmem>> -> memref<80x128xf32, #tpu.memory_space<vmem>>
      %dma_start3A_524 = arith.constant 0 : i32
      %dma_start3A_525 = tpu.memref_slice %arg9[%add3A_464, %dma_start3A_524] : memref<15360x128xf32, #tpu.memory_space<hbm>> -> memref<80x128xf32, #tpu.memory_space<hbm>>
      %dma_start3A_526 = arith.constant 0 : i32
      %dma_start3A_527 = tpu.memref_slice %arg9[%add3A_464, %dma_start3A_526] : memref<15360x128xf32, #tpu.memory_space<hbm>> -> memref<80x128xf32, #tpu.memory_space<hbm>>
      %dma_start3A_528 = arith.constant 0 : i32
      %dma_start3A_529 = arith.constant 0 : i32
      %dma_start3A_530 = tpu.memref_slice %arg13[%dma_start3A_528, %dma_start3A_529] : memref<128x128xf32, #tpu.memory_space<vmem>> -> memref<80x128xf32, #tpu.memory_space<vmem>>
      tpu.enqueue_dma source(%dma_start3A_530 : memref<80x128xf32, #tpu.memory_space<vmem>>) target(%dma_start3A_527 : memref<80x128xf32, #tpu.memory_space<hbm>>) target_semaphore(%run_scoped3A_520 : memref<!tpu.dma_semaphore, #tpu.memory_space<semaphore_mem>>)
      %dma_wait3A_531 = arith.constant 0 : i32
      %dma_wait3A_532 = arith.constant 0 : i32
      %dma_wait3A_533 = tpu.memref_slice %arg13[%dma_wait3A_531, %dma_wait3A_532] : memref<128x128xf32, #tpu.memory_space<vmem>> -> memref<80x128xf32, #tpu.memory_space<vmem>>
      %dma_wait3A_534 = arith.constant 0 : i32
      %dma_wait3A_535 = tpu.memref_slice %arg9[%add3A_464, %dma_wait3A_534] : memref<15360x128xf32, #tpu.memory_space<hbm>> -> memref<80x128xf32, #tpu.memory_space<hbm>>
      %dma_wait3A_536 = arith.constant 0 : i32
      %dma_wait3A_537 = tpu.memref_slice %arg9[%add3A_464, %dma_wait3A_536] : memref<15360x128xf32, #tpu.memory_space<hbm>> -> memref<80x128xf32, #tpu.memory_space<hbm>>
      %dma_wait3A_538 = arith.constant 0 : i32
      %dma_wait3A_539 = arith.constant 0 : i32
      %dma_wait3A_540 = tpu.memref_slice %arg13[%dma_wait3A_538, %dma_wait3A_539] : memref<128x128xf32, #tpu.memory_space<vmem>> -> memref<80x128xf32, #tpu.memory_space<vmem>>
      tpu.wait_dma2 semaphore(%run_scoped3A_520 : memref<!tpu.dma_semaphore, #tpu.memory_space<semaphore_mem>>) src(%dma_wait3A_540 : memref<80x128xf32, #tpu.memory_space<vmem>>) dst(%dma_wait3A_537 : memref<80x128xf32, #tpu.memory_space<hbm>>)
      tpu.yield
    }) : () -> ()
    %mul3A_465 = arith.constant 160 : i32
    %mul3A_466 = arith.muli %arg1, %mul3A_465 : i32
    %add3A_467 = arith.constant 80 : i32
    %add3A_468 = arith.addi %mul3A_466, %add3A_467 : i32
    %mul3A_469 = arith.constant 2 : i32
    %mul3A_470 = arith.muli %mul3A_469, %arg1 : i32
    %add3A_471 = arith.constant 1 : i32
    %add3A_472 = arith.addi %mul3A_470, %add3A_471 : i32
    "tpu.region"() ({
      %run_scoped3A_520 = tpu.sem_alloc : memref<!tpu.dma_semaphore, #tpu.memory_space<semaphore_mem>>
      %dma_start3A_521 = arith.constant 0 : i32
      %dma_start3A_522 = tpu.memref_slice %arg5[%add3A_472, %dma_start3A_521] : memref<32x80xi32, #tpu.memory_space<hbm>> -> memref<1x80xi32, #tpu.memory_space<hbm>>
      %dma_start3A_523 = tpu.memref_squeeze %dma_start3A_522 : memref<1x80xi32, #tpu.memory_space<hbm>> -> memref<80xi32, #tpu.memory_space<hbm>>
      %dma_start3A_524 = arith.constant 0 : i32
      %dma_start3A_525 = tpu.memref_slice %arg5[%add3A_472, %dma_start3A_524] : memref<32x80xi32, #tpu.memory_space<hbm>> -> memref<1x80xi32, #tpu.memory_space<hbm>>
      %dma_start3A_526 = tpu.memref_squeeze %dma_start3A_525 : memref<1x80xi32, #tpu.memory_space<hbm>> -> memref<80xi32, #tpu.memory_space<hbm>>
      tpu.enqueue_dma source(%dma_start3A_526 : memref<80xi32, #tpu.memory_space<hbm>>) target(%arg15 : memref<80xi32, #tpu.memory_space<vmem>>) target_semaphore(%run_scoped3A_520 : memref<!tpu.dma_semaphore, #tpu.memory_space<semaphore_mem>>)
      %dma_wait3A_527 = arith.constant 0 : i32
      %dma_wait3A_528 = tpu.memref_slice %arg5[%add3A_472, %dma_wait3A_527] : memref<32x80xi32, #tpu.memory_space<hbm>> -> memref<1x80xi32, #tpu.memory_space<hbm>>
      %dma_wait3A_529 = tpu.memref_squeeze %dma_wait3A_528 : memref<1x80xi32, #tpu.memory_space<hbm>> -> memref<80xi32, #tpu.memory_space<hbm>>
      %dma_wait3A_530 = arith.constant 0 : i32
      %dma_wait3A_531 = tpu.memref_slice %arg5[%add3A_472, %dma_wait3A_530] : memref<32x80xi32, #tpu.memory_space<hbm>> -> memref<1x80xi32, #tpu.memory_space<hbm>>
      %dma_wait3A_532 = tpu.memref_squeeze %dma_wait3A_531 : memref<1x80xi32, #tpu.memory_space<hbm>> -> memref<80xi32, #tpu.memory_space<hbm>>
      tpu.wait_dma2 semaphore(%run_scoped3A_520 : memref<!tpu.dma_semaphore, #tpu.memory_space<semaphore_mem>>) src(%dma_wait3A_532 : memref<80xi32, #tpu.memory_space<hbm>>) dst(%arg15 : memref<80xi32, #tpu.memory_space<vmem>>)
      tpu.yield
    }) : () -> ()
    %dma_start3A_473 = arith.constant 0 : i32
    %dma_start3A_474 = arith.constant 0 : i32
    %dma_start3A_475 = arith.constant 0 : i32
    %dma_start3A_476 = tpu.memref_slice %arg13[%dma_start3A_474, %dma_start3A_475] : memref<128x128xf32, #tpu.memory_space<vmem>> -> memref<80x128xf32, #tpu.memory_space<vmem>>
    %dma_start3A_477 = arith.constant 0 : i32
    %dma_start3A_478 = arith.constant 0 : i32
    %dma_start3A_479 = tpu.memref_slice %arg18[%dma_start3A_477, %dma_start3A_478] : memref<10240x128xf32, #tpu.memory_space<vmem_shared>> -> memref<10240x128xf32, #tpu.memory_space<vmem_shared>>
    %dma_start3A_480 = tpu.memref_slice %arg19[%dma_start3A_473] : memref<2x!tpu.dma_semaphore, #tpu.memory_space<semaphore_mem>> -> memref<1x!tpu.dma_semaphore, #tpu.memory_space<semaphore_mem>>
    %dma_start3A_481 = tpu.memref_squeeze %dma_start3A_480 : memref<1x!tpu.dma_semaphore, #tpu.memory_space<semaphore_mem>> -> memref<!tpu.dma_semaphore, #tpu.memory_space<semaphore_mem>>
    tpu.enqueue_indirect_dma source(%dma_start3A_479 : memref<10240x128xf32, #tpu.memory_space<vmem_shared>>) target(%dma_start3A_476 : memref<80x128xf32, #tpu.memory_space<vmem>>) offsets(%arg15 : memref<80xi32, #tpu.memory_space<vmem>>) semaphore(%dma_start3A_481 : memref<!tpu.dma_semaphore, #tpu.memory_space<semaphore_mem>>)
    %dma_wait3A_482 = arith.constant 0 : i32
    %dma_wait3A_483 = arith.constant 0 : i32
    %dma_wait3A_484 = arith.constant 0 : i32
    %dma_wait3A_485 = tpu.memref_slice %arg13[%dma_wait3A_483, %dma_wait3A_484] : memref<128x128xf32, #tpu.memory_space<vmem>> -> memref<80x128xf32, #tpu.memory_space<vmem>>
    %dma_wait3A_486 = arith.constant 0 : i32
    %dma_wait3A_487 = arith.constant 0 : i32
    %dma_wait3A_488 = tpu.memref_slice %arg18[%dma_wait3A_486, %dma_wait3A_487] : memref<10240x128xf32, #tpu.memory_space<vmem_shared>> -> memref<10240x128xf32, #tpu.memory_space<vmem_shared>>
    %dma_wait3A_489 = tpu.memref_slice %arg19[%dma_wait3A_482] : memref<2x!tpu.dma_semaphore, #tpu.memory_space<semaphore_mem>> -> memref<1x!tpu.dma_semaphore, #tpu.memory_space<semaphore_mem>>
    %dma_wait3A_490 = tpu.memref_squeeze %dma_wait3A_489 : memref<1x!tpu.dma_semaphore, #tpu.memory_space<semaphore_mem>> -> memref<!tpu.dma_semaphore, #tpu.memory_space<semaphore_mem>>
    tpu.wait_indirect_dma semaphore(%dma_wait3A_490 : memref<!tpu.dma_semaphore, #tpu.memory_space<semaphore_mem>>) src(%dma_wait3A_488 : memref<10240x128xf32, #tpu.memory_space<vmem_shared>>) dst(%dma_wait3A_485 : memref<80x128xf32, #tpu.memory_space<vmem>>)
    %mul3A_491 = arith.constant 2560 : i32
    %mul3A_492 = arith.muli %add3A_348, %mul3A_491 : i32
    %add3A_493 = arith.addi %mul3A_492, %add3A_468 : i32
    "tpu.region"() ({
      %run_scoped3A_520 = tpu.sem_alloc : memref<!tpu.dma_semaphore, #tpu.memory_space<semaphore_mem>>
      %dma_start3A_521 = arith.constant 0 : i32
      %dma_start3A_522 = arith.constant 0 : i32
      %dma_start3A_523 = tpu.memref_slice %arg13[%dma_start3A_521, %dma_start3A_522] : memref<128x128xf32, #tpu.memory_space<vmem>> -> memref<80x128xf32, #tpu.memory_space<vmem>>
      %dma_start3A_524 = arith.constant 0 : i32
      %dma_start3A_525 = tpu.memref_slice %arg8[%add3A_493, %dma_start3A_524] : memref<15360x128xf32, #tpu.memory_space<hbm>> -> memref<80x128xf32, #tpu.memory_space<hbm>>
      %dma_start3A_526 = arith.constant 0 : i32
      %dma_start3A_527 = tpu.memref_slice %arg8[%add3A_493, %dma_start3A_526] : memref<15360x128xf32, #tpu.memory_space<hbm>> -> memref<80x128xf32, #tpu.memory_space<hbm>>
      %dma_start3A_528 = arith.constant 0 : i32
      %dma_start3A_529 = arith.constant 0 : i32
      %dma_start3A_530 = tpu.memref_slice %arg13[%dma_start3A_528, %dma_start3A_529] : memref<128x128xf32, #tpu.memory_space<vmem>> -> memref<80x128xf32, #tpu.memory_space<vmem>>
      tpu.enqueue_dma source(%dma_start3A_530 : memref<80x128xf32, #tpu.memory_space<vmem>>) target(%dma_start3A_527 : memref<80x128xf32, #tpu.memory_space<hbm>>) target_semaphore(%run_scoped3A_520 : memref<!tpu.dma_semaphore, #tpu.memory_space<semaphore_mem>>)
      %dma_wait3A_531 = arith.constant 0 : i32
      %dma_wait3A_532 = arith.constant 0 : i32
      %dma_wait3A_533 = tpu.memref_slice %arg13[%dma_wait3A_531, %dma_wait3A_532] : memref<128x128xf32, #tpu.memory_space<vmem>> -> memref<80x128xf32, #tpu.memory_space<vmem>>
      %dma_wait3A_534 = arith.constant 0 : i32
      %dma_wait3A_535 = tpu.memref_slice %arg8[%add3A_493, %dma_wait3A_534] : memref<15360x128xf32, #tpu.memory_space<hbm>> -> memref<80x128xf32, #tpu.memory_space<hbm>>
      %dma_wait3A_536 = arith.constant 0 : i32
      %dma_wait3A_537 = tpu.memref_slice %arg8[%add3A_493, %dma_wait3A_536] : memref<15360x128xf32, #tpu.memory_space<hbm>> -> memref<80x128xf32, #tpu.memory_space<hbm>>
      %dma_wait3A_538 = arith.constant 0 : i32
      %dma_wait3A_539 = arith.constant 0 : i32
      %dma_wait3A_540 = tpu.memref_slice %arg13[%dma_wait3A_538, %dma_wait3A_539] : memref<128x128xf32, #tpu.memory_space<vmem>> -> memref<80x128xf32, #tpu.memory_space<vmem>>
      tpu.wait_dma2 semaphore(%run_scoped3A_520 : memref<!tpu.dma_semaphore, #tpu.memory_space<semaphore_mem>>) src(%dma_wait3A_540 : memref<80x128xf32, #tpu.memory_space<vmem>>) dst(%dma_wait3A_537 : memref<80x128xf32, #tpu.memory_space<hbm>>)
      tpu.yield
    }) : () -> ()
    %mul3A_494 = arith.constant 2 : i32
    %mul3A_495 = arith.muli %mul3A_494, %arg1 : i32
    %add3A_496 = arith.constant 1 : i32
    %add3A_497 = arith.addi %mul3A_495, %add3A_496 : i32
    "tpu.region"() ({
      %run_scoped3A_520 = tpu.sem_alloc : memref<!tpu.dma_semaphore, #tpu.memory_space<semaphore_mem>>
      %dma_start3A_521 = arith.constant 0 : i32
      %dma_start3A_522 = tpu.memref_slice %arg6[%add3A_348, %add3A_497, %dma_start3A_521] : memref<6x32x80xi32, #tpu.memory_space<hbm>> -> memref<1x1x80xi32, #tpu.memory_space<hbm>>
      %dma_start3A_523 = tpu.memref_squeeze %dma_start3A_522 : memref<1x1x80xi32, #tpu.memory_space<hbm>> -> memref<80xi32, #tpu.memory_space<hbm>>
      %dma_start3A_524 = arith.constant 0 : i32
      %dma_start3A_525 = tpu.memref_slice %arg6[%add3A_348, %add3A_497, %dma_start3A_524] : memref<6x32x80xi32, #tpu.memory_space<hbm>> -> memref<1x1x80xi32, #tpu.memory_space<hbm>>
      %dma_start3A_526 = tpu.memref_squeeze %dma_start3A_525 : memref<1x1x80xi32, #tpu.memory_space<hbm>> -> memref<80xi32, #tpu.memory_space<hbm>>
      tpu.enqueue_dma source(%dma_start3A_526 : memref<80xi32, #tpu.memory_space<hbm>>) target(%arg16 : memref<80xi32, #tpu.memory_space<vmem>>) target_semaphore(%run_scoped3A_520 : memref<!tpu.dma_semaphore, #tpu.memory_space<semaphore_mem>>)
      %dma_wait3A_527 = arith.constant 0 : i32
      %dma_wait3A_528 = tpu.memref_slice %arg6[%add3A_348, %add3A_497, %dma_wait3A_527] : memref<6x32x80xi32, #tpu.memory_space<hbm>> -> memref<1x1x80xi32, #tpu.memory_space<hbm>>
      %dma_wait3A_529 = tpu.memref_squeeze %dma_wait3A_528 : memref<1x1x80xi32, #tpu.memory_space<hbm>> -> memref<80xi32, #tpu.memory_space<hbm>>
      %dma_wait3A_530 = arith.constant 0 : i32
      %dma_wait3A_531 = tpu.memref_slice %arg6[%add3A_348, %add3A_497, %dma_wait3A_530] : memref<6x32x80xi32, #tpu.memory_space<hbm>> -> memref<1x1x80xi32, #tpu.memory_space<hbm>>
      %dma_wait3A_532 = tpu.memref_squeeze %dma_wait3A_531 : memref<1x1x80xi32, #tpu.memory_space<hbm>> -> memref<80xi32, #tpu.memory_space<hbm>>
      tpu.wait_dma2 semaphore(%run_scoped3A_520 : memref<!tpu.dma_semaphore, #tpu.memory_space<semaphore_mem>>) src(%dma_wait3A_532 : memref<80xi32, #tpu.memory_space<hbm>>) dst(%arg16 : memref<80xi32, #tpu.memory_space<vmem>>)
      tpu.yield
    }) : () -> ()
    %dma_start3A_498 = arith.constant 0 : i32
    %dma_start3A_499 = arith.constant 0 : i32
    %dma_start3A_500 = arith.constant 0 : i32
    %dma_start3A_501 = tpu.memref_slice %arg13[%dma_start3A_499, %dma_start3A_500] : memref<128x128xf32, #tpu.memory_space<vmem>> -> memref<80x128xf32, #tpu.memory_space<vmem>>
    %dma_start3A_502 = arith.constant 0 : i32
    %dma_start3A_503 = arith.constant 0 : i32
    %dma_start3A_504 = tpu.memref_slice %arg2[%dma_start3A_502, %dma_start3A_503] : memref<61440x128xf32, #tpu.memory_space<hbm>> -> memref<61440x128xf32, #tpu.memory_space<hbm>>
    %dma_start3A_505 = tpu.memref_slice %arg19[%dma_start3A_498] : memref<2x!tpu.dma_semaphore, #tpu.memory_space<semaphore_mem>> -> memref<1x!tpu.dma_semaphore, #tpu.memory_space<semaphore_mem>>
    %dma_start3A_506 = tpu.memref_squeeze %dma_start3A_505 : memref<1x!tpu.dma_semaphore, #tpu.memory_space<semaphore_mem>> -> memref<!tpu.dma_semaphore, #tpu.memory_space<semaphore_mem>>
    tpu.enqueue_indirect_dma source(%dma_start3A_504 : memref<61440x128xf32, #tpu.memory_space<hbm>>) target(%dma_start3A_501 : memref<80x128xf32, #tpu.memory_space<vmem>>) offsets(%arg16 : memref<80xi32, #tpu.memory_space<vmem>>) semaphore(%dma_start3A_506 : memref<!tpu.dma_semaphore, #tpu.memory_space<semaphore_mem>>)
    %dma_wait3A_507 = arith.constant 0 : i32
    %dma_wait3A_508 = arith.constant 0 : i32
    %dma_wait3A_509 = arith.constant 0 : i32
    %dma_wait3A_510 = tpu.memref_slice %arg13[%dma_wait3A_508, %dma_wait3A_509] : memref<128x128xf32, #tpu.memory_space<vmem>> -> memref<80x128xf32, #tpu.memory_space<vmem>>
    %dma_wait3A_511 = arith.constant 0 : i32
    %dma_wait3A_512 = arith.constant 0 : i32
    %dma_wait3A_513 = tpu.memref_slice %arg2[%dma_wait3A_511, %dma_wait3A_512] : memref<61440x128xf32, #tpu.memory_space<hbm>> -> memref<61440x128xf32, #tpu.memory_space<hbm>>
    %dma_wait3A_514 = tpu.memref_slice %arg19[%dma_wait3A_507] : memref<2x!tpu.dma_semaphore, #tpu.memory_space<semaphore_mem>> -> memref<1x!tpu.dma_semaphore, #tpu.memory_space<semaphore_mem>>
    %dma_wait3A_515 = tpu.memref_squeeze %dma_wait3A_514 : memref<1x!tpu.dma_semaphore, #tpu.memory_space<semaphore_mem>> -> memref<!tpu.dma_semaphore, #tpu.memory_space<semaphore_mem>>
    tpu.wait_indirect_dma semaphore(%dma_wait3A_515 : memref<!tpu.dma_semaphore, #tpu.memory_space<semaphore_mem>>) src(%dma_wait3A_513 : memref<61440x128xf32, #tpu.memory_space<hbm>>) dst(%dma_wait3A_510 : memref<80x128xf32, #tpu.memory_space<vmem>>)
    %mul3A_516 = arith.constant 2560 : i32
    %mul3A_517 = arith.muli %add3A_348, %mul3A_516 : i32
    %add3A_518 = arith.addi %mul3A_517, %add3A_468 : i32
    "tpu.region"() ({
      %run_scoped3A_520 = tpu.sem_alloc : memref<!tpu.dma_semaphore, #tpu.memory_space<semaphore_mem>>
      %dma_start3A_521 = arith.constant 0 : i32
      %dma_start3A_522 = arith.constant 0 : i32
      %dma_start3A_523 = tpu.memref_slice %arg13[%dma_start3A_521, %dma_start3A_522] : memref<128x128xf32, #tpu.memory_space<vmem>> -> memref<80x128xf32, #tpu.memory_space<vmem>>
      %dma_start3A_524 = arith.constant 0 : i32
      %dma_start3A_525 = tpu.memref_slice %arg9[%add3A_518, %dma_start3A_524] : memref<15360x128xf32, #tpu.memory_space<hbm>> -> memref<80x128xf32, #tpu.memory_space<hbm>>
      %dma_start3A_526 = arith.constant 0 : i32
      %dma_start3A_527 = tpu.memref_slice %arg9[%add3A_518, %dma_start3A_526] : memref<15360x128xf32, #tpu.memory_space<hbm>> -> memref<80x128xf32, #tpu.memory_space<hbm>>
      %dma_start3A_528 = arith.constant 0 : i32
      %dma_start3A_529 = arith.constant 0 : i32
      %dma_start3A_530 = tpu.memref_slice %arg13[%dma_start3A_528, %dma_start3A_529] : memref<128x128xf32, #tpu.memory_space<vmem>> -> memref<80x128xf32, #tpu.memory_space<vmem>>
      tpu.enqueue_dma source(%dma_start3A_530 : memref<80x128xf32, #tpu.memory_space<vmem>>) target(%dma_start3A_527 : memref<80x128xf32, #tpu.memory_space<hbm>>) target_semaphore(%run_scoped3A_520 : memref<!tpu.dma_semaphore, #tpu.memory_space<semaphore_mem>>)
      %dma_wait3A_531 = arith.constant 0 : i32
      %dma_wait3A_532 = arith.constant 0 : i32
      %dma_wait3A_533 = tpu.memref_slice %arg13[%dma_wait3A_531, %dma_wait3A_532] : memref<128x128xf32, #tpu.memory_space<vmem>> -> memref<80x128xf32, #tpu.memory_space<vmem>>
      %dma_wait3A_534 = arith.constant 0 : i32
      %dma_wait3A_535 = tpu.memref_slice %arg9[%add3A_518, %dma_wait3A_534] : memref<15360x128xf32, #tpu.memory_space<hbm>> -> memref<80x128xf32, #tpu.memory_space<hbm>>
      %dma_wait3A_536 = arith.constant 0 : i32
      %dma_wait3A_537 = tpu.memref_slice %arg9[%add3A_518, %dma_wait3A_536] : memref<15360x128xf32, #tpu.memory_space<hbm>> -> memref<80x128xf32, #tpu.memory_space<hbm>>
      %dma_wait3A_538 = arith.constant 0 : i32
      %dma_wait3A_539 = arith.constant 0 : i32
      %dma_wait3A_540 = tpu.memref_slice %arg13[%dma_wait3A_538, %dma_wait3A_539] : memref<128x128xf32, #tpu.memory_space<vmem>> -> memref<80x128xf32, #tpu.memory_space<vmem>>
      tpu.wait_dma2 semaphore(%run_scoped3A_520 : memref<!tpu.dma_semaphore, #tpu.memory_space<semaphore_mem>>) src(%dma_wait3A_540 : memref<80x128xf32, #tpu.memory_space<vmem>>) dst(%dma_wait3A_537 : memref<80x128xf32, #tpu.memory_space<hbm>>)
      tpu.yield
    }) : () -> ()
    %barrier3A_519 = arith.constant 0 : index
    tpu.barrier barrier_id(%barrier3A_519)
    return
  }
}

module attributes {stable_mosaic.version = 14 : i64} {
  func.func @_mm1_body(%arg0: i32, %arg1: memref<1024x768xf32, #tpu.memory_space<vmem>>, %arg2: memref<768x768xf32, #tpu.memory_space<vmem>>, %arg3: memref<2x1024xf32, #tpu.memory_space<vmem>>, %arg4: memref<6x1024x128xf32, #tpu.memory_space<vmem>>, %arg5: memref<1024xf32, #tpu.memory_space<vmem>>) attributes {dimension_semantics = [#tpu.dimension_semantics<arbitrary>], iteration_bounds = array<i64: 10>, scalar_prefetch = 0 : i64, scratch_operands = 0 : i64, tpu.core_type = #tpu.core_type<tc>, window_params = [{transform_indices = @transform_0, window_bounds = array<i64: 1024, 768>}, {pipeline_mode = #tpu.pipeline_mode<synchronous>, transform_indices = @transform_1, window_bounds = array<i64: 768, 768>}, {transform_indices = @transform_2, window_bounds = array<i64: 2, 1024>}, {transform_indices = @transform_3, window_bounds = array<i64: 6, 1024, 128>}, {transform_indices = @transform_4, window_bounds = array<i64: 1024>}]} {
    %get3A = arith.constant 0 : index
    %get3A_0 = arith.constant 0 : index
    %get3A_1 = vector.load %arg3[%get3A, %get3A_0] : memref<2x1024xf32, #tpu.memory_space<vmem>>, vector<1x1024xf32>
    %get3A_2 = vector.shape_cast %get3A_1 : vector<1x1024xf32> to vector<1024xf32>
    %get3A_3 = arith.constant 1 : index
    %get3A_4 = arith.constant 0 : index
    %get3A_5 = vector.load %arg3[%get3A_3, %get3A_4] : memref<2x1024xf32, #tpu.memory_space<vmem>>, vector<1x1024xf32>
    %get3A_6 = vector.shape_cast %get3A_5 : vector<1x1024xf32> to vector<1024xf32>
    %add3A = arith.addf %get3A_2, %get3A_6 : vector<1024xf32>
    %add3A_7 = arith.constant 1.000000e+00 : f32
    %add3A_8 = vector.broadcast %add3A_7 : f32 to vector<1024xf32>
    %add3A_9 = arith.addf %add3A, %add3A_8 : vector<1024xf32>
    %rsqrt3A = math.rsqrt %add3A_9 : vector<1024xf32>
    %get3A_10 = arith.constant 0 : index
    %get3A_11 = arith.constant 0 : index
    %get3A_12 = vector.load %arg1[%get3A_10, %get3A_11] : memref<1024x768xf32, #tpu.memory_space<vmem>>, vector<1024x768xf32>
    %get3A_13 = arith.constant 0 : index
    %get3A_14 = arith.constant 0 : index
    %get3A_15 = vector.load %arg2[%get3A_13, %get3A_14] : memref<768x768xf32, #tpu.memory_space<vmem>>, vector<768x768xf32>
    %dot_general3A = arith.constant dense<0.000000e+00> : vector<1024x768xf32>
    %dot_general3A_16 = tpu.matmul %get3A_12, %get3A_15, %dot_general3A {dimension_numbers = #tpu.dot_dimension_numbers<[1], [0], [0], [1], [0, 0, 1, 1], [], []>, transpose_lhs_hint = false} : vector<1024x768xf32>, vector<768x768xf32>, vector<1024x768xf32> -> vector<1024x768xf32>
    %broadcast_in_dim3A = vector.shape_cast %rsqrt3A : vector<1024xf32> to vector<1024x1xf32>
    %mul3A = vector.broadcast %broadcast_in_dim3A : vector<1024x1xf32> to vector<1024x768xf32>
    %mul3A_17 = arith.mulf %dot_general3A_16, %mul3A : vector<1024x768xf32>
    %slice3A = vector.extract_strided_slice %mul3A_17 {offsets = [0, 0], sizes = [1024, 128], strides = [1, 1]} : vector<1024x768xf32> to vector<1024x128xf32>
    %swap3A = arith.constant 0 : index
    %swap3A_18 = arith.constant 0 : index
    %swap3A_19 = arith.constant 0 : index
    %swap3A_20 = vector.load %arg4[%swap3A, %swap3A_18, %swap3A_19] : memref<6x1024x128xf32, #tpu.memory_space<vmem>>, vector<1x1024x128xf32>
    %swap3A_21 = vector.shape_cast %swap3A_20 : vector<1x1024x128xf32> to vector<1024x128xf32>
    %swap3A_22 = vector.shape_cast %slice3A : vector<1024x128xf32> to vector<1x1024x128xf32>
    tpu.vector_store %arg4[%swap3A, %swap3A_18, %swap3A_19], %swap3A_22 {strides = array<i32>} : memref<6x1024x128xf32, #tpu.memory_space<vmem>>, vector<1x1024x128xf32>,
    %slice3A_23 = vector.extract_strided_slice %mul3A_17 {offsets = [0, 128], sizes = [1024, 128], strides = [1, 1]} : vector<1024x768xf32> to vector<1024x128xf32>
    %swap3A_24 = arith.constant 1 : index
    %swap3A_25 = arith.constant 0 : index
    %swap3A_26 = arith.constant 0 : index
    %swap3A_27 = vector.load %arg4[%swap3A_24, %swap3A_25, %swap3A_26] : memref<6x1024x128xf32, #tpu.memory_space<vmem>>, vector<1x1024x128xf32>
    %swap3A_28 = vector.shape_cast %swap3A_27 : vector<1x1024x128xf32> to vector<1024x128xf32>
    %swap3A_29 = vector.shape_cast %slice3A_23 : vector<1024x128xf32> to vector<1x1024x128xf32>
    tpu.vector_store %arg4[%swap3A_24, %swap3A_25, %swap3A_26], %swap3A_29 {strides = array<i32>} : memref<6x1024x128xf32, #tpu.memory_space<vmem>>, vector<1x1024x128xf32>,
    %slice3A_30 = vector.extract_strided_slice %mul3A_17 {offsets = [0, 256], sizes = [1024, 128], strides = [1, 1]} : vector<1024x768xf32> to vector<1024x128xf32>
    %swap3A_31 = arith.constant 2 : index
    %swap3A_32 = arith.constant 0 : index
    %swap3A_33 = arith.constant 0 : index
    %swap3A_34 = vector.load %arg4[%swap3A_31, %swap3A_32, %swap3A_33] : memref<6x1024x128xf32, #tpu.memory_space<vmem>>, vector<1x1024x128xf32>
    %swap3A_35 = vector.shape_cast %swap3A_34 : vector<1x1024x128xf32> to vector<1024x128xf32>
    %swap3A_36 = vector.shape_cast %slice3A_30 : vector<1024x128xf32> to vector<1x1024x128xf32>
    tpu.vector_store %arg4[%swap3A_31, %swap3A_32, %swap3A_33], %swap3A_36 {strides = array<i32>} : memref<6x1024x128xf32, #tpu.memory_space<vmem>>, vector<1x1024x128xf32>,
    %slice3A_37 = vector.extract_strided_slice %mul3A_17 {offsets = [0, 384], sizes = [1024, 128], strides = [1, 1]} : vector<1024x768xf32> to vector<1024x128xf32>
    %swap3A_38 = arith.constant 3 : index
    %swap3A_39 = arith.constant 0 : index
    %swap3A_40 = arith.constant 0 : index
    %swap3A_41 = vector.load %arg4[%swap3A_38, %swap3A_39, %swap3A_40] : memref<6x1024x128xf32, #tpu.memory_space<vmem>>, vector<1x1024x128xf32>
    %swap3A_42 = vector.shape_cast %swap3A_41 : vector<1x1024x128xf32> to vector<1024x128xf32>
    %swap3A_43 = vector.shape_cast %slice3A_37 : vector<1024x128xf32> to vector<1x1024x128xf32>
    tpu.vector_store %arg4[%swap3A_38, %swap3A_39, %swap3A_40], %swap3A_43 {strides = array<i32>} : memref<6x1024x128xf32, #tpu.memory_space<vmem>>, vector<1x1024x128xf32>,
    %slice3A_44 = vector.extract_strided_slice %mul3A_17 {offsets = [0, 512], sizes = [1024, 128], strides = [1, 1]} : vector<1024x768xf32> to vector<1024x128xf32>
    %swap3A_45 = arith.constant 4 : index
    %swap3A_46 = arith.constant 0 : index
    %swap3A_47 = arith.constant 0 : index
    %swap3A_48 = vector.load %arg4[%swap3A_45, %swap3A_46, %swap3A_47] : memref<6x1024x128xf32, #tpu.memory_space<vmem>>, vector<1x1024x128xf32>
    %swap3A_49 = vector.shape_cast %swap3A_48 : vector<1x1024x128xf32> to vector<1024x128xf32>
    %swap3A_50 = vector.shape_cast %slice3A_44 : vector<1024x128xf32> to vector<1x1024x128xf32>
    tpu.vector_store %arg4[%swap3A_45, %swap3A_46, %swap3A_47], %swap3A_50 {strides = array<i32>} : memref<6x1024x128xf32, #tpu.memory_space<vmem>>, vector<1x1024x128xf32>,
    %slice3A_51 = vector.extract_strided_slice %mul3A_17 {offsets = [0, 640], sizes = [1024, 128], strides = [1, 1]} : vector<1024x768xf32> to vector<1024x128xf32>
    %swap3A_52 = arith.constant 5 : index
    %swap3A_53 = arith.constant 0 : index
    %swap3A_54 = arith.constant 0 : index
    %swap3A_55 = vector.load %arg4[%swap3A_52, %swap3A_53, %swap3A_54] : memref<6x1024x128xf32, #tpu.memory_space<vmem>>, vector<1x1024x128xf32>
    %swap3A_56 = vector.shape_cast %swap3A_55 : vector<1x1024x128xf32> to vector<1024x128xf32>
    %swap3A_57 = vector.shape_cast %slice3A_51 : vector<1024x128xf32> to vector<1x1024x128xf32>
    tpu.vector_store %arg4[%swap3A_52, %swap3A_53, %swap3A_54], %swap3A_57 {strides = array<i32>} : memref<6x1024x128xf32, #tpu.memory_space<vmem>>, vector<1x1024x128xf32>,
    %swap3A_58 = arith.constant 0 : index
    %swap3A_59 = vector.load %arg5[%swap3A_58] : memref<1024xf32, #tpu.memory_space<vmem>>, vector<1024xf32>
    tpu.vector_store %arg5[%swap3A_58], %rsqrt3A {strides = array<i32>} : memref<1024xf32, #tpu.memory_space<vmem>>, vector<1024xf32>,
    return
  }
  func.func @transform_0(%arg0: i32) -> (i32, i32) {
    %c0_i32 = arith.constant 0 : i32
    %c0_i32_0 = arith.constant 0 : i32
    return %arg0, %c0_i32 : i32, i32
  }
  func.func @transform_1(%arg0: i32) -> (i32, i32) {
    %c0_i32 = arith.constant 0 : i32
    %c0_i32_0 = arith.constant 0 : i32
    %c0_i32_1 = arith.constant 0 : i32
    return %c0_i32, %c0_i32_0 : i32, i32
  }
  func.func @transform_2(%arg0: i32) -> (i32, i32) {
    %c0_i32 = arith.constant 0 : i32
    %c0_i32_0 = arith.constant 0 : i32
    return %c0_i32, %arg0 : i32, i32
  }
  func.func @transform_3(%arg0: i32) -> (i32, i32, i32) {
    %c0_i32 = arith.constant 0 : i32
    %c0_i32_0 = arith.constant 0 : i32
    %c0_i32_1 = arith.constant 0 : i32
    return %c0_i32, %arg0, %c0_i32_0 : i32, i32, i32
  }
  func.func @transform_4(%arg0: i32) -> i32 {
    %c0_i32 = arith.constant 0 : i32
    return %arg0 : i32
  }
}

module attributes {stable_mosaic.version = 14 : i64} {
  func.func @_mm2_body(%arg0: i32, %arg1: memref<6x1024x128xf32, #tpu.memory_space<vmem>>, %arg2: memref<6x1024x128xf32, #tpu.memory_space<vmem>>, %arg3: memref<1024xf32, #tpu.memory_space<vmem>>, %arg4: memref<768xf32, #tpu.memory_space<vmem>>, %arg5: memref<768x768xf32, #tpu.memory_space<vmem>>, %arg6: memref<6x1024x128xf32, #tpu.memory_space<vmem>>) attributes {dimension_semantics = [#tpu.dimension_semantics<arbitrary>], iteration_bounds = array<i64: 10>, scalar_prefetch = 0 : i64, scratch_operands = 0 : i64, tpu.core_type = #tpu.core_type<tc>, window_params = [{transform_indices = @transform_0, window_bounds = array<i64: 6, 1024, 128>}, {transform_indices = @transform_1, window_bounds = array<i64: 6, 1024, 128>}, {transform_indices = @transform_2, window_bounds = array<i64: 1024>}, {pipeline_mode = #tpu.pipeline_mode<synchronous>, transform_indices = @transform_3, window_bounds = array<i64: 768>}, {pipeline_mode = #tpu.pipeline_mode<synchronous>, transform_indices = @transform_4, window_bounds = array<i64: 768, 768>}, {transform_indices = @transform_5, window_bounds = array<i64: 6, 1024, 128>}]} {
    %get3A = arith.constant 0 : index
    %get3A_0 = vector.load %arg3[%get3A] : memref<1024xf32, #tpu.memory_space<vmem>>, vector<1024xf32>
    %get3A_1 = arith.constant 0 : index
    %get3A_2 = arith.constant 0 : index
    %get3A_3 = arith.constant 0 : index
    %get3A_4 = vector.load %arg1[%get3A_1, %get3A_2, %get3A_3] : memref<6x1024x128xf32, #tpu.memory_space<vmem>>, vector<1x1024x128xf32>
    %get3A_5 = vector.shape_cast %get3A_4 : vector<1x1024x128xf32> to vector<1024x128xf32>
    %get3A_6 = arith.constant 0 : index
    %get3A_7 = arith.constant 0 : index
    %get3A_8 = arith.constant 0 : index
    %get3A_9 = vector.load %arg2[%get3A_6, %get3A_7, %get3A_8] : memref<6x1024x128xf32, #tpu.memory_space<vmem>>, vector<1x1024x128xf32>
    %get3A_10 = vector.shape_cast %get3A_9 : vector<1x1024x128xf32> to vector<1024x128xf32>
    %add3A = arith.addf %get3A_5, %get3A_10 : vector<1024x128xf32>
    %get3A_11 = arith.constant 1 : index
    %get3A_12 = arith.constant 0 : index
    %get3A_13 = arith.constant 0 : index
    %get3A_14 = vector.load %arg1[%get3A_11, %get3A_12, %get3A_13] : memref<6x1024x128xf32, #tpu.memory_space<vmem>>, vector<1x1024x128xf32>
    %get3A_15 = vector.shape_cast %get3A_14 : vector<1x1024x128xf32> to vector<1024x128xf32>
    %get3A_16 = arith.constant 1 : index
    %get3A_17 = arith.constant 0 : index
    %get3A_18 = arith.constant 0 : index
    %get3A_19 = vector.load %arg2[%get3A_16, %get3A_17, %get3A_18] : memref<6x1024x128xf32, #tpu.memory_space<vmem>>, vector<1x1024x128xf32>
    %get3A_20 = vector.shape_cast %get3A_19 : vector<1x1024x128xf32> to vector<1024x128xf32>
    %add3A_21 = arith.addf %get3A_15, %get3A_20 : vector<1024x128xf32>
    %get3A_22 = arith.constant 2 : index
    %get3A_23 = arith.constant 0 : index
    %get3A_24 = arith.constant 0 : index
    %get3A_25 = vector.load %arg1[%get3A_22, %get3A_23, %get3A_24] : memref<6x1024x128xf32, #tpu.memory_space<vmem>>, vector<1x1024x128xf32>
    %get3A_26 = vector.shape_cast %get3A_25 : vector<1x1024x128xf32> to vector<1024x128xf32>
    %get3A_27 = arith.constant 2 : index
    %get3A_28 = arith.constant 0 : index
    %get3A_29 = arith.constant 0 : index
    %get3A_30 = vector.load %arg2[%get3A_27, %get3A_28, %get3A_29] : memref<6x1024x128xf32, #tpu.memory_space<vmem>>, vector<1x1024x128xf32>
    %get3A_31 = vector.shape_cast %get3A_30 : vector<1x1024x128xf32> to vector<1024x128xf32>
    %add3A_32 = arith.addf %get3A_26, %get3A_31 : vector<1024x128xf32>
    %get3A_33 = arith.constant 3 : index
    %get3A_34 = arith.constant 0 : index
    %get3A_35 = arith.constant 0 : index
    %get3A_36 = vector.load %arg1[%get3A_33, %get3A_34, %get3A_35] : memref<6x1024x128xf32, #tpu.memory_space<vmem>>, vector<1x1024x128xf32>
    %get3A_37 = vector.shape_cast %get3A_36 : vector<1x1024x128xf32> to vector<1024x128xf32>
    %get3A_38 = arith.constant 3 : index
    %get3A_39 = arith.constant 0 : index
    %get3A_40 = arith.constant 0 : index
    %get3A_41 = vector.load %arg2[%get3A_38, %get3A_39, %get3A_40] : memref<6x1024x128xf32, #tpu.memory_space<vmem>>, vector<1x1024x128xf32>
    %get3A_42 = vector.shape_cast %get3A_41 : vector<1x1024x128xf32> to vector<1024x128xf32>
    %add3A_43 = arith.addf %get3A_37, %get3A_42 : vector<1024x128xf32>
    %get3A_44 = arith.constant 4 : index
    %get3A_45 = arith.constant 0 : index
    %get3A_46 = arith.constant 0 : index
    %get3A_47 = vector.load %arg1[%get3A_44, %get3A_45, %get3A_46] : memref<6x1024x128xf32, #tpu.memory_space<vmem>>, vector<1x1024x128xf32>
    %get3A_48 = vector.shape_cast %get3A_47 : vector<1x1024x128xf32> to vector<1024x128xf32>
    %get3A_49 = arith.constant 4 : index
    %get3A_50 = arith.constant 0 : index
    %get3A_51 = arith.constant 0 : index
    %get3A_52 = vector.load %arg2[%get3A_49, %get3A_50, %get3A_51] : memref<6x1024x128xf32, #tpu.memory_space<vmem>>, vector<1x1024x128xf32>
    %get3A_53 = vector.shape_cast %get3A_52 : vector<1x1024x128xf32> to vector<1024x128xf32>
    %add3A_54 = arith.addf %get3A_48, %get3A_53 : vector<1024x128xf32>
    %get3A_55 = arith.constant 5 : index
    %get3A_56 = arith.constant 0 : index
    %get3A_57 = arith.constant 0 : index
    %get3A_58 = vector.load %arg1[%get3A_55, %get3A_56, %get3A_57] : memref<6x1024x128xf32, #tpu.memory_space<vmem>>, vector<1x1024x128xf32>
    %get3A_59 = vector.shape_cast %get3A_58 : vector<1x1024x128xf32> to vector<1024x128xf32>
    %get3A_60 = arith.constant 5 : index
    %get3A_61 = arith.constant 0 : index
    %get3A_62 = arith.constant 0 : index
    %get3A_63 = vector.load %arg2[%get3A_60, %get3A_61, %get3A_62] : memref<6x1024x128xf32, #tpu.memory_space<vmem>>, vector<1x1024x128xf32>
    %get3A_64 = vector.shape_cast %get3A_63 : vector<1x1024x128xf32> to vector<1024x128xf32>
    %add3A_65 = arith.addf %get3A_59, %get3A_64 : vector<1024x128xf32>
    %concatenate3A = tpu.concatenate %add3A, %add3A_21, %add3A_32, %add3A_43, %add3A_54, %add3A_65 in 1 : vector<1024x128xf32>, vector<1024x128xf32>, vector<1024x128xf32>, vector<1024x128xf32>, vector<1024x128xf32>, vector<1024x128xf32> -> vector<1024x768xf32>
    %broadcast_in_dim3A = vector.shape_cast %get3A_0 : vector<1024xf32> to vector<1024x1xf32>
    %mul3A = vector.broadcast %broadcast_in_dim3A : vector<1024x1xf32> to vector<1024x768xf32>
    %mul3A_66 = arith.mulf %concatenate3A, %mul3A : vector<1024x768xf32>
    %get3A_67 = arith.constant 0 : index
    %get3A_68 = vector.load %arg4[%get3A_67] : memref<768xf32, #tpu.memory_space<vmem>>, vector<768xf32>
    %broadcast_in_dim3A_69 = vector.shape_cast %get3A_68 : vector<768xf32> to vector<1x768xf32>
    %add3A_70 = vector.broadcast %broadcast_in_dim3A_69 : vector<1x768xf32> to vector<1024x768xf32>
    %add3A_71 = arith.addf %mul3A_66, %add3A_70 : vector<1024x768xf32>
    %max3A = arith.constant 0.000000e+00 : f32
    %max3A_72 = vector.broadcast %max3A : f32 to vector<1024x768xf32>
    %max3A_73 = arith.maximumf %add3A_71, %max3A_72 : vector<1024x768xf32>
    %get3A_74 = arith.constant 0 : index
    %get3A_75 = arith.constant 0 : index
    %get3A_76 = vector.load %arg5[%get3A_74, %get3A_75] : memref<768x768xf32, #tpu.memory_space<vmem>>, vector<768x768xf32>
    %dot_general3A = arith.constant dense<0.000000e+00> : vector<1024x768xf32>
    %dot_general3A_77 = tpu.matmul %max3A_73, %get3A_76, %dot_general3A {dimension_numbers = #tpu.dot_dimension_numbers<[1], [0], [0], [1], [0, 0, 1, 1], [], []>, transpose_lhs_hint = false} : vector<1024x768xf32>, vector<768x768xf32>, vector<1024x768xf32> -> vector<1024x768xf32>
    %broadcast_in_dim3A_78 = vector.shape_cast %get3A_0 : vector<1024xf32> to vector<1024x1xf32>
    %mul3A_79 = vector.broadcast %broadcast_in_dim3A_78 : vector<1024x1xf32> to vector<1024x768xf32>
    %mul3A_80 = arith.mulf %dot_general3A_77, %mul3A_79 : vector<1024x768xf32>
    %slice3A = vector.extract_strided_slice %mul3A_80 {offsets = [0, 0], sizes = [1024, 128], strides = [1, 1]} : vector<1024x768xf32> to vector<1024x128xf32>
    %swap3A = arith.constant 0 : index
    %swap3A_81 = arith.constant 0 : index
    %swap3A_82 = arith.constant 0 : index
    %swap3A_83 = vector.load %arg6[%swap3A, %swap3A_81, %swap3A_82] : memref<6x1024x128xf32, #tpu.memory_space<vmem>>, vector<1x1024x128xf32>
    %swap3A_84 = vector.shape_cast %swap3A_83 : vector<1x1024x128xf32> to vector<1024x128xf32>
    %swap3A_85 = vector.shape_cast %slice3A : vector<1024x128xf32> to vector<1x1024x128xf32>
    tpu.vector_store %arg6[%swap3A, %swap3A_81, %swap3A_82], %swap3A_85 {strides = array<i32>} : memref<6x1024x128xf32, #tpu.memory_space<vmem>>, vector<1x1024x128xf32>,
    %slice3A_86 = vector.extract_strided_slice %mul3A_80 {offsets = [0, 128], sizes = [1024, 128], strides = [1, 1]} : vector<1024x768xf32> to vector<1024x128xf32>
    %swap3A_87 = arith.constant 1 : index
    %swap3A_88 = arith.constant 0 : index
    %swap3A_89 = arith.constant 0 : index
    %swap3A_90 = vector.load %arg6[%swap3A_87, %swap3A_88, %swap3A_89] : memref<6x1024x128xf32, #tpu.memory_space<vmem>>, vector<1x1024x128xf32>
    %swap3A_91 = vector.shape_cast %swap3A_90 : vector<1x1024x128xf32> to vector<1024x128xf32>
    %swap3A_92 = vector.shape_cast %slice3A_86 : vector<1024x128xf32> to vector<1x1024x128xf32>
    tpu.vector_store %arg6[%swap3A_87, %swap3A_88, %swap3A_89], %swap3A_92 {strides = array<i32>} : memref<6x1024x128xf32, #tpu.memory_space<vmem>>, vector<1x1024x128xf32>,
    %slice3A_93 = vector.extract_strided_slice %mul3A_80 {offsets = [0, 256], sizes = [1024, 128], strides = [1, 1]} : vector<1024x768xf32> to vector<1024x128xf32>
    %swap3A_94 = arith.constant 2 : index
    %swap3A_95 = arith.constant 0 : index
    %swap3A_96 = arith.constant 0 : index
    %swap3A_97 = vector.load %arg6[%swap3A_94, %swap3A_95, %swap3A_96] : memref<6x1024x128xf32, #tpu.memory_space<vmem>>, vector<1x1024x128xf32>
    %swap3A_98 = vector.shape_cast %swap3A_97 : vector<1x1024x128xf32> to vector<1024x128xf32>
    %swap3A_99 = vector.shape_cast %slice3A_93 : vector<1024x128xf32> to vector<1x1024x128xf32>
    tpu.vector_store %arg6[%swap3A_94, %swap3A_95, %swap3A_96], %swap3A_99 {strides = array<i32>} : memref<6x1024x128xf32, #tpu.memory_space<vmem>>, vector<1x1024x128xf32>,
    %slice3A_100 = vector.extract_strided_slice %mul3A_80 {offsets = [0, 384], sizes = [1024, 128], strides = [1, 1]} : vector<1024x768xf32> to vector<1024x128xf32>
    %swap3A_101 = arith.constant 3 : index
    %swap3A_102 = arith.constant 0 : index
    %swap3A_103 = arith.constant 0 : index
    %swap3A_104 = vector.load %arg6[%swap3A_101, %swap3A_102, %swap3A_103] : memref<6x1024x128xf32, #tpu.memory_space<vmem>>, vector<1x1024x128xf32>
    %swap3A_105 = vector.shape_cast %swap3A_104 : vector<1x1024x128xf32> to vector<1024x128xf32>
    %swap3A_106 = vector.shape_cast %slice3A_100 : vector<1024x128xf32> to vector<1x1024x128xf32>
    tpu.vector_store %arg6[%swap3A_101, %swap3A_102, %swap3A_103], %swap3A_106 {strides = array<i32>} : memref<6x1024x128xf32, #tpu.memory_space<vmem>>, vector<1x1024x128xf32>,
    %slice3A_107 = vector.extract_strided_slice %mul3A_80 {offsets = [0, 512], sizes = [1024, 128], strides = [1, 1]} : vector<1024x768xf32> to vector<1024x128xf32>
    %swap3A_108 = arith.constant 4 : index
    %swap3A_109 = arith.constant 0 : index
    %swap3A_110 = arith.constant 0 : index
    %swap3A_111 = vector.load %arg6[%swap3A_108, %swap3A_109, %swap3A_110] : memref<6x1024x128xf32, #tpu.memory_space<vmem>>, vector<1x1024x128xf32>
    %swap3A_112 = vector.shape_cast %swap3A_111 : vector<1x1024x128xf32> to vector<1024x128xf32>
    %swap3A_113 = vector.shape_cast %slice3A_107 : vector<1024x128xf32> to vector<1x1024x128xf32>
    tpu.vector_store %arg6[%swap3A_108, %swap3A_109, %swap3A_110], %swap3A_113 {strides = array<i32>} : memref<6x1024x128xf32, #tpu.memory_space<vmem>>, vector<1x1024x128xf32>,
    %slice3A_114 = vector.extract_strided_slice %mul3A_80 {offsets = [0, 640], sizes = [1024, 128], strides = [1, 1]} : vector<1024x768xf32> to vector<1024x128xf32>
    %swap3A_115 = arith.constant 5 : index
    %swap3A_116 = arith.constant 0 : index
    %swap3A_117 = arith.constant 0 : index
    %swap3A_118 = vector.load %arg6[%swap3A_115, %swap3A_116, %swap3A_117] : memref<6x1024x128xf32, #tpu.memory_space<vmem>>, vector<1x1024x128xf32>
    %swap3A_119 = vector.shape_cast %swap3A_118 : vector<1x1024x128xf32> to vector<1024x128xf32>
    %swap3A_120 = vector.shape_cast %slice3A_114 : vector<1024x128xf32> to vector<1x1024x128xf32>
    tpu.vector_store %arg6[%swap3A_115, %swap3A_116, %swap3A_117], %swap3A_120 {strides = array<i32>} : memref<6x1024x128xf32, #tpu.memory_space<vmem>>, vector<1x1024x128xf32>,
    return
  }
  func.func @transform_0(%arg0: i32) -> (i32, i32, i32) {
    %c0_i32 = arith.constant 0 : i32
    %c0_i32_0 = arith.constant 0 : i32
    %c0_i32_1 = arith.constant 0 : i32
    return %c0_i32, %arg0, %c0_i32_0 : i32, i32, i32
  }
  func.func @transform_1(%arg0: i32) -> (i32, i32, i32) {
    %c0_i32 = arith.constant 0 : i32
    %c0_i32_0 = arith.constant 0 : i32
    %c0_i32_1 = arith.constant 0 : i32
    return %c0_i32, %arg0, %c0_i32_0 : i32, i32, i32
  }
  func.func @transform_2(%arg0: i32) -> i32 {
    %c0_i32 = arith.constant 0 : i32
    return %arg0 : i32
  }
  func.func @transform_3(%arg0: i32) -> i32 {
    %c0_i32 = arith.constant 0 : i32
    %c0_i32_0 = arith.constant 0 : i32
    return %c0_i32 : i32
  }
  func.func @transform_4(%arg0: i32) -> (i32, i32) {
    %c0_i32 = arith.constant 0 : i32
    %c0_i32_0 = arith.constant 0 : i32
    %c0_i32_1 = arith.constant 0 : i32
    return %c0_i32, %c0_i32_0 : i32, i32
  }
  func.func @transform_5(%arg0: i32) -> (i32, i32, i32) {
    %c0_i32 = arith.constant 0 : i32
    %c0_i32_0 = arith.constant 0 : i32
    %c0_i32_1 = arith.constant 0 : i32
    return %c0_i32, %arg0, %c0_i32_0 : i32, i32, i32
  }
}

module attributes {stable_mosaic.version = 14 : i64} {
  func.func @_score_body(%arg0: memref<6x2560x128xf32, #tpu.memory_space<vmem>>, %arg1: memref<6x2560x128xf32, #tpu.memory_space<vmem>>, %arg2: memref<2560xf32, #tpu.memory_space<vmem>>, %arg3: memref<768xf32, #tpu.memory_space<vmem>>, %arg4: memref<768x768xf32, #tpu.memory_space<vmem>>, %arg5: memref<768xf32, #tpu.memory_space<vmem>>, %arg6: memref<1xf32, #tpu.memory_space<smem>>, %arg7: memref<512xf32, #tpu.memory_space<vmem>>, %arg8: memref<512xf32, #tpu.memory_space<vmem>>) attributes {dimension_semantics = [], scalar_prefetch = 0 : i64, scratch_operands = 0 : i64, tpu.core_type = #tpu.core_type<tc>} {
    %get3A = arith.constant 0 : index
    %get3A_0 = arith.constant 0 : index
    %get3A_1 = arith.constant 0 : index
    %get3A_2 = vector.load %arg0[%get3A, %get3A_0, %get3A_1] : memref<6x2560x128xf32, #tpu.memory_space<vmem>>, vector<1x2560x128xf32>
    %get3A_3 = vector.shape_cast %get3A_2 : vector<1x2560x128xf32> to vector<2560x128xf32>
    %get3A_4 = arith.constant 0 : index
    %get3A_5 = arith.constant 0 : index
    %get3A_6 = arith.constant 0 : index
    %get3A_7 = vector.load %arg1[%get3A_4, %get3A_5, %get3A_6] : memref<6x2560x128xf32, #tpu.memory_space<vmem>>, vector<1x2560x128xf32>
    %get3A_8 = vector.shape_cast %get3A_7 : vector<1x2560x128xf32> to vector<2560x128xf32>
    %add3A = arith.addf %get3A_3, %get3A_8 : vector<2560x128xf32>
    %get3A_9 = arith.constant 1 : index
    %get3A_10 = arith.constant 0 : index
    %get3A_11 = arith.constant 0 : index
    %get3A_12 = vector.load %arg0[%get3A_9, %get3A_10, %get3A_11] : memref<6x2560x128xf32, #tpu.memory_space<vmem>>, vector<1x2560x128xf32>
    %get3A_13 = vector.shape_cast %get3A_12 : vector<1x2560x128xf32> to vector<2560x128xf32>
    %get3A_14 = arith.constant 1 : index
    %get3A_15 = arith.constant 0 : index
    %get3A_16 = arith.constant 0 : index
    %get3A_17 = vector.load %arg1[%get3A_14, %get3A_15, %get3A_16] : memref<6x2560x128xf32, #tpu.memory_space<vmem>>, vector<1x2560x128xf32>
    %get3A_18 = vector.shape_cast %get3A_17 : vector<1x2560x128xf32> to vector<2560x128xf32>
    %add3A_19 = arith.addf %get3A_13, %get3A_18 : vector<2560x128xf32>
    %get3A_20 = arith.constant 2 : index
    %get3A_21 = arith.constant 0 : index
    %get3A_22 = arith.constant 0 : index
    %get3A_23 = vector.load %arg0[%get3A_20, %get3A_21, %get3A_22] : memref<6x2560x128xf32, #tpu.memory_space<vmem>>, vector<1x2560x128xf32>
    %get3A_24 = vector.shape_cast %get3A_23 : vector<1x2560x128xf32> to vector<2560x128xf32>
    %get3A_25 = arith.constant 2 : index
    %get3A_26 = arith.constant 0 : index
    %get3A_27 = arith.constant 0 : index
    %get3A_28 = vector.load %arg1[%get3A_25, %get3A_26, %get3A_27] : memref<6x2560x128xf32, #tpu.memory_space<vmem>>, vector<1x2560x128xf32>
    %get3A_29 = vector.shape_cast %get3A_28 : vector<1x2560x128xf32> to vector<2560x128xf32>
    %add3A_30 = arith.addf %get3A_24, %get3A_29 : vector<2560x128xf32>
    %get3A_31 = arith.constant 3 : index
    %get3A_32 = arith.constant 0 : index
    %get3A_33 = arith.constant 0 : index
    %get3A_34 = vector.load %arg0[%get3A_31, %get3A_32, %get3A_33] : memref<6x2560x128xf32, #tpu.memory_space<vmem>>, vector<1x2560x128xf32>
    %get3A_35 = vector.shape_cast %get3A_34 : vector<1x2560x128xf32> to vector<2560x128xf32>
    %get3A_36 = arith.constant 3 : index
    %get3A_37 = arith.constant 0 : index
    %get3A_38 = arith.constant 0 : index
    %get3A_39 = vector.load %arg1[%get3A_36, %get3A_37, %get3A_38] : memref<6x2560x128xf32, #tpu.memory_space<vmem>>, vector<1x2560x128xf32>
    %get3A_40 = vector.shape_cast %get3A_39 : vector<1x2560x128xf32> to vector<2560x128xf32>
    %add3A_41 = arith.addf %get3A_35, %get3A_40 : vector<2560x128xf32>
    %get3A_42 = arith.constant 4 : index
    %get3A_43 = arith.constant 0 : index
    %get3A_44 = arith.constant 0 : index
    %get3A_45 = vector.load %arg0[%get3A_42, %get3A_43, %get3A_44] : memref<6x2560x128xf32, #tpu.memory_space<vmem>>, vector<1x2560x128xf32>
    %get3A_46 = vector.shape_cast %get3A_45 : vector<1x2560x128xf32> to vector<2560x128xf32>
    %get3A_47 = arith.constant 4 : index
    %get3A_48 = arith.constant 0 : index
    %get3A_49 = arith.constant 0 : index
    %get3A_50 = vector.load %arg1[%get3A_47, %get3A_48, %get3A_49] : memref<6x2560x128xf32, #tpu.memory_space<vmem>>, vector<1x2560x128xf32>
    %get3A_51 = vector.shape_cast %get3A_50 : vector<1x2560x128xf32> to vector<2560x128xf32>
    %add3A_52 = arith.addf %get3A_46, %get3A_51 : vector<2560x128xf32>
    %get3A_53 = arith.constant 5 : index
    %get3A_54 = arith.constant 0 : index
    %get3A_55 = arith.constant 0 : index
    %get3A_56 = vector.load %arg0[%get3A_53, %get3A_54, %get3A_55] : memref<6x2560x128xf32, #tpu.memory_space<vmem>>, vector<1x2560x128xf32>
    %get3A_57 = vector.shape_cast %get3A_56 : vector<1x2560x128xf32> to vector<2560x128xf32>
    %get3A_58 = arith.constant 5 : index
    %get3A_59 = arith.constant 0 : index
    %get3A_60 = arith.constant 0 : index
    %get3A_61 = vector.load %arg1[%get3A_58, %get3A_59, %get3A_60] : memref<6x2560x128xf32, #tpu.memory_space<vmem>>, vector<1x2560x128xf32>
    %get3A_62 = vector.shape_cast %get3A_61 : vector<1x2560x128xf32> to vector<2560x128xf32>
    %add3A_63 = arith.addf %get3A_57, %get3A_62 : vector<2560x128xf32>
    %concatenate3A = tpu.concatenate %add3A, %add3A_19, %add3A_30, %add3A_41, %add3A_52, %add3A_63 in 1 : vector<2560x128xf32>, vector<2560x128xf32>, vector<2560x128xf32>, vector<2560x128xf32>, vector<2560x128xf32>, vector<2560x128xf32> -> vector<2560x768xf32>
    %get3A_64 = arith.constant 0 : index
    %get3A_65 = vector.load %arg2[%get3A_64] : memref<2560xf32, #tpu.memory_space<vmem>>, vector<2560xf32>
    %broadcast_in_dim3A = vector.shape_cast %get3A_65 : vector<2560xf32> to vector<2560x1xf32>
    %mul3A = vector.broadcast %broadcast_in_dim3A : vector<2560x1xf32> to vector<2560x768xf32>
    %mul3A_66 = arith.mulf %concatenate3A, %mul3A : vector<2560x768xf32>
    %get3A_67 = arith.constant 0 : index
    %get3A_68 = vector.load %arg3[%get3A_67] : memref<768xf32, #tpu.memory_space<vmem>>, vector<768xf32>
    %broadcast_in_dim3A_69 = vector.shape_cast %get3A_68 : vector<768xf32> to vector<1x768xf32>
    %add3A_70 = vector.broadcast %broadcast_in_dim3A_69 : vector<1x768xf32> to vector<2560x768xf32>
    %add3A_71 = arith.addf %mul3A_66, %add3A_70 : vector<2560x768xf32>
    %get3A_72 = arith.constant 0 : index
    %get3A_73 = arith.constant 0 : index
    %get3A_74 = vector.load %arg4[%get3A_72, %get3A_73] : memref<768x768xf32, #tpu.memory_space<vmem>>, vector<768x768xf32>
    %dot_general3A = arith.constant dense<0.000000e+00> : vector<2560x768xf32>
    %dot_general3A_75 = tpu.matmul %add3A_71, %get3A_74, %dot_general3A {dimension_numbers = #tpu.dot_dimension_numbers<[1], [0], [0], [1], [0, 0, 1, 1], [], []>, transpose_lhs_hint = false} : vector<2560x768xf32>, vector<768x768xf32>, vector<2560x768xf32> -> vector<2560x768xf32>
    %get3A_76 = arith.constant 0 : index
    %get3A_77 = vector.load %arg5[%get3A_76] : memref<768xf32, #tpu.memory_space<vmem>>, vector<768xf32>
    %broadcast_in_dim3A_78 = vector.shape_cast %get3A_77 : vector<768xf32> to vector<1x768xf32>
    %mul3A_79 = vector.broadcast %broadcast_in_dim3A_78 : vector<1x768xf32> to vector<2560x768xf32>
    %mul3A_80 = arith.mulf %add3A_71, %mul3A_79 : vector<2560x768xf32>
    %reduce_sum3A = arith.constant dense<0.000000e+00> : vector<2560xf32>
    %reduce_sum3A_81 = vector.multi_reduction <add>, %mul3A_80, %reduce_sum3A [1] : vector<2560x768xf32> to vector<2560xf32>
    %broadcast_in_dim3A_82 = vector.shape_cast %reduce_sum3A_81 : vector<2560xf32> to vector<2560x1xf32>
    %mul3A_83 = arith.mulf %dot_general3A_75, %add3A_71 : vector<2560x768xf32>
    %reduce_sum3A_84 = arith.constant dense<0.000000e+00> : vector<2560xf32>
    %reduce_sum3A_85 = vector.multi_reduction <add>, %mul3A_83, %reduce_sum3A_84 [1] : vector<2560x768xf32> to vector<2560xf32>
    %broadcast_in_dim3A_86 = vector.shape_cast %reduce_sum3A_85 : vector<2560xf32> to vector<2560x1xf32>
    %get3A_87 = arith.constant 0 : index
    %get3A_88 = memref.load %arg6[%get3A_87] : memref<1xf32, #tpu.memory_space<smem>>
    %iota3A = tpu.iota {dimensions = array<i32: 0>} : vector<512x1024xi32>
    %iota3A_89 = tpu.iota {dimensions = array<i32: 1>} : vector<512x1024xi32>
    %jit3A = arith.constant 2 : i32
    %div3A = vector.broadcast %jit3A : i32 to vector<512x1024xi32>
    %div3A_90 = arith.divsi %iota3A_89, %div3A : vector<512x1024xi32>
    %sign3A = arith.constant 0 : i32
    %sign3A_91 = vector.broadcast %sign3A : i32 to vector<512x1024xi32>
    %sign3A_92 = arith.cmpi sgt, %iota3A_89, %sign3A_91 : vector<512x1024xi32>
    %sign3A_93 = arith.extui %sign3A_92 : vector<512x1024xi1> to vector<512x1024xi32>
    %sign3A_94 = arith.constant 0 : i32
    %sign3A_95 = vector.broadcast %sign3A_94 : i32 to vector<512x1024xi32>
    %sign3A_96 = arith.cmpi slt, %iota3A_89, %sign3A_95 : vector<512x1024xi32>
    %sign3A_97 = arith.extui %sign3A_96 : vector<512x1024xi1> to vector<512x1024xi32>
    %sign3A_98 = arith.subi %sign3A_93, %sign3A_97 : vector<512x1024xi32>
    %sign3A_99 = arith.constant 0 : i32
    %sign3A_100 = arith.cmpi sgt, %jit3A, %sign3A_99 : i32
    %sign3A_101 = arith.extui %sign3A_100 : i1 to i32
    %sign3A_102 = arith.constant 0 : i32
    %sign3A_103 = arith.cmpi slt, %jit3A, %sign3A_102 : i32
    %sign3A_104 = arith.extui %sign3A_103 : i1 to i32
    %sign3A_105 = arith.subi %sign3A_101, %sign3A_104 : i32
    %ne3A = vector.broadcast %sign3A_105 : i32 to vector<512x1024xi32>
    %ne3A_106 = arith.cmpi ne, %sign3A_98, %ne3A : vector<512x1024xi32>
    %rem3A = vector.broadcast %jit3A : i32 to vector<512x1024xi32>
    %rem3A_107 = arith.remsi %iota3A_89, %rem3A : vector<512x1024xi32>
    %ne3A_108 = arith.constant 0 : i32
    %ne3A_109 = vector.broadcast %ne3A_108 : i32 to vector<512x1024xi32>
    %ne3A_110 = arith.cmpi ne, %rem3A_107, %ne3A_109 : vector<512x1024xi32>
    %and3A = arith.andi %ne3A_106, %ne3A_110 : vector<512x1024xi1>
    %sub3A = arith.constant 1 : i32
    %sub3A_111 = vector.broadcast %sub3A : i32 to vector<512x1024xi32>
    %sub3A_112 = arith.subi %div3A_90, %sub3A_111 : vector<512x1024xi32>
    %select_n3A = arith.select %and3A, %sub3A_112, %div3A_90 : vector<512x1024xi1>, vector<512x1024xi32>
    %eq3A = arith.cmpi eq, %select_n3A, %iota3A : vector<512x1024xi32>
    %convert_element_type3A = arith.extui %eq3A : vector<512x1024xi1> to vector<512x1024xi32>
    %convert_element_type3A_113 = arith.sitofp %convert_element_type3A : vector<512x1024xi32> to vector<512x1024xf32>
    %slice3A = vector.extract_strided_slice %add3A_71 {offsets = [0, 0], sizes = [1024, 768], strides = [1, 1]} : vector<2560x768xf32> to vector<1024x768xf32>
    %dot_general3A_114 = arith.constant dense<0.000000e+00> : vector<512x768xf32>
    %dot_general3A_115 = tpu.matmul %convert_element_type3A_113, %slice3A, %dot_general3A_114 {dimension_numbers = #tpu.dot_dimension_numbers<[1], [0], [0], [1], [0, 0, 1, 1], [], []>, transpose_lhs_hint = false} : vector<512x1024xf32>, vector<1024x768xf32>, vector<512x768xf32> -> vector<512x768xf32>
    %iota3A_116 = tpu.iota {dimensions = array<i32: 0>} : vector<512x1024xi32>
    %iota3A_117 = tpu.iota {dimensions = array<i32: 1>} : vector<512x1024xi32>
    %jit3A_118 = arith.constant 2 : i32
    %div3A_119 = vector.broadcast %jit3A_118 : i32 to vector<512x1024xi32>
    %div3A_120 = arith.divsi %iota3A_117, %div3A_119 : vector<512x1024xi32>
    %sign3A_121 = arith.constant 0 : i32
    %sign3A_122 = vector.broadcast %sign3A_121 : i32 to vector<512x1024xi32>
    %sign3A_123 = arith.cmpi sgt, %iota3A_117, %sign3A_122 : vector<512x1024xi32>
    %sign3A_124 = arith.extui %sign3A_123 : vector<512x1024xi1> to vector<512x1024xi32>
    %sign3A_125 = arith.constant 0 : i32
    %sign3A_126 = vector.broadcast %sign3A_125 : i32 to vector<512x1024xi32>
    %sign3A_127 = arith.cmpi slt, %iota3A_117, %sign3A_126 : vector<512x1024xi32>
    %sign3A_128 = arith.extui %sign3A_127 : vector<512x1024xi1> to vector<512x1024xi32>
    %sign3A_129 = arith.subi %sign3A_124, %sign3A_128 : vector<512x1024xi32>
    %sign3A_130 = arith.constant 0 : i32
    %sign3A_131 = arith.cmpi sgt, %jit3A_118, %sign3A_130 : i32
    %sign3A_132 = arith.extui %sign3A_131 : i1 to i32
    %sign3A_133 = arith.constant 0 : i32
    %sign3A_134 = arith.cmpi slt, %jit3A_118, %sign3A_133 : i32
    %sign3A_135 = arith.extui %sign3A_134 : i1 to i32
    %sign3A_136 = arith.subi %sign3A_132, %sign3A_135 : i32
    %ne3A_137 = vector.broadcast %sign3A_136 : i32 to vector<512x1024xi32>
    %ne3A_138 = arith.cmpi ne, %sign3A_129, %ne3A_137 : vector<512x1024xi32>
    %rem3A_139 = vector.broadcast %jit3A_118 : i32 to vector<512x1024xi32>
    %rem3A_140 = arith.remsi %iota3A_117, %rem3A_139 : vector<512x1024xi32>
    %ne3A_141 = arith.constant 0 : i32
    %ne3A_142 = vector.broadcast %ne3A_141 : i32 to vector<512x1024xi32>
    %ne3A_143 = arith.cmpi ne, %rem3A_140, %ne3A_142 : vector<512x1024xi32>
    %and3A_144 = arith.andi %ne3A_138, %ne3A_143 : vector<512x1024xi1>
    %sub3A_145 = arith.constant 1 : i32
    %sub3A_146 = vector.broadcast %sub3A_145 : i32 to vector<512x1024xi32>
    %sub3A_147 = arith.subi %div3A_120, %sub3A_146 : vector<512x1024xi32>
    %select_n3A_148 = arith.select %and3A_144, %sub3A_147, %div3A_120 : vector<512x1024xi1>, vector<512x1024xi32>
    %eq3A_149 = arith.cmpi eq, %select_n3A_148, %iota3A_116 : vector<512x1024xi32>
    %convert_element_type3A_150 = arith.extui %eq3A_149 : vector<512x1024xi1> to vector<512x1024xi32>
    %convert_element_type3A_151 = arith.sitofp %convert_element_type3A_150 : vector<512x1024xi32> to vector<512x1024xf32>
    %slice3A_152 = vector.extract_strided_slice %dot_general3A_75 {offsets = [0, 0], sizes = [1024, 768], strides = [1, 1]} : vector<2560x768xf32> to vector<1024x768xf32>
    %dot_general3A_153 = arith.constant dense<0.000000e+00> : vector<512x768xf32>
    %dot_general3A_154 = tpu.matmul %convert_element_type3A_151, %slice3A_152, %dot_general3A_153 {dimension_numbers = #tpu.dot_dimension_numbers<[1], [0], [0], [1], [0, 0, 1, 1], [], []>, transpose_lhs_hint = false} : vector<512x1024xf32>, vector<1024x768xf32>, vector<512x768xf32> -> vector<512x768xf32>
    %mul3A_155 = arith.mulf %dot_general3A_154, %dot_general3A_115 : vector<512x768xf32>
    %reduce_sum3A_156 = arith.constant dense<0.000000e+00> : vector<512xf32>
    %reduce_sum3A_157 = vector.multi_reduction <add>, %mul3A_155, %reduce_sum3A_156 [1] : vector<512x768xf32> to vector<512xf32>
    %iota3A_158 = tpu.iota {dimensions = array<i32: 0>} : vector<512x1024xi32>
    %iota3A_159 = tpu.iota {dimensions = array<i32: 1>} : vector<512x1024xi32>
    %jit3A_160 = arith.constant 2 : i32
    %div3A_161 = vector.broadcast %jit3A_160 : i32 to vector<512x1024xi32>
    %div3A_162 = arith.divsi %iota3A_159, %div3A_161 : vector<512x1024xi32>
    %sign3A_163 = arith.constant 0 : i32
    %sign3A_164 = vector.broadcast %sign3A_163 : i32 to vector<512x1024xi32>
    %sign3A_165 = arith.cmpi sgt, %iota3A_159, %sign3A_164 : vector<512x1024xi32>
    %sign3A_166 = arith.extui %sign3A_165 : vector<512x1024xi1> to vector<512x1024xi32>
    %sign3A_167 = arith.constant 0 : i32
    %sign3A_168 = vector.broadcast %sign3A_167 : i32 to vector<512x1024xi32>
    %sign3A_169 = arith.cmpi slt, %iota3A_159, %sign3A_168 : vector<512x1024xi32>
    %sign3A_170 = arith.extui %sign3A_169 : vector<512x1024xi1> to vector<512x1024xi32>
    %sign3A_171 = arith.subi %sign3A_166, %sign3A_170 : vector<512x1024xi32>
    %sign3A_172 = arith.constant 0 : i32
    %sign3A_173 = arith.cmpi sgt, %jit3A_160, %sign3A_172 : i32
    %sign3A_174 = arith.extui %sign3A_173 : i1 to i32
    %sign3A_175 = arith.constant 0 : i32
    %sign3A_176 = arith.cmpi slt, %jit3A_160, %sign3A_175 : i32
    %sign3A_177 = arith.extui %sign3A_176 : i1 to i32
    %sign3A_178 = arith.subi %sign3A_174, %sign3A_177 : i32
    %ne3A_179 = vector.broadcast %sign3A_178 : i32 to vector<512x1024xi32>
    %ne3A_180 = arith.cmpi ne, %sign3A_171, %ne3A_179 : vector<512x1024xi32>
    %rem3A_181 = vector.broadcast %jit3A_160 : i32 to vector<512x1024xi32>
    %rem3A_182 = arith.remsi %iota3A_159, %rem3A_181 : vector<512x1024xi32>
    %ne3A_183 = arith.constant 0 : i32
    %ne3A_184 = vector.broadcast %ne3A_183 : i32 to vector<512x1024xi32>
    %ne3A_185 = arith.cmpi ne, %rem3A_182, %ne3A_184 : vector<512x1024xi32>
    %and3A_186 = arith.andi %ne3A_180, %ne3A_185 : vector<512x1024xi1>
    %sub3A_187 = arith.constant 1 : i32
    %sub3A_188 = vector.broadcast %sub3A_187 : i32 to vector<512x1024xi32>
    %sub3A_189 = arith.subi %div3A_162, %sub3A_188 : vector<512x1024xi32>
    %select_n3A_190 = arith.select %and3A_186, %sub3A_189, %div3A_162 : vector<512x1024xi1>, vector<512x1024xi32>
    %eq3A_191 = arith.cmpi eq, %select_n3A_190, %iota3A_158 : vector<512x1024xi32>
    %convert_element_type3A_192 = arith.extui %eq3A_191 : vector<512x1024xi1> to vector<512x1024xi32>
    %convert_element_type3A_193 = arith.sitofp %convert_element_type3A_192 : vector<512x1024xi32> to vector<512x1024xf32>
    %slice3A_194 = vector.extract_strided_slice %broadcast_in_dim3A_86 {offsets = [0, 0], sizes = [1024, 1], strides = [1, 1]} : vector<2560x1xf32> to vector<1024x1xf32>
    %dot_general3A_195 = arith.constant dense<0.000000e+00> : vector<512x1xf32>
    %dot_general3A_196 = tpu.matmul %convert_element_type3A_193, %slice3A_194, %dot_general3A_195 {dimension_numbers = #tpu.dot_dimension_numbers<[1], [0], [0], [1], [0, 0, 1, 1], [], []>, transpose_lhs_hint = false} : vector<512x1024xf32>, vector<1024x1xf32>, vector<512x1xf32> -> vector<512x1xf32>
    %squeeze3A = vector.shape_cast %dot_general3A_196 : vector<512x1xf32> to vector<512xf32>
    %iota3A_197 = tpu.iota {dimensions = array<i32: 0>} : vector<512x1024xi32>
    %iota3A_198 = tpu.iota {dimensions = array<i32: 1>} : vector<512x1024xi32>
    %jit3A_199 = arith.constant 2 : i32
    %div3A_200 = vector.broadcast %jit3A_199 : i32 to vector<512x1024xi32>
    %div3A_201 = arith.divsi %iota3A_198, %div3A_200 : vector<512x1024xi32>
    %sign3A_202 = arith.constant 0 : i32
    %sign3A_203 = vector.broadcast %sign3A_202 : i32 to vector<512x1024xi32>
    %sign3A_204 = arith.cmpi sgt, %iota3A_198, %sign3A_203 : vector<512x1024xi32>
    %sign3A_205 = arith.extui %sign3A_204 : vector<512x1024xi1> to vector<512x1024xi32>
    %sign3A_206 = arith.constant 0 : i32
    %sign3A_207 = vector.broadcast %sign3A_206 : i32 to vector<512x1024xi32>
    %sign3A_208 = arith.cmpi slt, %iota3A_198, %sign3A_207 : vector<512x1024xi32>
    %sign3A_209 = arith.extui %sign3A_208 : vector<512x1024xi1> to vector<512x1024xi32>
    %sign3A_210 = arith.subi %sign3A_205, %sign3A_209 : vector<512x1024xi32>
    %sign3A_211 = arith.constant 0 : i32
    %sign3A_212 = arith.cmpi sgt, %jit3A_199, %sign3A_211 : i32
    %sign3A_213 = arith.extui %sign3A_212 : i1 to i32
    %sign3A_214 = arith.constant 0 : i32
    %sign3A_215 = arith.cmpi slt, %jit3A_199, %sign3A_214 : i32
    %sign3A_216 = arith.extui %sign3A_215 : i1 to i32
    %sign3A_217 = arith.subi %sign3A_213, %sign3A_216 : i32
    %ne3A_218 = vector.broadcast %sign3A_217 : i32 to vector<512x1024xi32>
    %ne3A_219 = arith.cmpi ne, %sign3A_210, %ne3A_218 : vector<512x1024xi32>
    %rem3A_220 = vector.broadcast %jit3A_199 : i32 to vector<512x1024xi32>
    %rem3A_221 = arith.remsi %iota3A_198, %rem3A_220 : vector<512x1024xi32>
    %ne3A_222 = arith.constant 0 : i32
    %ne3A_223 = vector.broadcast %ne3A_222 : i32 to vector<512x1024xi32>
    %ne3A_224 = arith.cmpi ne, %rem3A_221, %ne3A_223 : vector<512x1024xi32>
    %and3A_225 = arith.andi %ne3A_219, %ne3A_224 : vector<512x1024xi1>
    %sub3A_226 = arith.constant 1 : i32
    %sub3A_227 = vector.broadcast %sub3A_226 : i32 to vector<512x1024xi32>
    %sub3A_228 = arith.subi %div3A_201, %sub3A_227 : vector<512x1024xi32>
    %select_n3A_229 = arith.select %and3A_225, %sub3A_228, %div3A_201 : vector<512x1024xi1>, vector<512x1024xi32>
    %eq3A_230 = arith.cmpi eq, %select_n3A_229, %iota3A_197 : vector<512x1024xi32>
    %convert_element_type3A_231 = arith.extui %eq3A_230 : vector<512x1024xi1> to vector<512x1024xi32>
    %convert_element_type3A_232 = arith.sitofp %convert_element_type3A_231 : vector<512x1024xi32> to vector<512x1024xf32>
    %slice3A_233 = vector.extract_strided_slice %broadcast_in_dim3A_82 {offsets = [0, 0], sizes = [1024, 1], strides = [1, 1]} : vector<2560x1xf32> to vector<1024x1xf32>
    %dot_general3A_234 = arith.constant dense<0.000000e+00> : vector<512x1xf32>
    %dot_general3A_235 = tpu.matmul %convert_element_type3A_232, %slice3A_233, %dot_general3A_234 {dimension_numbers = #tpu.dot_dimension_numbers<[1], [0], [0], [1], [0, 0, 1, 1], [], []>, transpose_lhs_hint = false} : vector<512x1024xf32>, vector<1024x1xf32>, vector<512x1xf32> -> vector<512x1xf32>
    %squeeze3A_236 = vector.shape_cast %dot_general3A_235 : vector<512x1xf32> to vector<512xf32>
    %div3A_237 = arith.constant 2.000000e+00 : f32
    %div3A_238 = vector.broadcast %div3A_237 : f32 to vector<512xf32>
    %div3A_239 = arith.divf %squeeze3A_236, %div3A_238 : vector<512xf32>
    %sub3A_240 = arith.subf %reduce_sum3A_157, %squeeze3A : vector<512xf32>
    %div3A_241 = arith.constant 2.000000e+00 : f32
    %div3A_242 = vector.broadcast %div3A_241 : f32 to vector<512xf32>
    %div3A_243 = arith.divf %sub3A_240, %div3A_242 : vector<512xf32>
    %add3A_244 = arith.addf %div3A_239, %div3A_243 : vector<512xf32>
    %add3A_245 = vector.broadcast %get3A_88 : f32 to vector<512xf32>
    %add3A_246 = arith.addf %add3A_244, %add3A_245 : vector<512xf32>
    %neg3A = arith.constant 0.000000e+00 : f32
    %neg3A_247 = vector.broadcast %neg3A : f32 to vector<512xf32>
    %neg3A_248 = arith.subf %neg3A_247, %add3A_246 : vector<512xf32>
    %exp3A = math.exp %neg3A_248 : vector<512xf32>
    %add3A_249 = arith.constant 1.000000e+00 : f32
    %add3A_250 = vector.broadcast %add3A_249 : f32 to vector<512xf32>
    %add3A_251 = arith.addf %add3A_250, %exp3A : vector<512xf32>
    %div3A_252 = arith.constant 1.000000e+00 : f32
    %div3A_253 = vector.broadcast %div3A_252 : f32 to vector<512xf32>
    %div3A_254 = arith.divf %div3A_253, %add3A_251 : vector<512xf32>
    %swap3A = arith.constant 0 : index
    %swap3A_255 = vector.load %arg7[%swap3A] : memref<512xf32, #tpu.memory_space<vmem>>, vector<512xf32>
    tpu.vector_store %arg7[%swap3A], %div3A_254 {strides = array<i32>} : memref<512xf32, #tpu.memory_space<vmem>>, vector<512xf32>,
    %iota3A_256 = tpu.iota {dimensions = array<i32: 0>} : vector<512x1536xi32>
    %iota3A_257 = tpu.iota {dimensions = array<i32: 1>} : vector<512x1536xi32>
    %jit3A_258 = arith.constant 3 : i32
    %div3A_259 = vector.broadcast %jit3A_258 : i32 to vector<512x1536xi32>
    %div3A_260 = arith.divsi %iota3A_257, %div3A_259 : vector<512x1536xi32>
    %sign3A_261 = arith.constant 0 : i32
    %sign3A_262 = vector.broadcast %sign3A_261 : i32 to vector<512x1536xi32>
    %sign3A_263 = arith.cmpi sgt, %iota3A_257, %sign3A_262 : vector<512x1536xi32>
    %sign3A_264 = arith.extui %sign3A_263 : vector<512x1536xi1> to vector<512x1536xi32>
    %sign3A_265 = arith.constant 0 : i32
    %sign3A_266 = vector.broadcast %sign3A_265 : i32 to vector<512x1536xi32>
    %sign3A_267 = arith.cmpi slt, %iota3A_257, %sign3A_266 : vector<512x1536xi32>
    %sign3A_268 = arith.extui %sign3A_267 : vector<512x1536xi1> to vector<512x1536xi32>
    %sign3A_269 = arith.subi %sign3A_264, %sign3A_268 : vector<512x1536xi32>
    %sign3A_270 = arith.constant 0 : i32
    %sign3A_271 = arith.cmpi sgt, %jit3A_258, %sign3A_270 : i32
    %sign3A_272 = arith.extui %sign3A_271 : i1 to i32
    %sign3A_273 = arith.constant 0 : i32
    %sign3A_274 = arith.cmpi slt, %jit3A_258, %sign3A_273 : i32
    %sign3A_275 = arith.extui %sign3A_274 : i1 to i32
    %sign3A_276 = arith.subi %sign3A_272, %sign3A_275 : i32
    %ne3A_277 = vector.broadcast %sign3A_276 : i32 to vector<512x1536xi32>
    %ne3A_278 = arith.cmpi ne, %sign3A_269, %ne3A_277 : vector<512x1536xi32>
    %rem3A_279 = vector.broadcast %jit3A_258 : i32 to vector<512x1536xi32>
    %rem3A_280 = arith.remsi %iota3A_257, %rem3A_279 : vector<512x1536xi32>
    %ne3A_281 = arith.constant 0 : i32
    %ne3A_282 = vector.broadcast %ne3A_281 : i32 to vector<512x1536xi32>
    %ne3A_283 = arith.cmpi ne, %rem3A_280, %ne3A_282 : vector<512x1536xi32>
    %and3A_284 = arith.andi %ne3A_278, %ne3A_283 : vector<512x1536xi1>
    %sub3A_285 = arith.constant 1 : i32
    %sub3A_286 = vector.broadcast %sub3A_285 : i32 to vector<512x1536xi32>
    %sub3A_287 = arith.subi %div3A_260, %sub3A_286 : vector<512x1536xi32>
    %select_n3A_288 = arith.select %and3A_284, %sub3A_287, %div3A_260 : vector<512x1536xi1>, vector<512x1536xi32>
    %eq3A_289 = arith.cmpi eq, %select_n3A_288, %iota3A_256 : vector<512x1536xi32>
    %convert_element_type3A_290 = arith.extui %eq3A_289 : vector<512x1536xi1> to vector<512x1536xi32>
    %convert_element_type3A_291 = arith.sitofp %convert_element_type3A_290 : vector<512x1536xi32> to vector<512x1536xf32>
    %slice3A_292 = vector.extract_strided_slice %add3A_71 {offsets = [1024, 0], sizes = [1536, 768], strides = [1, 1]} : vector<2560x768xf32> to vector<1536x768xf32>
    %dot_general3A_293 = arith.constant dense<0.000000e+00> : vector<512x768xf32>
    %dot_general3A_294 = tpu.matmul %convert_element_type3A_291, %slice3A_292, %dot_general3A_293 {dimension_numbers = #tpu.dot_dimension_numbers<[1], [0], [0], [1], [0, 0, 1, 1], [], []>, transpose_lhs_hint = false} : vector<512x1536xf32>, vector<1536x768xf32>, vector<512x768xf32> -> vector<512x768xf32>
    %iota3A_295 = tpu.iota {dimensions = array<i32: 0>} : vector<512x1536xi32>
    %iota3A_296 = tpu.iota {dimensions = array<i32: 1>} : vector<512x1536xi32>
    %jit3A_297 = arith.constant 3 : i32
    %div3A_298 = vector.broadcast %jit3A_297 : i32 to vector<512x1536xi32>
    %div3A_299 = arith.divsi %iota3A_296, %div3A_298 : vector<512x1536xi32>
    %sign3A_300 = arith.constant 0 : i32
    %sign3A_301 = vector.broadcast %sign3A_300 : i32 to vector<512x1536xi32>
    %sign3A_302 = arith.cmpi sgt, %iota3A_296, %sign3A_301 : vector<512x1536xi32>
    %sign3A_303 = arith.extui %sign3A_302 : vector<512x1536xi1> to vector<512x1536xi32>
    %sign3A_304 = arith.constant 0 : i32
    %sign3A_305 = vector.broadcast %sign3A_304 : i32 to vector<512x1536xi32>
    %sign3A_306 = arith.cmpi slt, %iota3A_296, %sign3A_305 : vector<512x1536xi32>
    %sign3A_307 = arith.extui %sign3A_306 : vector<512x1536xi1> to vector<512x1536xi32>
    %sign3A_308 = arith.subi %sign3A_303, %sign3A_307 : vector<512x1536xi32>
    %sign3A_309 = arith.constant 0 : i32
    %sign3A_310 = arith.cmpi sgt, %jit3A_297, %sign3A_309 : i32
    %sign3A_311 = arith.extui %sign3A_310 : i1 to i32
    %sign3A_312 = arith.constant 0 : i32
    %sign3A_313 = arith.cmpi slt, %jit3A_297, %sign3A_312 : i32
    %sign3A_314 = arith.extui %sign3A_313 : i1 to i32
    %sign3A_315 = arith.subi %sign3A_311, %sign3A_314 : i32
    %ne3A_316 = vector.broadcast %sign3A_315 : i32 to vector<512x1536xi32>
    %ne3A_317 = arith.cmpi ne, %sign3A_308, %ne3A_316 : vector<512x1536xi32>
    %rem3A_318 = vector.broadcast %jit3A_297 : i32 to vector<512x1536xi32>
    %rem3A_319 = arith.remsi %iota3A_296, %rem3A_318 : vector<512x1536xi32>
    %ne3A_320 = arith.constant 0 : i32
    %ne3A_321 = vector.broadcast %ne3A_320 : i32 to vector<512x1536xi32>
    %ne3A_322 = arith.cmpi ne, %rem3A_319, %ne3A_321 : vector<512x1536xi32>
    %and3A_323 = arith.andi %ne3A_317, %ne3A_322 : vector<512x1536xi1>
    %sub3A_324 = arith.constant 1 : i32
    %sub3A_325 = vector.broadcast %sub3A_324 : i32 to vector<512x1536xi32>
    %sub3A_326 = arith.subi %div3A_299, %sub3A_325 : vector<512x1536xi32>
    %select_n3A_327 = arith.select %and3A_323, %sub3A_326, %div3A_299 : vector<512x1536xi1>, vector<512x1536xi32>
    %eq3A_328 = arith.cmpi eq, %select_n3A_327, %iota3A_295 : vector<512x1536xi32>
    %convert_element_type3A_329 = arith.extui %eq3A_328 : vector<512x1536xi1> to vector<512x1536xi32>
    %convert_element_type3A_330 = arith.sitofp %convert_element_type3A_329 : vector<512x1536xi32> to vector<512x1536xf32>
    %slice3A_331 = vector.extract_strided_slice %dot_general3A_75 {offsets = [1024, 0], sizes = [1536, 768], strides = [1, 1]} : vector<2560x768xf32> to vector<1536x768xf32>
    %dot_general3A_332 = arith.constant dense<0.000000e+00> : vector<512x768xf32>
    %dot_general3A_333 = tpu.matmul %convert_element_type3A_330, %slice3A_331, %dot_general3A_332 {dimension_numbers = #tpu.dot_dimension_numbers<[1], [0], [0], [1], [0, 0, 1, 1], [], []>, transpose_lhs_hint = false} : vector<512x1536xf32>, vector<1536x768xf32>, vector<512x768xf32> -> vector<512x768xf32>
    %mul3A_334 = arith.mulf %dot_general3A_333, %dot_general3A_294 : vector<512x768xf32>
    %reduce_sum3A_335 = arith.constant dense<0.000000e+00> : vector<512xf32>
    %reduce_sum3A_336 = vector.multi_reduction <add>, %mul3A_334, %reduce_sum3A_335 [1] : vector<512x768xf32> to vector<512xf32>
    %iota3A_337 = tpu.iota {dimensions = array<i32: 0>} : vector<512x1536xi32>
    %iota3A_338 = tpu.iota {dimensions = array<i32: 1>} : vector<512x1536xi32>
    %jit3A_339 = arith.constant 3 : i32
    %div3A_340 = vector.broadcast %jit3A_339 : i32 to vector<512x1536xi32>
    %div3A_341 = arith.divsi %iota3A_338, %div3A_340 : vector<512x1536xi32>
    %sign3A_342 = arith.constant 0 : i32
    %sign3A_343 = vector.broadcast %sign3A_342 : i32 to vector<512x1536xi32>
    %sign3A_344 = arith.cmpi sgt, %iota3A_338, %sign3A_343 : vector<512x1536xi32>
    %sign3A_345 = arith.extui %sign3A_344 : vector<512x1536xi1> to vector<512x1536xi32>
    %sign3A_346 = arith.constant 0 : i32
    %sign3A_347 = vector.broadcast %sign3A_346 : i32 to vector<512x1536xi32>
    %sign3A_348 = arith.cmpi slt, %iota3A_338, %sign3A_347 : vector<512x1536xi32>
    %sign3A_349 = arith.extui %sign3A_348 : vector<512x1536xi1> to vector<512x1536xi32>
    %sign3A_350 = arith.subi %sign3A_345, %sign3A_349 : vector<512x1536xi32>
    %sign3A_351 = arith.constant 0 : i32
    %sign3A_352 = arith.cmpi sgt, %jit3A_339, %sign3A_351 : i32
    %sign3A_353 = arith.extui %sign3A_352 : i1 to i32
    %sign3A_354 = arith.constant 0 : i32
    %sign3A_355 = arith.cmpi slt, %jit3A_339, %sign3A_354 : i32
    %sign3A_356 = arith.extui %sign3A_355 : i1 to i32
    %sign3A_357 = arith.subi %sign3A_353, %sign3A_356 : i32
    %ne3A_358 = vector.broadcast %sign3A_357 : i32 to vector<512x1536xi32>
    %ne3A_359 = arith.cmpi ne, %sign3A_350, %ne3A_358 : vector<512x1536xi32>
    %rem3A_360 = vector.broadcast %jit3A_339 : i32 to vector<512x1536xi32>
    %rem3A_361 = arith.remsi %iota3A_338, %rem3A_360 : vector<512x1536xi32>
    %ne3A_362 = arith.constant 0 : i32
    %ne3A_363 = vector.broadcast %ne3A_362 : i32 to vector<512x1536xi32>
    %ne3A_364 = arith.cmpi ne, %rem3A_361, %ne3A_363 : vector<512x1536xi32>
    %and3A_365 = arith.andi %ne3A_359, %ne3A_364 : vector<512x1536xi1>
    %sub3A_366 = arith.constant 1 : i32
    %sub3A_367 = vector.broadcast %sub3A_366 : i32 to vector<512x1536xi32>
    %sub3A_368 = arith.subi %div3A_341, %sub3A_367 : vector<512x1536xi32>
    %select_n3A_369 = arith.select %and3A_365, %sub3A_368, %div3A_341 : vector<512x1536xi1>, vector<512x1536xi32>
    %eq3A_370 = arith.cmpi eq, %select_n3A_369, %iota3A_337 : vector<512x1536xi32>
    %convert_element_type3A_371 = arith.extui %eq3A_370 : vector<512x1536xi1> to vector<512x1536xi32>
    %convert_element_type3A_372 = arith.sitofp %convert_element_type3A_371 : vector<512x1536xi32> to vector<512x1536xf32>
    %slice3A_373 = vector.extract_strided_slice %broadcast_in_dim3A_86 {offsets = [1024, 0], sizes = [1536, 1], strides = [1, 1]} : vector<2560x1xf32> to vector<1536x1xf32>
    %dot_general3A_374 = arith.constant dense<0.000000e+00> : vector<512x1xf32>
    %dot_general3A_375 = tpu.matmul %convert_element_type3A_372, %slice3A_373, %dot_general3A_374 {dimension_numbers = #tpu.dot_dimension_numbers<[1], [0], [0], [1], [0, 0, 1, 1], [], []>, transpose_lhs_hint = false} : vector<512x1536xf32>, vector<1536x1xf32>, vector<512x1xf32> -> vector<512x1xf32>
    %squeeze3A_376 = vector.shape_cast %dot_general3A_375 : vector<512x1xf32> to vector<512xf32>
    %iota3A_377 = tpu.iota {dimensions = array<i32: 0>} : vector<512x1536xi32>
    %iota3A_378 = tpu.iota {dimensions = array<i32: 1>} : vector<512x1536xi32>
    %jit3A_379 = arith.constant 3 : i32
    %div3A_380 = vector.broadcast %jit3A_379 : i32 to vector<512x1536xi32>
    %div3A_381 = arith.divsi %iota3A_378, %div3A_380 : vector<512x1536xi32>
    %sign3A_382 = arith.constant 0 : i32
    %sign3A_383 = vector.broadcast %sign3A_382 : i32 to vector<512x1536xi32>
    %sign3A_384 = arith.cmpi sgt, %iota3A_378, %sign3A_383 : vector<512x1536xi32>
    %sign3A_385 = arith.extui %sign3A_384 : vector<512x1536xi1> to vector<512x1536xi32>
    %sign3A_386 = arith.constant 0 : i32
    %sign3A_387 = vector.broadcast %sign3A_386 : i32 to vector<512x1536xi32>
    %sign3A_388 = arith.cmpi slt, %iota3A_378, %sign3A_387 : vector<512x1536xi32>
    %sign3A_389 = arith.extui %sign3A_388 : vector<512x1536xi1> to vector<512x1536xi32>
    %sign3A_390 = arith.subi %sign3A_385, %sign3A_389 : vector<512x1536xi32>
    %sign3A_391 = arith.constant 0 : i32
    %sign3A_392 = arith.cmpi sgt, %jit3A_379, %sign3A_391 : i32
    %sign3A_393 = arith.extui %sign3A_392 : i1 to i32
    %sign3A_394 = arith.constant 0 : i32
    %sign3A_395 = arith.cmpi slt, %jit3A_379, %sign3A_394 : i32
    %sign3A_396 = arith.extui %sign3A_395 : i1 to i32
    %sign3A_397 = arith.subi %sign3A_393, %sign3A_396 : i32
    %ne3A_398 = vector.broadcast %sign3A_397 : i32 to vector<512x1536xi32>
    %ne3A_399 = arith.cmpi ne, %sign3A_390, %ne3A_398 : vector<512x1536xi32>
    %rem3A_400 = vector.broadcast %jit3A_379 : i32 to vector<512x1536xi32>
    %rem3A_401 = arith.remsi %iota3A_378, %rem3A_400 : vector<512x1536xi32>
    %ne3A_402 = arith.constant 0 : i32
    %ne3A_403 = vector.broadcast %ne3A_402 : i32 to vector<512x1536xi32>
    %ne3A_404 = arith.cmpi ne, %rem3A_401, %ne3A_403 : vector<512x1536xi32>
    %and3A_405 = arith.andi %ne3A_399, %ne3A_404 : vector<512x1536xi1>
    %sub3A_406 = arith.constant 1 : i32
    %sub3A_407 = vector.broadcast %sub3A_406 : i32 to vector<512x1536xi32>
    %sub3A_408 = arith.subi %div3A_381, %sub3A_407 : vector<512x1536xi32>
    %select_n3A_409 = arith.select %and3A_405, %sub3A_408, %div3A_381 : vector<512x1536xi1>, vector<512x1536xi32>
    %eq3A_410 = arith.cmpi eq, %select_n3A_409, %iota3A_377 : vector<512x1536xi32>
    %convert_element_type3A_411 = arith.extui %eq3A_410 : vector<512x1536xi1> to vector<512x1536xi32>
    %convert_element_type3A_412 = arith.sitofp %convert_element_type3A_411 : vector<512x1536xi32> to vector<512x1536xf32>
    %slice3A_413 = vector.extract_strided_slice %broadcast_in_dim3A_82 {offsets = [1024, 0], sizes = [1536, 1], strides = [1, 1]} : vector<2560x1xf32> to vector<1536x1xf32>
    %dot_general3A_414 = arith.constant dense<0.000000e+00> : vector<512x1xf32>
    %dot_general3A_415 = tpu.matmul %convert_element_type3A_412, %slice3A_413, %dot_general3A_414 {dimension_numbers = #tpu.dot_dimension_numbers<[1], [0], [0], [1], [0, 0, 1, 1], [], []>, transpose_lhs_hint = false} : vector<512x1536xf32>, vector<1536x1xf32>, vector<512x1xf32> -> vector<512x1xf32>
    %squeeze3A_416 = vector.shape_cast %dot_general3A_415 : vector<512x1xf32> to vector<512xf32>
    %div3A_417 = arith.constant 3.000000e+00 : f32
    %div3A_418 = vector.broadcast %div3A_417 : f32 to vector<512xf32>
    %div3A_419 = arith.divf %squeeze3A_416, %div3A_418 : vector<512xf32>
    %sub3A_420 = arith.subf %reduce_sum3A_336, %squeeze3A_376 : vector<512xf32>
    %div3A_421 = arith.constant 6.000000e+00 : f32
    %div3A_422 = vector.broadcast %div3A_421 : f32 to vector<512xf32>
    %div3A_423 = arith.divf %sub3A_420, %div3A_422 : vector<512xf32>
    %add3A_424 = arith.addf %div3A_419, %div3A_423 : vector<512xf32>
    %add3A_425 = vector.broadcast %get3A_88 : f32 to vector<512xf32>
    %add3A_426 = arith.addf %add3A_424, %add3A_425 : vector<512xf32>
    %neg3A_427 = arith.constant 0.000000e+00 : f32
    %neg3A_428 = vector.broadcast %neg3A_427 : f32 to vector<512xf32>
    %neg3A_429 = arith.subf %neg3A_428, %add3A_426 : vector<512xf32>
    %exp3A_430 = math.exp %neg3A_429 : vector<512xf32>
    %add3A_431 = arith.constant 1.000000e+00 : f32
    %add3A_432 = vector.broadcast %add3A_431 : f32 to vector<512xf32>
    %add3A_433 = arith.addf %add3A_432, %exp3A_430 : vector<512xf32>
    %div3A_434 = arith.constant 1.000000e+00 : f32
    %div3A_435 = vector.broadcast %div3A_434 : f32 to vector<512xf32>
    %div3A_436 = arith.divf %div3A_435, %add3A_433 : vector<512xf32>
    %swap3A_437 = arith.constant 0 : index
    %swap3A_438 = vector.load %arg8[%swap3A_437] : memref<512xf32, #tpu.memory_space<vmem>>, vector<512xf32>
    tpu.vector_store %arg8[%swap3A_437], %div3A_436 {strides = array<i32>} : memref<512xf32, #tpu.memory_space<vmem>>, vector<512xf32>,
    return
  }
}

</mosaic_0001>

<sc_bundles>
// kernel: kernel.11.cloned.1.call-start
scs
__scs_entry_jumppad:
0x0: {  	(pc) =	sbr.rel $0x88, $3  }
0x1: {  	(tag) =	ssettag $0x0;
	lr =	simm.s32 $0x1  }
0x2: {  	[smem:$0x3F96] =	sst lr;
	_ =	strace $0xD0000000  }
0x3: {  	_ = 	snop  }
0x4: {  	_ = 	snop  }
0x5: {  	_ = 	snop  }
0x6: {  	_ = 	snop  }
0x7: {  	_ = 	snop  }
__scs_overlays_trampoline_lowered:
0x8: {  	[smem:$0x3FA5] =	sst s0  }
0x9: {  	[smem:$0x3FA6] =	sst s1  }
0xa: {  	[smem:$0x3FA7] =	sst s2  }
0xb: {  	[smem:$0x3FA8] =	sst s3  }
0xc: {  	[smem:$0x3FA9] =	sst s4  }
0xd: {  	[smem:$0x3FAA] =	sst s5  }
0xe: {  	[smem:$0x3FAB] =	sst s6  }
0xf: {  	[smem:$0x3FAC] =	sst s7  }
0x10: {  	[smem:$0x3FAD] =	sst s8  }
0x11: {  	[smem:$0x3FAE] =	sst s9;
	s0 =	simm.s32 @!p0 $0x0  }
0x12: {  	s1 =	sld [smem:$0x3F94];
	s0 =	simm.s32 @p0 $0x1  }
0x13: {  	[smem:$0x3FAF] =	sst s0;
	s0 =	simm.s32 @!p1 $0x0  }
0x14: {  	s2 =	sld [smem:$0x3F93];
	s0 =	simm.s32 @p1 $0x1  }
0x15: {  	[smem:$0x3FB0] =	sst s0;
	s0 =	simm.s32 @!p2 $0x0  }
0x16: {  	s3 =	sld [smem:$0x3FDB];
	s0 =	simm.s32 @p2 $0x1  }
0x17: {  	s4 =	simm.s32 $0x1BF5;
	[smem:$0x3FB2] =	sst s0  }
0x18: {  	s0 =	sld [smem:$0x3F95];
	_ =	swait.ge [sflag:s4], $0x0  }
0x19: {  	s7 =	sld [smem:$0x3F96]  }
0x1a: {  	s8 =	sadd.s32 $0xFFFFE003, lr  }
0x1b: {  	s9 =	sadd.s32 $0xFFFFFEF7, lr;
	s5 =	simm.s32 $0xFFFFFFFF;
	p2 =	slt.u32 s8, $0xFFFFF086  }
0x1c: {  	p1 =	slt.u32 s9, $0xF7A;
	s5 =	simm.s32 @!p2 $0x0  }
0x1d: {  	s5 =	simm.s32 @p1 $0x1;
	p0 =	seq.s32 s7, s2  }
0x1e: {  	s7 =	smul.u32 @!p0 $0xF7A, s2;
	p2 =	seq.s32 @!p0 s5, $0x0  }
0x1f: {  	s9 =	smul.u32 $0xF7A, s1;
	s8 =	simm.s32 @!p0 $0x1BF5;
	p2 =	por !p2, p0  }
0x20: {  	[sflag:s8] =	ssyncset.s32 @!p0 $0xFFFFF086;
	s6 =	sadd.s32 @!p0 s3, s7;
	s7 =	simm.s32 @!p0 $0x108  }
0x21: {  	s3 =	sadd.s32 s3, s9;
	s6 =	sadd.s32 @!p0 $0x88, s6;
	s7 =	simm.s32 @p2 $0x1082  }
0x22: {  	[simem:s7], [sflag:s8] =	dma.local @!p0 [hbm:s6], $0xF7A  }
0x23: {  	s9 =	sor.u32 $0xD0000000, s2;
	s6 =	simm.s32 $0x108;
	_ =	swait.ge @!p0 [sflag:s8], $0x0  }
0x24: {  	s3 =	sadd.s32 $0x88, s3;
	s6 =	simm.s32 @!p1 $0x1082;
	[sflag:s4] =	ssyncset.s32 $0xFFFFF086  }
0x25: {  	[simem:s6], [sflag:s4] =	dma.local [hbm:s3], $0xF7A  }
0x26: {  	[smem:$0x3F96] =	sst s1;
	(tag) =	ssettag s2;
	_ =	strace s9  }
0x27: {  	s1 =	sld [smem:$0x3FA6]  }
0x28: {  	s2 =	sld [smem:$0x3FA7]  }
0x29: {  	s4 =	sld [smem:$0x3FA9]  }
0x2a: {  	p0 =	seq.s32 s5, $0x0;
	s5 =	sld [smem:$0x3FAA]  }
0x2b: {  	s6 =	sld [smem:$0x3FAB]  }
0x2c: {  	s7 =	sld [smem:$0x3FAC]  }
0x2d: {  	s3 =	simm.s32 $0x108;
	s8 =	sld [smem:$0x3FAD]  }
0x2e: {  	s3 =	simm.s32 @!p0 $0x1082;
	s9 =	sld [smem:$0x3FAE]  }
0x2f: {  	lr =	sadd.s32 s0, s3;
	s0 =	sld [smem:$0x3FA5]  }
0x30: {  	s3 =	sld [smem:$0x3FA8]  }
0x31: {  	[smem:$0x3FB1] =	sst s10  }
0x32: {  	s10 =	sld [smem:$0x3FAF];
	_ =	sdelay $0x3  }
0x33: {  	p0 =	seq.s32 s10, $0x1;
	s10 =	sld [smem:$0x3FB1];
	_ =	sdelay $0x3  }
0x34: {  	[smem:$0x3FB1] =	sst s10  }
0x35: {  	s10 =	sld [smem:$0x3FB0];
	_ =	sdelay $0x3  }
0x36: {  	p1 =	seq.s32 s10, $0x1;
	s10 =	sld [smem:$0x3FB1];
	_ =	sdelay $0x3  }
0x37: {  	[smem:$0x3FB1] =	sst s10  }
0x38: {  	s10 =	sld [smem:$0x3FB2]  }
0x39: {  	_ = 	snop;
	(pc) =	sbr.ind lr, $3  }
0x3a: {  	_ = 	snop  }
0x3b: {  	_ = 	snop  }
0x3c: {  	p2 =	seq.s32 s10, $0x1;
	s10 =	sld [smem:$0x3FB1]  }
0x3d: {  	_ =	shalt  }
0x3e: {  	_ =	shalt  }
0x3f: {  	_ =	shalt  }
0x40: {  	_ =	shalt  }
0x41: {  	_ =	shalt  }
0x42: {  	_ =	shalt  }
0x43: {  	_ =	shalt  }
0x44: {  	_ =	shalt  }
0x45: {  	_ =	shalt  }
0x46: {  	_ =	shalt  }
0x47: {  	_ =	shalt  }
0x48: {  	_ =	shalt  }
0x49: {  	_ =	shalt  }
0x4a: {  	_ =	shalt  }
0x4b: {  	_ =	shalt  }
0x4c: {  	_ =	shalt  }
0x4d: {  	_ =	shalt  }
0x4e: {  	_ =	shalt  }
0x4f: {  	_ =	shalt  }
0x50: {  	_ =	shalt  }
0x51: {  	_ =	shalt  }
0x52: {  	_ =	shalt  }
0x53: {  	_ =	shalt  }
0x54: {  	_ =	shalt  }
0x55: {  	_ =	shalt  }
0x56: {  	_ =	shalt  }
0x57: {  	_ =	shalt  }
0x58: {  	_ =	shalt  }
0x59: {  	_ =	shalt  }
0x5a: {  	_ =	shalt  }
0x5b: {  	_ =	shalt  }
0x5c: {  	_ =	shalt  }
0x5d: {  	_ =	shalt  }
0x5e: {  	_ =	shalt  }
0x5f: {  	_ =	shalt  }
0x60: {  	_ =	shalt  }
0x61: {  	_ =	shalt  }
0x62: {  	_ =	shalt  }
0x63: {  	_ =	shalt  }
0x64: {  	_ =	shalt  }
0x65: {  	_ =	shalt  }
0x66: {  	_ =	shalt  }
0x67: {  	_ =	shalt  }
0x68: {  	_ =	shalt  }
0x69: {  	_ =	shalt  }
0x6a: {  	_ =	shalt  }
0x6b: {  	_ =	shalt  }
0x6c: {  	_ =	shalt  }
0x6d: {  	_ =	shalt  }
0x6e: {  	_ =	shalt  }
0x6f: {  	_ =	shalt  }
0x70: {  	_ =	shalt  }
0x71: {  	_ =	shalt  }
0x72: {  	_ =	shalt  }
0x73: {  	_ =	shalt  }
0x74: {  	_ =	shalt  }
0x75: {  	_ =	shalt  }
0x76: {  	_ =	shalt  }
0x77: {  	_ =	shalt  }
0x78: {  	_ =	shalt  }
0x79: {  	_ =	shalt  }
0x7a: {  	_ =	shalt  }
0x7b: {  	_ =	shalt  }
0x7c: {  	_ =	shalt  }
0x7d: {  	_ =	shalt  }
0x7e: {  	_ =	shalt  }
0x7f: {  	_ =	shalt  }
0x80: {  	_ =	shalt  }
0x81: {  	_ =	shalt  }
0x82: {  	_ =	shalt  }
0x83: {  	_ =	shalt  }
0x84: {  	_ =	shalt  }
0x85: {  	_ =	shalt  }
0x86: {  	_ =	shalt  }
0x87: {  	_ =	shalt  }
.Lfunc_end0:
.L_simem_size_0:
called_computation.1_lowered:
.L_overlay_start_0:
0x88: {  	s2 =	sld [smem:$0x3FD9]  }
0x89: {  	s3 =	sld [smem:$0x3FFE];
	_ =	sdelay $0x1  }
0x8a: {  	s1 =	srdreg.scid  }
0x8b: {  	s0 =	sand.u32 $0x1, s1  }
0x8c: {  	s16 =	sshll.u32 s0, $0xA;
	s2 =	sadd.s32 s3, s2  }
0x8d: {  	s2 =	sadd.s32 s2, s16  }
0x8e: {  	[smem:$0x3FBD] =	sst s2  }
0x8f: {  	_ = 	snop  }
0x90: {  	(tm) =	ssettm $0x1  }
0x91: {  	s17 =	sld [smem:$0x3FFB];
	_ =	sdelay $0x3  }
0x92: {  	_ =	strace s17  }
0x93: {  	s2 =	sld [smem:$0x3FFC];
	_ =	sdelay $0x3  }
0x94: {  	_ =	strace s2  }
0x95: {  	s2 =	sld [smem:$0x3FFD];
	_ =	sdelay $0x3  }
0x96: {  	_ =	strace s2  }
0x97: {  	_ =	strace $0x8FFFFFFF  }
0x98: {  	s18 =	sld [smem:$0x3FDB];
	_ =	sdelay $0x1  }
0x99: {  	s19 =	simm.s32 $_scs_section_size  }
0x9a: {  	s4 =	simm.s32 $_size__tile_overlayer_lowered;
	s5 =	simm.s32 $_tile_overlayer_lowered  }
0x9b: {  	s22 =	simm.s32 $0x1BFF;
	s21 =	sshll.u32 s5, $0x1;
	s2 =	sadd.s32 s19, s18  }
0x9c: {  	s6 =	simm.s32 $0x0;
	s20 =	sshll.u32 s4, $0x1;
	s4 =	sadd.s32 s21, s2  }
0x9d: {  	[timem:s6], [sflag:s22] =	dma.local [hbm:s4], s20  }
0x9e: {  	_ =	swait.ge [sflag:s22], s20  }
0x9f: {  	s3 =	ssub.s32 $0x0, s20;
	[sflag:s22] =	ssyncset.done $0x0  }
0xa0: {  	[sflag:s22] =	ssyncadd.s32 s3;
	_ =	sdelay $0x1  }
0xa1: {  	s23 =	simm.s32 $0x1B8B  }
0xa2: {  	_ =	swait.ge [sflag:s23], $0x1  }
0xa3: {  	[sflag:s23] =	ssyncset.done $0x0  }
0xa4: {  	s25 =	simm.s32 $0x1B8E;
	s24 =	sld [smem:$0x3FFE];
	[sflag:s23] =	ssyncadd.s32 $0xFFFFFFFF  }
0xa5: {  	s26 =	simm.s32 $execute0_lowered;
	[smem:$0x3FD2] =	sst s25  }
0xa6: {  	s4 =	sshll.u32 s26, $0x1;
	_ =	strace $0x80000049;
	[dreg:$0x1] =	wrdreg $0xFFFFFFFF  }
0xa7: {  	s28 =	simm.s32 $_size_execute0_lowered;
	s2 =	sadd.s32 s2, s4;
	[dreg:$0x0] =	wrdreg $0x0  }
0xa8: {  	s4 =	sshll.u32 s28, $0x1;
	[dreg:$0x2] =	wrdreg s2  }
0xa9: {  	[dreg:$0x3] =	wrdreg s4  }
0xaa: {  	[dreg:$0x4] =	wrdreg $0xC0  }
0xab: {  	_ =	task [dreg:s6], $0x5FFFF  }
0xac: {  	[dreg:$0x1] =	wrdreg $0xFFFFFFFF  }
0xad: {  	[dreg:$0x0] =	wrdreg $0x60  }
0xae: {  	[dreg:$0x2] =	wrdreg s24  }
0xaf: {  	[dreg:$0x3] =	wrdreg $0xB8000  }
0xb0: {  	[dreg:$0x4] =	wrdreg $0x9  }
0xb1: {  	_ =	task.clear_ibuf [dreg:s6], $0x5FFFF;
	_ =	strace $0x90000049  }
0xb2: {  	s29 =	simm.s32 $0x9;
	_ =	strace $0x8000004B  }
0xb3: {  	_ =	swait.ge [sflag:s29], $0x1  }
0xb4: {  	[sflag:s29] =	ssyncadd.s32 $0xFFFFFFFF  }
0xb5: {  	_ =	strace $0x9000004B  }
0xb6: {  	_ =	sfence  }
0xb7: {  	s30 =	sld [smem:$0x0];
	_ =	sdelay $0x2  }
0xb8: {  	s31 =	sshll.u32 s1, $0xD;
	s1 =	sshrl.u32 s1, $0x2  }
0xb9: {  	s3 =	sand.u32 $0x4000, s31;
	s1 =	sadd.s32 s1, s30  }
0xba: {  	s0 =	sor.u32 s3, s0;
	s1 =	sshll.u32 s1, $0x11  }
0xbb: {  	s0 =	sor.u32 s1, s0  }
0xbc: {  	s0 =	sadd.s32 $0x8F2B, s0  }
0xbd: {  	[sflag:s0] =	ssyncadd.remote.s32 $0x1  }
0xbe: {  	_ =	sfence.sel $0xFFFF  }
0xbf: {  	[dreg:$0x0] =	wrdreg $0xFFFFFFFF;
	(pc) =	sbr.abs _section_cstart, $3  }
0xc0: {  	[dreg:$0x1] =	wrdreg $0xFFFFFFFF  }
0xc1: {  	_ =	task.clear_ibuf [dreg:s6], $0x2FFFF;
	_ =	strace $0x9FFFFFFF  }
0xc2: {  	(tm) =	ssettm $0x7FFFFFFF  }
0xc3: {  	_ =	shalt  }
tec
execute0_lowered:
.L_overlay_start_1:
0x0: {  	(tag) =	ssettag $0x1  }
0x1: {  	s0 =	rddreg [dreg:$0x0]  }
0x2: {  	s2 =	rddreg [dreg:$0x1]  }
0x3: {  	s1 =	simm.s32 $0x0;
	s3 =	srdreg.scid;
	s19 =	simm.s32 $0x3  }
0x4: {  	s20 =	simm.s32 $0x3800;
	[smem:$0x7FF] =	sst s1;
	s1 =	stileid.u32  }
0x5: {  	s21 =	simm.s32 $0x80;
	s3 =	sand.u32 $0x1, s3;
	s9 =	smul.u32 $0x1C00, s1  }
0x6: {  	s22 =	simm.s32 $0x1;
	s28 =	simm.s32 $0x3480;
	s6 =	smul.u32 $0x3, s3  }
0x7: {  	s29 =	simm.s32 $0x0;
	s4 =	sadd.s32 $0x10F400, s0;
	s8 =	smul.u32 $0x50000, s1  }
0x8: {  	s11 =	sadd.s32 $0xFA400, s0;
	s7 =	ssub.s32 $0x2, s3;
	s12 =	smul.u32 $0x54000, s3  }
0x9: {  	_ =	strace $0x8000004A;
	s23 =	smul.u32 $0x280, s1;
	s10 =	sshrl.u32 s7, $0x1  }
0xa: {  	s3 =	smul.u32 $0x7800, s3;
	s5 =	sshrl.u32 s9, $0x3;
	s13 =	ssub.s32 s7, s10  }
0xb: {  	s6 =	sadd.s32 $0x1, s6;
	s24 =	sshrl.u32 s8, $0x2;
	s12 =	sadd.s32 s9, s12  }
0xc: {  	s3 =	sadd.s32 s23, s3;
	s5 =	sadd.s32 s5, s0;
	s14 =	smul.u32 $0x1C000, s6  }
0xd: {  	s0 =	sadd.s32 $0xA400, s0;
	s25 =	sshrl.u32 s12, $0x3;
	s15 =	smul.u32 $0x2800, s6  }
0xe: {  	s6 =	sadd.s32 s24, s2;
	s3 =	sshll.u32 s3, $0x4;
	s12 =	sadd.s32 $0x38000, s12  }
0xf: {  	s13 =	smax.u32 s13, $0x1;
	s24 =	simm.s32 $0x2;
	s5 =	sadd.s32 $0x6C00, s5  }
0x10: {  	s7 =	sadd.s32 s11, s25;
	s8 =	sadd.s32 s0, s3;
	s31 =	sshrl.u32 s12, $0x3  }
0x11: {  	s16 =	sadd.s32 $0xC000, s6;
	s17 =	sadd.s32 $0x10000, s6;
	s25 =	simm.s32 $0x1880  }
0x12: {  	s26 =	sadd.s32 s9, s14;
	s30 =	sadd.s32 s23, s15;
	s12 =	sadd.s32 $0x50000, s8  }
0x13: {  	s14 =	sadd.s32 $0x4000, s6;
	s15 =	sadd.s32 $0x8000, s6;
	s23 =	simm.s32 $0x7800  }
0x14: {  	s3 =	sshrl.u32 s26, $0x3;
	s10 =	sshll.u32 s30, $0x4;
	s26 =	simm.s32 $0x3400  }
0x15: {  	v0 =	vimm.f32 $0.0e+00;
	s9 =	sadd.s32 s11, s3;
	s10 =	sadd.s32 s0, s10;
	s11 =	sadd.s32 s11, s31  }
.LBB2_1:
0x16: {  	s0 =	simm.s32 $0x0;
	s3 =	simm.s32 $0x1C00  }
0x17: {  	[tilespmem:s3], [sflag:$0x3] =	stream.linear.gather [hbm4b:s5+s0], $0x1900, $0x38;
	[tilespmem:$0x1F800] =	vst v63  }
0x18: {  	_ =	swait.ge [sflag:s19], $0x1900  }
0x19: {  	[sflag:s19] =	ssyncset.done $0x0  }
0x1a: {  	s30 =	simm.s32 $0x200;
	s0 =	simm.s32 $0x0;
	[sflag:s19] =	ssyncadd.s32 $0xFFFFE700  }
.LBB2_2:
0x1b: {  	p0 =	sne.s32 s30, $0xFE00;
	[tilespmem:s0+$0x3870] =	vst v0  }
0x1c: {  	[tilespmem:s0+$0x3800] =	vst v0  }
0x1d: {  	[tilespmem:s0+$0x3810] =	vst v0  }
.Ltmp0:
0x1e: {  	[tilespmem:s0+$0x3820] =	vst v0;
	(pc) =	sbr.rel @p0 .LBB2_2-.Ltmp0, $4  }
0x1f: {  	[tilespmem:s0+$0x3830] =	vst v0  }
0x20: {  	[tilespmem:s0+$0x3840] =	vst v0  }
0x21: {  	[tilespmem:s0+$0x3850] =	vst v0  }
0x22: {  	[tilespmem:s0+$0x3860] =	vst v0;
	s0 =	sshra.s32 s30, $0x2;
	s30 =	sadd.s32 $0x200, s30  }
0x23: {  	[tilespmem:s0+$0x3870] =	vst v0  }
0x24: {  	[tilespmem:s0+$0x3800] =	vst v0  }
0x25: {  	[tilespmem:s0+$0x3810] =	vst v0  }
0x26: {  	[tilespmem:s0+$0x3820] =	vst v0  }
0x27: {  	[tilespmem:s0+$0x3830] =	vst v0  }
0x28: {  	[tilespmem:s0+$0x3840] =	vst v0  }
0x29: {  	[tilespmem:s0+$0x3850] =	vst v0  }
0x2a: {  	[tilespmem:s0+$0x3860] =	vst v0  }
0x2b: {  	[spmem:s6] =	stream.linear.scatter [tilespmem:s20], [sflag:$0x3], $0x4000, $0x38;
	[tilespmem:$0x1F800] =	vst v63  }
0x2c: {  	_ =	swait.ge [sflag:s19], $0x4000  }
0x2d: {  	[sflag:s19] =	ssyncset.done $0x0  }
0x2e: {  	[sflag:s19] =	ssyncadd.s32 $0xFFFFC000  }
0x2f: {  	[spmem:s14] =	stream.linear.scatter [tilespmem:s20], [sflag:$0x3], $0x4000, $0x38;
	[tilespmem:$0x1F800] =	vst v63  }
0x30: {  	_ =	swait.ge [sflag:s19], $0x4000  }
0x31: {  	[sflag:s19] =	ssyncset.done $0x0  }
0x32: {  	[sflag:s19] =	ssyncadd.s32 $0xFFFFC000  }
0x33: {  	[spmem:s15] =	stream.linear.scatter [tilespmem:s20], [sflag:$0x3], $0x4000, $0x38;
	[tilespmem:$0x1F800] =	vst v63  }
0x34: {  	_ =	swait.ge [sflag:s19], $0x4000  }
0x35: {  	[sflag:s19] =	ssyncset.done $0x0  }
0x36: {  	[sflag:s19] =	ssyncadd.s32 $0xFFFFC000  }
0x37: {  	[spmem:s16] =	stream.linear.scatter [tilespmem:s20], [sflag:$0x3], $0x4000, $0x38;
	[tilespmem:$0x1F800] =	vst v63  }
0x38: {  	_ =	swait.ge [sflag:s19], $0x4000  }
0x39: {  	[sflag:s19] =	ssyncset.done $0x0  }
0x3a: {  	[sflag:s19] =	ssyncadd.s32 $0xFFFFC000  }
0x3b: {  	[spmem:s17] =	stream.linear.scatter [tilespmem:s20], [sflag:$0x3], $0x4000, $0x38;
	[tilespmem:$0x1F800] =	vst v63  }
0x3c: {  	_ =	swait.ge [sflag:s19], $0x4000  }
0x3d: {  	[sflag:s19] =	ssyncset.done $0x0  }
0x3e: {  	s18 =	simm.s32 $0x0;
	[sflag:s19] =	ssyncadd.s32 $0xFFFFC000  }
0x3f: {  	[tilespmem:s18], [sflag:$0x3] =	stream.linear.gather [hbm4b:s7+s18], $0x1900, $0x38;
	[tilespmem:$0x1F800] =	vst v63  }
0x40: {  	_ =	swait.ge [sflag:s19], $0x1900  }
0x41: {  	[sflag:s19] =	ssyncset.done $0x0  }
0x42: {  	[sflag:s19] =	ssyncadd.s32 $0xFFFFE700  }
0x43: {  	[bflag:$0x0] =	sbarrier.arrive $0xFFFF  }
0x44: {  	[tilespmem:s20], [sflag:$0x1] =	stream.indirect.gather [hbm4b:s4+s21], $0x80, s18, s21, $0xb8;
	[tilespmem:$0x1F800] =	vst v63  }
0x45: {  	_ =	swait.ge [sflag:s22], $0x4000  }
0x46: {  	[sflag:s22] =	ssyncset.done $0x0  }
0x47: {  	s31 =	simm.s32 $0x80;
	[sflag:s22] =	ssyncadd.s32 $0xFFFFC000  }
0x48: {  	[tilespmem:s23], [sflag:$0x2] =	stream.indirect.gather [hbm4b:s4+s21], $0x80, s31, s21, $0xb8;
	[tilespmem:$0x1F800] =	vst v63  }
0x49: {  	s3 =	simm.s32 $0x1C00  }
0x4a: {  	[spmem:s2] =	stream.indirect.scatter.add.f32 [tilespmem:s20], [sflag:$0x3], $0x80, s3, s21, $0xb8;
	[tilespmem:$0x1F800] =	vst v63  }
0x4b: {  	_ =	swait.ge [sflag:s19], $0x4000  }
0x4c: {  	[sflag:s19] =	ssyncset.done $0x0  }
0x4d: {  	[sflag:s19] =	ssyncadd.s32 $0xFFFFC000  }
0x4e: {  	_ =	swait.ge [sflag:s24], $0x4000  }
0x4f: {  	[sflag:s24] =	ssyncset.done $0x0  }
0x50: {  	s18 =	simm.s32 $0x100;
	[sflag:s24] =	ssyncadd.s32 $0xFFFFC000  }
0x51: {  	[tilespmem:s20], [sflag:$0x1] =	stream.indirect.gather [hbm4b:s4+s21], $0x80, s18, s21, $0xb8;
	[tilespmem:$0x1F800] =	vst v63  }
0x52: {  	s31 =	simm.s32 $0x1C80  }
0x53: {  	[spmem:s2] =	stream.indirect.scatter.add.f32 [tilespmem:s23], [sflag:$0x3], $0x80, s31, s21, $0xb8;
	[tilespmem:$0x1F800] =	vst v63  }
0x54: {  	_ =	swait.ge [sflag:s19], $0x4000  }
0x55: {  	s30 =	simm.s32 $0x400;
	[sflag:s19] =	ssyncset.done $0x0  }
.LBB2_4:
0x56: {  	p0 =	sne.s32 s30, $0x5C00  }
0x57: {  	[sflag:s19] =	ssyncadd.s32 $0xFFFFC000;
	s0 =	smov.u32 s30;
	s30 =	sadd.s32 $0x400, s30  }
0x58: {  	_ = 	snop  }
0x59: {  	_ =	swait.ge [sflag:s22], $0x4000  }
0x5a: {  	s0 =	sshra.s32 s0, $0x2;
	[sflag:s22] =	ssyncset.done $0x0  }
0x5b: {  	s3 =	sadd.s32 $0x80, s0;
	[sflag:s22] =	ssyncadd.s32 $0xFFFFC000  }
0x5c: {  	[tilespmem:s23], [sflag:$0x2] =	stream.indirect.gather [hbm4b:s4+s21], $0x80, s3, s21, $0xb8;
	[tilespmem:$0x1F800] =	vst v63  }
0x5d: {  	s3 =	sadd.s32 $0x1C00, s0  }
0x5e: {  	[spmem:s2] =	stream.indirect.scatter.add.f32 [tilespmem:s20], [sflag:$0x3], $0x80, s3, s21, $0xb8;
	[tilespmem:$0x1F800] =	vst v63  }
0x5f: {  	_ =	swait.ge [sflag:s19], $0x4000  }
0x60: {  	[sflag:s19] =	ssyncset.done $0x0  }
0x61: {  	[sflag:s19] =	ssyncadd.s32 $0xFFFFC000  }
0x62: {  	_ =	swait.ge [sflag:s24], $0x4000  }
0x63: {  	[sflag:s24] =	ssyncset.done $0x0  }
0x64: {  	s3 =	sadd.s32 $0x100, s0;
	[sflag:s24] =	ssyncadd.s32 $0xFFFFC000  }
0x65: {  	[tilespmem:s20], [sflag:$0x1] =	stream.indirect.gather [hbm4b:s4+s21], $0x80, s3, s21, $0xb8;
	[tilespmem:$0x1F800] =	vst v63  }
.Ltmp1:
0x66: {  	_ = 	snop;
	(pc) =	sbr.rel @p0 .LBB2_4-.Ltmp1, $4  }
0x67: {  	s0 =	sadd.s32 $0x1C80, s0  }
0x68: {  	[spmem:s2] =	stream.indirect.scatter.add.f32 [tilespmem:s23], [sflag:$0x3], $0x80, s0, s21, $0xb8;
	[tilespmem:$0x1F800] =	vst v63  }
0x69: {  	_ =	swait.ge [sflag:s19], $0x4000  }
0x6a: {  	[sflag:s19] =	ssyncset.done $0x0  }
0x6b: {  	[sflag:s19] =	ssyncadd.s32 $0xFFFFC000  }
0x6c: {  	_ =	swait.ge [sflag:s22], $0x4000  }
0x6d: {  	[sflag:s22] =	ssyncset.done $0x0  }
0x6e: {  	[sflag:s22] =	ssyncadd.s32 $0xFFFFC000  }
0x6f: {  	[tilespmem:s23], [sflag:$0x2] =	stream.indirect.gather [hbm4b:s4+s21], $0x80, s25, s21, $0xb8;
	[tilespmem:$0x1F800] =	vst v63  }
0x70: {  	_ = 	snop  }
0x71: {  	[spmem:s2] =	stream.indirect.scatter.add.f32 [tilespmem:s20], [sflag:$0x3], $0x80, s26, s21, $0xb8;
	[tilespmem:$0x1F800] =	vst v63  }
0x72: {  	_ =	swait.ge [sflag:s19], $0x4000  }
0x73: {  	[sflag:s19] =	ssyncset.done $0x0  }
0x74: {  	[sflag:s19] =	ssyncadd.s32 $0xFFFFC000  }
0x75: {  	_ =	swait.ge [sflag:s24], $0x4000  }
0x76: {  	[sflag:s24] =	ssyncset.done $0x0  }
0x77: {  	[sflag:s24] =	ssyncadd.s32 $0xFFFFC000  }
0x78: {  	[spmem:s2] =	stream.indirect.scatter.add.f32 [tilespmem:s23], [sflag:$0x3], $0x80, s28, s21, $0xb8;
	[tilespmem:$0x1F800] =	vst v63  }
0x79: {  	_ =	swait.ge [sflag:s19], $0x4000  }
0x7a: {  	[sflag:s19] =	ssyncset.done $0x0  }
0x7b: {  	s0 =	sshll.u32 s1, $0x6;
	[sflag:s19] =	ssyncadd.s32 $0xFFFFC000  }
0x7c: {  	s31 =	sshrl.u32 s6, $0x3;
	s30 =	sor.u32 $0x1C03, s0;
	[bflag:$0x0] =	sbarrier.arrive $0xFFFF  }
0x7d: {  	[hbm:s8], [sflag:s30] =	dma.local [spmem:s31], $0x2800  }
0x7e: {  	_ =	swait.ge [sflag:s19], $0x2800  }
0x7f: {  	[sflag:s19] =	ssyncset.done $0x0  }
0x80: {  	[sflag:s19] =	ssyncadd.s32 $0xFFFFD800  }
0x81: {  	s3 =	simm.s32 $0x200;
	s0 =	simm.s32 $0x0;
	[bflag:$0x0] =	sbarrier.arrive $0xFFFF  }
.LBB2_6:
0x82: {  	p0 =	sne.s32 s3, $0xFE00;
	[tilespmem:s0+$0x3870] =	vst v0  }
0x83: {  	[tilespmem:s0+$0x3800] =	vst v0  }
0x84: {  	[tilespmem:s0+$0x3810] =	vst v0  }
.Ltmp2:
0x85: {  	[tilespmem:s0+$0x3820] =	vst v0;
	(pc) =	sbr.rel @p0 .LBB2_6-.Ltmp2, $4  }
0x86: {  	[tilespmem:s0+$0x3830] =	vst v0  }
0x87: {  	[tilespmem:s0+$0x3840] =	vst v0  }
0x88: {  	[tilespmem:s0+$0x3850] =	vst v0  }
0x89: {  	[tilespmem:s0+$0x3860] =	vst v0;
	s0 =	sshra.s32 s3, $0x2;
	s3 =	sadd.s32 $0x200, s3  }
0x8a: {  	[tilespmem:s0+$0x3870] =	vst v0  }
0x8b: {  	[tilespmem:s0+$0x3800] =	vst v0  }
0x8c: {  	[tilespmem:s0+$0x3810] =	vst v0  }
0x8d: {  	[tilespmem:s0+$0x3820] =	vst v0  }
0x8e: {  	[tilespmem:s0+$0x3830] =	vst v0  }
0x8f: {  	[tilespmem:s0+$0x3840] =	vst v0  }
0x90: {  	[tilespmem:s0+$0x3850] =	vst v0  }
0x91: {  	[tilespmem:s0+$0x3860] =	vst v0  }
0x92: {  	[spmem:s6] =	stream.linear.scatter [tilespmem:s20], [sflag:$0x3], $0x4000, $0x38;
	[tilespmem:$0x1F800] =	vst v63  }
0x93: {  	_ =	swait.ge [sflag:s19], $0x4000  }
0x94: {  	[sflag:s19] =	ssyncset.done $0x0  }
0x95: {  	[sflag:s19] =	ssyncadd.s32 $0xFFFFC000  }
0x96: {  	[spmem:s14] =	stream.linear.scatter [tilespmem:s20], [sflag:$0x3], $0x4000, $0x38;
	[tilespmem:$0x1F800] =	vst v63  }
0x97: {  	_ =	swait.ge [sflag:s19], $0x4000  }
0x98: {  	[sflag:s19] =	ssyncset.done $0x0  }
0x99: {  	[sflag:s19] =	ssyncadd.s32 $0xFFFFC000  }
0x9a: {  	[spmem:s15] =	stream.linear.scatter [tilespmem:s20], [sflag:$0x3], $0x4000, $0x38;
	[tilespmem:$0x1F800] =	vst v63  }
0x9b: {  	_ =	swait.ge [sflag:s19], $0x4000  }
0x9c: {  	[sflag:s19] =	ssyncset.done $0x0  }
0x9d: {  	[sflag:s19] =	ssyncadd.s32 $0xFFFFC000  }
0x9e: {  	[spmem:s16] =	stream.linear.scatter [tilespmem:s20], [sflag:$0x3], $0x4000, $0x38;
	[tilespmem:$0x1F800] =	vst v63  }
0x9f: {  	_ =	swait.ge [sflag:s19], $0x4000  }
0xa0: {  	[sflag:s19] =	ssyncset.done $0x0  }
0xa1: {  	[sflag:s19] =	ssyncadd.s32 $0xFFFFC000  }
0xa2: {  	[spmem:s17] =	stream.linear.scatter [tilespmem:s20], [sflag:$0x3], $0x4000, $0x38;
	[tilespmem:$0x1F800] =	vst v63  }
0xa3: {  	_ =	swait.ge [sflag:s19], $0x4000  }
0xa4: {  	[sflag:s19] =	ssyncset.done $0x0  }
0xa5: {  	s18 =	simm.s32 $0x0;
	[sflag:s19] =	ssyncadd.s32 $0xFFFFC000  }
0xa6: {  	[tilespmem:s18], [sflag:$0x3] =	stream.linear.gather [hbm4b:s9+s18], $0x1900, $0x38;
	[tilespmem:$0x1F800] =	vst v63  }
0xa7: {  	_ =	swait.ge [sflag:s19], $0x1900  }
0xa8: {  	[sflag:s19] =	ssyncset.done $0x0  }
0xa9: {  	[sflag:s19] =	ssyncadd.s32 $0xFFFFE700  }
0xaa: {  	[bflag:$0x0] =	sbarrier.arrive $0xFFFF  }
0xab: {  	[tilespmem:s20], [sflag:$0x1] =	stream.indirect.gather [hbm4b:s4+s21], $0x80, s18, s21, $0xb8;
	[tilespmem:$0x1F800] =	vst v63  }
0xac: {  	_ =	swait.ge [sflag:s22], $0x4000  }
0xad: {  	[sflag:s22] =	ssyncset.done $0x0  }
0xae: {  	s3 =	simm.s32 $0x80;
	[sflag:s22] =	ssyncadd.s32 $0xFFFFC000  }
0xaf: {  	[tilespmem:s23], [sflag:$0x2] =	stream.indirect.gather [hbm4b:s4+s21], $0x80, s3, s21, $0xb8;
	[tilespmem:$0x1F800] =	vst v63  }
0xb0: {  	s18 =	simm.s32 $0x1C00  }
0xb1: {  	[spmem:s2] =	stream.indirect.scatter.add.f32 [tilespmem:s20], [sflag:$0x3], $0x80, s18, s21, $0xb8;
	[tilespmem:$0x1F800] =	vst v63  }
0xb2: {  	_ =	swait.ge [sflag:s19], $0x4000  }
0xb3: {  	[sflag:s19] =	ssyncset.done $0x0  }
0xb4: {  	[sflag:s19] =	ssyncadd.s32 $0xFFFFC000  }
0xb5: {  	_ =	swait.ge [sflag:s24], $0x4000  }
0xb6: {  	[sflag:s24] =	ssyncset.done $0x0  }
0xb7: {  	s3 =	simm.s32 $0x100;
	[sflag:s24] =	ssyncadd.s32 $0xFFFFC000  }
0xb8: {  	[tilespmem:s20], [sflag:$0x1] =	stream.indirect.gather [hbm4b:s4+s21], $0x80, s3, s21, $0xb8;
	[tilespmem:$0x1F800] =	vst v63  }
0xb9: {  	s18 =	simm.s32 $0x1C80  }
0xba: {  	[spmem:s2] =	stream.indirect.scatter.add.f32 [tilespmem:s23], [sflag:$0x3], $0x80, s18, s21, $0xb8;
	[tilespmem:$0x1F800] =	vst v63  }
0xbb: {  	_ =	swait.ge [sflag:s19], $0x4000  }
0xbc: {  	s0 =	simm.s32 $0x400;
	[sflag:s19] =	ssyncset.done $0x0  }
.LBB2_8:
0xbd: {  	p0 =	sne.s32 s0, $0x5C00  }
0xbe: {  	[sflag:s19] =	ssyncadd.s32 $0xFFFFC000;
	s3 =	smov.u32 s0;
	s0 =	sadd.s32 $0x400, s0  }
0xbf: {  	_ = 	snop  }
0xc0: {  	_ =	swait.ge [sflag:s22], $0x4000  }
0xc1: {  	s3 =	sshra.s32 s3, $0x2;
	[sflag:s22] =	ssyncset.done $0x0  }
0xc2: {  	s18 =	sadd.s32 $0x80, s3;
	[sflag:s22] =	ssyncadd.s32 $0xFFFFC000  }
0xc3: {  	[tilespmem:s23], [sflag:$0x2] =	stream.indirect.gather [hbm4b:s4+s21], $0x80, s18, s21, $0xb8;
	[tilespmem:$0x1F800] =	vst v63  }
0xc4: {  	s18 =	sadd.s32 $0x1C00, s3  }
0xc5: {  	[spmem:s2] =	stream.indirect.scatter.add.f32 [tilespmem:s20], [sflag:$0x3], $0x80, s18, s21, $0xb8;
	[tilespmem:$0x1F800] =	vst v63  }
0xc6: {  	_ =	swait.ge [sflag:s19], $0x4000  }
0xc7: {  	[sflag:s19] =	ssyncset.done $0x0  }
0xc8: {  	[sflag:s19] =	ssyncadd.s32 $0xFFFFC000  }
0xc9: {  	_ =	swait.ge [sflag:s24], $0x4000  }
0xca: {  	[sflag:s24] =	ssyncset.done $0x0  }
0xcb: {  	s18 =	sadd.s32 $0x100, s3;
	[sflag:s24] =	ssyncadd.s32 $0xFFFFC000  }
0xcc: {  	[tilespmem:s20], [sflag:$0x1] =	stream.indirect.gather [hbm4b:s4+s21], $0x80, s18, s21, $0xb8;
	[tilespmem:$0x1F800] =	vst v63  }
.Ltmp3:
0xcd: {  	_ = 	snop;
	(pc) =	sbr.rel @p0 .LBB2_8-.Ltmp3, $4  }
0xce: {  	s3 =	sadd.s32 $0x1C80, s3  }
0xcf: {  	[spmem:s2] =	stream.indirect.scatter.add.f32 [tilespmem:s23], [sflag:$0x3], $0x80, s3, s21, $0xb8;
	[tilespmem:$0x1F800] =	vst v63  }
0xd0: {  	_ =	swait.ge [sflag:s19], $0x4000  }
0xd1: {  	[sflag:s19] =	ssyncset.done $0x0  }
0xd2: {  	[sflag:s19] =	ssyncadd.s32 $0xFFFFC000  }
0xd3: {  	_ =	swait.ge [sflag:s22], $0x4000  }
0xd4: {  	[sflag:s22] =	ssyncset.done $0x0  }
0xd5: {  	[sflag:s22] =	ssyncadd.s32 $0xFFFFC000  }
0xd6: {  	[tilespmem:s23], [sflag:$0x2] =	stream.indirect.gather [hbm4b:s4+s21], $0x80, s25, s21, $0xb8;
	[tilespmem:$0x1F800] =	vst v63  }
0xd7: {  	_ = 	snop  }
0xd8: {  	[spmem:s2] =	stream.indirect.scatter.add.f32 [tilespmem:s20], [sflag:$0x3], $0x80, s26, s21, $0xb8;
	[tilespmem:$0x1F800] =	vst v63  }
0xd9: {  	_ =	swait.ge [sflag:s19], $0x4000  }
0xda: {  	[sflag:s19] =	ssyncset.done $0x0  }
0xdb: {  	[sflag:s19] =	ssyncadd.s32 $0xFFFFC000  }
0xdc: {  	_ =	swait.ge [sflag:s24], $0x4000  }
0xdd: {  	[sflag:s24] =	ssyncset.done $0x0  }
0xde: {  	[sflag:s24] =	ssyncadd.s32 $0xFFFFC000  }
0xdf: {  	[spmem:s2] =	stream.indirect.scatter.add.f32 [tilespmem:s23], [sflag:$0x3], $0x80, s28, s21, $0xb8;
	[tilespmem:$0x1F800] =	vst v63  }
0xe0: {  	_ =	swait.ge [sflag:s19], $0x4000  }
0xe1: {  	[sflag:s19] =	ssyncset.done $0x0  }
0xe2: {  	[sflag:s19] =	ssyncadd.s32 $0xFFFFC000  }
0xe3: {  	[bflag:$0x0] =	sbarrier.arrive $0xFFFF  }
0xe4: {  	[hbm:s10], [sflag:s30] =	dma.local [spmem:s31], $0x2800  }
0xe5: {  	_ =	swait.ge [sflag:s19], $0x2800  }
0xe6: {  	[sflag:s19] =	ssyncset.done $0x0  }
0xe7: {  	[sflag:s19] =	ssyncadd.s32 $0xFFFFD800  }
0xe8: {  	s0 =	simm.s32 $0x0;
	s3 =	simm.s32 $0x200;
	[bflag:$0x0] =	sbarrier.arrive $0xFFFF  }
.LBB2_10:
0xe9: {  	p0 =	sne.s32 s3, $0xFE00;
	[tilespmem:s0+$0x3870] =	vst v0  }
0xea: {  	[tilespmem:s0+$0x3800] =	vst v0  }
0xeb: {  	[tilespmem:s0+$0x3810] =	vst v0  }
.Ltmp4:
0xec: {  	[tilespmem:s0+$0x3820] =	vst v0;
	(pc) =	sbr.rel @p0 .LBB2_10-.Ltmp4, $4  }
0xed: {  	[tilespmem:s0+$0x3830] =	vst v0  }
0xee: {  	[tilespmem:s0+$0x3840] =	vst v0  }
0xef: {  	[tilespmem:s0+$0x3850] =	vst v0  }
0xf0: {  	[tilespmem:s0+$0x3860] =	vst v0;
	s0 =	sshra.s32 s3, $0x2;
	s3 =	sadd.s32 $0x200, s3  }
0xf1: {  	[tilespmem:s0+$0x3870] =	vst v0  }
0xf2: {  	[tilespmem:s0+$0x3800] =	vst v0  }
0xf3: {  	[tilespmem:s0+$0x3810] =	vst v0  }
0xf4: {  	[tilespmem:s0+$0x3820] =	vst v0  }
0xf5: {  	[tilespmem:s0+$0x3830] =	vst v0  }
0xf6: {  	[tilespmem:s0+$0x3840] =	vst v0  }
0xf7: {  	[tilespmem:s0+$0x3850] =	vst v0  }
0xf8: {  	[tilespmem:s0+$0x3860] =	vst v0  }
0xf9: {  	[spmem:s6] =	stream.linear.scatter [tilespmem:s20], [sflag:$0x3], $0x4000, $0x38;
	[tilespmem:$0x1F800] =	vst v63  }
0xfa: {  	_ =	swait.ge [sflag:s19], $0x4000  }
0xfb: {  	[sflag:s19] =	ssyncset.done $0x0  }
0xfc: {  	[sflag:s19] =	ssyncadd.s32 $0xFFFFC000  }
0xfd: {  	[spmem:s14] =	stream.linear.scatter [tilespmem:s20], [sflag:$0x3], $0x4000, $0x38;
	[tilespmem:$0x1F800] =	vst v63  }
0xfe: {  	_ =	swait.ge [sflag:s19], $0x4000  }
0xff: {  	[sflag:s19] =	ssyncset.done $0x0  }
0x100: {  	[sflag:s19] =	ssyncadd.s32 $0xFFFFC000  }
0x101: {  	[spmem:s15] =	stream.linear.scatter [tilespmem:s20], [sflag:$0x3], $0x4000, $0x38;
	[tilespmem:$0x1F800] =	vst v63  }
0x102: {  	_ =	swait.ge [sflag:s19], $0x4000  }
0x103: {  	[sflag:s19] =	ssyncset.done $0x0  }
0x104: {  	[sflag:s19] =	ssyncadd.s32 $0xFFFFC000  }
0x105: {  	[spmem:s16] =	stream.linear.scatter [tilespmem:s20], [sflag:$0x3], $0x4000, $0x38;
	[tilespmem:$0x1F800] =	vst v63  }
0x106: {  	_ =	swait.ge [sflag:s19], $0x4000  }
0x107: {  	[sflag:s19] =	ssyncset.done $0x0  }
0x108: {  	[sflag:s19] =	ssyncadd.s32 $0xFFFFC000  }
0x109: {  	[spmem:s17] =	stream.linear.scatter [tilespmem:s20], [sflag:$0x3], $0x4000, $0x38;
	[tilespmem:$0x1F800] =	vst v63  }
0x10a: {  	_ =	swait.ge [sflag:s19], $0x4000  }
0x10b: {  	[sflag:s19] =	ssyncset.done $0x0  }
0x10c: {  	s18 =	simm.s32 $0x0;
	[sflag:s19] =	ssyncadd.s32 $0xFFFFC000  }
0x10d: {  	[tilespmem:s18], [sflag:$0x3] =	stream.linear.gather [hbm4b:s11+s18], $0x1900, $0x38;
	[tilespmem:$0x1F800] =	vst v63  }
0x10e: {  	_ =	swait.ge [sflag:s19], $0x1900  }
0x10f: {  	[sflag:s19] =	ssyncset.done $0x0  }
0x110: {  	[sflag:s19] =	ssyncadd.s32 $0xFFFFE700  }
0x111: {  	[bflag:$0x0] =	sbarrier.arrive $0xFFFF  }
0x112: {  	[tilespmem:s20], [sflag:$0x1] =	stream.indirect.gather [hbm4b:s4+s21], $0x80, s18, s21, $0xb8;
	[tilespmem:$0x1F800] =	vst v63  }
0x113: {  	_ =	swait.ge [sflag:s22], $0x4000  }
0x114: {  	[sflag:s22] =	ssyncset.done $0x0  }
0x115: {  	s3 =	simm.s32 $0x80;
	[sflag:s22] =	ssyncadd.s32 $0xFFFFC000  }
0x116: {  	[tilespmem:s23], [sflag:$0x2] =	stream.indirect.gather [hbm4b:s4+s21], $0x80, s3, s21, $0xb8;
	[tilespmem:$0x1F800] =	vst v63  }
0x117: {  	s18 =	simm.s32 $0x1C00  }
0x118: {  	[spmem:s2] =	stream.indirect.scatter.add.f32 [tilespmem:s20], [sflag:$0x3], $0x80, s18, s21, $0xb8;
	[tilespmem:$0x1F800] =	vst v63  }
0x119: {  	_ =	swait.ge [sflag:s19], $0x4000  }
0x11a: {  	[sflag:s19] =	ssyncset.done $0x0  }
0x11b: {  	[sflag:s19] =	ssyncadd.s32 $0xFFFFC000  }
0x11c: {  	_ =	swait.ge [sflag:s24], $0x4000  }
0x11d: {  	[sflag:s24] =	ssyncset.done $0x0  }
0x11e: {  	s3 =	simm.s32 $0x100;
	[sflag:s24] =	ssyncadd.s32 $0xFFFFC000  }
0x11f: {  	[tilespmem:s20], [sflag:$0x1] =	stream.indirect.gather [hbm4b:s4+s21], $0x80, s3, s21, $0xb8;
	[tilespmem:$0x1F800] =	vst v63  }
0x120: {  	s18 =	simm.s32 $0x1C80  }
0x121: {  	[spmem:s2] =	stream.indirect.scatter.add.f32 [tilespmem:s23], [sflag:$0x3], $0x80, s18, s21, $0xb8;
	[tilespmem:$0x1F800] =	vst v63  }
0x122: {  	_ =	swait.ge [sflag:s19], $0x4000  }
0x123: {  	s0 =	simm.s32 $0x400;
	[sflag:s19] =	ssyncset.done $0x0  }
.LBB2_12:
0x124: {  	p0 =	sne.s32 s0, $0x5C00  }
0x125: {  	[sflag:s19] =	ssyncadd.s32 $0xFFFFC000;
	s3 =	smov.u32 s0;
	s0 =	sadd.s32 $0x400, s0  }
0x126: {  	_ = 	snop  }
0x127: {  	_ =	swait.ge [sflag:s22], $0x4000  }
0x128: {  	s3 =	sshra.s32 s3, $0x2;
	[sflag:s22] =	ssyncset.done $0x0  }
0x129: {  	s18 =	sadd.s32 $0x80, s3;
	[sflag:s22] =	ssyncadd.s32 $0xFFFFC000  }
0x12a: {  	[tilespmem:s23], [sflag:$0x2] =	stream.indirect.gather [hbm4b:s4+s21], $0x80, s18, s21, $0xb8;
	[tilespmem:$0x1F800] =	vst v63  }
0x12b: {  	s18 =	sadd.s32 $0x1C00, s3  }
0x12c: {  	[spmem:s2] =	stream.indirect.scatter.add.f32 [tilespmem:s20], [sflag:$0x3], $0x80, s18, s21, $0xb8;
	[tilespmem:$0x1F800] =	vst v63  }
0x12d: {  	_ =	swait.ge [sflag:s19], $0x4000  }
0x12e: {  	[sflag:s19] =	ssyncset.done $0x0  }
0x12f: {  	[sflag:s19] =	ssyncadd.s32 $0xFFFFC000  }
0x130: {  	_ =	swait.ge [sflag:s24], $0x4000  }
0x131: {  	[sflag:s24] =	ssyncset.done $0x0  }
0x132: {  	s18 =	sadd.s32 $0x100, s3;
	[sflag:s24] =	ssyncadd.s32 $0xFFFFC000  }
0x133: {  	[tilespmem:s20], [sflag:$0x1] =	stream.indirect.gather [hbm4b:s4+s21], $0x80, s18, s21, $0xb8;
	[tilespmem:$0x1F800] =	vst v63  }
.Ltmp5:
0x134: {  	_ = 	snop;
	(pc) =	sbr.rel @p0 .LBB2_12-.Ltmp5, $4  }
0x135: {  	s3 =	sadd.s32 $0x1C80, s3  }
0x136: {  	[spmem:s2] =	stream.indirect.scatter.add.f32 [tilespmem:s23], [sflag:$0x3], $0x80, s3, s21, $0xb8;
	[tilespmem:$0x1F800] =	vst v63  }
0x137: {  	_ =	swait.ge [sflag:s19], $0x4000  }
0x138: {  	[sflag:s19] =	ssyncset.done $0x0  }
0x139: {  	[sflag:s19] =	ssyncadd.s32 $0xFFFFC000  }
0x13a: {  	_ =	swait.ge [sflag:s22], $0x4000  }
0x13b: {  	[sflag:s22] =	ssyncset.done $0x0  }
0x13c: {  	[sflag:s22] =	ssyncadd.s32 $0xFFFFC000  }
0x13d: {  	[tilespmem:s23], [sflag:$0x2] =	stream.indirect.gather [hbm4b:s4+s21], $0x80, s25, s21, $0xb8;
	[tilespmem:$0x1F800] =	vst v63  }
0x13e: {  	_ = 	snop  }
0x13f: {  	[spmem:s2] =	stream.indirect.scatter.add.f32 [tilespmem:s20], [sflag:$0x3], $0x80, s26, s21, $0xb8;
	[tilespmem:$0x1F800] =	vst v63  }
0x140: {  	_ =	swait.ge [sflag:s19], $0x4000  }
0x141: {  	[sflag:s19] =	ssyncset.done $0x0  }
0x142: {  	[sflag:s19] =	ssyncadd.s32 $0xFFFFC000  }
0x143: {  	_ =	swait.ge [sflag:s24], $0x4000  }
0x144: {  	[sflag:s24] =	ssyncset.done $0x0  }
0x145: {  	[sflag:s24] =	ssyncadd.s32 $0xFFFFC000  }
0x146: {  	[spmem:s2] =	stream.indirect.scatter.add.f32 [tilespmem:s23], [sflag:$0x3], $0x80, s28, s21, $0xb8;
	[tilespmem:$0x1F800] =	vst v63  }
0x147: {  	_ =	swait.ge [sflag:s19], $0x4000  }
0x148: {  	[sflag:s19] =	ssyncset.done $0x0  }
0x149: {  	s29 =	sadd.s32 $0x1, s29;
	[sflag:s19] =	ssyncadd.s32 $0xFFFFC000  }
0x14a: {  	p0 =	sne.s32 s29, s13;
	[bflag:$0x0] =	sbarrier.arrive $0xFFFF  }
0x14b: {  	[hbm:s12], [sflag:s30] =	dma.local [spmem:s31], $0x2800  }
.Ltmp6:
0x14c: {  	_ =	swait.ge [sflag:s19], $0x2800;
	(pc) =	sbr.rel @p0 .LBB2_1-.Ltmp6, $3  }
0x14d: {  	[sflag:s19] =	ssyncset.done $0x0  }
0x14e: {  	[sflag:s19] =	ssyncadd.s32 $0xFFFFD800  }
0x14f: {  	[bflag:$0x0] =	sbarrier.arrive $0xFFFF;
	_ =	sdelay $0x1  }
0x150: {  	_ =	sfence.sel $0x180000  }
0x151: {  	[bflag:$0x0] =	sbarrier.arrive $0xFFFF  }
0x152: {  	_ =	strace $0x9000004A  }
0x153: {  	[bflag:$0x2] =	sbarrier.arrive $0xFFFF  }
0x154: {  	p0 =	sne.s32 s1, $0x0;
	s0 =	rddreg [dreg:$0x2]  }
0x155: {  	s0 =	sadd.s32 @!p0 $0x100000, s0  }
0x156: {  	[sflag:s0] =	ssyncadd.tile.s32 @!p0 $0x1;
	_ =	shalt  }
.Lfunc_end2:
_tile_overlayer_lowered:
.L_overlay_start_2:
0x157: {  	(tag) =	ssettag $0x2  }
0x158: {  	s0 =	rddreg [dreg:$0x0];
	s2 =	stileid.u32  }
0x159: {  	s1 =	rddreg [dreg:$0x1];
	p0 =	sne.s32 s2, $0x0  }
0x15a: {  	s3 =	rddreg [dreg:$0x2];
	[bflag:$0x3] =	sbarrier.arrive $0xFFFF;
	s2 =	simm.s32 @!p0 $0x1C03  }
0x15b: {  	[timem:s3], [sflag:s2] =	dma.local @!p0 [hbm:s0], s1  }
0x15c: {  	s0 =	simm.s32 @!p0 $0x3  }
0x15d: {  	_ =	swait.ge @!p0 [sflag:s0], s1  }
0x15e: {  	s1 =	ssub.s32 @!p0 $0x0, s1;
	[sflag:s0] =	ssyncset.done @!p0 $0x0  }
0x15f: {  	[sflag:s0] =	ssyncadd.s32 @!p0 s1  }
0x160: {  	[bflag:$0x3] =	sbarrier.arrive $0xFFFF  }
0x161: {  	_ =	shalt  }

// kernel: kernel.14.cloned.1.call-start
scs
__scs_entry_jumppad:
0x0: {  	(pc) =	sbr.rel $0x88, $3  }
0x1: {  	(tag) =	ssettag $0x0;
	lr =	simm.s32 $0x1  }
0x2: {  	[smem:$0x3F96] =	sst lr;
	_ =	strace $0xD0000000  }
0x3: {  	_ = 	snop  }
0x4: {  	_ = 	snop  }
0x5: {  	_ = 	snop  }
0x6: {  	_ = 	snop  }
0x7: {  	_ = 	snop  }
__scs_overlays_trampoline_lowered:
0x8: {  	[smem:$0x3FA5] =	sst s0  }
0x9: {  	[smem:$0x3FA6] =	sst s1  }
0xa: {  	[smem:$0x3FA7] =	sst s2  }
0xb: {  	[smem:$0x3FA8] =	sst s3  }
0xc: {  	[smem:$0x3FA9] =	sst s4  }
0xd: {  	[smem:$0x3FAA] =	sst s5  }
0xe: {  	[smem:$0x3FAB] =	sst s6  }
0xf: {  	[smem:$0x3FAC] =	sst s7  }
0x10: {  	[smem:$0x3FAD] =	sst s8  }
0x11: {  	[smem:$0x3FAE] =	sst s9;
	s0 =	simm.s32 @!p0 $0x0  }
0x12: {  	s1 =	sld [smem:$0x3F94];
	s0 =	simm.s32 @p0 $0x1  }
0x13: {  	[smem:$0x3FAF] =	sst s0;
	s0 =	simm.s32 @!p1 $0x0  }
0x14: {  	s2 =	sld [smem:$0x3F93];
	s0 =	simm.s32 @p1 $0x1  }
0x15: {  	[smem:$0x3FB0] =	sst s0;
	s0 =	simm.s32 @!p2 $0x0  }
0x16: {  	s3 =	sld [smem:$0x3FDB];
	s0 =	simm.s32 @p2 $0x1  }
0x17: {  	s4 =	simm.s32 $0x1BF5;
	[smem:$0x3FB2] =	sst s0  }
0x18: {  	s0 =	sld [smem:$0x3F95];
	_ =	swait.ge [sflag:s4], $0x0  }
0x19: {  	s7 =	sld [smem:$0x3F96]  }
0x1a: {  	s8 =	sadd.s32 $0xFFFFE003, lr  }
0x1b: {  	s9 =	sadd.s32 $0xFFFFFEF7, lr;
	s5 =	simm.s32 $0xFFFFFFFF;
	p2 =	slt.u32 s8, $0xFFFFF086  }
0x1c: {  	p1 =	slt.u32 s9, $0xF7A;
	s5 =	simm.s32 @!p2 $0x0  }
0x1d: {  	s5 =	simm.s32 @p1 $0x1;
	p0 =	seq.s32 s7, s2  }
0x1e: {  	s7 =	smul.u32 @!p0 $0xF7A, s2;
	p2 =	seq.s32 @!p0 s5, $0x0  }
0x1f: {  	s9 =	smul.u32 $0xF7A, s1;
	s8 =	simm.s32 @!p0 $0x1BF5;
	p2 =	por !p2, p0  }
0x20: {  	[sflag:s8] =	ssyncset.s32 @!p0 $0xFFFFF086;
	s6 =	sadd.s32 @!p0 s3, s7;
	s7 =	simm.s32 @!p0 $0x108  }
0x21: {  	s3 =	sadd.s32 s3, s9;
	s6 =	sadd.s32 @!p0 $0x88, s6;
	s7 =	simm.s32 @p2 $0x1082  }
0x22: {  	[simem:s7], [sflag:s8] =	dma.local @!p0 [hbm:s6], $0xF7A  }
0x23: {  	s9 =	sor.u32 $0xD0000000, s2;
	s6 =	simm.s32 $0x108;
	_ =	swait.ge @!p0 [sflag:s8], $0x0  }
0x24: {  	s3 =	sadd.s32 $0x88, s3;
	s6 =	simm.s32 @!p1 $0x1082;
	[sflag:s4] =	ssyncset.s32 $0xFFFFF086  }
0x25: {  	[simem:s6], [sflag:s4] =	dma.local [hbm:s3], $0xF7A  }
0x26: {  	[smem:$0x3F96] =	sst s1;
	(tag) =	ssettag s2;
	_ =	strace s9  }
0x27: {  	s1 =	sld [smem:$0x3FA6]  }
0x28: {  	s2 =	sld [smem:$0x3FA7]  }
0x29: {  	s4 =	sld [smem:$0x3FA9]  }
0x2a: {  	p0 =	seq.s32 s5, $0x0;
	s5 =	sld [smem:$0x3FAA]  }
0x2b: {  	s6 =	sld [smem:$0x3FAB]  }
0x2c: {  	s7 =	sld [smem:$0x3FAC]  }
0x2d: {  	s3 =	simm.s32 $0x108;
	s8 =	sld [smem:$0x3FAD]  }
0x2e: {  	s3 =	simm.s32 @!p0 $0x1082;
	s9 =	sld [smem:$0x3FAE]  }
0x2f: {  	lr =	sadd.s32 s0, s3;
	s0 =	sld [smem:$0x3FA5]  }
0x30: {  	s3 =	sld [smem:$0x3FA8]  }
0x31: {  	[smem:$0x3FB1] =	sst s10  }
0x32: {  	s10 =	sld [smem:$0x3FAF];
	_ =	sdelay $0x3  }
0x33: {  	p0 =	seq.s32 s10, $0x1;
	s10 =	sld [smem:$0x3FB1];
	_ =	sdelay $0x3  }
0x34: {  	[smem:$0x3FB1] =	sst s10  }
0x35: {  	s10 =	sld [smem:$0x3FB0];
	_ =	sdelay $0x3  }
0x36: {  	p1 =	seq.s32 s10, $0x1;
	s10 =	sld [smem:$0x3FB1];
	_ =	sdelay $0x3  }
0x37: {  	[smem:$0x3FB1] =	sst s10  }
0x38: {  	s10 =	sld [smem:$0x3FB2]  }
0x39: {  	_ = 	snop;
	(pc) =	sbr.ind lr, $3  }
0x3a: {  	_ = 	snop  }
0x3b: {  	_ = 	snop  }
0x3c: {  	p2 =	seq.s32 s10, $0x1;
	s10 =	sld [smem:$0x3FB1]  }
0x3d: {  	_ =	shalt  }
0x3e: {  	_ =	shalt  }
0x3f: {  	_ =	shalt  }
0x40: {  	_ =	shalt  }
0x41: {  	_ =	shalt  }
0x42: {  	_ =	shalt  }
0x43: {  	_ =	shalt  }
0x44: {  	_ =	shalt  }
0x45: {  	_ =	shalt  }
0x46: {  	_ =	shalt  }
0x47: {  	_ =	shalt  }
0x48: {  	_ =	shalt  }
0x49: {  	_ =	shalt  }
0x4a: {  	_ =	shalt  }
0x4b: {  	_ =	shalt  }
0x4c: {  	_ =	shalt  }
0x4d: {  	_ =	shalt  }
0x4e: {  	_ =	shalt  }
0x4f: {  	_ =	shalt  }
0x50: {  	_ =	shalt  }
0x51: {  	_ =	shalt  }
0x52: {  	_ =	shalt  }
0x53: {  	_ =	shalt  }
0x54: {  	_ =	shalt  }
0x55: {  	_ =	shalt  }
0x56: {  	_ =	shalt  }
0x57: {  	_ =	shalt  }
0x58: {  	_ =	shalt  }
0x59: {  	_ =	shalt  }
0x5a: {  	_ =	shalt  }
0x5b: {  	_ =	shalt  }
0x5c: {  	_ =	shalt  }
0x5d: {  	_ =	shalt  }
0x5e: {  	_ =	shalt  }
0x5f: {  	_ =	shalt  }
0x60: {  	_ =	shalt  }
0x61: {  	_ =	shalt  }
0x62: {  	_ =	shalt  }
0x63: {  	_ =	shalt  }
0x64: {  	_ =	shalt  }
0x65: {  	_ =	shalt  }
0x66: {  	_ =	shalt  }
0x67: {  	_ =	shalt  }
0x68: {  	_ =	shalt  }
0x69: {  	_ =	shalt  }
0x6a: {  	_ =	shalt  }
0x6b: {  	_ =	shalt  }
0x6c: {  	_ =	shalt  }
0x6d: {  	_ =	shalt  }
0x6e: {  	_ =	shalt  }
0x6f: {  	_ =	shalt  }
0x70: {  	_ =	shalt  }
0x71: {  	_ =	shalt  }
0x72: {  	_ =	shalt  }
0x73: {  	_ =	shalt  }
0x74: {  	_ =	shalt  }
0x75: {  	_ =	shalt  }
0x76: {  	_ =	shalt  }
0x77: {  	_ =	shalt  }
0x78: {  	_ =	shalt  }
0x79: {  	_ =	shalt  }
0x7a: {  	_ =	shalt  }
0x7b: {  	_ =	shalt  }
0x7c: {  	_ =	shalt  }
0x7d: {  	_ =	shalt  }
0x7e: {  	_ =	shalt  }
0x7f: {  	_ =	shalt  }
0x80: {  	_ =	shalt  }
0x81: {  	_ =	shalt  }
0x82: {  	_ =	shalt  }
0x83: {  	_ =	shalt  }
0x84: {  	_ =	shalt  }
0x85: {  	_ =	shalt  }
0x86: {  	_ =	shalt  }
0x87: {  	_ =	shalt  }
.Lfunc_end0:
.L_simem_size_0:
called_computation.2_lowered:
.L_overlay_start_0:
0x88: {  	s2 =	sld [smem:$0x3FD9]  }
0x89: {  	s3 =	sld [smem:$0x3FFE];
	_ =	sdelay $0x1  }
0x8a: {  	s1 =	srdreg.scid  }
0x8b: {  	s0 =	sand.u32 $0x1, s1  }
0x8c: {  	s16 =	sshll.u32 s0, $0xA;
	s2 =	sadd.s32 s3, s2  }
0x8d: {  	s2 =	sadd.s32 s2, s16  }
0x8e: {  	[smem:$0x3FBD] =	sst s2  }
0x8f: {  	_ = 	snop  }
0x90: {  	(tm) =	ssettm $0x1  }
0x91: {  	s17 =	sld [smem:$0x3FFB];
	_ =	sdelay $0x3  }
0x92: {  	_ =	strace s17  }
0x93: {  	s2 =	sld [smem:$0x3FFC];
	_ =	sdelay $0x3  }
0x94: {  	_ =	strace s2  }
0x95: {  	s2 =	sld [smem:$0x3FFD];
	_ =	sdelay $0x3  }
0x96: {  	_ =	strace s2  }
0x97: {  	_ =	strace $0x8FFFFFFF  }
0x98: {  	s18 =	sld [smem:$0x3FDB];
	_ =	sdelay $0x1  }
0x99: {  	s19 =	simm.s32 $_scs_section_size  }
0x9a: {  	s4 =	simm.s32 $_size__tile_overlayer_lowered;
	s5 =	simm.s32 $_tile_overlayer_lowered  }
0x9b: {  	s22 =	simm.s32 $0x1BFF;
	s21 =	sshll.u32 s5, $0x1;
	s2 =	sadd.s32 s19, s18  }
0x9c: {  	s6 =	simm.s32 $0x0;
	s20 =	sshll.u32 s4, $0x1;
	s4 =	sadd.s32 s21, s2  }
0x9d: {  	[timem:s6], [sflag:s22] =	dma.local [hbm:s4], s20  }
0x9e: {  	_ =	swait.ge [sflag:s22], s20  }
0x9f: {  	s3 =	ssub.s32 $0x0, s20;
	[sflag:s22] =	ssyncset.done $0x0  }
0xa0: {  	[sflag:s22] =	ssyncadd.s32 s3;
	_ =	sdelay $0x1  }
0xa1: {  	s23 =	simm.s32 $0x1B8B  }
0xa2: {  	_ =	swait.ge [sflag:s23], $0x1  }
0xa3: {  	[sflag:s23] =	ssyncset.done $0x0  }
0xa4: {  	s25 =	simm.s32 $0x1B8E;
	s24 =	sld [smem:$0x3FFE];
	[sflag:s23] =	ssyncadd.s32 $0xFFFFFFFF  }
0xa5: {  	s26 =	simm.s32 $execute0_lowered;
	[smem:$0x3FD2] =	sst s25  }
0xa6: {  	s4 =	sshll.u32 s26, $0x1;
	_ =	strace $0x8000004C;
	[dreg:$0x1] =	wrdreg $0xFFFFFFFF  }
0xa7: {  	s28 =	simm.s32 $_size_execute0_lowered;
	s2 =	sadd.s32 s2, s4;
	[dreg:$0x0] =	wrdreg $0x0  }
0xa8: {  	s4 =	sshll.u32 s28, $0x1;
	[dreg:$0x2] =	wrdreg s2  }
0xa9: {  	[dreg:$0x3] =	wrdreg s4  }
0xaa: {  	[dreg:$0x4] =	wrdreg $0xC0  }
0xab: {  	_ =	task [dreg:s6], $0x5FFFF  }
0xac: {  	[dreg:$0x1] =	wrdreg $0xFFFFFFFF  }
0xad: {  	[dreg:$0x0] =	wrdreg $0x60  }
0xae: {  	[dreg:$0x2] =	wrdreg s24  }
0xaf: {  	[dreg:$0x3] =	wrdreg $0xB9800  }
0xb0: {  	[dreg:$0x4] =	wrdreg $0x9  }
0xb1: {  	_ =	task.clear_ibuf [dreg:s6], $0x5FFFF;
	_ =	strace $0x9000004C  }
0xb2: {  	s29 =	simm.s32 $0x9;
	_ =	strace $0x8000004E  }
0xb3: {  	_ =	swait.ge [sflag:s29], $0x1  }
0xb4: {  	[sflag:s29] =	ssyncadd.s32 $0xFFFFFFFF  }
0xb5: {  	_ =	strace $0x9000004E  }
0xb6: {  	_ =	sfence  }
0xb7: {  	s30 =	sld [smem:$0x0];
	_ =	sdelay $0x2  }
0xb8: {  	s31 =	sshll.u32 s1, $0xD;
	s1 =	sshrl.u32 s1, $0x2  }
0xb9: {  	s3 =	sand.u32 $0x4000, s31;
	s1 =	sadd.s32 s1, s30  }
0xba: {  	s0 =	sor.u32 s3, s0;
	s1 =	sshll.u32 s1, $0x11  }
0xbb: {  	s0 =	sor.u32 s1, s0  }
0xbc: {  	s0 =	sadd.s32 $0x8F2B, s0  }
0xbd: {  	[sflag:s0] =	ssyncadd.remote.s32 $0x1  }
0xbe: {  	_ =	sfence.sel $0xFFFF  }
0xbf: {  	[dreg:$0x0] =	wrdreg $0xFFFFFFFF;
	(pc) =	sbr.abs _section_cstart, $3  }
0xc0: {  	[dreg:$0x1] =	wrdreg $0xFFFFFFFF  }
0xc1: {  	_ =	task.clear_ibuf [dreg:s6], $0x2FFFF;
	_ =	strace $0x9FFFFFFF  }
0xc2: {  	(tm) =	ssettm $0x7FFFFFFF  }
0xc3: {  	_ =	shalt  }
tec
execute0_lowered:
.L_overlay_start_1:
0x0: {  	(tag) =	ssettag $0x1  }
0x1: {  	s0 =	rddreg [dreg:$0x0];
	s2 =	srdreg.scid  }
0x2: {  	s1 =	simm.s32 $0x0;
	s22 =	stileid.u32;
	s29 =	rddreg [dreg:$0x1]  }
0x3: {  	s4 =	sand.u32 $0x1, s2;
	[smem:$0x7FF] =	sst s1;
	s5 =	smul.u32 $0x1C00, s22  }
0x4: {  	s7 =	sadd.s32 $0xFA400, s0;
	s8 =	smul.u32 $0xA0, s22;
	s6 =	sadd.s32 $0x2800, s0  }
0x5: {  	s9 =	sadd.s32 $0x3600, s0;
	s23 =	sshll.u32 s22, $0x5;
	s26 =	sshll.u32 s22, $0x8  }
0x6: {  	s30 =	sadd.s32 $0x1FF400, s0;
	s31 =	sadd.s32 $0x2200, s0;
	s11 =	smul.u32 $0x54000, s4  }
0x7: {  	s2 =	ssub.s32 $0x2, s4;
	s28 =	sand.u32 $0xC00, s26;
	s14 =	smul.u32 $0x3000, s4  }
0x8: {  	s15 =	smul.u32 $0x1E00, s4;
	p0 =	sne.s32 s4, $0x0;
	s3 =	sshrl.u32 s2, $0x1  }
0x9: {  	s10 =	sadd.s32 $0x50, s8;
	s12 =	sshrl.u32 s8, $0x3;
	s3 =	ssub.s32 s2, s3  }
0xa: {  	s2 =	sadd.s32 s6, s23;
	s13 =	sshrl.u32 s10, $0x3;
	s12 =	sadd.s32 s9, s12  }
0xb: {  	s24 =	sadd.s32 s5, s11;
	s11 =	smul.u32 $0x3, s4;
	s14 =	sor.u32 s14, s28  }
0xc: {  	s19 =	sadd.s32 s8, s15;
	[dreg:$0x3] =	wrdreg s12;
	s9 =	sadd.s32 s9, s13  }
0xd: {  	s25 =	sshrl.u32 s24, $0x3;
	s13 =	sand.u32 $0x300, s26;
	s26 =	sadd.s32 $0x2A00, s0  }
0xe: {  	s3 =	smax.u32 s3, $0x1;
	[dreg:$0x4] =	wrdreg s9;
	s12 =	sadd.s32 s7, s25  }
0xf: {  	s16 =	sadd.s32 $0x1, s11;
	s17 =	sor.u32 $0x80, s13;
	s20 =	sor.u32 s13, s14  }
0x10: {  	s9 =	sadd.s32 $0x38000, s24;
	s11 =	sshll.u32 s11, $0xC;
	[dreg:$0x5] =	wrdreg s12  }
0x11: {  	s18 =	smul.u32 $0x1C000, s16;
	s21 =	sor.u32 s28, s17;
	s9 =	sshrl.u32 s9, $0x3  }
0x12: {  	s23 =	smul.u32 $0xA00, s16;
	s24 =	sshll.u32 s16, $0xC;
	s11 =	sor.u32 s28, s11  }
0x13: {  	s14 =	sor.u32 s17, s14;
	s21 =	sshrl.u32 s21, $0x3;
	s11 =	sadd.s32 $0x2000, s11  }
0x14: {  	s14 =	sshrl.u32 s14, $0x3;
	s18 =	sadd.s32 s5, s18;
	s6 =	sadd.s32 s6, s21  }
0x15: {  	s21 =	sadd.s32 s15, s10;
	s12 =	sadd.s32 s8, s23;
	s15 =	sadd.s32 $0x1400, s15  }
0x16: {  	s14 =	sadd.s32 s26, s14;
	s18 =	sshrl.u32 s18, $0x3;
	s8 =	sadd.s32 s8, s15  }
0x17: {  	[dreg:$0x9] =	wrdreg s14;
	s14 =	simm.s32 $0x7800;
	s18 =	sadd.s32 s7, s18  }
0x18: {  	s7 =	sadd.s32 s7, s9;
	s9 =	sor.u32 s28, s24;
	s28 =	sshrl.u32 s20, $0x3  }
0x19: {  	s20 =	sadd.s32 $0xA400, s0;
	s24 =	sshll.u32 s21, $0x4;
	[dreg:$0x6] =	wrdreg s18  }
0x1a: {  	[dreg:$0x7] =	wrdreg s7;
	s7 =	sadd.s32 s10, s23;
	s10 =	sadd.s32 s10, s15  }
0x1b: {  	s25 =	sor.u32 s13, s9;
	s9 =	sor.u32 s17, s9;
	s13 =	sor.u32 s13, s11  }
0x1c: {  	s11 =	sor.u32 s17, s11;
	s17 =	sadd.s32 s26, s28;
	s23 =	sshll.u32 s19, $0x4  }
0x1d: {  	s28 =	sadd.s32 s20, s24;
	[dreg:$0x8] =	wrdreg s17;
	s15 =	sshrl.u32 s25, $0x3  }
0x1e: {  	s9 =	sshrl.u32 s9, $0x3;
	s17 =	sshrl.u32 s13, $0x3;
	s11 =	sshrl.u32 s11, $0x3  }
0x1f: {  	s25 =	sadd.s32 $0x46400, s0;
	[dreg:$0x10] =	wrdreg s28;
	s15 =	sadd.s32 s26, s15  }
0x20: {  	s7 =	sshll.u32 s7, $0x4;
	s9 =	sadd.s32 s26, s9;
	[dreg:$0xa] =	wrdreg s15  }
0x21: {  	s28 =	sadd.s32 $0x10, s2;
	s18 =	sadd.s32 s26, s11;
	[dreg:$0xb] =	wrdreg s9  }
0x22: {  	s11 =	sadd.s32 s25, s23;
	s13 =	sadd.s32 s25, s24;
	[dreg:$0xd] =	wrdreg s18  }
0x23: {  	s16 =	sadd.s32 s20, s7;
	s7 =	sadd.s32 s25, s7;
	[dreg:$0xf] =	wrdreg s11  }
0x24: {  	s24 =	smul.u32 $0x50000, s22;
	s22 =	simm.s32 $0x0;
	[dreg:$0x11] =	wrdreg s13  }
0x25: {  	s9 =	sadd.s32 s26, s17;
	s26 =	sadd.s32 s20, s23;
	[dreg:$0x14] =	wrdreg s16  }
0x26: {  	s15 =	sshll.u32 s12, $0x4;
	[dreg:$0x15] =	wrdreg s7;
	s17 =	sshll.u32 s8, $0x4  }
0x27: {  	s18 =	sshll.u32 s10, $0x4;
	s23 =	sshrl.u32 s5, $0x3;
	[dreg:$0xc] =	wrdreg s9  }
0x28: {  	s10 =	simm.s32 $0x3;
	[dreg:$0xe] =	wrdreg s26;
	s12 =	sadd.s32 s20, s15  }
0x29: {  	s13 =	simm.s32 $0x1;
	s11 =	sadd.s32 s25, s15;
	[dreg:$0x12] =	wrdreg s12  }
0x2a: {  	s16 =	simm.s32 $0x1880;
	s19 =	sadd.s32 s20, s17;
	[dreg:$0x13] =	wrdreg s11  }
0x2b: {  	s7 =	sadd.s32 s25, s17;
	s20 =	sadd.s32 s20, s18;
	[dreg:$0x16] =	wrdreg s19  }
0x2c: {  	s21 =	sadd.s32 s25, s18;
	s4 =	sadd.s32 s23, s0;
	[dreg:$0x17] =	wrdreg s7  }
0x2d: {  	s26 =	sshrl.u32 s24, $0x2;
	s15 =	simm.s32 $0x2;
	[dreg:$0x18] =	wrdreg s20  }
0x2e: {  	s17 =	simm.s32 $0x3400;
	s18 =	simm.s32 $0x3480;
	[dreg:$0x19] =	wrdreg s21  }
0x2f: {  	s25 =	sadd.s32 $0x6C00, s4;
	s0 =	sadd.s32 s26, s29;
	s11 =	simm.s32 $0x3800  }
0x30: {  	s12 =	simm.s32 $0x80;
	_ =	strace $0x8000004D;
	[dreg:$0x1a] =	wrdreg s25  }
0x31: {  	s19 =	simm.s32 $0xB800;
	s20 =	simm.s32 $0x50;
	[dreg:$0x1b] =	wrdreg s3  }
0x32: {  	s21 =	simm.s32 $0xB880;
	[dreg:$0x1c] =	wrdreg s28;
	s5 =	sadd.s32 $0x4000, s0  }
0x33: {  	v0 =	vimm.f32 $0.0e+00;
	s7 =	sadd.s32 $0x8000, s0;
	s8 =	sadd.s32 $0xC000, s0;
	s9 =	sadd.s32 $0x10000, s0  }
.LBB2_1:
0x34: {  	s23 =	simm.s32 @!p0 $0x0;
	s25 =	simm.s32 @!p0 $0xB800;
	s26 =	simm.s32 @!p0 $0x3  }
0x35: {  	[tilespmem:s25], [sflag:$0x3] =	stream.linear.gather @!p0 [hbm4b:s2+s23], $0x80, $0x38;
	[tilespmem:$0x1F980] =	vst v63  }
0x36: {  	_ =	swait.ge @!p0 [sflag:s26], $0x80  }
0x37: {  	s28 =	simm.s32 @!p0 $0x50;
	[sflag:s26] =	ssyncset.done @!p0 $0x0  }
0x38: {  	s24 =	simm.s32 @!p0 $0xB900;
	s3 =	simm.s32 @!p0 $0x1;
	[sflag:s26] =	ssyncadd.s32 @!p0 $0xFFFFFF80  }
0x39: {  	[tilespmem:s24], [sflag:$0x1] =	stream.indirect.gather @!p0 [hbm4b:s31+s28], $0x1, s25, s28, $0xb8;
	[tilespmem:$0x1F980] =	vst v63  }
0x3a: {  	_ =	swait.ge @!p0 [sflag:s3], $0x50  }
0x3b: {  	[sflag:s3] =	ssyncset.done @!p0 $0x0  }
0x3c: {  	s4 =	rddreg [dreg:$0x3];
	[sflag:s3] =	ssyncadd.s32 @!p0 $0xFFFFFFB0  }
0x3d: {  	[hbm4b:s4+s23] =	stream.linear.scatter @!p0 [tilespmem:s24], [sflag:$0x3], $0x50, $0x38;
	[tilespmem:$0x1F980] =	vst v63  }
0x3e: {  	_ =	swait.ge @!p0 [sflag:s26], $0x50  }
0x3f: {  	[sflag:s26] =	ssyncset.done @!p0 $0x0  }
0x40: {  	s4 =	rddreg [dreg:$0x1c];
	[sflag:s26] =	ssyncadd.s32 @!p0 $0xFFFFFFB0  }
0x41: {  	[tilespmem:s25], [sflag:$0x3] =	stream.linear.gather @!p0 [hbm4b:s4+s23], $0x80, $0x38;
	[tilespmem:$0x1F980] =	vst v63  }
0x42: {  	_ =	swait.ge @!p0 [sflag:s26], $0x80  }
0x43: {  	[sflag:s26] =	ssyncset.done @!p0 $0x0  }
0x44: {  	[sflag:s26] =	ssyncadd.s32 @!p0 $0xFFFFFF80  }
0x45: {  	[tilespmem:s24], [sflag:$0x1] =	stream.indirect.gather @!p0 [hbm4b:s31+s28], $0x1, s25, s28, $0xb8;
	[tilespmem:$0x1F980] =	vst v63  }
0x46: {  	_ =	swait.ge @!p0 [sflag:s3], $0x50  }
0x47: {  	[sflag:s3] =	ssyncset.done @!p0 $0x0  }
0x48: {  	[sflag:s3] =	ssyncadd.s32 @!p0 $0xFFFFFFB0;
	s3 =	rddreg [dreg:$0x4]  }
0x49: {  	[hbm4b:s3+s23] =	stream.linear.scatter @!p0 [tilespmem:s24], [sflag:$0x3], $0x50, $0x38;
	[tilespmem:$0x1F980] =	vst v63  }
0x4a: {  	_ =	swait.ge @!p0 [sflag:s26], $0x50  }
0x4b: {  	[sflag:s26] =	ssyncset.done @!p0 $0x0  }
0x4c: {  	s28 =	simm.s32 $0x1C00;
	[sflag:s26] =	ssyncadd.s32 @!p0 $0xFFFFFFB0;
	s26 =	rddreg [dreg:$0x1a]  }
0x4d: {  	[tilespmem:s28], [sflag:$0x3] =	stream.linear.gather [hbm4b:s26+s1], $0x1900, $0x38;
	[tilespmem:$0x1F980] =	vst v63  }
0x4e: {  	_ =	swait.ge [sflag:s10], $0x1900  }
0x4f: {  	[sflag:s10] =	ssyncset.done $0x0  }
0x50: {  	s25 =	simm.s32 $0x200;
	s23 =	simm.s32 $0x0;
	[sflag:s10] =	ssyncadd.s32 $0xFFFFE700  }
.LBB2_2:
0x51: {  	p1 =	sne.s32 s25, $0xFE00;
	[tilespmem:s23+$0x3870] =	vst v0  }
0x52: {  	[tilespmem:s23+$0x3800] =	vst v0  }
0x53: {  	[tilespmem:s23+$0x3810] =	vst v0  }
.Ltmp0:
0x54: {  	[tilespmem:s23+$0x3820] =	vst v0;
	(pc) =	sbr.rel @p1 .LBB2_2-.Ltmp0, $4  }
0x55: {  	[tilespmem:s23+$0x3830] =	vst v0  }
0x56: {  	[tilespmem:s23+$0x3840] =	vst v0  }
0x57: {  	[tilespmem:s23+$0x3850] =	vst v0  }
0x58: {  	[tilespmem:s23+$0x3860] =	vst v0;
	s23 =	sshra.s32 s25, $0x2;
	s25 =	sadd.s32 $0x200, s25  }
0x59: {  	[tilespmem:s23+$0x3870] =	vst v0  }
0x5a: {  	[tilespmem:s23+$0x3800] =	vst v0  }
0x5b: {  	[tilespmem:s23+$0x3810] =	vst v0  }
0x5c: {  	[tilespmem:s23+$0x3820] =	vst v0  }
0x5d: {  	[tilespmem:s23+$0x3830] =	vst v0  }
0x5e: {  	[tilespmem:s23+$0x3840] =	vst v0  }
0x5f: {  	[tilespmem:s23+$0x3850] =	vst v0  }
0x60: {  	[tilespmem:s23+$0x3860] =	vst v0  }
0x61: {  	[spmem:s0] =	stream.linear.scatter [tilespmem:s11], [sflag:$0x3], $0x4000, $0x38;
	[tilespmem:$0x1F980] =	vst v63  }
0x62: {  	_ =	swait.ge [sflag:s10], $0x4000  }
0x63: {  	[sflag:s10] =	ssyncset.done $0x0  }
0x64: {  	[sflag:s10] =	ssyncadd.s32 $0xFFFFC000  }
0x65: {  	[spmem:s5] =	stream.linear.scatter [tilespmem:s11], [sflag:$0x3], $0x4000, $0x38;
	[tilespmem:$0x1F980] =	vst v63  }
0x66: {  	_ =	swait.ge [sflag:s10], $0x4000  }
0x67: {  	[sflag:s10] =	ssyncset.done $0x0  }
0x68: {  	[sflag:s10] =	ssyncadd.s32 $0xFFFFC000  }
0x69: {  	[spmem:s7] =	stream.linear.scatter [tilespmem:s11], [sflag:$0x3], $0x4000, $0x38;
	[tilespmem:$0x1F980] =	vst v63  }
0x6a: {  	_ =	swait.ge [sflag:s10], $0x4000  }
0x6b: {  	[sflag:s10] =	ssyncset.done $0x0  }
0x6c: {  	[sflag:s10] =	ssyncadd.s32 $0xFFFFC000  }
0x6d: {  	[spmem:s8] =	stream.linear.scatter [tilespmem:s11], [sflag:$0x3], $0x4000, $0x38;
	[tilespmem:$0x1F980] =	vst v63  }
0x6e: {  	_ =	swait.ge [sflag:s10], $0x4000  }
0x6f: {  	[sflag:s10] =	ssyncset.done $0x0  }
0x70: {  	[sflag:s10] =	ssyncadd.s32 $0xFFFFC000  }
0x71: {  	[spmem:s9] =	stream.linear.scatter [tilespmem:s11], [sflag:$0x3], $0x4000, $0x38;
	[tilespmem:$0x1F980] =	vst v63  }
0x72: {  	_ =	swait.ge [sflag:s10], $0x4000  }
0x73: {  	[sflag:s10] =	ssyncset.done $0x0  }
0x74: {  	s3 =	simm.s32 $0x0;
	s4 =	rddreg [dreg:$0x5];
	[sflag:s10] =	ssyncadd.s32 $0xFFFFC000  }
0x75: {  	[tilespmem:s3], [sflag:$0x3] =	stream.linear.gather [hbm4b:s4+s3], $0x1900, $0x38;
	[tilespmem:$0x1F980] =	vst v63  }
0x76: {  	_ =	swait.ge [sflag:s10], $0x1900  }
0x77: {  	[sflag:s10] =	ssyncset.done $0x0  }
0x78: {  	[sflag:s10] =	ssyncadd.s32 $0xFFFFE700  }
0x79: {  	[bflag:$0x0] =	sbarrier.arrive $0xFFFF  }
0x7a: {  	[tilespmem:s11], [sflag:$0x1] =	stream.indirect.gather [hbm4b:s30+s12], $0x80, s3, s12, $0xb8;
	[tilespmem:$0x1F980] =	vst v63  }
0x7b: {  	_ =	swait.ge [sflag:s13], $0x4000  }
0x7c: {  	[sflag:s13] =	ssyncset.done $0x0  }
0x7d: {  	s24 =	simm.s32 $0x80;
	[sflag:s13] =	ssyncadd.s32 $0xFFFFC000  }
0x7e: {  	[tilespmem:s14], [sflag:$0x2] =	stream.indirect.gather [hbm4b:s30+s12], $0x80, s24, s12, $0xb8;
	[tilespmem:$0x1F980] =	vst v63  }
0x7f: {  	s25 =	simm.s32 $0x1C00  }
0x80: {  	[spmem:s29] =	stream.indirect.scatter.add.f32 [tilespmem:s11], [sflag:$0x3], $0x80, s25, s12, $0xb8;
	[tilespmem:$0x1F980] =	vst v63  }
0x81: {  	_ =	swait.ge [sflag:s10], $0x4000  }
0x82: {  	[sflag:s10] =	ssyncset.done $0x0  }
0x83: {  	[sflag:s10] =	ssyncadd.s32 $0xFFFFC000  }
0x84: {  	_ =	swait.ge [sflag:s15], $0x4000  }
0x85: {  	[sflag:s15] =	ssyncset.done $0x0  }
0x86: {  	s26 =	simm.s32 $0x100;
	[sflag:s15] =	ssyncadd.s32 $0xFFFFC000  }
0x87: {  	[tilespmem:s11], [sflag:$0x1] =	stream.indirect.gather [hbm4b:s30+s12], $0x80, s26, s12, $0xb8;
	[tilespmem:$0x1F980] =	vst v63  }
0x88: {  	s28 =	simm.s32 $0x1C80  }
0x89: {  	[spmem:s29] =	stream.indirect.scatter.add.f32 [tilespmem:s14], [sflag:$0x3], $0x80, s28, s12, $0xb8;
	[tilespmem:$0x1F980] =	vst v63  }
0x8a: {  	_ =	swait.ge [sflag:s10], $0x4000  }
0x8b: {  	s23 =	simm.s32 $0x400;
	[sflag:s10] =	ssyncset.done $0x0  }
.LBB2_4:
0x8c: {  	p1 =	sne.s32 s23, $0x5C00  }
0x8d: {  	[sflag:s10] =	ssyncadd.s32 $0xFFFFC000;
	s3 =	smov.u32 s23;
	s23 =	sadd.s32 $0x400, s23  }
0x8e: {  	_ = 	snop  }
0x8f: {  	_ =	swait.ge [sflag:s13], $0x4000  }
0x90: {  	s3 =	sshra.s32 s3, $0x2;
	[sflag:s13] =	ssyncset.done $0x0  }
0x91: {  	s24 =	sadd.s32 $0x80, s3;
	[sflag:s13] =	ssyncadd.s32 $0xFFFFC000  }
0x92: {  	[tilespmem:s14], [sflag:$0x2] =	stream.indirect.gather [hbm4b:s30+s12], $0x80, s24, s12, $0xb8;
	[tilespmem:$0x1F980] =	vst v63  }
0x93: {  	s24 =	sadd.s32 $0x1C00, s3  }
0x94: {  	[spmem:s29] =	stream.indirect.scatter.add.f32 [tilespmem:s11], [sflag:$0x3], $0x80, s24, s12, $0xb8;
	[tilespmem:$0x1F980] =	vst v63  }
0x95: {  	_ =	swait.ge [sflag:s10], $0x4000  }
0x96: {  	[sflag:s10] =	ssyncset.done $0x0  }
0x97: {  	[sflag:s10] =	ssyncadd.s32 $0xFFFFC000  }
0x98: {  	_ =	swait.ge [sflag:s15], $0x4000  }
0x99: {  	[sflag:s15] =	ssyncset.done $0x0  }
0x9a: {  	s24 =	sadd.s32 $0x100, s3;
	[sflag:s15] =	ssyncadd.s32 $0xFFFFC000  }
0x9b: {  	[tilespmem:s11], [sflag:$0x1] =	stream.indirect.gather [hbm4b:s30+s12], $0x80, s24, s12, $0xb8;
	[tilespmem:$0x1F980] =	vst v63  }
.Ltmp1:
0x9c: {  	_ = 	snop;
	(pc) =	sbr.rel @p1 .LBB2_4-.Ltmp1, $4  }
0x9d: {  	s3 =	sadd.s32 $0x1C80, s3  }
0x9e: {  	[spmem:s29] =	stream.indirect.scatter.add.f32 [tilespmem:s14], [sflag:$0x3], $0x80, s3, s12, $0xb8;
	[tilespmem:$0x1F980] =	vst v63  }
0x9f: {  	_ =	swait.ge [sflag:s10], $0x4000  }
0xa0: {  	[sflag:s10] =	ssyncset.done $0x0  }
0xa1: {  	[sflag:s10] =	ssyncadd.s32 $0xFFFFC000  }
0xa2: {  	_ =	swait.ge [sflag:s13], $0x4000  }
0xa3: {  	[sflag:s13] =	ssyncset.done $0x0  }
0xa4: {  	[sflag:s13] =	ssyncadd.s32 $0xFFFFC000  }
0xa5: {  	[tilespmem:s14], [sflag:$0x2] =	stream.indirect.gather [hbm4b:s30+s12], $0x80, s16, s12, $0xb8;
	[tilespmem:$0x1F980] =	vst v63  }
0xa6: {  	_ = 	snop  }
0xa7: {  	[spmem:s29] =	stream.indirect.scatter.add.f32 [tilespmem:s11], [sflag:$0x3], $0x80, s17, s12, $0xb8;
	[tilespmem:$0x1F980] =	vst v63  }
0xa8: {  	_ =	swait.ge [sflag:s10], $0x4000  }
0xa9: {  	[sflag:s10] =	ssyncset.done $0x0  }
0xaa: {  	[sflag:s10] =	ssyncadd.s32 $0xFFFFC000  }
0xab: {  	_ =	swait.ge [sflag:s15], $0x4000  }
0xac: {  	[sflag:s15] =	ssyncset.done $0x0  }
0xad: {  	[sflag:s15] =	ssyncadd.s32 $0xFFFFC000  }
0xae: {  	[spmem:s29] =	stream.indirect.scatter.add.f32 [tilespmem:s14], [sflag:$0x3], $0x80, s18, s12, $0xb8;
	[tilespmem:$0x1F980] =	vst v63  }
0xaf: {  	_ =	swait.ge [sflag:s10], $0x4000  }
0xb0: {  	[sflag:s10] =	ssyncset.done $0x0  }
0xb1: {  	[sflag:s10] =	ssyncadd.s32 $0xFFFFC000  }
0xb2: {  	s3 =	simm.s32 $0x0;
	[bflag:$0x0] =	sbarrier.arrive $0xFFFF  }
0xb3: {  	[tilespmem:s19], [sflag:$0x3] =	stream.linear.gather [hbm4b:s2+s3], $0x80, $0x38;
	[tilespmem:$0x1F980] =	vst v63  }
0xb4: {  	_ =	swait.ge [sflag:s10], $0x80  }
0xb5: {  	[sflag:s10] =	ssyncset.done $0x0  }
0xb6: {  	[sflag:s10] =	ssyncadd.s32 $0xFFFFFF80  }
0xb7: {  	[tilespmem:s11], [sflag:$0x1] =	stream.indirect.gather [spmem:s29], $0x80, s19, s20, $0xb8;
	[tilespmem:$0x1F980] =	vst v63  }
0xb8: {  	_ =	swait.ge [sflag:s13], $0x2800  }
0xb9: {  	[sflag:s13] =	ssyncset.done $0x0  }
0xba: {  	s4 =	rddreg [dreg:$0xe];
	[sflag:s13] =	ssyncadd.s32 $0xFFFFD800  }
0xbb: {  	[hbm4b:s4+s3] =	stream.linear.scatter [tilespmem:s11], [sflag:$0x3], $0x2800, $0x38;
	[tilespmem:$0x1F980] =	vst v63  }
0xbc: {  	_ =	swait.ge [sflag:s10], $0x2800  }
0xbd: {  	[sflag:s10] =	ssyncset.done $0x0  }
0xbe: {  	s23 =	rddreg [dreg:$0x8];
	[sflag:s10] =	ssyncadd.s32 $0xFFFFD800  }
0xbf: {  	[tilespmem:s21], [sflag:$0x3] =	stream.linear.gather [hbm4b:s23+s3], $0x80, $0x38;
	[tilespmem:$0x1F980] =	vst v63  }
0xc0: {  	_ =	swait.ge [sflag:s10], $0x80  }
0xc1: {  	[sflag:s10] =	ssyncset.done $0x0  }
0xc2: {  	[sflag:s10] =	ssyncadd.s32 $0xFFFFFF80  }
0xc3: {  	[tilespmem:s11], [sflag:$0x1] =	stream.indirect.gather [hbm4b:s30+s20], $0x80, s21, s20, $0xb8;
	[tilespmem:$0x1F980] =	vst v63  }
0xc4: {  	_ =	swait.ge [sflag:s13], $0x2800  }
0xc5: {  	[sflag:s13] =	ssyncset.done $0x0  }
0xc6: {  	s24 =	rddreg [dreg:$0xf];
	[sflag:s13] =	ssyncadd.s32 $0xFFFFD800  }
0xc7: {  	[hbm4b:s24+s3] =	stream.linear.scatter [tilespmem:s11], [sflag:$0x3], $0x2800, $0x38;
	[tilespmem:$0x1F980] =	vst v63  }
0xc8: {  	_ =	swait.ge [sflag:s10], $0x2800  }
0xc9: {  	[sflag:s10] =	ssyncset.done $0x0  }
0xca: {  	[sflag:s10] =	ssyncadd.s32 $0xFFFFD800  }
0xcb: {  	[tilespmem:s19], [sflag:$0x3] =	stream.linear.gather [hbm4b:s6+s3], $0x80, $0x38;
	[tilespmem:$0x1F980] =	vst v63  }
0xcc: {  	_ =	swait.ge [sflag:s10], $0x80  }
0xcd: {  	[sflag:s10] =	ssyncset.done $0x0  }
0xce: {  	[sflag:s10] =	ssyncadd.s32 $0xFFFFFF80  }
0xcf: {  	[tilespmem:s11], [sflag:$0x1] =	stream.indirect.gather [spmem:s29], $0x80, s19, s20, $0xb8;
	[tilespmem:$0x1F980] =	vst v63  }
0xd0: {  	_ =	swait.ge [sflag:s13], $0x2800  }
0xd1: {  	[sflag:s13] =	ssyncset.done $0x0  }
0xd2: {  	s25 =	rddreg [dreg:$0x10];
	[sflag:s13] =	ssyncadd.s32 $0xFFFFD800  }
0xd3: {  	[hbm4b:s25+s3] =	stream.linear.scatter [tilespmem:s11], [sflag:$0x3], $0x2800, $0x38;
	[tilespmem:$0x1F980] =	vst v63  }
0xd4: {  	_ =	swait.ge [sflag:s10], $0x2800  }
0xd5: {  	[sflag:s10] =	ssyncset.done $0x0  }
0xd6: {  	s26 =	rddreg [dreg:$0x9];
	[sflag:s10] =	ssyncadd.s32 $0xFFFFD800  }
0xd7: {  	[tilespmem:s21], [sflag:$0x3] =	stream.linear.gather [hbm4b:s26+s3], $0x80, $0x38;
	[tilespmem:$0x1F980] =	vst v63  }
0xd8: {  	_ =	swait.ge [sflag:s10], $0x80  }
0xd9: {  	[sflag:s10] =	ssyncset.done $0x0  }
0xda: {  	[sflag:s10] =	ssyncadd.s32 $0xFFFFFF80  }
0xdb: {  	[tilespmem:s11], [sflag:$0x1] =	stream.indirect.gather [hbm4b:s30+s20], $0x80, s21, s20, $0xb8;
	[tilespmem:$0x1F980] =	vst v63  }
0xdc: {  	_ =	swait.ge [sflag:s13], $0x2800  }
0xdd: {  	[sflag:s13] =	ssyncset.done $0x0  }
0xde: {  	s28 =	rddreg [dreg:$0x11];
	[sflag:s13] =	ssyncadd.s32 $0xFFFFD800  }
0xdf: {  	[hbm4b:s28+s3] =	stream.linear.scatter [tilespmem:s11], [sflag:$0x3], $0x2800, $0x38;
	[tilespmem:$0x1F980] =	vst v63  }
0xe0: {  	_ =	swait.ge [sflag:s10], $0x2800  }
0xe1: {  	[sflag:s10] =	ssyncset.done $0x0  }
0xe2: {  	[sflag:s10] =	ssyncadd.s32 $0xFFFFD800  }
0xe3: {  	s23 =	simm.s32 $0x0;
	s25 =	simm.s32 $0x200;
	[bflag:$0x0] =	sbarrier.arrive $0xFFFF  }
.LBB2_6:
0xe4: {  	p1 =	sne.s32 s25, $0xFE00;
	[tilespmem:s23+$0x3870] =	vst v0  }
0xe5: {  	[tilespmem:s23+$0x3800] =	vst v0  }
0xe6: {  	[tilespmem:s23+$0x3810] =	vst v0  }
.Ltmp2:
0xe7: {  	[tilespmem:s23+$0x3820] =	vst v0;
	(pc) =	sbr.rel @p1 .LBB2_6-.Ltmp2, $4  }
0xe8: {  	[tilespmem:s23+$0x3830] =	vst v0  }
0xe9: {  	[tilespmem:s23+$0x3840] =	vst v0  }
0xea: {  	[tilespmem:s23+$0x3850] =	vst v0  }
0xeb: {  	[tilespmem:s23+$0x3860] =	vst v0;
	s23 =	sshra.s32 s25, $0x2;
	s25 =	sadd.s32 $0x200, s25  }
0xec: {  	[tilespmem:s23+$0x3870] =	vst v0  }
0xed: {  	[tilespmem:s23+$0x3800] =	vst v0  }
0xee: {  	[tilespmem:s23+$0x3810] =	vst v0  }
0xef: {  	[tilespmem:s23+$0x3820] =	vst v0  }
0xf0: {  	[tilespmem:s23+$0x3830] =	vst v0  }
0xf1: {  	[tilespmem:s23+$0x3840] =	vst v0  }
0xf2: {  	[tilespmem:s23+$0x3850] =	vst v0  }
0xf3: {  	[tilespmem:s23+$0x3860] =	vst v0  }
0xf4: {  	[spmem:s0] =	stream.linear.scatter [tilespmem:s11], [sflag:$0x3], $0x4000, $0x38;
	[tilespmem:$0x1F980] =	vst v63  }
0xf5: {  	_ =	swait.ge [sflag:s10], $0x4000  }
0xf6: {  	[sflag:s10] =	ssyncset.done $0x0  }
0xf7: {  	[sflag:s10] =	ssyncadd.s32 $0xFFFFC000  }
0xf8: {  	[spmem:s5] =	stream.linear.scatter [tilespmem:s11], [sflag:$0x3], $0x4000, $0x38;
	[tilespmem:$0x1F980] =	vst v63  }
0xf9: {  	_ =	swait.ge [sflag:s10], $0x4000  }
0xfa: {  	[sflag:s10] =	ssyncset.done $0x0  }
0xfb: {  	[sflag:s10] =	ssyncadd.s32 $0xFFFFC000  }
0xfc: {  	[spmem:s7] =	stream.linear.scatter [tilespmem:s11], [sflag:$0x3], $0x4000, $0x38;
	[tilespmem:$0x1F980] =	vst v63  }
0xfd: {  	_ =	swait.ge [sflag:s10], $0x4000  }
0xfe: {  	[sflag:s10] =	ssyncset.done $0x0  }
0xff: {  	[sflag:s10] =	ssyncadd.s32 $0xFFFFC000  }
0x100: {  	[spmem:s8] =	stream.linear.scatter [tilespmem:s11], [sflag:$0x3], $0x4000, $0x38;
	[tilespmem:$0x1F980] =	vst v63  }
0x101: {  	_ =	swait.ge [sflag:s10], $0x4000  }
0x102: {  	[sflag:s10] =	ssyncset.done $0x0  }
0x103: {  	[sflag:s10] =	ssyncadd.s32 $0xFFFFC000  }
0x104: {  	[spmem:s9] =	stream.linear.scatter [tilespmem:s11], [sflag:$0x3], $0x4000, $0x38;
	[tilespmem:$0x1F980] =	vst v63  }
0x105: {  	_ =	swait.ge [sflag:s10], $0x4000  }
0x106: {  	[sflag:s10] =	ssyncset.done $0x0  }
0x107: {  	s3 =	simm.s32 $0x0;
	s4 =	rddreg [dreg:$0x6];
	[sflag:s10] =	ssyncadd.s32 $0xFFFFC000  }
0x108: {  	[tilespmem:s3], [sflag:$0x3] =	stream.linear.gather [hbm4b:s4+s3], $0x1900, $0x38;
	[tilespmem:$0x1F980] =	vst v63  }
0x109: {  	_ =	swait.ge [sflag:s10], $0x1900  }
0x10a: {  	[sflag:s10] =	ssyncset.done $0x0  }
0x10b: {  	[sflag:s10] =	ssyncadd.s32 $0xFFFFE700  }
0x10c: {  	[bflag:$0x0] =	sbarrier.arrive $0xFFFF  }
0x10d: {  	[tilespmem:s11], [sflag:$0x1] =	stream.indirect.gather [hbm4b:s30+s12], $0x80, s3, s12, $0xb8;
	[tilespmem:$0x1F980] =	vst v63  }
0x10e: {  	_ =	swait.ge [sflag:s13], $0x4000  }
0x10f: {  	[sflag:s13] =	ssyncset.done $0x0  }
0x110: {  	s24 =	simm.s32 $0x80;
	[sflag:s13] =	ssyncadd.s32 $0xFFFFC000  }
0x111: {  	[tilespmem:s14], [sflag:$0x2] =	stream.indirect.gather [hbm4b:s30+s12], $0x80, s24, s12, $0xb8;
	[tilespmem:$0x1F980] =	vst v63  }
0x112: {  	s25 =	simm.s32 $0x1C00  }
0x113: {  	[spmem:s29] =	stream.indirect.scatter.add.f32 [tilespmem:s11], [sflag:$0x3], $0x80, s25, s12, $0xb8;
	[tilespmem:$0x1F980] =	vst v63  }
0x114: {  	_ =	swait.ge [sflag:s10], $0x4000  }
0x115: {  	[sflag:s10] =	ssyncset.done $0x0  }
0x116: {  	[sflag:s10] =	ssyncadd.s32 $0xFFFFC000  }
0x117: {  	_ =	swait.ge [sflag:s15], $0x4000  }
0x118: {  	[sflag:s15] =	ssyncset.done $0x0  }
0x119: {  	s26 =	simm.s32 $0x100;
	[sflag:s15] =	ssyncadd.s32 $0xFFFFC000  }
0x11a: {  	[tilespmem:s11], [sflag:$0x1] =	stream.indirect.gather [hbm4b:s30+s12], $0x80, s26, s12, $0xb8;
	[tilespmem:$0x1F980] =	vst v63  }
0x11b: {  	s28 =	simm.s32 $0x1C80  }
0x11c: {  	[spmem:s29] =	stream.indirect.scatter.add.f32 [tilespmem:s14], [sflag:$0x3], $0x80, s28, s12, $0xb8;
	[tilespmem:$0x1F980] =	vst v63  }
0x11d: {  	_ =	swait.ge [sflag:s10], $0x4000  }
0x11e: {  	s23 =	simm.s32 $0x400;
	[sflag:s10] =	ssyncset.done $0x0  }
.LBB2_8:
0x11f: {  	p1 =	sne.s32 s23, $0x5C00  }
0x120: {  	[sflag:s10] =	ssyncadd.s32 $0xFFFFC000;
	s3 =	smov.u32 s23;
	s23 =	sadd.s32 $0x400, s23  }
0x121: {  	_ = 	snop  }
0x122: {  	_ =	swait.ge [sflag:s13], $0x4000  }
0x123: {  	s3 =	sshra.s32 s3, $0x2;
	[sflag:s13] =	ssyncset.done $0x0  }
0x124: {  	s24 =	sadd.s32 $0x80, s3;
	[sflag:s13] =	ssyncadd.s32 $0xFFFFC000  }
0x125: {  	[tilespmem:s14], [sflag:$0x2] =	stream.indirect.gather [hbm4b:s30+s12], $0x80, s24, s12, $0xb8;
	[tilespmem:$0x1F980] =	vst v63  }
0x126: {  	s24 =	sadd.s32 $0x1C00, s3  }
0x127: {  	[spmem:s29] =	stream.indirect.scatter.add.f32 [tilespmem:s11], [sflag:$0x3], $0x80, s24, s12, $0xb8;
	[tilespmem:$0x1F980] =	vst v63  }
0x128: {  	_ =	swait.ge [sflag:s10], $0x4000  }
0x129: {  	[sflag:s10] =	ssyncset.done $0x0  }
0x12a: {  	[sflag:s10] =	ssyncadd.s32 $0xFFFFC000  }
0x12b: {  	_ =	swait.ge [sflag:s15], $0x4000  }
0x12c: {  	[sflag:s15] =	ssyncset.done $0x0  }
0x12d: {  	s24 =	sadd.s32 $0x100, s3;
	[sflag:s15] =	ssyncadd.s32 $0xFFFFC000  }
0x12e: {  	[tilespmem:s11], [sflag:$0x1] =	stream.indirect.gather [hbm4b:s30+s12], $0x80, s24, s12, $0xb8;
	[tilespmem:$0x1F980] =	vst v63  }
.Ltmp3:
0x12f: {  	_ = 	snop;
	(pc) =	sbr.rel @p1 .LBB2_8-.Ltmp3, $4  }
0x130: {  	s3 =	sadd.s32 $0x1C80, s3  }
0x131: {  	[spmem:s29] =	stream.indirect.scatter.add.f32 [tilespmem:s14], [sflag:$0x3], $0x80, s3, s12, $0xb8;
	[tilespmem:$0x1F980] =	vst v63  }
0x132: {  	_ =	swait.ge [sflag:s10], $0x4000  }
0x133: {  	[sflag:s10] =	ssyncset.done $0x0  }
0x134: {  	[sflag:s10] =	ssyncadd.s32 $0xFFFFC000  }
0x135: {  	_ =	swait.ge [sflag:s13], $0x4000  }
0x136: {  	[sflag:s13] =	ssyncset.done $0x0  }
0x137: {  	[sflag:s13] =	ssyncadd.s32 $0xFFFFC000  }
0x138: {  	[tilespmem:s14], [sflag:$0x2] =	stream.indirect.gather [hbm4b:s30+s12], $0x80, s16, s12, $0xb8;
	[tilespmem:$0x1F980] =	vst v63  }
0x139: {  	_ = 	snop  }
0x13a: {  	[spmem:s29] =	stream.indirect.scatter.add.f32 [tilespmem:s11], [sflag:$0x3], $0x80, s17, s12, $0xb8;
	[tilespmem:$0x1F980] =	vst v63  }
0x13b: {  	_ =	swait.ge [sflag:s10], $0x4000  }
0x13c: {  	[sflag:s10] =	ssyncset.done $0x0  }
0x13d: {  	[sflag:s10] =	ssyncadd.s32 $0xFFFFC000  }
0x13e: {  	_ =	swait.ge [sflag:s15], $0x4000  }
0x13f: {  	[sflag:s15] =	ssyncset.done $0x0  }
0x140: {  	[sflag:s15] =	ssyncadd.s32 $0xFFFFC000  }
0x141: {  	[spmem:s29] =	stream.indirect.scatter.add.f32 [tilespmem:s14], [sflag:$0x3], $0x80, s18, s12, $0xb8;
	[tilespmem:$0x1F980] =	vst v63  }
0x142: {  	_ =	swait.ge [sflag:s10], $0x4000  }
0x143: {  	[sflag:s10] =	ssyncset.done $0x0  }
0x144: {  	[sflag:s10] =	ssyncadd.s32 $0xFFFFC000  }
0x145: {  	s3 =	simm.s32 $0x0;
	[bflag:$0x0] =	sbarrier.arrive $0xFFFF  }
0x146: {  	[tilespmem:s19], [sflag:$0x3] =	stream.linear.gather [hbm4b:s2+s3], $0x80, $0x38;
	[tilespmem:$0x1F980] =	vst v63  }
0x147: {  	_ =	swait.ge [sflag:s10], $0x80  }
0x148: {  	[sflag:s10] =	ssyncset.done $0x0  }
0x149: {  	[sflag:s10] =	ssyncadd.s32 $0xFFFFFF80  }
0x14a: {  	[tilespmem:s11], [sflag:$0x1] =	stream.indirect.gather [spmem:s29], $0x80, s19, s20, $0xb8;
	[tilespmem:$0x1F980] =	vst v63  }
0x14b: {  	_ =	swait.ge [sflag:s13], $0x2800  }
0x14c: {  	[sflag:s13] =	ssyncset.done $0x0  }
0x14d: {  	s4 =	rddreg [dreg:$0x12];
	[sflag:s13] =	ssyncadd.s32 $0xFFFFD800  }
0x14e: {  	[hbm4b:s4+s3] =	stream.linear.scatter [tilespmem:s11], [sflag:$0x3], $0x2800, $0x38;
	[tilespmem:$0x1F980] =	vst v63  }
0x14f: {  	_ =	swait.ge [sflag:s10], $0x2800  }
0x150: {  	[sflag:s10] =	ssyncset.done $0x0  }
0x151: {  	s23 =	rddreg [dreg:$0xa];
	[sflag:s10] =	ssyncadd.s32 $0xFFFFD800  }
0x152: {  	[tilespmem:s21], [sflag:$0x3] =	stream.linear.gather [hbm4b:s23+s3], $0x80, $0x38;
	[tilespmem:$0x1F980] =	vst v63  }
0x153: {  	_ =	swait.ge [sflag:s10], $0x80  }
0x154: {  	[sflag:s10] =	ssyncset.done $0x0  }
0x155: {  	[sflag:s10] =	ssyncadd.s32 $0xFFFFFF80  }
0x156: {  	[tilespmem:s11], [sflag:$0x1] =	stream.indirect.gather [hbm4b:s30+s20], $0x80, s21, s20, $0xb8;
	[tilespmem:$0x1F980] =	vst v63  }
0x157: {  	_ =	swait.ge [sflag:s13], $0x2800  }
0x158: {  	[sflag:s13] =	ssyncset.done $0x0  }
0x159: {  	s24 =	rddreg [dreg:$0x13];
	[sflag:s13] =	ssyncadd.s32 $0xFFFFD800  }
0x15a: {  	[hbm4b:s24+s3] =	stream.linear.scatter [tilespmem:s11], [sflag:$0x3], $0x2800, $0x38;
	[tilespmem:$0x1F980] =	vst v63  }
0x15b: {  	_ =	swait.ge [sflag:s10], $0x2800  }
0x15c: {  	[sflag:s10] =	ssyncset.done $0x0  }
0x15d: {  	[sflag:s10] =	ssyncadd.s32 $0xFFFFD800  }
0x15e: {  	[tilespmem:s19], [sflag:$0x3] =	stream.linear.gather [hbm4b:s6+s3], $0x80, $0x38;
	[tilespmem:$0x1F980] =	vst v63  }
0x15f: {  	_ =	swait.ge [sflag:s10], $0x80  }
0x160: {  	[sflag:s10] =	ssyncset.done $0x0  }
0x161: {  	[sflag:s10] =	ssyncadd.s32 $0xFFFFFF80  }
0x162: {  	[tilespmem:s11], [sflag:$0x1] =	stream.indirect.gather [spmem:s29], $0x80, s19, s20, $0xb8;
	[tilespmem:$0x1F980] =	vst v63  }
0x163: {  	_ =	swait.ge [sflag:s13], $0x2800  }
0x164: {  	[sflag:s13] =	ssyncset.done $0x0  }
0x165: {  	s25 =	rddreg [dreg:$0x14];
	[sflag:s13] =	ssyncadd.s32 $0xFFFFD800  }
0x166: {  	[hbm4b:s25+s3] =	stream.linear.scatter [tilespmem:s11], [sflag:$0x3], $0x2800, $0x38;
	[tilespmem:$0x1F980] =	vst v63  }
0x167: {  	_ =	swait.ge [sflag:s10], $0x2800  }
0x168: {  	[sflag:s10] =	ssyncset.done $0x0  }
0x169: {  	s26 =	rddreg [dreg:$0xb];
	[sflag:s10] =	ssyncadd.s32 $0xFFFFD800  }
0x16a: {  	[tilespmem:s21], [sflag:$0x3] =	stream.linear.gather [hbm4b:s26+s3], $0x80, $0x38;
	[tilespmem:$0x1F980] =	vst v63  }
0x16b: {  	_ =	swait.ge [sflag:s10], $0x80  }
0x16c: {  	[sflag:s10] =	ssyncset.done $0x0  }
0x16d: {  	[sflag:s10] =	ssyncadd.s32 $0xFFFFFF80  }
0x16e: {  	[tilespmem:s11], [sflag:$0x1] =	stream.indirect.gather [hbm4b:s30+s20], $0x80, s21, s20, $0xb8;
	[tilespmem:$0x1F980] =	vst v63  }
0x16f: {  	_ =	swait.ge [sflag:s13], $0x2800  }
0x170: {  	[sflag:s13] =	ssyncset.done $0x0  }
0x171: {  	s28 =	rddreg [dreg:$0x15];
	[sflag:s13] =	ssyncadd.s32 $0xFFFFD800  }
0x172: {  	[hbm4b:s28+s3] =	stream.linear.scatter [tilespmem:s11], [sflag:$0x3], $0x2800, $0x38;
	[tilespmem:$0x1F980] =	vst v63  }
0x173: {  	_ =	swait.ge [sflag:s10], $0x2800  }
0x174: {  	[sflag:s10] =	ssyncset.done $0x0  }
0x175: {  	[sflag:s10] =	ssyncadd.s32 $0xFFFFD800  }
0x176: {  	s23 =	simm.s32 $0x0;
	s25 =	simm.s32 $0x200;
	[bflag:$0x0] =	sbarrier.arrive $0xFFFF  }
.LBB2_10:
0x177: {  	p1 =	sne.s32 s25, $0xFE00;
	[tilespmem:s23+$0x3870] =	vst v0  }
0x178: {  	[tilespmem:s23+$0x3800] =	vst v0  }
0x179: {  	[tilespmem:s23+$0x3810] =	vst v0  }
.Ltmp4:
0x17a: {  	[tilespmem:s23+$0x3820] =	vst v0;
	(pc) =	sbr.rel @p1 .LBB2_10-.Ltmp4, $4  }
0x17b: {  	[tilespmem:s23+$0x3830] =	vst v0  }
0x17c: {  	[tilespmem:s23+$0x3840] =	vst v0  }
0x17d: {  	[tilespmem:s23+$0x3850] =	vst v0  }
0x17e: {  	[tilespmem:s23+$0x3860] =	vst v0;
	s23 =	sshra.s32 s25, $0x2;
	s25 =	sadd.s32 $0x200, s25  }
0x17f: {  	[tilespmem:s23+$0x3870] =	vst v0  }
0x180: {  	[tilespmem:s23+$0x3800] =	vst v0  }
0x181: {  	[tilespmem:s23+$0x3810] =	vst v0  }
0x182: {  	[tilespmem:s23+$0x3820] =	vst v0  }
0x183: {  	[tilespmem:s23+$0x3830] =	vst v0  }
0x184: {  	[tilespmem:s23+$0x3840] =	vst v0  }
0x185: {  	[tilespmem:s23+$0x3850] =	vst v0  }
0x186: {  	[tilespmem:s23+$0x3860] =	vst v0  }
0x187: {  	[spmem:s0] =	stream.linear.scatter [tilespmem:s11], [sflag:$0x3], $0x4000, $0x38;
	[tilespmem:$0x1F980] =	vst v63  }
0x188: {  	_ =	swait.ge [sflag:s10], $0x4000  }
0x189: {  	[sflag:s10] =	ssyncset.done $0x0  }
0x18a: {  	[sflag:s10] =	ssyncadd.s32 $0xFFFFC000  }
0x18b: {  	[spmem:s5] =	stream.linear.scatter [tilespmem:s11], [sflag:$0x3], $0x4000, $0x38;
	[tilespmem:$0x1F980] =	vst v63  }
0x18c: {  	_ =	swait.ge [sflag:s10], $0x4000  }
0x18d: {  	[sflag:s10] =	ssyncset.done $0x0  }
0x18e: {  	[sflag:s10] =	ssyncadd.s32 $0xFFFFC000  }
0x18f: {  	[spmem:s7] =	stream.linear.scatter [tilespmem:s11], [sflag:$0x3], $0x4000, $0x38;
	[tilespmem:$0x1F980] =	vst v63  }
0x190: {  	_ =	swait.ge [sflag:s10], $0x4000  }
0x191: {  	[sflag:s10] =	ssyncset.done $0x0  }
0x192: {  	[sflag:s10] =	ssyncadd.s32 $0xFFFFC000  }
0x193: {  	[spmem:s8] =	stream.linear.scatter [tilespmem:s11], [sflag:$0x3], $0x4000, $0x38;
	[tilespmem:$0x1F980] =	vst v63  }
0x194: {  	_ =	swait.ge [sflag:s10], $0x4000  }
0x195: {  	[sflag:s10] =	ssyncset.done $0x0  }
0x196: {  	[sflag:s10] =	ssyncadd.s32 $0xFFFFC000  }
0x197: {  	[spmem:s9] =	stream.linear.scatter [tilespmem:s11], [sflag:$0x3], $0x4000, $0x38;
	[tilespmem:$0x1F980] =	vst v63  }
0x198: {  	_ =	swait.ge [sflag:s10], $0x4000  }
0x199: {  	[sflag:s10] =	ssyncset.done $0x0  }
0x19a: {  	s3 =	simm.s32 $0x0;
	s4 =	rddreg [dreg:$0x7];
	[sflag:s10] =	ssyncadd.s32 $0xFFFFC000  }
0x19b: {  	[tilespmem:s3], [sflag:$0x3] =	stream.linear.gather [hbm4b:s4+s3], $0x1900, $0x38;
	[tilespmem:$0x1F980] =	vst v63  }
0x19c: {  	_ =	swait.ge [sflag:s10], $0x1900  }
0x19d: {  	[sflag:s10] =	ssyncset.done $0x0  }
0x19e: {  	[sflag:s10] =	ssyncadd.s32 $0xFFFFE700  }
0x19f: {  	[bflag:$0x0] =	sbarrier.arrive $0xFFFF  }
0x1a0: {  	[tilespmem:s11], [sflag:$0x1] =	stream.indirect.gather [hbm4b:s30+s12], $0x80, s3, s12, $0xb8;
	[tilespmem:$0x1F980] =	vst v63  }
0x1a1: {  	_ =	swait.ge [sflag:s13], $0x4000  }
0x1a2: {  	[sflag:s13] =	ssyncset.done $0x0  }
0x1a3: {  	s24 =	simm.s32 $0x80;
	[sflag:s13] =	ssyncadd.s32 $0xFFFFC000  }
0x1a4: {  	[tilespmem:s14], [sflag:$0x2] =	stream.indirect.gather [hbm4b:s30+s12], $0x80, s24, s12, $0xb8;
	[tilespmem:$0x1F980] =	vst v63  }
0x1a5: {  	s25 =	simm.s32 $0x1C00  }
0x1a6: {  	[spmem:s29] =	stream.indirect.scatter.add.f32 [tilespmem:s11], [sflag:$0x3], $0x80, s25, s12, $0xb8;
	[tilespmem:$0x1F980] =	vst v63  }
0x1a7: {  	_ =	swait.ge [sflag:s10], $0x4000  }
0x1a8: {  	[sflag:s10] =	ssyncset.done $0x0  }
0x1a9: {  	[sflag:s10] =	ssyncadd.s32 $0xFFFFC000  }
0x1aa: {  	_ =	swait.ge [sflag:s15], $0x4000  }
0x1ab: {  	[sflag:s15] =	ssyncset.done $0x0  }
0x1ac: {  	s26 =	simm.s32 $0x100;
	[sflag:s15] =	ssyncadd.s32 $0xFFFFC000  }
0x1ad: {  	[tilespmem:s11], [sflag:$0x1] =	stream.indirect.gather [hbm4b:s30+s12], $0x80, s26, s12, $0xb8;
	[tilespmem:$0x1F980] =	vst v63  }
0x1ae: {  	s28 =	simm.s32 $0x1C80  }
0x1af: {  	[spmem:s29] =	stream.indirect.scatter.add.f32 [tilespmem:s14], [sflag:$0x3], $0x80, s28, s12, $0xb8;
	[tilespmem:$0x1F980] =	vst v63  }
0x1b0: {  	_ =	swait.ge [sflag:s10], $0x4000  }
0x1b1: {  	s23 =	simm.s32 $0x400;
	[sflag:s10] =	ssyncset.done $0x0  }
.LBB2_12:
0x1b2: {  	p1 =	sne.s32 s23, $0x5C00  }
0x1b3: {  	[sflag:s10] =	ssyncadd.s32 $0xFFFFC000;
	s3 =	smov.u32 s23;
	s23 =	sadd.s32 $0x400, s23  }
0x1b4: {  	_ = 	snop  }
0x1b5: {  	_ =	swait.ge [sflag:s13], $0x4000  }
0x1b6: {  	s3 =	sshra.s32 s3, $0x2;
	[sflag:s13] =	ssyncset.done $0x0  }
0x1b7: {  	s24 =	sadd.s32 $0x80, s3;
	[sflag:s13] =	ssyncadd.s32 $0xFFFFC000  }
0x1b8: {  	[tilespmem:s14], [sflag:$0x2] =	stream.indirect.gather [hbm4b:s30+s12], $0x80, s24, s12, $0xb8;
	[tilespmem:$0x1F980] =	vst v63  }
0x1b9: {  	s24 =	sadd.s32 $0x1C00, s3  }
0x1ba: {  	[spmem:s29] =	stream.indirect.scatter.add.f32 [tilespmem:s11], [sflag:$0x3], $0x80, s24, s12, $0xb8;
	[tilespmem:$0x1F980] =	vst v63  }
0x1bb: {  	_ =	swait.ge [sflag:s10], $0x4000  }
0x1bc: {  	[sflag:s10] =	ssyncset.done $0x0  }
0x1bd: {  	[sflag:s10] =	ssyncadd.s32 $0xFFFFC000  }
0x1be: {  	_ =	swait.ge [sflag:s15], $0x4000  }
0x1bf: {  	[sflag:s15] =	ssyncset.done $0x0  }
0x1c0: {  	s24 =	sadd.s32 $0x100, s3;
	[sflag:s15] =	ssyncadd.s32 $0xFFFFC000  }
0x1c1: {  	[tilespmem:s11], [sflag:$0x1] =	stream.indirect.gather [hbm4b:s30+s12], $0x80, s24, s12, $0xb8;
	[tilespmem:$0x1F980] =	vst v63  }
.Ltmp5:
0x1c2: {  	_ = 	snop;
	(pc) =	sbr.rel @p1 .LBB2_12-.Ltmp5, $4  }
0x1c3: {  	s3 =	sadd.s32 $0x1C80, s3  }
0x1c4: {  	[spmem:s29] =	stream.indirect.scatter.add.f32 [tilespmem:s14], [sflag:$0x3], $0x80, s3, s12, $0xb8;
	[tilespmem:$0x1F980] =	vst v63  }
0x1c5: {  	_ =	swait.ge [sflag:s10], $0x4000  }
0x1c6: {  	[sflag:s10] =	ssyncset.done $0x0  }
0x1c7: {  	[sflag:s10] =	ssyncadd.s32 $0xFFFFC000  }
0x1c8: {  	_ =	swait.ge [sflag:s13], $0x4000  }
0x1c9: {  	[sflag:s13] =	ssyncset.done $0x0  }
0x1ca: {  	[sflag:s13] =	ssyncadd.s32 $0xFFFFC000  }
0x1cb: {  	[tilespmem:s14], [sflag:$0x2] =	stream.indirect.gather [hbm4b:s30+s12], $0x80, s16, s12, $0xb8;
	[tilespmem:$0x1F980] =	vst v63  }
0x1cc: {  	_ = 	snop  }
0x1cd: {  	[spmem:s29] =	stream.indirect.scatter.add.f32 [tilespmem:s11], [sflag:$0x3], $0x80, s17, s12, $0xb8;
	[tilespmem:$0x1F980] =	vst v63  }
0x1ce: {  	_ =	swait.ge [sflag:s10], $0x4000  }
0x1cf: {  	[sflag:s10] =	ssyncset.done $0x0  }
0x1d0: {  	[sflag:s10] =	ssyncadd.s32 $0xFFFFC000  }
0x1d1: {  	_ =	swait.ge [sflag:s15], $0x4000  }
0x1d2: {  	[sflag:s15] =	ssyncset.done $0x0  }
0x1d3: {  	[sflag:s15] =	ssyncadd.s32 $0xFFFFC000  }
0x1d4: {  	[spmem:s29] =	stream.indirect.scatter.add.f32 [tilespmem:s14], [sflag:$0x3], $0x80, s18, s12, $0xb8;
	[tilespmem:$0x1F980] =	vst v63  }
0x1d5: {  	_ =	swait.ge [sflag:s10], $0x4000  }
0x1d6: {  	[sflag:s10] =	ssyncset.done $0x0  }
0x1d7: {  	[sflag:s10] =	ssyncadd.s32 $0xFFFFC000  }
0x1d8: {  	[bflag:$0x0] =	sbarrier.arrive $0xFFFF  }
0x1d9: {  	[tilespmem:s19], [sflag:$0x3] =	stream.linear.gather [hbm4b:s2+s1], $0x80, $0x38;
	[tilespmem:$0x1F980] =	vst v63  }
0x1da: {  	_ =	swait.ge [sflag:s10], $0x80  }
0x1db: {  	[sflag:s10] =	ssyncset.done $0x0  }
0x1dc: {  	[sflag:s10] =	ssyncadd.s32 $0xFFFFFF80  }
0x1dd: {  	[tilespmem:s11], [sflag:$0x1] =	stream.indirect.gather [spmem:s29], $0x80, s19, s20, $0xb8;
	[tilespmem:$0x1F980] =	vst v63  }
0x1de: {  	_ =	swait.ge [sflag:s13], $0x2800  }
0x1df: {  	[sflag:s13] =	ssyncset.done $0x0  }
0x1e0: {  	s3 =	rddreg [dreg:$0x16];
	[sflag:s13] =	ssyncadd.s32 $0xFFFFD800  }
0x1e1: {  	[hbm4b:s3+s1] =	stream.linear.scatter [tilespmem:s11], [sflag:$0x3], $0x2800, $0x38;
	[tilespmem:$0x1F980] =	vst v63  }
0x1e2: {  	_ =	swait.ge [sflag:s10], $0x2800  }
0x1e3: {  	[sflag:s10] =	ssyncset.done $0x0  }
0x1e4: {  	s4 =	rddreg [dreg:$0xc];
	[sflag:s10] =	ssyncadd.s32 $0xFFFFD800  }
0x1e5: {  	[tilespmem:s21], [sflag:$0x3] =	stream.linear.gather [hbm4b:s4+s1], $0x80, $0x38;
	[tilespmem:$0x1F980] =	vst v63  }
0x1e6: {  	_ =	swait.ge [sflag:s10], $0x80  }
0x1e7: {  	[sflag:s10] =	ssyncset.done $0x0  }
0x1e8: {  	[sflag:s10] =	ssyncadd.s32 $0xFFFFFF80  }
0x1e9: {  	[tilespmem:s11], [sflag:$0x1] =	stream.indirect.gather [hbm4b:s30+s20], $0x80, s21, s20, $0xb8;
	[tilespmem:$0x1F980] =	vst v63  }
0x1ea: {  	_ =	swait.ge [sflag:s13], $0x2800  }
0x1eb: {  	[sflag:s13] =	ssyncset.done $0x0  }
0x1ec: {  	s23 =	rddreg [dreg:$0x17];
	[sflag:s13] =	ssyncadd.s32 $0xFFFFD800  }
0x1ed: {  	[hbm4b:s23+s1] =	stream.linear.scatter [tilespmem:s11], [sflag:$0x3], $0x2800, $0x38;
	[tilespmem:$0x1F980] =	vst v63  }
0x1ee: {  	_ =	swait.ge [sflag:s10], $0x2800  }
0x1ef: {  	[sflag:s10] =	ssyncset.done $0x0  }
0x1f0: {  	[sflag:s10] =	ssyncadd.s32 $0xFFFFD800  }
0x1f1: {  	[tilespmem:s19], [sflag:$0x3] =	stream.linear.gather [hbm4b:s6+s1], $0x80, $0x38;
	[tilespmem:$0x1F980] =	vst v63  }
0x1f2: {  	_ =	swait.ge [sflag:s10], $0x80  }
0x1f3: {  	[sflag:s10] =	ssyncset.done $0x0  }
0x1f4: {  	[sflag:s10] =	ssyncadd.s32 $0xFFFFFF80  }
0x1f5: {  	[tilespmem:s11], [sflag:$0x1] =	stream.indirect.gather [spmem:s29], $0x80, s19, s20, $0xb8;
	[tilespmem:$0x1F980] =	vst v63  }
0x1f6: {  	_ =	swait.ge [sflag:s13], $0x2800  }
0x1f7: {  	[sflag:s13] =	ssyncset.done $0x0  }
0x1f8: {  	s24 =	rddreg [dreg:$0x18];
	[sflag:s13] =	ssyncadd.s32 $0xFFFFD800  }
0x1f9: {  	[hbm4b:s24+s1] =	stream.linear.scatter [tilespmem:s11], [sflag:$0x3], $0x2800, $0x38;
	[tilespmem:$0x1F980] =	vst v63  }
0x1fa: {  	_ =	swait.ge [sflag:s10], $0x2800  }
0x1fb: {  	[sflag:s10] =	ssyncset.done $0x0  }
0x1fc: {  	s25 =	rddreg [dreg:$0xd];
	[sflag:s10] =	ssyncadd.s32 $0xFFFFD800  }
0x1fd: {  	[tilespmem:s21], [sflag:$0x3] =	stream.linear.gather [hbm4b:s25+s1], $0x80, $0x38;
	[tilespmem:$0x1F980] =	vst v63  }
0x1fe: {  	_ =	swait.ge [sflag:s10], $0x80  }
0x1ff: {  	[sflag:s10] =	ssyncset.done $0x0  }
0x200: {  	[sflag:s10] =	ssyncadd.s32 $0xFFFFFF80  }
0x201: {  	[tilespmem:s11], [sflag:$0x1] =	stream.indirect.gather [hbm4b:s30+s20], $0x80, s21, s20, $0xb8;
	[tilespmem:$0x1F980] =	vst v63  }
0x202: {  	_ =	swait.ge [sflag:s13], $0x2800  }
0x203: {  	[sflag:s13] =	ssyncset.done $0x0  }
0x204: {  	s26 =	rddreg [dreg:$0x19];
	[sflag:s13] =	ssyncadd.s32 $0xFFFFD800  }
0x205: {  	[hbm4b:s26+s1] =	stream.linear.scatter [tilespmem:s11], [sflag:$0x3], $0x2800, $0x38;
	[tilespmem:$0x1F980] =	vst v63  }
0x206: {  	_ =	swait.ge [sflag:s10], $0x2800  }
0x207: {  	s22 =	sadd.s32 $0x1, s22;
	s28 =	rddreg [dreg:$0x1b]  }
0x208: {  	p1 =	sne.s32 s22, s28  }
.Ltmp6:
0x209: {  	_ = 	snop;
	(pc) =	sbr.rel @p1 .LBB2_1-.Ltmp6, $3  }
0x20a: {  	[sflag:s10] =	ssyncset.done $0x0  }
0x20b: {  	[sflag:s10] =	ssyncadd.s32 $0xFFFFD800  }
0x20c: {  	[bflag:$0x0] =	sbarrier.arrive $0xFFFF;
	_ =	sdelay $0x1  }
0x20d: {  	_ =	sfence.sel $0x180000  }
0x20e: {  	[bflag:$0x0] =	sbarrier.arrive $0xFFFF  }
0x20f: {  	_ =	strace $0x9000004D  }
0x210: {  	s0 =	stileid.u32;
	[bflag:$0x2] =	sbarrier.arrive $0xFFFF  }
0x211: {  	p0 =	sne.s32 s0, $0x0;
	s0 =	rddreg [dreg:$0x2]  }
0x212: {  	s0 =	sadd.s32 @!p0 $0x100000, s0  }
0x213: {  	[sflag:s0] =	ssyncadd.tile.s32 @!p0 $0x1;
	_ =	shalt  }
.Lfunc_end2:
_tile_overlayer_lowered:
.L_overlay_start_2:
0x214: {  	(tag) =	ssettag $0x2  }
0x215: {  	s0 =	rddreg [dreg:$0x0];
	s2 =	stileid.u32  }
0x216: {  	s1 =	rddreg [dreg:$0x1];
	p0 =	sne.s32 s2, $0x0  }
0x217: {  	s3 =	rddreg [dreg:$0x2];
	[bflag:$0x3] =	sbarrier.arrive $0xFFFF;
	s2 =	simm.s32 @!p0 $0x1C03  }
0x218: {  	[timem:s3], [sflag:s2] =	dma.local @!p0 [hbm:s0], s1  }
0x219: {  	s0 =	simm.s32 @!p0 $0x3  }
0x21a: {  	_ =	swait.ge @!p0 [sflag:s0], s1  }
0x21b: {  	s1 =	ssub.s32 @!p0 $0x0, s1;
	[sflag:s0] =	ssyncset.done @!p0 $0x0  }
0x21c: {  	[sflag:s0] =	ssyncadd.s32 @!p0 s1  }
0x21d: {  	[bflag:$0x3] =	sbarrier.arrive $0xFFFF  }
0x21e: {  	_ =	shalt  }

// kernel: kernel.8.cloned.1.call-start
scs
__scs_entry_jumppad:
0x0: {  	(pc) =	sbr.rel $0x88, $3  }
0x1: {  	(tag) =	ssettag $0x0;
	lr =	simm.s32 $0x1  }
0x2: {  	[smem:$0x3F96] =	sst lr;
	_ =	strace $0xD0000000  }
0x3: {  	_ = 	snop  }
0x4: {  	_ = 	snop  }
0x5: {  	_ = 	snop  }
0x6: {  	_ = 	snop  }
0x7: {  	_ = 	snop  }
__scs_overlays_trampoline_lowered:
0x8: {  	[smem:$0x3FA5] =	sst s0  }
0x9: {  	[smem:$0x3FA6] =	sst s1  }
0xa: {  	[smem:$0x3FA7] =	sst s2  }
0xb: {  	[smem:$0x3FA8] =	sst s3  }
0xc: {  	[smem:$0x3FA9] =	sst s4  }
0xd: {  	[smem:$0x3FAA] =	sst s5  }
0xe: {  	[smem:$0x3FAB] =	sst s6  }
0xf: {  	[smem:$0x3FAC] =	sst s7  }
0x10: {  	[smem:$0x3FAD] =	sst s8  }
0x11: {  	[smem:$0x3FAE] =	sst s9;
	s0 =	simm.s32 @!p0 $0x0  }
0x12: {  	s1 =	sld [smem:$0x3F94];
	s0 =	simm.s32 @p0 $0x1  }
0x13: {  	[smem:$0x3FAF] =	sst s0;
	s0 =	simm.s32 @!p1 $0x0  }
0x14: {  	s2 =	sld [smem:$0x3F93];
	s0 =	simm.s32 @p1 $0x1  }
0x15: {  	[smem:$0x3FB0] =	sst s0;
	s0 =	simm.s32 @!p2 $0x0  }
0x16: {  	s3 =	sld [smem:$0x3FDB];
	s0 =	simm.s32 @p2 $0x1  }
0x17: {  	s4 =	simm.s32 $0x1BF5;
	[smem:$0x3FB2] =	sst s0  }
0x18: {  	s0 =	sld [smem:$0x3F95];
	_ =	swait.ge [sflag:s4], $0x0  }
0x19: {  	s7 =	sld [smem:$0x3F96]  }
0x1a: {  	s8 =	sadd.s32 $0xFFFFE003, lr  }
0x1b: {  	s9 =	sadd.s32 $0xFFFFFEF7, lr;
	s5 =	simm.s32 $0xFFFFFFFF;
	p2 =	slt.u32 s8, $0xFFFFF086  }
0x1c: {  	p1 =	slt.u32 s9, $0xF7A;
	s5 =	simm.s32 @!p2 $0x0  }
0x1d: {  	s5 =	simm.s32 @p1 $0x1;
	p0 =	seq.s32 s7, s2  }
0x1e: {  	s7 =	smul.u32 @!p0 $0xF7A, s2;
	p2 =	seq.s32 @!p0 s5, $0x0  }
0x1f: {  	s9 =	smul.u32 $0xF7A, s1;
	s8 =	simm.s32 @!p0 $0x1BF5;
	p2 =	por !p2, p0  }
0x20: {  	[sflag:s8] =	ssyncset.s32 @!p0 $0xFFFFF086;
	s6 =	sadd.s32 @!p0 s3, s7;
	s7 =	simm.s32 @!p0 $0x108  }
0x21: {  	s3 =	sadd.s32 s3, s9;
	s6 =	sadd.s32 @!p0 $0x88, s6;
	s7 =	simm.s32 @p2 $0x1082  }
0x22: {  	[simem:s7], [sflag:s8] =	dma.local @!p0 [hbm:s6], $0xF7A  }
0x23: {  	s9 =	sor.u32 $0xD0000000, s2;
	s6 =	simm.s32 $0x108;
	_ =	swait.ge @!p0 [sflag:s8], $0x0  }
0x24: {  	s3 =	sadd.s32 $0x88, s3;
	s6 =	simm.s32 @!p1 $0x1082;
	[sflag:s4] =	ssyncset.s32 $0xFFFFF086  }
0x25: {  	[simem:s6], [sflag:s4] =	dma.local [hbm:s3], $0xF7A  }
0x26: {  	[smem:$0x3F96] =	sst s1;
	(tag) =	ssettag s2;
	_ =	strace s9  }
0x27: {  	s1 =	sld [smem:$0x3FA6]  }
0x28: {  	s2 =	sld [smem:$0x3FA7]  }
0x29: {  	s4 =	sld [smem:$0x3FA9]  }
0x2a: {  	p0 =	seq.s32 s5, $0x0;
	s5 =	sld [smem:$0x3FAA]  }
0x2b: {  	s6 =	sld [smem:$0x3FAB]  }
0x2c: {  	s7 =	sld [smem:$0x3FAC]  }
0x2d: {  	s3 =	simm.s32 $0x108;
	s8 =	sld [smem:$0x3FAD]  }
0x2e: {  	s3 =	simm.s32 @!p0 $0x1082;
	s9 =	sld [smem:$0x3FAE]  }
0x2f: {  	lr =	sadd.s32 s0, s3;
	s0 =	sld [smem:$0x3FA5]  }
0x30: {  	s3 =	sld [smem:$0x3FA8]  }
0x31: {  	[smem:$0x3FB1] =	sst s10  }
0x32: {  	s10 =	sld [smem:$0x3FAF];
	_ =	sdelay $0x3  }
0x33: {  	p0 =	seq.s32 s10, $0x1;
	s10 =	sld [smem:$0x3FB1];
	_ =	sdelay $0x3  }
0x34: {  	[smem:$0x3FB1] =	sst s10  }
0x35: {  	s10 =	sld [smem:$0x3FB0];
	_ =	sdelay $0x3  }
0x36: {  	p1 =	seq.s32 s10, $0x1;
	s10 =	sld [smem:$0x3FB1];
	_ =	sdelay $0x3  }
0x37: {  	[smem:$0x3FB1] =	sst s10  }
0x38: {  	s10 =	sld [smem:$0x3FB2]  }
0x39: {  	_ = 	snop;
	(pc) =	sbr.ind lr, $3  }
0x3a: {  	_ = 	snop  }
0x3b: {  	_ = 	snop  }
0x3c: {  	p2 =	seq.s32 s10, $0x1;
	s10 =	sld [smem:$0x3FB1]  }
0x3d: {  	_ =	shalt  }
0x3e: {  	_ =	shalt  }
0x3f: {  	_ =	shalt  }
0x40: {  	_ =	shalt  }
0x41: {  	_ =	shalt  }
0x42: {  	_ =	shalt  }
0x43: {  	_ =	shalt  }
0x44: {  	_ =	shalt  }
0x45: {  	_ =	shalt  }
0x46: {  	_ =	shalt  }
0x47: {  	_ =	shalt  }
0x48: {  	_ =	shalt  }
0x49: {  	_ =	shalt  }
0x4a: {  	_ =	shalt  }
0x4b: {  	_ =	shalt  }
0x4c: {  	_ =	shalt  }
0x4d: {  	_ =	shalt  }
0x4e: {  	_ =	shalt  }
0x4f: {  	_ =	shalt  }
0x50: {  	_ =	shalt  }
0x51: {  	_ =	shalt  }
0x52: {  	_ =	shalt  }
0x53: {  	_ =	shalt  }
0x54: {  	_ =	shalt  }
0x55: {  	_ =	shalt  }
0x56: {  	_ =	shalt  }
0x57: {  	_ =	shalt  }
0x58: {  	_ =	shalt  }
0x59: {  	_ =	shalt  }
0x5a: {  	_ =	shalt  }
0x5b: {  	_ =	shalt  }
0x5c: {  	_ =	shalt  }
0x5d: {  	_ =	shalt  }
0x5e: {  	_ =	shalt  }
0x5f: {  	_ =	shalt  }
0x60: {  	_ =	shalt  }
0x61: {  	_ =	shalt  }
0x62: {  	_ =	shalt  }
0x63: {  	_ =	shalt  }
0x64: {  	_ =	shalt  }
0x65: {  	_ =	shalt  }
0x66: {  	_ =	shalt  }
0x67: {  	_ =	shalt  }
0x68: {  	_ =	shalt  }
0x69: {  	_ =	shalt  }
0x6a: {  	_ =	shalt  }
0x6b: {  	_ =	shalt  }
0x6c: {  	_ =	shalt  }
0x6d: {  	_ =	shalt  }
0x6e: {  	_ =	shalt  }
0x6f: {  	_ =	shalt  }
0x70: {  	_ =	shalt  }
0x71: {  	_ =	shalt  }
0x72: {  	_ =	shalt  }
0x73: {  	_ =	shalt  }
0x74: {  	_ =	shalt  }
0x75: {  	_ =	shalt  }
0x76: {  	_ =	shalt  }
0x77: {  	_ =	shalt  }
0x78: {  	_ =	shalt  }
0x79: {  	_ =	shalt  }
0x7a: {  	_ =	shalt  }
0x7b: {  	_ =	shalt  }
0x7c: {  	_ =	shalt  }
0x7d: {  	_ =	shalt  }
0x7e: {  	_ =	shalt  }
0x7f: {  	_ =	shalt  }
0x80: {  	_ =	shalt  }
0x81: {  	_ =	shalt  }
0x82: {  	_ =	shalt  }
0x83: {  	_ =	shalt  }
0x84: {  	_ =	shalt  }
0x85: {  	_ =	shalt  }
0x86: {  	_ =	shalt  }
0x87: {  	_ =	shalt  }
.Lfunc_end0:
.L_simem_size_0:
called_computation_lowered:
.L_overlay_start_0:
0x88: {  	s2 =	sld [smem:$0x3FD9]  }
0x89: {  	s3 =	sld [smem:$0x3FFE];
	_ =	sdelay $0x1  }
0x8a: {  	s1 =	srdreg.scid  }
0x8b: {  	s0 =	sand.u32 $0x1, s1  }
0x8c: {  	s16 =	sshll.u32 s0, $0xA;
	s2 =	sadd.s32 s3, s2  }
0x8d: {  	s2 =	sadd.s32 s2, s16  }
0x8e: {  	[smem:$0x3FBD] =	sst s2  }
0x8f: {  	_ = 	snop  }
0x90: {  	(tm) =	ssettm $0x1  }
0x91: {  	s17 =	sld [smem:$0x3FFB];
	_ =	sdelay $0x3  }
0x92: {  	_ =	strace s17  }
0x93: {  	s2 =	sld [smem:$0x3FFC];
	_ =	sdelay $0x3  }
0x94: {  	_ =	strace s2  }
0x95: {  	s2 =	sld [smem:$0x3FFD];
	_ =	sdelay $0x3  }
0x96: {  	_ =	strace s2  }
0x97: {  	_ =	strace $0x8FFFFFFF  }
0x98: {  	s18 =	sld [smem:$0x3FDB];
	_ =	sdelay $0x1  }
0x99: {  	s19 =	simm.s32 $_scs_section_size  }
0x9a: {  	s4 =	simm.s32 $_size__tile_overlayer_lowered;
	s5 =	simm.s32 $_tile_overlayer_lowered  }
0x9b: {  	s22 =	simm.s32 $0x1BFF;
	s21 =	sshll.u32 s5, $0x1;
	s2 =	sadd.s32 s19, s18  }
0x9c: {  	s6 =	simm.s32 $0x0;
	s20 =	sshll.u32 s4, $0x1;
	s4 =	sadd.s32 s21, s2  }
0x9d: {  	[timem:s6], [sflag:s22] =	dma.local [hbm:s4], s20  }
0x9e: {  	_ =	swait.ge [sflag:s22], s20  }
0x9f: {  	s3 =	ssub.s32 $0x0, s20;
	[sflag:s22] =	ssyncset.done $0x0  }
0xa0: {  	[sflag:s22] =	ssyncadd.s32 s3;
	_ =	sdelay $0x1  }
0xa1: {  	s23 =	simm.s32 $0x1B8B  }
0xa2: {  	_ =	swait.ge [sflag:s23], $0x1  }
0xa3: {  	[sflag:s23] =	ssyncset.done $0x0  }
0xa4: {  	s25 =	simm.s32 $0x1B8E;
	s24 =	sld [smem:$0x3FFE];
	[sflag:s23] =	ssyncadd.s32 $0xFFFFFFFF  }
0xa5: {  	s26 =	simm.s32 $execute0_lowered;
	[smem:$0x3FD2] =	sst s25  }
0xa6: {  	s4 =	sshll.u32 s26, $0x1;
	_ =	strace $0x80000046;
	[dreg:$0x1] =	wrdreg $0xFFFFFFFF  }
0xa7: {  	s28 =	simm.s32 $_size_execute0_lowered;
	s2 =	sadd.s32 s2, s4;
	[dreg:$0x0] =	wrdreg $0x0  }
0xa8: {  	s4 =	sshll.u32 s28, $0x1;
	[dreg:$0x2] =	wrdreg s2  }
0xa9: {  	[dreg:$0x3] =	wrdreg s4  }
0xaa: {  	[dreg:$0x4] =	wrdreg $0xC0  }
0xab: {  	_ =	task [dreg:s6], $0x5FFFF  }
0xac: {  	[dreg:$0x1] =	wrdreg $0xFFFFFFFF  }
0xad: {  	[dreg:$0x0] =	wrdreg $0x60  }
0xae: {  	[dreg:$0x2] =	wrdreg s24  }
0xaf: {  	[dreg:$0x3] =	wrdreg $0x13000  }
0xb0: {  	[dreg:$0x4] =	wrdreg $0x9  }
0xb1: {  	_ =	task.clear_ibuf [dreg:s6], $0x5FFFF;
	_ =	strace $0x90000046  }
0xb2: {  	s29 =	simm.s32 $0x9;
	_ =	strace $0x80000048  }
0xb3: {  	_ =	swait.ge [sflag:s29], $0x1  }
0xb4: {  	[sflag:s29] =	ssyncadd.s32 $0xFFFFFFFF  }
0xb5: {  	_ =	strace $0x90000048  }
0xb6: {  	_ =	sfence  }
0xb7: {  	s30 =	sld [smem:$0x0];
	_ =	sdelay $0x2  }
0xb8: {  	s31 =	sshll.u32 s1, $0xD;
	s1 =	sshrl.u32 s1, $0x2  }
0xb9: {  	s3 =	sand.u32 $0x4000, s31;
	s1 =	sadd.s32 s1, s30  }
0xba: {  	s0 =	sor.u32 s3, s0;
	s1 =	sshll.u32 s1, $0x11  }
0xbb: {  	s0 =	sor.u32 s1, s0  }
0xbc: {  	s0 =	sadd.s32 $0x8F2B, s0  }
0xbd: {  	[sflag:s0] =	ssyncadd.remote.s32 $0x1  }
0xbe: {  	_ =	sfence.sel $0xFFFF  }
0xbf: {  	[dreg:$0x0] =	wrdreg $0xFFFFFFFF;
	(pc) =	sbr.abs _section_cstart, $3  }
0xc0: {  	[dreg:$0x1] =	wrdreg $0xFFFFFFFF  }
0xc1: {  	_ =	task.clear_ibuf [dreg:s6], $0x2FFFF;
	_ =	strace $0x9FFFFFFF  }
0xc2: {  	(tm) =	ssettm $0x7FFFFFFF  }
0xc3: {  	_ =	shalt  }
tec
execute0_lowered:
.L_overlay_start_1:
0x0: {  	(tag) =	ssettag $0x1  }
0x1: {  	s4 =	rddreg [dreg:$0x0]  }
0x2: {  	s2 =	rddreg [dreg:$0x1]  }
0x3: {  	s0 =	rddreg [dreg:$0x2]  }
0x4: {  	s1 =	stileid.u32;
	s5 =	srdreg.scid;
	s3 =	simm.s32 $0x0  }
0x5: {  	s10 =	simm.s32 $0x80;
	s11 =	simm.s32 $0x1000;
	s12 =	simm.s32 $0x100  }
0x6: {  	s13 =	simm.s32 $0x0;
	s5 =	sand.u32 $0x1, s5;
	s6 =	smul.u32 $0x500, s1  }
0x7: {  	[smem:$0x7FF] =	sst s3;
	s30 =	sshll.u32 s1, $0x9;
	s8 =	smul.u32 $0xA00, s1  }
0x8: {  	s7 =	sshll.u32 s5, $0x7;
	_ =	strace $0x80000047;
	s31 =	ssub.s32 $0x2, s5  }
0x9: {  	s5 =	sshll.u32 s5, $0xD;
	s6 =	sor.u32 s7, s6;
	s7 =	sadd.s32 s30, s4  }
0xa: {  	s9 =	sshrl.u32 s31, $0x1;
	s8 =	sshrl.u32 s8, $0x2;
	s6 =	sshrl.u32 s6, $0x3  }
0xb: {  	s9 =	ssub.s32 s31, s9;
	s5 =	sadd.s32 s5, s7;
	s6 =	sadd.s32 s6, s4  }
0xc: {  	s4 =	sadd.s32 s8, s2;
	s5 =	sadd.s32 $0x2200, s5;
	s7 =	smax.u32 s9, $0x1  }
0xd: {  	v0 =	vimm.f32 $1.000000000e+00;
	v1 =	vimm.f32 $0.0e+00;
	s8 =	simm.s32 $0x1080;
	s9 =	simm.s32 $0x1;
	s6 =	sadd.s32 $0x6200, s6  }
.LBB2_1:
0xe: {  	[tilespmem:$0x1000] =	vst v0  }
0xf: {  	[tilespmem:$0x1010] =	vst v0  }
0x10: {  	[tilespmem:$0x1020] =	vst v0  }
0x11: {  	[tilespmem:$0x1030] =	vst v0  }
0x12: {  	[tilespmem:$0x1040] =	vst v0  }
0x13: {  	[tilespmem:$0x1050] =	vst v0  }
0x14: {  	[tilespmem:$0x1060] =	vst v0  }
0x15: {  	[tilespmem:$0x1070] =	vst v0  }
0x16: {  	[tilespmem:$0x1080] =	vst v1  }
0x17: {  	[tilespmem:$0x1090] =	vst v1  }
0x18: {  	[tilespmem:$0x10A0] =	vst v1  }
0x19: {  	[tilespmem:$0x10B0] =	vst v1  }
0x1a: {  	[tilespmem:$0x10C0] =	vst v1  }
0x1b: {  	[tilespmem:$0x10D0] =	vst v1  }
0x1c: {  	[tilespmem:$0x10E0] =	vst v1  }
0x1d: {  	[tilespmem:$0x10F0] =	vst v1  }
0x1e: {  	[tilespmem:$0x1100] =	vst v1  }
0x1f: {  	[tilespmem:$0x1110] =	vst v1  }
0x20: {  	[tilespmem:$0x1120] =	vst v1  }
0x21: {  	[tilespmem:$0x1130] =	vst v1  }
0x22: {  	[tilespmem:$0x1140] =	vst v1  }
0x23: {  	[tilespmem:$0x1150] =	vst v1  }
0x24: {  	[tilespmem:$0x1160] =	vst v1  }
0x25: {  	[tilespmem:$0x1170] =	vst v1  }
0x26: {  	[tilespmem:$0x1180] =	vst v1  }
0x27: {  	[tilespmem:$0x1190] =	vst v1  }
0x28: {  	[tilespmem:$0x11A0] =	vst v1  }
0x29: {  	[tilespmem:$0x11B0] =	vst v1  }
0x2a: {  	[tilespmem:$0x11C0] =	vst v1  }
0x2b: {  	[tilespmem:$0x11D0] =	vst v1  }
0x2c: {  	[tilespmem:$0x11E0] =	vst v1  }
0x2d: {  	[tilespmem:$0x11F0] =	vst v1  }
0x2e: {  	[tilespmem:$0x1200] =	vst v1  }
0x2f: {  	[tilespmem:$0x1210] =	vst v1  }
0x30: {  	[tilespmem:$0x1220] =	vst v1  }
0x31: {  	[tilespmem:$0x1230] =	vst v1  }
0x32: {  	[tilespmem:$0x1240] =	vst v1  }
0x33: {  	[tilespmem:$0x1250] =	vst v1  }
0x34: {  	[tilespmem:$0x1260] =	vst v1  }
0x35: {  	[tilespmem:$0x1270] =	vst v1  }
0x36: {  	[tilespmem:$0x1280] =	vst v1  }
0x37: {  	[tilespmem:$0x1290] =	vst v1  }
0x38: {  	[tilespmem:$0x12A0] =	vst v1  }
0x39: {  	[tilespmem:$0x12B0] =	vst v1  }
0x3a: {  	[tilespmem:$0x12C0] =	vst v1  }
0x3b: {  	[tilespmem:$0x12D0] =	vst v1  }
0x3c: {  	[tilespmem:$0x12E0] =	vst v1  }
0x3d: {  	[tilespmem:$0x12F0] =	vst v1  }
0x3e: {  	[spmem:s4] =	stream.linear.scatter [tilespmem:s8], [sflag:$0x1], $0x280, $0x38;
	[tilespmem:$0x1580] =	vst v63  }
0x3f: {  	_ =	swait.ge [sflag:s9], $0x280  }
0x40: {  	[sflag:s9] =	ssyncset.done $0x0  }
0x41: {  	[sflag:s9] =	ssyncadd.s32 $0xFFFFFD80  }
0x42: {  	[tilespmem:s3], [sflag:$0x1] =	stream.linear.gather [hbm4b:s5+s3], $0xC80, $0x38;
	[tilespmem:$0x1580] =	vst v63  }
0x43: {  	_ =	swait.ge [sflag:s9], $0xC80  }
0x44: {  	[sflag:s9] =	ssyncset.done $0x0  }
0x45: {  	[sflag:s9] =	ssyncadd.s32 $0xFFFFF380  }
0x46: {  	s14 =	simm.s32 $0x0;
	[bflag:$0x0] =	sbarrier.arrive $0xFFFF  }
0x47: {  	[spmem:s2] =	stream.indirect.scatter.add.f32 [tilespmem:s11], [sflag:$0x1], $0x1, s14, s10, $0xb8;
	[tilespmem:$0x1580] =	vst v63  }
0x48: {  	_ =	swait.ge [sflag:s9], $0x80  }
0x49: {  	s14 =	simm.s32 $0x200;
	[sflag:s9] =	ssyncset.done $0x0  }
.LBB2_2:
0x4a: {  	s15 =	sshra.s32 s14, $0x2;
	[sflag:s9] =	ssyncadd.s32 $0xFFFFFF80;
	p0 =	sne.s32 s14, $0x3000  }
0x4b: {  	[spmem:s2] =	stream.indirect.scatter.add.f32 [tilespmem:s11], [sflag:$0x1], $0x1, s15, s10, $0xb8;
	[tilespmem:$0x1580] =	vst v63  }
.Ltmp0:
0x4c: {  	_ = 	snop;
	(pc) =	sbr.rel @p0 .LBB2_2-.Ltmp0, $4  }
0x4d: {  	_ = 	snop  }
0x4e: {  	s14 =	sadd.s32 $0x200, s14  }
0x4f: {  	_ =	swait.ge [sflag:s9], $0x80  }
0x50: {  	[sflag:s9] =	ssyncset.done $0x0  }
0x51: {  	[sflag:s9] =	ssyncadd.s32 $0xFFFFFF80  }
0x52: {  	[bflag:$0x0] =	sbarrier.arrive $0xFFFF  }
0x53: {  	[tilespmem:s8], [sflag:$0x1] =	stream.linear.gather [spmem:s4], $0x280, $0x38;
	[tilespmem:$0x1580] =	vst v63  }
0x54: {  	s13 =	sadd.s32 $0x1, s13;
	_ =	swait.ge [sflag:s9], $0x280  }
0x55: {  	p0 =	sne.s32 s13, s7;
	[sflag:s9] =	ssyncset.done $0x0  }
.Ltmp1:
0x56: {  	[sflag:s9] =	ssyncadd.s32 $0xFFFFFD80;
	(pc) =	sbr.rel @p0 .LBB2_1-.Ltmp1, $4  }
0x57: {  	[hbm4b:s6+s10] =	stream.strided.scatter [tilespmem:s8], [sflag:$0x1], $0x280, s12, s10, $0x38;
	[tilespmem:$0x1580] =	vst v63  }
0x58: {  	_ =	swait.ge [sflag:s9], $0x280  }
0x59: {  	[sflag:s9] =	ssyncset.done $0x0  }
0x5a: {  	[sflag:s9] =	ssyncadd.s32 $0xFFFFFD80  }
0x5b: {  	_ =	sfence.sel $0x180000  }
0x5c: {  	[bflag:$0x0] =	sbarrier.arrive $0xFFFF  }
0x5d: {  	p0 =	sne.s32 s1, $0x0;
	_ =	strace $0x90000047  }
0x5e: {  	s0 =	sadd.s32 @!p0 $0x100000, s0;
	[bflag:$0x2] =	sbarrier.arrive $0xFFFF  }
0x5f: {  	[sflag:s0] =	ssyncadd.tile.s32 @!p0 $0x1;
	_ =	shalt  }
.Lfunc_end2:
_tile_overlayer_lowered:
.L_overlay_start_2:
0x60: {  	(tag) =	ssettag $0x2  }
0x61: {  	s0 =	rddreg [dreg:$0x0];
	s2 =	stileid.u32  }
0x62: {  	s1 =	rddreg [dreg:$0x1];
	p0 =	sne.s32 s2, $0x0  }
0x63: {  	s3 =	rddreg [dreg:$0x2];
	[bflag:$0x3] =	sbarrier.arrive $0xFFFF;
	s2 =	simm.s32 @!p0 $0x1C01  }
0x64: {  	[timem:s3], [sflag:s2] =	dma.local @!p0 [hbm:s0], s1  }
0x65: {  	s0 =	simm.s32 @!p0 $0x1  }
0x66: {  	_ =	swait.ge @!p0 [sflag:s0], s1  }
0x67: {  	s1 =	ssub.s32 @!p0 $0x0, s1;
	[sflag:s0] =	ssyncset.done @!p0 $0x0  }
0x68: {  	[sflag:s0] =	ssyncadd.s32 @!p0 s1  }
0x69: {  	[bflag:$0x3] =	sbarrier.arrive $0xFFFF  }
0x6a: {  	_ =	shalt  }

</sc_bundles>
